<compile_context>
chip_gen: v7x
topology: tpu7x:2x2x1
jax: 0.10.2.dev20260603
libtpu: 0.0.44.dev20260713+nightly
codegen_flags: <defaults>
</compile_context>

<pallas_src>
import jax
import jax.numpy as jnp
from jax import lax
from jax.experimental import pallas as pl
from jax.experimental.pallas import tpu as pltpu
from jax.experimental.pallas import tpu_sc as plsc

N = 10000
E = 320000
D = 128
D_IN = 128
D_HID = 256
D_OUT = 128

NC = 2
NS = 16
NW = NC * NS
CH = 128
NG = 4
GC = 20
NCH = NG * GC
EPW = NCH * CH
EP = NW * EPW
RPT = 640
NACC = NS * RPT
NPADR = NACC - N

_MESH = plsc.VectorSubcoreMesh(
    core_axis_name="c", subcore_axis_name="s", num_cores=NC, num_subcores=NS
)


def _make_agg(with_counts):
    def body(*args):
        if with_counts:
            (tab_hbm, src_hbm, dst_hbm, zr_hbm, zc_hbm, out_hbm, cnt_hbm,
             sidx0_v, sidx1_v, didx0_v, didx1_v, rows0_v, rows1_v, ones_v,
             acc_sh, cnt_sh, gsem0, gsem1, isem, zsem) = args
        else:
            (tab_hbm, src_hbm, dst_hbm, zr_hbm, out_hbm,
             sidx0_v, sidx1_v, didx0_v, didx1_v, rows0_v, rows1_v,
             acc_sh, gsem0, gsem1, isem, zsem) = args
        c = lax.axis_index("c")
        s = lax.axis_index("s")
        wid = s * NC + c

        pltpu.async_copy(zr_hbm, acc_sh.at[pl.ds(s * RPT, RPT)], zsem)
        if with_counts:
            pltpu.async_copy(zc_hbm, cnt_sh.at[pl.ds(s * RPT, RPT)], zsem)
            for j in range(CH // 16):
                ones_v[pl.ds(j * 16, 16)] = jnp.ones((16,), jnp.float32)

        def gather(idx_v, i, buf, sem):
            pltpu.async_copy(tab_hbm.at[idx_v.at[i]], buf, sem)

        def wait(sem, buf):
            pltpu.make_async_copy(tab_hbm.at[pl.ds(0, CH)], buf, sem).wait()

        def scatter(idx_v, i, buf):
            pltpu.sync_copy(buf, acc_sh.at[idx_v.at[i]], add=True)
            if with_counts:
                pltpu.sync_copy(ones_v, cnt_sh.at[idx_v.at[i]], add=True)

        sidx = (sidx0_v, sidx1_v)
        didx = (didx0_v, didx1_v)

        def load_idx(g):
            b = g % 2
            pltpu.async_copy(src_hbm.at[wid, g], sidx[b], isem)
            pltpu.async_copy(dst_hbm.at[wid, g], didx[b], isem)

        def wait_idx(g):
            b = g % 2
            pltpu.make_async_copy(src_hbm.at[wid, g], sidx[b], isem).wait()
            pltpu.make_async_copy(dst_hbm.at[wid, g], didx[b], isem).wait()

        load_idx(0)
        wait_idx(0)
        load_idx(1)
        gather(sidx[0], 0, rows0_v, gsem0)
        pltpu.make_async_copy(zr_hbm, acc_sh.at[pl.ds(s * RPT, RPT)],
                              zsem).wait()
        if with_counts:
            pltpu.make_async_copy(zc_hbm, cnt_sh.at[pl.ds(s * RPT, RPT)],
                                  zsem).wait()
        plsc.subcore_barrier()

        for g in range(NG):
            sg, dg = sidx[g % 2], didx[g % 2]

            def pipelined(p, carry):
                i = 2 * p
                gather(sg, i + 1, rows1_v, gsem1)
                wait(gsem0, rows0_v)
                scatter(dg, i, rows0_v)
                gather(sg, i + 2, rows0_v, gsem0)
                wait(gsem1, rows1_v)
                scatter(dg, i + 1, rows1_v)
                return carry

            lax.fori_loop(0, GC // 2 - 1, pipelined, 0)
            gather(sg, GC - 1, rows1_v, gsem1)
            wait(gsem0, rows0_v)
            scatter(dg, GC - 2, rows0_v)
            if g + 1 < NG:
                wait_idx(g + 1)
                gather(sidx[(g + 1) % 2], 0, rows0_v, gsem0)
            wait(gsem1, rows1_v)
            scatter(dg, GC - 1, rows1_v)
            if g + 2 < NG:
                load_idx(g + 2)

        plsc.subcore_barrier()
        pltpu.sync_copy(acc_sh.at[pl.ds(s * RPT, RPT)],
                        out_hbm.at[c, pl.ds(s * RPT, RPT)])
        if with_counts:
            pltpu.sync_copy(cnt_sh.at[pl.ds(s * RPT, RPT)],
                            cnt_hbm.at[c, pl.ds(s * RPT, RPT)])

    if with_counts:
        out_type = (jax.ShapeDtypeStruct((NC, NACC, D), jnp.float32),
                    jax.ShapeDtypeStruct((NC, NACC), jnp.float32))
        scratch = [
            pltpu.VMEM((GC, CH), jnp.int32),
            pltpu.VMEM((GC, CH), jnp.int32),
            pltpu.VMEM((GC, CH), jnp.int32),
            pltpu.VMEM((GC, CH), jnp.int32),
            pltpu.VMEM((CH, D), jnp.float32),
            pltpu.VMEM((CH, D), jnp.float32),
            pltpu.VMEM((CH,), jnp.float32),
            pltpu.VMEM_SHARED((NACC, D), jnp.float32),
            pltpu.VMEM_SHARED((NACC,), jnp.float32),
            pltpu.SemaphoreType.DMA,
            pltpu.SemaphoreType.DMA,
            pltpu.SemaphoreType.DMA,
            pltpu.SemaphoreType.DMA,
        ]
    else:
        out_type = jax.ShapeDtypeStruct((NC, NACC, D), jnp.float32)
        scratch = [
            pltpu.VMEM((GC, CH), jnp.int32),
            pltpu.VMEM((GC, CH), jnp.int32),
            pltpu.VMEM((GC, CH), jnp.int32),
            pltpu.VMEM((GC, CH), jnp.int32),
            pltpu.VMEM((CH, D), jnp.float32),
            pltpu.VMEM((CH, D), jnp.float32),
            pltpu.VMEM_SHARED((NACC, D), jnp.float32),
            pltpu.SemaphoreType.DMA,
            pltpu.SemaphoreType.DMA,
            pltpu.SemaphoreType.DMA,
            pltpu.SemaphoreType.DMA,
        ]
    return pl.kernel(body, out_type=out_type, mesh=_MESH,
                     scratch_types=scratch)


_agg_cnt = _make_agg(True)
_agg = _make_agg(False)


_MBLK = 1280


def _inv_cnt(cnt_block):
    cnts = cnt_block[0, :] + cnt_block[1, :]
    inv = 1.0 / jnp.maximum(cnts, 1.0)
    return inv[:, None]


def _mid_body(acc_ref, cnt_ref, x_ref, wl1_ref, bl1_ref, wr1_ref, wl2_ref,
              bl2_ref, wr2_ref, p2_ref, r2_ref):
    accs = acc_ref[0] + acc_ref[1]
    agg1 = accs * _inv_cnt(cnt_ref[...])
    h = (jnp.dot(agg1, wl1_ref[...], preferred_element_type=jnp.float32)
         + jnp.dot(x_ref[...], wr1_ref[...], preferred_element_type=jnp.float32)
         + bl1_ref[...])
    h = jnp.maximum(h, 0.0)
    p2_ref[...] = jnp.dot(h, wl2_ref[...], preferred_element_type=jnp.float32)
    r2_ref[...] = (jnp.dot(h, wr2_ref[...], preferred_element_type=jnp.float32)
                   + bl2_ref[...])


def _mid(acc1, cnt, x, Wl1, bl1, Wr1, Wl2, bl2, Wr2):
    grid = NACC // _MBLK
    return pl.pallas_call(
        _mid_body,
        grid=(grid,),
        in_specs=[
            pl.BlockSpec((NC, _MBLK, D), lambda i: (0, i, 0)),
            pl.BlockSpec((NC, _MBLK), lambda i: (0, i)),
            pl.BlockSpec((_MBLK, D_IN), lambda i: (i, 0)),
            pl.BlockSpec((D_IN, D_HID), lambda i: (0, 0)),
            pl.BlockSpec((1, D_HID), lambda i: (0, 0)),
            pl.BlockSpec((D_IN, D_HID), lambda i: (0, 0)),
            pl.BlockSpec((D_HID, D_OUT), lambda i: (0, 0)),
            pl.BlockSpec((1, D_OUT), lambda i: (0, 0)),
            pl.BlockSpec((D_HID, D_OUT), lambda i: (0, 0)),
        ],
        out_specs=[
            pl.BlockSpec((_MBLK, D_OUT), lambda i: (i, 0)),
            pl.BlockSpec((_MBLK, D_OUT), lambda i: (i, 0)),
        ],
        out_shape=[
            jax.ShapeDtypeStruct((N, D_OUT), jnp.float32),
            jax.ShapeDtypeStruct((N, D_OUT), jnp.float32),
        ],
    )(acc1, cnt, x, Wl1, bl1.reshape(1, D_HID), Wr1, Wl2,
      bl2.reshape(1, D_OUT), Wr2)


def _fin_body(acc_ref, cnt_ref, r2_ref, out_ref):
    accs = acc_ref[0] + acc_ref[1]
    out_ref[...] = accs * _inv_cnt(cnt_ref[...]) + r2_ref[...]


def _fin(acc2, cnt, r2):
    grid = NACC // _MBLK
    return pl.pallas_call(
        _fin_body,
        grid=(grid,),
        in_specs=[
            pl.BlockSpec((NC, _MBLK, D), lambda i: (0, i, 0)),
            pl.BlockSpec((NC, _MBLK), lambda i: (0, i)),
            pl.BlockSpec((_MBLK, D_OUT), lambda i: (i, 0)),
        ],
        out_specs=pl.BlockSpec((_MBLK, D_OUT), lambda i: (i, 0)),
        out_shape=jax.ShapeDtypeStruct((N, D_OUT), jnp.float32),
    )(acc2, cnt, r2)


def kernel(x, edge_index, Wl1, bl1, Wr1, Wl2, bl2, Wr2):
    npad = EP - E
    pad_src = (jnp.arange(npad, dtype=jnp.int32) * 131) % N
    pad_dst = N + (jnp.arange(npad, dtype=jnp.int32) % NPADR)
    src = jnp.concatenate([edge_index[0], pad_src]).reshape(NW, NG, GC, CH)
    dst = jnp.concatenate([edge_index[1], pad_dst]).reshape(NW, NG, GC, CH)
    zr = jnp.zeros((RPT, D), jnp.float32)
    zc = jnp.zeros((RPT,), jnp.float32)

    acc1, cnt = _agg_cnt(x, src, dst, zr, zc)
    p2, r2 = _mid(acc1, cnt, x, Wl1, bl1, Wr1, Wl2, bl2, Wr2)
    acc2 = _agg(p2, src, dst, zr)
    return _fin(acc2, cnt, r2)

# --- scband reference (transcript-rebuilt; emitter-appended) ---
"""Pipeline reference for scband-graph-sage-encoder-66975720014389 (READ-ONLY COPY).

The authoritative reference and input builder live on the scoring server;
editing this copy changes nothing except your own understanding.
"""

import jax, jax.numpy as jnp
import numpy as np

N_NODES = 10000
N_EDGES = 320000
D_IN = 128
D_HID = 256
D_OUT = 128


def setup_inputs(seed: int = 0) -> dict:
    key = jax.random.key(seed)
    ks = jax.random.split(key, 8)
    x = jax.random.normal(ks[0], (N_NODES, D_IN), dtype=jnp.float32)
    edge_index = jax.random.randint(ks[1], (2, N_EDGES), 0, N_NODES, dtype=jnp.int64 if jax.config.jax_enable_x64 else jnp.int32).astype(jnp.int32)
    # SAGEConv layer 1: in=128 -> 2*out=256
    s1 = 1.0 / np.sqrt(D_IN)
    Wl1 = jax.random.uniform(ks[2], (D_IN, D_HID), dtype=jnp.float32, minval=-s1, maxval=s1)
    bl1 = jnp.zeros((D_HID,), dtype=jnp.float32)
    Wr1 = jax.random.uniform(ks[3], (D_IN, D_HID), dtype=jnp.float32, minval=-s1, maxval=s1)
    # SAGEConv layer 2: 256 -> 128
    s2 = 1.0 / np.sqrt(D_HID)
    Wl2 = jax.random.uniform(ks[4], (D_HID, D_OUT), dtype=jnp.float32, minval=-s2, maxval=s2)
    bl2 = jnp.zeros((D_OUT,), dtype=jnp.float32)
    Wr2 = jax.random.uniform(ks[5], (D_HID, D_OUT), dtype=jnp.float32, minval=-s2, maxval=s2)
    return {"x": x, "edge_index": edge_index, "Wl1": Wl1, "bl1": bl1, "Wr1": Wr1, "Wl2": Wl2, "bl2": bl2, "Wr2": Wr2}


def _sage_conv(x, src, dst, Wl, bl, Wr, n_nodes):
    # mean aggregation of neighbor messages x[src] at dst nodes
    msg = jnp.take(x, src, axis=0)
    agg = jax.ops.segment_sum(msg, dst, num_segments=n_nodes)
    cnt = jax.ops.segment_sum(jnp.ones((src.shape[0],), dtype=x.dtype), dst, num_segments=n_nodes)
    agg = agg / jnp.maximum(cnt, 1.0)[:, None]
    # out = lin_l(aggregated) + lin_r(root)
    return agg @ Wl + bl + x @ Wr


def reference(x, edge_index, Wl1, bl1, Wr1, Wl2, bl2, Wr2):
    src = edge_index[0]
    dst = edge_index[1]
    h = _sage_conv(x, src, dst, Wl1, bl1, Wr1, N_NODES)
    h = jax.nn.relu(h)
    out = _sage_conv(h, src, dst, Wl2, bl2, Wr2, N_NODES)
    return out

if __name__ == "__main__":
    import jax
    _d = setup_inputs()
    print(jax.jit(kernel)(*tuple(_d.values())))

</pallas_src>

<mosaic_0001>
#map = affine_map<(d0, d1) -> (0, 0)>
#map1 = affine_map<(d0, d1) -> (0, 0, 0, 0)>
#map2 = affine_map<(d0, d1) -> (0)>
#map3 = affine_map<(d0, d1) -> (0, 0, 0)>
module attributes {stable_mosaic.version = 14 : i64} {
  func.func @body(%arg0: i32, %arg1: i32, %arg2: memref<10000x128xf32, #tpu.memory_space<hbm>>, %arg3: memref<32x4x20x128xi32, #tpu.memory_space<hbm>>, %arg4: memref<32x4x20x128xi32, #tpu.memory_space<hbm>>, %arg5: memref<640x128xf32, #tpu.memory_space<hbm>>, %arg6: memref<640xf32, #tpu.memory_space<hbm>>, %arg7: memref<2x10240x128xf32, #tpu.memory_space<hbm>>, %arg8: memref<2x10240xf32, #tpu.memory_space<hbm>>, %arg9: memref<20x128xi32, #tpu.memory_space<vmem>>, %arg10: memref<20x128xi32, #tpu.memory_space<vmem>>, %arg11: memref<20x128xi32, #tpu.memory_space<vmem>>, %arg12: memref<20x128xi32, #tpu.memory_space<vmem>>, %arg13: memref<128x128xf32, #tpu.memory_space<vmem>>, %arg14: memref<128x128xf32, #tpu.memory_space<vmem>>, %arg15: memref<128xf32, #tpu.memory_space<vmem>>, %arg16: memref<10240x128xf32, #tpu.memory_space<vmem_shared>>, %arg17: memref<10240xf32, #tpu.memory_space<vmem_shared>>, %arg18: memref<!tpu.dma_semaphore, #tpu.memory_space<semaphore_mem>>, %arg19: memref<!tpu.dma_semaphore, #tpu.memory_space<semaphore_mem>>, %arg20: memref<!tpu.dma_semaphore, #tpu.memory_space<semaphore_mem>>, %arg21: memref<!tpu.dma_semaphore, #tpu.memory_space<semaphore_mem>>) attributes {dimension_semantics = [#tpu.dimension_semantics<core_parallel>, #tpu.dimension_semantics<subcore_parallel>], iteration_bounds = array<i64: 2, 16>, scalar_prefetch = 0 : i64, scratch_operands = 13 : i64, tpu.core_type = #tpu.core_type<sc_vector_subcore>, window_params = [{transform_indices = #map}, {transform_indices = #map1}, {transform_indices = #map1}, {transform_indices = #map}, {transform_indices = #map2}, {transform_indices = #map3}, {transform_indices = #map}]} {
    %mul3A = arith.constant 2 : i32
    %mul3A_0 = arith.muli %arg1, %mul3A : i32
    %add3A = arith.addi %mul3A_0, %arg0 : i32
    %mul3A_1 = arith.constant 640 : i32
    %mul3A_2 = arith.muli %arg1, %mul3A_1 : i32
    %dma_start3A = arith.constant 0 : i32
    %dma_start3A_3 = tpu.memref_slice %arg16[%mul3A_2, %dma_start3A] : memref<10240x128xf32, #tpu.memory_space<vmem_shared>> -> memref<640x128xf32, #tpu.memory_space<vmem_shared>>
    tpu.enqueue_dma source(%arg5 : memref<640x128xf32, #tpu.memory_space<hbm>>) target(%dma_start3A_3 : memref<640x128xf32, #tpu.memory_space<vmem_shared>>) target_semaphore(%arg21 : memref<!tpu.dma_semaphore, #tpu.memory_space<semaphore_mem>>)
    %mul3A_4 = arith.constant 640 : i32
    %mul3A_5 = arith.muli %arg1, %mul3A_4 : i32
    %dma_start3A_6 = tpu.memref_slice %arg17[%mul3A_5] : memref<10240xf32, #tpu.memory_space<vmem_shared>> -> memref<640xf32, #tpu.memory_space<vmem_shared>>
    tpu.enqueue_dma source(%arg6 : memref<640xf32, #tpu.memory_space<hbm>>) target(%dma_start3A_6 : memref<640xf32, #tpu.memory_space<vmem_shared>>) target_semaphore(%arg21 : memref<!tpu.dma_semaphore, #tpu.memory_space<semaphore_mem>>)
    %broadcast_in_dim3A = arith.constant 1.000000e+00 : f32
    %broadcast_in_dim3A_7 = vector.broadcast %broadcast_in_dim3A : f32 to vector<16xf32>
    %swap3A = arith.constant 0 : index
    %swap3A_8 = tpu.vector_load %arg15[%swap3A] {strides = array<i32>} : memref<128xf32, #tpu.memory_space<vmem>>, vector<16xf32>,
    %swap3A_9 = vector.shape_cast %swap3A_8 : vector<16xf32> to vector<16xf32>
    %swap3A_10 = vector.shape_cast %broadcast_in_dim3A_7 : vector<16xf32> to vector<16xf32>
    tpu.vector_store %arg15[%swap3A], %swap3A_10 {strides = array<i32>} : memref<128xf32, #tpu.memory_space<vmem>>, vector<16xf32>,
    %broadcast_in_dim3A_11 = arith.constant 1.000000e+00 : f32
    %broadcast_in_dim3A_12 = vector.broadcast %broadcast_in_dim3A_11 : f32 to vector<16xf32>
    %swap3A_13 = arith.constant 16 : index
    %swap3A_14 = tpu.vector_load %arg15[%swap3A_13] {strides = array<i32>} : memref<128xf32, #tpu.memory_space<vmem>>, vector<16xf32>,
    %swap3A_15 = vector.shape_cast %swap3A_14 : vector<16xf32> to vector<16xf32>
    %swap3A_16 = vector.shape_cast %broadcast_in_dim3A_12 : vector<16xf32> to vector<16xf32>
    tpu.vector_store %arg15[%swap3A_13], %swap3A_16 {strides = array<i32>} : memref<128xf32, #tpu.memory_space<vmem>>, vector<16xf32>,
    %broadcast_in_dim3A_17 = arith.constant 1.000000e+00 : f32
    %broadcast_in_dim3A_18 = vector.broadcast %broadcast_in_dim3A_17 : f32 to vector<16xf32>
    %swap3A_19 = arith.constant 32 : index
    %swap3A_20 = tpu.vector_load %arg15[%swap3A_19] {strides = array<i32>} : memref<128xf32, #tpu.memory_space<vmem>>, vector<16xf32>,
    %swap3A_21 = vector.shape_cast %swap3A_20 : vector<16xf32> to vector<16xf32>
    %swap3A_22 = vector.shape_cast %broadcast_in_dim3A_18 : vector<16xf32> to vector<16xf32>
    tpu.vector_store %arg15[%swap3A_19], %swap3A_22 {strides = array<i32>} : memref<128xf32, #tpu.memory_space<vmem>>, vector<16xf32>,
    %broadcast_in_dim3A_23 = arith.constant 1.000000e+00 : f32
    %broadcast_in_dim3A_24 = vector.broadcast %broadcast_in_dim3A_23 : f32 to vector<16xf32>
    %swap3A_25 = arith.constant 48 : index
    %swap3A_26 = tpu.vector_load %arg15[%swap3A_25] {strides = array<i32>} : memref<128xf32, #tpu.memory_space<vmem>>, vector<16xf32>,
    %swap3A_27 = vector.shape_cast %swap3A_26 : vector<16xf32> to vector<16xf32>
    %swap3A_28 = vector.shape_cast %broadcast_in_dim3A_24 : vector<16xf32> to vector<16xf32>
    tpu.vector_store %arg15[%swap3A_25], %swap3A_28 {strides = array<i32>} : memref<128xf32, #tpu.memory_space<vmem>>, vector<16xf32>,
    %broadcast_in_dim3A_29 = arith.constant 1.000000e+00 : f32
    %broadcast_in_dim3A_30 = vector.broadcast %broadcast_in_dim3A_29 : f32 to vector<16xf32>
    %swap3A_31 = arith.constant 64 : index
    %swap3A_32 = tpu.vector_load %arg15[%swap3A_31] {strides = array<i32>} : memref<128xf32, #tpu.memory_space<vmem>>, vector<16xf32>,
    %swap3A_33 = vector.shape_cast %swap3A_32 : vector<16xf32> to vector<16xf32>
    %swap3A_34 = vector.shape_cast %broadcast_in_dim3A_30 : vector<16xf32> to vector<16xf32>
    tpu.vector_store %arg15[%swap3A_31], %swap3A_34 {strides = array<i32>} : memref<128xf32, #tpu.memory_space<vmem>>, vector<16xf32>,
    %broadcast_in_dim3A_35 = arith.constant 1.000000e+00 : f32
    %broadcast_in_dim3A_36 = vector.broadcast %broadcast_in_dim3A_35 : f32 to vector<16xf32>
    %swap3A_37 = arith.constant 80 : index
    %swap3A_38 = tpu.vector_load %arg15[%swap3A_37] {strides = array<i32>} : memref<128xf32, #tpu.memory_space<vmem>>, vector<16xf32>,
    %swap3A_39 = vector.shape_cast %swap3A_38 : vector<16xf32> to vector<16xf32>
    %swap3A_40 = vector.shape_cast %broadcast_in_dim3A_36 : vector<16xf32> to vector<16xf32>
    tpu.vector_store %arg15[%swap3A_37], %swap3A_40 {strides = array<i32>} : memref<128xf32, #tpu.memory_space<vmem>>, vector<16xf32>,
    %broadcast_in_dim3A_41 = arith.constant 1.000000e+00 : f32
    %broadcast_in_dim3A_42 = vector.broadcast %broadcast_in_dim3A_41 : f32 to vector<16xf32>
    %swap3A_43 = arith.constant 96 : index
    %swap3A_44 = tpu.vector_load %arg15[%swap3A_43] {strides = array<i32>} : memref<128xf32, #tpu.memory_space<vmem>>, vector<16xf32>,
    %swap3A_45 = vector.shape_cast %swap3A_44 : vector<16xf32> to vector<16xf32>
    %swap3A_46 = vector.shape_cast %broadcast_in_dim3A_42 : vector<16xf32> to vector<16xf32>
    tpu.vector_store %arg15[%swap3A_43], %swap3A_46 {strides = array<i32>} : memref<128xf32, #tpu.memory_space<vmem>>, vector<16xf32>,
    %broadcast_in_dim3A_47 = arith.constant 1.000000e+00 : f32
    %broadcast_in_dim3A_48 = vector.broadcast %broadcast_in_dim3A_47 : f32 to vector<16xf32>
    %swap3A_49 = arith.constant 112 : index
    %swap3A_50 = tpu.vector_load %arg15[%swap3A_49] {strides = array<i32>} : memref<128xf32, #tpu.memory_space<vmem>>, vector<16xf32>,
    %swap3A_51 = vector.shape_cast %swap3A_50 : vector<16xf32> to vector<16xf32>
    %swap3A_52 = vector.shape_cast %broadcast_in_dim3A_48 : vector<16xf32> to vector<16xf32>
    tpu.vector_store %arg15[%swap3A_49], %swap3A_52 {strides = array<i32>} : memref<128xf32, #tpu.memory_space<vmem>>, vector<16xf32>,
    %dma_start3A_53 = arith.constant 0 : i32
    %dma_start3A_54 = arith.constant 0 : i32
    %dma_start3A_55 = arith.constant 0 : i32
    %dma_start3A_56 = tpu.memref_slice %arg3[%add3A, %dma_start3A_53, %dma_start3A_54, %dma_start3A_55] : memref<32x4x20x128xi32, #tpu.memory_space<hbm>> -> memref<1x1x20x128xi32, #tpu.memory_space<hbm>>
    %dma_start3A_57 = tpu.memref_squeeze %dma_start3A_56 : memref<1x1x20x128xi32, #tpu.memory_space<hbm>> -> memref<20x128xi32, #tpu.memory_space<hbm>>
    %dma_start3A_58 = arith.constant 0 : i32
    %dma_start3A_59 = arith.constant 0 : i32
    %dma_start3A_60 = tpu.memref_slice %arg3[%add3A, %dma_start3A_53, %dma_start3A_58, %dma_start3A_59] : memref<32x4x20x128xi32, #tpu.memory_space<hbm>> -> memref<1x1x20x128xi32, #tpu.memory_space<hbm>>
    %dma_start3A_61 = tpu.memref_squeeze %dma_start3A_60 : memref<1x1x20x128xi32, #tpu.memory_space<hbm>> -> memref<20x128xi32, #tpu.memory_space<hbm>>
    tpu.enqueue_dma source(%dma_start3A_61 : memref<20x128xi32, #tpu.memory_space<hbm>>) target(%arg9 : memref<20x128xi32, #tpu.memory_space<vmem>>) target_semaphore(%arg20 : memref<!tpu.dma_semaphore, #tpu.memory_space<semaphore_mem>>)
    %dma_start3A_62 = arith.constant 0 : i32
    %dma_start3A_63 = arith.constant 0 : i32
    %dma_start3A_64 = arith.constant 0 : i32
    %dma_start3A_65 = tpu.memref_slice %arg4[%add3A, %dma_start3A_62, %dma_start3A_63, %dma_start3A_64] : memref<32x4x20x128xi32, #tpu.memory_space<hbm>> -> memref<1x1x20x128xi32, #tpu.memory_space<hbm>>
    %dma_start3A_66 = tpu.memref_squeeze %dma_start3A_65 : memref<1x1x20x128xi32, #tpu.memory_space<hbm>> -> memref<20x128xi32, #tpu.memory_space<hbm>>
    %dma_start3A_67 = arith.constant 0 : i32
    %dma_start3A_68 = arith.constant 0 : i32
    %dma_start3A_69 = tpu.memref_slice %arg4[%add3A, %dma_start3A_62, %dma_start3A_67, %dma_start3A_68] : memref<32x4x20x128xi32, #tpu.memory_space<hbm>> -> memref<1x1x20x128xi32, #tpu.memory_space<hbm>>
    %dma_start3A_70 = tpu.memref_squeeze %dma_start3A_69 : memref<1x1x20x128xi32, #tpu.memory_space<hbm>> -> memref<20x128xi32, #tpu.memory_space<hbm>>
    tpu.enqueue_dma source(%dma_start3A_70 : memref<20x128xi32, #tpu.memory_space<hbm>>) target(%arg11 : memref<20x128xi32, #tpu.memory_space<vmem>>) target_semaphore(%arg20 : memref<!tpu.dma_semaphore, #tpu.memory_space<semaphore_mem>>)
    %dma_wait3A = arith.constant 0 : i32
    %dma_wait3A_71 = arith.constant 0 : i32
    %dma_wait3A_72 = arith.constant 0 : i32
    %dma_wait3A_73 = tpu.memref_slice %arg3[%add3A, %dma_wait3A, %dma_wait3A_71, %dma_wait3A_72] : memref<32x4x20x128xi32, #tpu.memory_space<hbm>> -> memref<1x1x20x128xi32, #tpu.memory_space<hbm>>
    %dma_wait3A_74 = tpu.memref_squeeze %dma_wait3A_73 : memref<1x1x20x128xi32, #tpu.memory_space<hbm>> -> memref<20x128xi32, #tpu.memory_space<hbm>>
    %dma_wait3A_75 = arith.constant 0 : i32
    %dma_wait3A_76 = arith.constant 0 : i32
    %dma_wait3A_77 = tpu.memref_slice %arg3[%add3A, %dma_wait3A, %dma_wait3A_75, %dma_wait3A_76] : memref<32x4x20x128xi32, #tpu.memory_space<hbm>> -> memref<1x1x20x128xi32, #tpu.memory_space<hbm>>
    %dma_wait3A_78 = tpu.memref_squeeze %dma_wait3A_77 : memref<1x1x20x128xi32, #tpu.memory_space<hbm>> -> memref<20x128xi32, #tpu.memory_space<hbm>>
    tpu.wait_dma2 semaphore(%arg20 : memref<!tpu.dma_semaphore, #tpu.memory_space<semaphore_mem>>) src(%dma_wait3A_78 : memref<20x128xi32, #tpu.memory_space<hbm>>) dst(%arg9 : memref<20x128xi32, #tpu.memory_space<vmem>>)
    %dma_wait3A_79 = arith.constant 0 : i32
    %dma_wait3A_80 = arith.constant 0 : i32
    %dma_wait3A_81 = arith.constant 0 : i32
    %dma_wait3A_82 = tpu.memref_slice %arg4[%add3A, %dma_wait3A_79, %dma_wait3A_80, %dma_wait3A_81] : memref<32x4x20x128xi32, #tpu.memory_space<hbm>> -> memref<1x1x20x128xi32, #tpu.memory_space<hbm>>
    %dma_wait3A_83 = tpu.memref_squeeze %dma_wait3A_82 : memref<1x1x20x128xi32, #tpu.memory_space<hbm>> -> memref<20x128xi32, #tpu.memory_space<hbm>>
    %dma_wait3A_84 = arith.constant 0 : i32
    %dma_wait3A_85 = arith.constant 0 : i32
    %dma_wait3A_86 = tpu.memref_slice %arg4[%add3A, %dma_wait3A_79, %dma_wait3A_84, %dma_wait3A_85] : memref<32x4x20x128xi32, #tpu.memory_space<hbm>> -> memref<1x1x20x128xi32, #tpu.memory_space<hbm>>
    %dma_wait3A_87 = tpu.memref_squeeze %dma_wait3A_86 : memref<1x1x20x128xi32, #tpu.memory_space<hbm>> -> memref<20x128xi32, #tpu.memory_space<hbm>>
    tpu.wait_dma2 semaphore(%arg20 : memref<!tpu.dma_semaphore, #tpu.memory_space<semaphore_mem>>) src(%dma_wait3A_87 : memref<20x128xi32, #tpu.memory_space<hbm>>) dst(%arg11 : memref<20x128xi32, #tpu.memory_space<vmem>>)
    %dma_start3A_88 = arith.constant 1 : i32
    %dma_start3A_89 = arith.constant 0 : i32
    %dma_start3A_90 = arith.constant 0 : i32
    %dma_start3A_91 = tpu.memref_slice %arg3[%add3A, %dma_start3A_88, %dma_start3A_89, %dma_start3A_90] : memref<32x4x20x128xi32, #tpu.memory_space<hbm>> -> memref<1x1x20x128xi32, #tpu.memory_space<hbm>>
    %dma_start3A_92 = tpu.memref_squeeze %dma_start3A_91 : memref<1x1x20x128xi32, #tpu.memory_space<hbm>> -> memref<20x128xi32, #tpu.memory_space<hbm>>
    %dma_start3A_93 = arith.constant 0 : i32
    %dma_start3A_94 = arith.constant 0 : i32
    %dma_start3A_95 = tpu.memref_slice %arg3[%add3A, %dma_start3A_88, %dma_start3A_93, %dma_start3A_94] : memref<32x4x20x128xi32, #tpu.memory_space<hbm>> -> memref<1x1x20x128xi32, #tpu.memory_space<hbm>>
    %dma_start3A_96 = tpu.memref_squeeze %dma_start3A_95 : memref<1x1x20x128xi32, #tpu.memory_space<hbm>> -> memref<20x128xi32, #tpu.memory_space<hbm>>
    tpu.enqueue_dma source(%dma_start3A_96 : memref<20x128xi32, #tpu.memory_space<hbm>>) target(%arg10 : memref<20x128xi32, #tpu.memory_space<vmem>>) target_semaphore(%arg20 : memref<!tpu.dma_semaphore, #tpu.memory_space<semaphore_mem>>)
    %dma_start3A_97 = arith.constant 1 : i32
    %dma_start3A_98 = arith.constant 0 : i32
    %dma_start3A_99 = arith.constant 0 : i32
    %dma_start3A_100 = tpu.memref_slice %arg4[%add3A, %dma_start3A_97, %dma_start3A_98, %dma_start3A_99] : memref<32x4x20x128xi32, #tpu.memory_space<hbm>> -> memref<1x1x20x128xi32, #tpu.memory_space<hbm>>
    %dma_start3A_101 = tpu.memref_squeeze %dma_start3A_100 : memref<1x1x20x128xi32, #tpu.memory_space<hbm>> -> memref<20x128xi32, #tpu.memory_space<hbm>>
    %dma_start3A_102 = arith.constant 0 : i32
    %dma_start3A_103 = arith.constant 0 : i32
    %dma_start3A_104 = tpu.memref_slice %arg4[%add3A, %dma_start3A_97, %dma_start3A_102, %dma_start3A_103] : memref<32x4x20x128xi32, #tpu.memory_space<hbm>> -> memref<1x1x20x128xi32, #tpu.memory_space<hbm>>
    %dma_start3A_105 = tpu.memref_squeeze %dma_start3A_104 : memref<1x1x20x128xi32, #tpu.memory_space<hbm>> -> memref<20x128xi32, #tpu.memory_space<hbm>>
    tpu.enqueue_dma source(%dma_start3A_105 : memref<20x128xi32, #tpu.memory_space<hbm>>) target(%arg12 : memref<20x128xi32, #tpu.memory_space<vmem>>) target_semaphore(%arg20 : memref<!tpu.dma_semaphore, #tpu.memory_space<semaphore_mem>>)
    %dma_start3A_106 = arith.constant 0 : i32
    %dma_start3A_107 = arith.constant 0 : i32
    %dma_start3A_108 = tpu.memref_slice %arg9[%dma_start3A_106, %dma_start3A_107] : memref<20x128xi32, #tpu.memory_space<vmem>> -> memref<1x128xi32, #tpu.memory_space<vmem>>
    %dma_start3A_109 = tpu.memref_squeeze %dma_start3A_108 : memref<1x128xi32, #tpu.memory_space<vmem>> -> memref<128xi32, #tpu.memory_space<vmem>>
    %dma_start3A_110 = arith.constant 0 : i32
    %dma_start3A_111 = arith.constant 0 : i32
    %dma_start3A_112 = tpu.memref_slice %arg2[%dma_start3A_110, %dma_start3A_111] : memref<10000x128xf32, #tpu.memory_space<hbm>> -> memref<10000x128xf32, #tpu.memory_space<hbm>>
    tpu.enqueue_indirect_dma source(%dma_start3A_112 : memref<10000x128xf32, #tpu.memory_space<hbm>>) target(%arg13 : memref<128x128xf32, #tpu.memory_space<vmem>>) offsets(%dma_start3A_109 : memref<128xi32, #tpu.memory_space<vmem>>) semaphore(%arg18 : memref<!tpu.dma_semaphore, #tpu.memory_space<semaphore_mem>>)
    %mul3A_113 = arith.constant 640 : i32
    %mul3A_114 = arith.muli %arg1, %mul3A_113 : i32
    %dma_wait3A_115 = arith.constant 0 : i32
    %dma_wait3A_116 = tpu.memref_slice %arg16[%mul3A_114, %dma_wait3A_115] : memref<10240x128xf32, #tpu.memory_space<vmem_shared>> -> memref<640x128xf32, #tpu.memory_space<vmem_shared>>
    tpu.wait_dma2 semaphore(%arg21 : memref<!tpu.dma_semaphore, #tpu.memory_space<semaphore_mem>>) src(%arg5 : memref<640x128xf32, #tpu.memory_space<hbm>>) dst(%dma_wait3A_116 : memref<640x128xf32, #tpu.memory_space<vmem_shared>>)
    %mul3A_117 = arith.constant 640 : i32
    %mul3A_118 = arith.muli %arg1, %mul3A_117 : i32
    %dma_wait3A_119 = tpu.memref_slice %arg17[%mul3A_118] : memref<10240xf32, #tpu.memory_space<vmem_shared>> -> memref<640xf32, #tpu.memory_space<vmem_shared>>
    tpu.wait_dma2 semaphore(%arg21 : memref<!tpu.dma_semaphore, #tpu.memory_space<semaphore_mem>>) src(%arg6 : memref<640xf32, #tpu.memory_space<hbm>>) dst(%dma_wait3A_119 : memref<640xf32, #tpu.memory_space<vmem_shared>>)
    %barrier3A = arith.constant 0 : index
    tpu.barrier barrier_id(%barrier3A)
    %scan3A = arith.constant 0 : i32
    %scan3A_120 = arith.constant 0 : i32
    %scan3A_121 = arith.constant 9 : i32
    %scan3A_122 = arith.addi %scan3A_120, %scan3A_121 : i32
    %scan3A_123 = arith.constant 1 : i32
    scf.for %scan3A_354 = %scan3A_120 to %scan3A_122 step %scan3A_123  : i32 {
      %mul3A_355 = arith.constant 2 : i32
      %mul3A_356 = arith.muli %mul3A_355, %scan3A_354 : i32
      %add3A_357 = arith.constant 1 : i32
      %add3A_358 = arith.addi %mul3A_356, %add3A_357 : i32
      %dma_start3A_359 = arith.constant 0 : i32
      %dma_start3A_360 = tpu.memref_slice %arg9[%add3A_358, %dma_start3A_359] : memref<20x128xi32, #tpu.memory_space<vmem>> -> memref<1x128xi32, #tpu.memory_space<vmem>>
      %dma_start3A_361 = tpu.memref_squeeze %dma_start3A_360 : memref<1x128xi32, #tpu.memory_space<vmem>> -> memref<128xi32, #tpu.memory_space<vmem>>
      %dma_start3A_362 = arith.constant 0 : i32
      %dma_start3A_363 = arith.constant 0 : i32
      %dma_start3A_364 = tpu.memref_slice %arg2[%dma_start3A_362, %dma_start3A_363] : memref<10000x128xf32, #tpu.memory_space<hbm>> -> memref<10000x128xf32, #tpu.memory_space<hbm>>
      tpu.enqueue_indirect_dma source(%dma_start3A_364 : memref<10000x128xf32, #tpu.memory_space<hbm>>) target(%arg14 : memref<128x128xf32, #tpu.memory_space<vmem>>) offsets(%dma_start3A_361 : memref<128xi32, #tpu.memory_space<vmem>>) semaphore(%arg19 : memref<!tpu.dma_semaphore, #tpu.memory_space<semaphore_mem>>)
      %dma_wait3A_365 = arith.constant 0 : i32
      %dma_wait3A_366 = arith.constant 0 : i32
      %dma_wait3A_367 = tpu.memref_slice %arg2[%dma_wait3A_365, %dma_wait3A_366] : memref<10000x128xf32, #tpu.memory_space<hbm>> -> memref<128x128xf32, #tpu.memory_space<hbm>>
      %dma_wait3A_368 = arith.constant 0 : i32
      %dma_wait3A_369 = arith.constant 0 : i32
      %dma_wait3A_370 = tpu.memref_slice %arg2[%dma_wait3A_368, %dma_wait3A_369] : memref<10000x128xf32, #tpu.memory_space<hbm>> -> memref<128x128xf32, #tpu.memory_space<hbm>>
      tpu.wait_dma2 semaphore(%arg18 : memref<!tpu.dma_semaphore, #tpu.memory_space<semaphore_mem>>) src(%dma_wait3A_370 : memref<128x128xf32, #tpu.memory_space<hbm>>) dst(%arg13 : memref<128x128xf32, #tpu.memory_space<vmem>>)
      "tpu.region"() ({
        %run_scoped3A_387 = tpu.sem_alloc : memref<!tpu.dma_semaphore, #tpu.memory_space<semaphore_mem>>
        %dma_start3A_388 = arith.constant 0 : i32
        %dma_start3A_389 = tpu.memref_slice %arg11[%mul3A_356, %dma_start3A_388] : memref<20x128xi32, #tpu.memory_space<vmem>> -> memref<1x128xi32, #tpu.memory_space<vmem>>
        %dma_start3A_390 = tpu.memref_squeeze %dma_start3A_389 : memref<1x128xi32, #tpu.memory_space<vmem>> -> memref<128xi32, #tpu.memory_space<vmem>>
        %dma_start3A_391 = arith.constant 0 : i32
        %dma_start3A_392 = arith.constant 0 : i32
        %dma_start3A_393 = tpu.memref_slice %arg16[%dma_start3A_391, %dma_start3A_392] : memref<10240x128xf32, #tpu.memory_space<vmem_shared>> -> memref<10240x128xf32, #tpu.memory_space<vmem_shared>>
        tpu.enqueue_indirect_dma source(%arg13 : memref<128x128xf32, #tpu.memory_space<vmem>>) target(%dma_start3A_393 : memref<10240x128xf32, #tpu.memory_space<vmem_shared>>) offsets(%dma_start3A_390 : memref<128xi32, #tpu.memory_space<vmem>>) semaphore(%run_scoped3A_387 : memref<!tpu.dma_semaphore, #tpu.memory_space<semaphore_mem>>) {add = true}
        %dma_wait3A_394 = arith.constant 0 : i32
        %dma_wait3A_395 = tpu.memref_slice %arg11[%mul3A_356, %dma_wait3A_394] : memref<20x128xi32, #tpu.memory_space<vmem>> -> memref<1x128xi32, #tpu.memory_space<vmem>>
        %dma_wait3A_396 = tpu.memref_squeeze %dma_wait3A_395 : memref<1x128xi32, #tpu.memory_space<vmem>> -> memref<128xi32, #tpu.memory_space<vmem>>
        %dma_wait3A_397 = arith.constant 0 : i32
        %dma_wait3A_398 = arith.constant 0 : i32
        %dma_wait3A_399 = tpu.memref_slice %arg16[%dma_wait3A_397, %dma_wait3A_398] : memref<10240x128xf32, #tpu.memory_space<vmem_shared>> -> memref<10240x128xf32, #tpu.memory_space<vmem_shared>>
        tpu.wait_indirect_dma semaphore(%run_scoped3A_387 : memref<!tpu.dma_semaphore, #tpu.memory_space<semaphore_mem>>) src(%arg13 : memref<128x128xf32, #tpu.memory_space<vmem>>) dst(%dma_wait3A_399 : memref<10240x128xf32, #tpu.memory_space<vmem_shared>>)
        tpu.yield
      }) : () -> ()
      "tpu.region"() ({
        %run_scoped3A_387 = tpu.sem_alloc : memref<!tpu.dma_semaphore, #tpu.memory_space<semaphore_mem>>
        %dma_start3A_388 = arith.constant 0 : i32
        %dma_start3A_389 = tpu.memref_slice %arg11[%mul3A_356, %dma_start3A_388] : memref<20x128xi32, #tpu.memory_space<vmem>> -> memref<1x128xi32, #tpu.memory_space<vmem>>
        %dma_start3A_390 = tpu.memref_squeeze %dma_start3A_389 : memref<1x128xi32, #tpu.memory_space<vmem>> -> memref<128xi32, #tpu.memory_space<vmem>>
        %dma_start3A_391 = arith.constant 0 : i32
        %dma_start3A_392 = tpu.memref_slice %arg17[%dma_start3A_391] : memref<10240xf32, #tpu.memory_space<vmem_shared>> -> memref<10240xf32, #tpu.memory_space<vmem_shared>>
        tpu.enqueue_indirect_dma source(%arg15 : memref<128xf32, #tpu.memory_space<vmem>>) target(%dma_start3A_392 : memref<10240xf32, #tpu.memory_space<vmem_shared>>) offsets(%dma_start3A_390 : memref<128xi32, #tpu.memory_space<vmem>>) semaphore(%run_scoped3A_387 : memref<!tpu.dma_semaphore, #tpu.memory_space<semaphore_mem>>) {add = true}
        %dma_wait3A_393 = arith.constant 0 : i32
        %dma_wait3A_394 = tpu.memref_slice %arg11[%mul3A_356, %dma_wait3A_393] : memref<20x128xi32, #tpu.memory_space<vmem>> -> memref<1x128xi32, #tpu.memory_space<vmem>>
        %dma_wait3A_395 = tpu.memref_squeeze %dma_wait3A_394 : memref<1x128xi32, #tpu.memory_space<vmem>> -> memref<128xi32, #tpu.memory_space<vmem>>
        %dma_wait3A_396 = arith.constant 0 : i32
        %dma_wait3A_397 = tpu.memref_slice %arg17[%dma_wait3A_396] : memref<10240xf32, #tpu.memory_space<vmem_shared>> -> memref<10240xf32, #tpu.memory_space<vmem_shared>>
        tpu.wait_indirect_dma semaphore(%run_scoped3A_387 : memref<!tpu.dma_semaphore, #tpu.memory_space<semaphore_mem>>) src(%arg15 : memref<128xf32, #tpu.memory_space<vmem>>) dst(%dma_wait3A_397 : memref<10240xf32, #tpu.memory_space<vmem_shared>>)
        tpu.yield
      }) : () -> ()
      %add3A_371 = arith.constant 2 : i32
      %add3A_372 = arith.addi %mul3A_356, %add3A_371 : i32
      %dma_start3A_373 = arith.constant 0 : i32
      %dma_start3A_374 = tpu.memref_slice %arg9[%add3A_372, %dma_start3A_373] : memref<20x128xi32, #tpu.memory_space<vmem>> -> memref<1x128xi32, #tpu.memory_space<vmem>>
      %dma_start3A_375 = tpu.memref_squeeze %dma_start3A_374 : memref<1x128xi32, #tpu.memory_space<vmem>> -> memref<128xi32, #tpu.memory_space<vmem>>
      %dma_start3A_376 = arith.constant 0 : i32
      %dma_start3A_377 = arith.constant 0 : i32
      %dma_start3A_378 = tpu.memref_slice %arg2[%dma_start3A_376, %dma_start3A_377] : memref<10000x128xf32, #tpu.memory_space<hbm>> -> memref<10000x128xf32, #tpu.memory_space<hbm>>
      tpu.enqueue_indirect_dma source(%dma_start3A_378 : memref<10000x128xf32, #tpu.memory_space<hbm>>) target(%arg13 : memref<128x128xf32, #tpu.memory_space<vmem>>) offsets(%dma_start3A_375 : memref<128xi32, #tpu.memory_space<vmem>>) semaphore(%arg18 : memref<!tpu.dma_semaphore, #tpu.memory_space<semaphore_mem>>)
      %dma_wait3A_379 = arith.constant 0 : i32
      %dma_wait3A_380 = arith.constant 0 : i32
      %dma_wait3A_381 = tpu.memref_slice %arg2[%dma_wait3A_379, %dma_wait3A_380] : memref<10000x128xf32, #tpu.memory_space<hbm>> -> memref<128x128xf32, #tpu.memory_space<hbm>>
      %dma_wait3A_382 = arith.constant 0 : i32
      %dma_wait3A_383 = arith.constant 0 : i32
      %dma_wait3A_384 = tpu.memref_slice %arg2[%dma_wait3A_382, %dma_wait3A_383] : memref<10000x128xf32, #tpu.memory_space<hbm>> -> memref<128x128xf32, #tpu.memory_space<hbm>>
      tpu.wait_dma2 semaphore(%arg19 : memref<!tpu.dma_semaphore, #tpu.memory_space<semaphore_mem>>) src(%dma_wait3A_384 : memref<128x128xf32, #tpu.memory_space<hbm>>) dst(%arg14 : memref<128x128xf32, #tpu.memory_space<vmem>>)
      %add3A_385 = arith.constant 1 : i32
      %add3A_386 = arith.addi %mul3A_356, %add3A_385 : i32
      "tpu.region"() ({
        %run_scoped3A_387 = tpu.sem_alloc : memref<!tpu.dma_semaphore, #tpu.memory_space<semaphore_mem>>
        %dma_start3A_388 = arith.constant 0 : i32
        %dma_start3A_389 = tpu.memref_slice %arg11[%add3A_386, %dma_start3A_388] : memref<20x128xi32, #tpu.memory_space<vmem>> -> memref<1x128xi32, #tpu.memory_space<vmem>>
        %dma_start3A_390 = tpu.memref_squeeze %dma_start3A_389 : memref<1x128xi32, #tpu.memory_space<vmem>> -> memref<128xi32, #tpu.memory_space<vmem>>
        %dma_start3A_391 = arith.constant 0 : i32
        %dma_start3A_392 = arith.constant 0 : i32
        %dma_start3A_393 = tpu.memref_slice %arg16[%dma_start3A_391, %dma_start3A_392] : memref<10240x128xf32, #tpu.memory_space<vmem_shared>> -> memref<10240x128xf32, #tpu.memory_space<vmem_shared>>
        tpu.enqueue_indirect_dma source(%arg14 : memref<128x128xf32, #tpu.memory_space<vmem>>) target(%dma_start3A_393 : memref<10240x128xf32, #tpu.memory_space<vmem_shared>>) offsets(%dma_start3A_390 : memref<128xi32, #tpu.memory_space<vmem>>) semaphore(%run_scoped3A_387 : memref<!tpu.dma_semaphore, #tpu.memory_space<semaphore_mem>>) {add = true}
        %dma_wait3A_394 = arith.constant 0 : i32
        %dma_wait3A_395 = tpu.memref_slice %arg11[%add3A_386, %dma_wait3A_394] : memref<20x128xi32, #tpu.memory_space<vmem>> -> memref<1x128xi32, #tpu.memory_space<vmem>>
        %dma_wait3A_396 = tpu.memref_squeeze %dma_wait3A_395 : memref<1x128xi32, #tpu.memory_space<vmem>> -> memref<128xi32, #tpu.memory_space<vmem>>
        %dma_wait3A_397 = arith.constant 0 : i32
        %dma_wait3A_398 = arith.constant 0 : i32
        %dma_wait3A_399 = tpu.memref_slice %arg16[%dma_wait3A_397, %dma_wait3A_398] : memref<10240x128xf32, #tpu.memory_space<vmem_shared>> -> memref<10240x128xf32, #tpu.memory_space<vmem_shared>>
        tpu.wait_indirect_dma semaphore(%run_scoped3A_387 : memref<!tpu.dma_semaphore, #tpu.memory_space<semaphore_mem>>) src(%arg14 : memref<128x128xf32, #tpu.memory_space<vmem>>) dst(%dma_wait3A_399 : memref<10240x128xf32, #tpu.memory_space<vmem_shared>>)
        tpu.yield
      }) : () -> ()
      "tpu.region"() ({
        %run_scoped3A_387 = tpu.sem_alloc : memref<!tpu.dma_semaphore, #tpu.memory_space<semaphore_mem>>
        %dma_start3A_388 = arith.constant 0 : i32
        %dma_start3A_389 = tpu.memref_slice %arg11[%add3A_386, %dma_start3A_388] : memref<20x128xi32, #tpu.memory_space<vmem>> -> memref<1x128xi32, #tpu.memory_space<vmem>>
        %dma_start3A_390 = tpu.memref_squeeze %dma_start3A_389 : memref<1x128xi32, #tpu.memory_space<vmem>> -> memref<128xi32, #tpu.memory_space<vmem>>
        %dma_start3A_391 = arith.constant 0 : i32
        %dma_start3A_392 = tpu.memref_slice %arg17[%dma_start3A_391] : memref<10240xf32, #tpu.memory_space<vmem_shared>> -> memref<10240xf32, #tpu.memory_space<vmem_shared>>
        tpu.enqueue_indirect_dma source(%arg15 : memref<128xf32, #tpu.memory_space<vmem>>) target(%dma_start3A_392 : memref<10240xf32, #tpu.memory_space<vmem_shared>>) offsets(%dma_start3A_390 : memref<128xi32, #tpu.memory_space<vmem>>) semaphore(%run_scoped3A_387 : memref<!tpu.dma_semaphore, #tpu.memory_space<semaphore_mem>>) {add = true}
        %dma_wait3A_393 = arith.constant 0 : i32
        %dma_wait3A_394 = tpu.memref_slice %arg11[%add3A_386, %dma_wait3A_393] : memref<20x128xi32, #tpu.memory_space<vmem>> -> memref<1x128xi32, #tpu.memory_space<vmem>>
        %dma_wait3A_395 = tpu.memref_squeeze %dma_wait3A_394 : memref<1x128xi32, #tpu.memory_space<vmem>> -> memref<128xi32, #tpu.memory_space<vmem>>
        %dma_wait3A_396 = arith.constant 0 : i32
        %dma_wait3A_397 = tpu.memref_slice %arg17[%dma_wait3A_396] : memref<10240xf32, #tpu.memory_space<vmem_shared>> -> memref<10240xf32, #tpu.memory_space<vmem_shared>>
        tpu.wait_indirect_dma semaphore(%run_scoped3A_387 : memref<!tpu.dma_semaphore, #tpu.memory_space<semaphore_mem>>) src(%arg15 : memref<128xf32, #tpu.memory_space<vmem>>) dst(%dma_wait3A_397 : memref<10240xf32, #tpu.memory_space<vmem_shared>>)
        tpu.yield
      }) : () -> ()
    }
    %scan3A_124 = arith.constant 9 : i32
    %dma_start3A_125 = arith.constant 19 : i32
    %dma_start3A_126 = arith.constant 0 : i32
    %dma_start3A_127 = tpu.memref_slice %arg9[%dma_start3A_125, %dma_start3A_126] : memref<20x128xi32, #tpu.memory_space<vmem>> -> memref<1x128xi32, #tpu.memory_space<vmem>>
    %dma_start3A_128 = tpu.memref_squeeze %dma_start3A_127 : memref<1x128xi32, #tpu.memory_space<vmem>> -> memref<128xi32, #tpu.memory_space<vmem>>
    %dma_start3A_129 = arith.constant 0 : i32
    %dma_start3A_130 = arith.constant 0 : i32
    %dma_start3A_131 = tpu.memref_slice %arg2[%dma_start3A_129, %dma_start3A_130] : memref<10000x128xf32, #tpu.memory_space<hbm>> -> memref<10000x128xf32, #tpu.memory_space<hbm>>
    tpu.enqueue_indirect_dma source(%dma_start3A_131 : memref<10000x128xf32, #tpu.memory_space<hbm>>) target(%arg14 : memref<128x128xf32, #tpu.memory_space<vmem>>) offsets(%dma_start3A_128 : memref<128xi32, #tpu.memory_space<vmem>>) semaphore(%arg19 : memref<!tpu.dma_semaphore, #tpu.memory_space<semaphore_mem>>)
    %dma_wait3A_132 = arith.constant 0 : i32
    %dma_wait3A_133 = arith.constant 0 : i32
    %dma_wait3A_134 = tpu.memref_slice %arg2[%dma_wait3A_132, %dma_wait3A_133] : memref<10000x128xf32, #tpu.memory_space<hbm>> -> memref<128x128xf32, #tpu.memory_space<hbm>>
    %dma_wait3A_135 = arith.constant 0 : i32
    %dma_wait3A_136 = arith.constant 0 : i32
    %dma_wait3A_137 = tpu.memref_slice %arg2[%dma_wait3A_135, %dma_wait3A_136] : memref<10000x128xf32, #tpu.memory_space<hbm>> -> memref<128x128xf32, #tpu.memory_space<hbm>>
    tpu.wait_dma2 semaphore(%arg18 : memref<!tpu.dma_semaphore, #tpu.memory_space<semaphore_mem>>) src(%dma_wait3A_137 : memref<128x128xf32, #tpu.memory_space<hbm>>) dst(%arg13 : memref<128x128xf32, #tpu.memory_space<vmem>>)
    %run_scoped3A = arith.constant 18 : i32
    "tpu.region"() ({
      %run_scoped3A_354 = tpu.sem_alloc : memref<!tpu.dma_semaphore, #tpu.memory_space<semaphore_mem>>
      %dma_start3A_355 = arith.constant 0 : i32
      %dma_start3A_356 = tpu.memref_slice %arg11[%run_scoped3A, %dma_start3A_355] : memref<20x128xi32, #tpu.memory_space<vmem>> -> memref<1x128xi32, #tpu.memory_space<vmem>>
      %dma_start3A_357 = tpu.memref_squeeze %dma_start3A_356 : memref<1x128xi32, #tpu.memory_space<vmem>> -> memref<128xi32, #tpu.memory_space<vmem>>
      %dma_start3A_358 = arith.constant 0 : i32
      %dma_start3A_359 = arith.constant 0 : i32
      %dma_start3A_360 = tpu.memref_slice %arg16[%dma_start3A_358, %dma_start3A_359] : memref<10240x128xf32, #tpu.memory_space<vmem_shared>> -> memref<10240x128xf32, #tpu.memory_space<vmem_shared>>
      tpu.enqueue_indirect_dma source(%arg13 : memref<128x128xf32, #tpu.memory_space<vmem>>) target(%dma_start3A_360 : memref<10240x128xf32, #tpu.memory_space<vmem_shared>>) offsets(%dma_start3A_357 : memref<128xi32, #tpu.memory_space<vmem>>) semaphore(%run_scoped3A_354 : memref<!tpu.dma_semaphore, #tpu.memory_space<semaphore_mem>>) {add = true}
      %dma_wait3A_361 = arith.constant 0 : i32
      %dma_wait3A_362 = tpu.memref_slice %arg11[%run_scoped3A, %dma_wait3A_361] : memref<20x128xi32, #tpu.memory_space<vmem>> -> memref<1x128xi32, #tpu.memory_space<vmem>>
      %dma_wait3A_363 = tpu.memref_squeeze %dma_wait3A_362 : memref<1x128xi32, #tpu.memory_space<vmem>> -> memref<128xi32, #tpu.memory_space<vmem>>
      %dma_wait3A_364 = arith.constant 0 : i32
      %dma_wait3A_365 = arith.constant 0 : i32
      %dma_wait3A_366 = tpu.memref_slice %arg16[%dma_wait3A_364, %dma_wait3A_365] : memref<10240x128xf32, #tpu.memory_space<vmem_shared>> -> memref<10240x128xf32, #tpu.memory_space<vmem_shared>>
      tpu.wait_indirect_dma semaphore(%run_scoped3A_354 : memref<!tpu.dma_semaphore, #tpu.memory_space<semaphore_mem>>) src(%arg13 : memref<128x128xf32, #tpu.memory_space<vmem>>) dst(%dma_wait3A_366 : memref<10240x128xf32, #tpu.memory_space<vmem_shared>>)
      tpu.yield
    }) : () -> ()
    %run_scoped3A_138 = arith.constant 18 : i32
    "tpu.region"() ({
      %run_scoped3A_354 = tpu.sem_alloc : memref<!tpu.dma_semaphore, #tpu.memory_space<semaphore_mem>>
      %dma_start3A_355 = arith.constant 0 : i32
      %dma_start3A_356 = tpu.memref_slice %arg11[%run_scoped3A_138, %dma_start3A_355] : memref<20x128xi32, #tpu.memory_space<vmem>> -> memref<1x128xi32, #tpu.memory_space<vmem>>
      %dma_start3A_357 = tpu.memref_squeeze %dma_start3A_356 : memref<1x128xi32, #tpu.memory_space<vmem>> -> memref<128xi32, #tpu.memory_space<vmem>>
      %dma_start3A_358 = arith.constant 0 : i32
      %dma_start3A_359 = tpu.memref_slice %arg17[%dma_start3A_358] : memref<10240xf32, #tpu.memory_space<vmem_shared>> -> memref<10240xf32, #tpu.memory_space<vmem_shared>>
      tpu.enqueue_indirect_dma source(%arg15 : memref<128xf32, #tpu.memory_space<vmem>>) target(%dma_start3A_359 : memref<10240xf32, #tpu.memory_space<vmem_shared>>) offsets(%dma_start3A_357 : memref<128xi32, #tpu.memory_space<vmem>>) semaphore(%run_scoped3A_354 : memref<!tpu.dma_semaphore, #tpu.memory_space<semaphore_mem>>) {add = true}
      %dma_wait3A_360 = arith.constant 0 : i32
      %dma_wait3A_361 = tpu.memref_slice %arg11[%run_scoped3A_138, %dma_wait3A_360] : memref<20x128xi32, #tpu.memory_space<vmem>> -> memref<1x128xi32, #tpu.memory_space<vmem>>
      %dma_wait3A_362 = tpu.memref_squeeze %dma_wait3A_361 : memref<1x128xi32, #tpu.memory_space<vmem>> -> memref<128xi32, #tpu.memory_space<vmem>>
      %dma_wait3A_363 = arith.constant 0 : i32
      %dma_wait3A_364 = tpu.memref_slice %arg17[%dma_wait3A_363] : memref<10240xf32, #tpu.memory_space<vmem_shared>> -> memref<10240xf32, #tpu.memory_space<vmem_shared>>
      tpu.wait_indirect_dma semaphore(%run_scoped3A_354 : memref<!tpu.dma_semaphore, #tpu.memory_space<semaphore_mem>>) src(%arg15 : memref<128xf32, #tpu.memory_space<vmem>>) dst(%dma_wait3A_364 : memref<10240xf32, #tpu.memory_space<vmem_shared>>)
      tpu.yield
    }) : () -> ()
    %dma_wait3A_139 = arith.constant 1 : i32
    %dma_wait3A_140 = arith.constant 0 : i32
    %dma_wait3A_141 = arith.constant 0 : i32
    %dma_wait3A_142 = tpu.memref_slice %arg3[%add3A, %dma_wait3A_139, %dma_wait3A_140, %dma_wait3A_141] : memref<32x4x20x128xi32, #tpu.memory_space<hbm>> -> memref<1x1x20x128xi32, #tpu.memory_space<hbm>>
    %dma_wait3A_143 = tpu.memref_squeeze %dma_wait3A_142 : memref<1x1x20x128xi32, #tpu.memory_space<hbm>> -> memref<20x128xi32, #tpu.memory_space<hbm>>
    %dma_wait3A_144 = arith.constant 0 : i32
    %dma_wait3A_145 = arith.constant 0 : i32
    %dma_wait3A_146 = tpu.memref_slice %arg3[%add3A, %dma_wait3A_139, %dma_wait3A_144, %dma_wait3A_145] : memref<32x4x20x128xi32, #tpu.memory_space<hbm>> -> memref<1x1x20x128xi32, #tpu.memory_space<hbm>>
    %dma_wait3A_147 = tpu.memref_squeeze %dma_wait3A_146 : memref<1x1x20x128xi32, #tpu.memory_space<hbm>> -> memref<20x128xi32, #tpu.memory_space<hbm>>
    tpu.wait_dma2 semaphore(%arg20 : memref<!tpu.dma_semaphore, #tpu.memory_space<semaphore_mem>>) src(%dma_wait3A_147 : memref<20x128xi32, #tpu.memory_space<hbm>>) dst(%arg10 : memref<20x128xi32, #tpu.memory_space<vmem>>)
    %dma_wait3A_148 = arith.constant 1 : i32
    %dma_wait3A_149 = arith.constant 0 : i32
    %dma_wait3A_150 = arith.constant 0 : i32
    %dma_wait3A_151 = tpu.memref_slice %arg4[%add3A, %dma_wait3A_148, %dma_wait3A_149, %dma_wait3A_150] : memref<32x4x20x128xi32, #tpu.memory_space<hbm>> -> memref<1x1x20x128xi32, #tpu.memory_space<hbm>>
    %dma_wait3A_152 = tpu.memref_squeeze %dma_wait3A_151 : memref<1x1x20x128xi32, #tpu.memory_space<hbm>> -> memref<20x128xi32, #tpu.memory_space<hbm>>
    %dma_wait3A_153 = arith.constant 0 : i32
    %dma_wait3A_154 = arith.constant 0 : i32
    %dma_wait3A_155 = tpu.memref_slice %arg4[%add3A, %dma_wait3A_148, %dma_wait3A_153, %dma_wait3A_154] : memref<32x4x20x128xi32, #tpu.memory_space<hbm>> -> memref<1x1x20x128xi32, #tpu.memory_space<hbm>>
    %dma_wait3A_156 = tpu.memref_squeeze %dma_wait3A_155 : memref<1x1x20x128xi32, #tpu.memory_space<hbm>> -> memref<20x128xi32, #tpu.memory_space<hbm>>
    tpu.wait_dma2 semaphore(%arg20 : memref<!tpu.dma_semaphore, #tpu.memory_space<semaphore_mem>>) src(%dma_wait3A_156 : memref<20x128xi32, #tpu.memory_space<hbm>>) dst(%arg12 : memref<20x128xi32, #tpu.memory_space<vmem>>)
    %dma_start3A_157 = arith.constant 0 : i32
    %dma_start3A_158 = arith.constant 0 : i32
    %dma_start3A_159 = tpu.memref_slice %arg10[%dma_start3A_157, %dma_start3A_158] : memref<20x128xi32, #tpu.memory_space<vmem>> -> memref<1x128xi32, #tpu.memory_space<vmem>>
    %dma_start3A_160 = tpu.memref_squeeze %dma_start3A_159 : memref<1x128xi32, #tpu.memory_space<vmem>> -> memref<128xi32, #tpu.memory_space<vmem>>
    %dma_start3A_161 = arith.constant 0 : i32
    %dma_start3A_162 = arith.constant 0 : i32
    %dma_start3A_163 = tpu.memref_slice %arg2[%dma_start3A_161, %dma_start3A_162] : memref<10000x128xf32, #tpu.memory_space<hbm>> -> memref<10000x128xf32, #tpu.memory_space<hbm>>
    tpu.enqueue_indirect_dma source(%dma_start3A_163 : memref<10000x128xf32, #tpu.memory_space<hbm>>) target(%arg13 : memref<128x128xf32, #tpu.memory_space<vmem>>) offsets(%dma_start3A_160 : memref<128xi32, #tpu.memory_space<vmem>>) semaphore(%arg18 : memref<!tpu.dma_semaphore, #tpu.memory_space<semaphore_mem>>)
    %dma_wait3A_164 = arith.constant 0 : i32
    %dma_wait3A_165 = arith.constant 0 : i32
    %dma_wait3A_166 = tpu.memref_slice %arg2[%dma_wait3A_164, %dma_wait3A_165] : memref<10000x128xf32, #tpu.memory_space<hbm>> -> memref<128x128xf32, #tpu.memory_space<hbm>>
    %dma_wait3A_167 = arith.constant 0 : i32
    %dma_wait3A_168 = arith.constant 0 : i32
    %dma_wait3A_169 = tpu.memref_slice %arg2[%dma_wait3A_167, %dma_wait3A_168] : memref<10000x128xf32, #tpu.memory_space<hbm>> -> memref<128x128xf32, #tpu.memory_space<hbm>>
    tpu.wait_dma2 semaphore(%arg19 : memref<!tpu.dma_semaphore, #tpu.memory_space<semaphore_mem>>) src(%dma_wait3A_169 : memref<128x128xf32, #tpu.memory_space<hbm>>) dst(%arg14 : memref<128x128xf32, #tpu.memory_space<vmem>>)
    %run_scoped3A_170 = arith.constant 19 : i32
    "tpu.region"() ({
      %run_scoped3A_354 = tpu.sem_alloc : memref<!tpu.dma_semaphore, #tpu.memory_space<semaphore_mem>>
      %dma_start3A_355 = arith.constant 0 : i32
      %dma_start3A_356 = tpu.memref_slice %arg11[%run_scoped3A_170, %dma_start3A_355] : memref<20x128xi32, #tpu.memory_space<vmem>> -> memref<1x128xi32, #tpu.memory_space<vmem>>
      %dma_start3A_357 = tpu.memref_squeeze %dma_start3A_356 : memref<1x128xi32, #tpu.memory_space<vmem>> -> memref<128xi32, #tpu.memory_space<vmem>>
      %dma_start3A_358 = arith.constant 0 : i32
      %dma_start3A_359 = arith.constant 0 : i32
      %dma_start3A_360 = tpu.memref_slice %arg16[%dma_start3A_358, %dma_start3A_359] : memref<10240x128xf32, #tpu.memory_space<vmem_shared>> -> memref<10240x128xf32, #tpu.memory_space<vmem_shared>>
      tpu.enqueue_indirect_dma source(%arg14 : memref<128x128xf32, #tpu.memory_space<vmem>>) target(%dma_start3A_360 : memref<10240x128xf32, #tpu.memory_space<vmem_shared>>) offsets(%dma_start3A_357 : memref<128xi32, #tpu.memory_space<vmem>>) semaphore(%run_scoped3A_354 : memref<!tpu.dma_semaphore, #tpu.memory_space<semaphore_mem>>) {add = true}
      %dma_wait3A_361 = arith.constant 0 : i32
      %dma_wait3A_362 = tpu.memref_slice %arg11[%run_scoped3A_170, %dma_wait3A_361] : memref<20x128xi32, #tpu.memory_space<vmem>> -> memref<1x128xi32, #tpu.memory_space<vmem>>
      %dma_wait3A_363 = tpu.memref_squeeze %dma_wait3A_362 : memref<1x128xi32, #tpu.memory_space<vmem>> -> memref<128xi32, #tpu.memory_space<vmem>>
      %dma_wait3A_364 = arith.constant 0 : i32
      %dma_wait3A_365 = arith.constant 0 : i32
      %dma_wait3A_366 = tpu.memref_slice %arg16[%dma_wait3A_364, %dma_wait3A_365] : memref<10240x128xf32, #tpu.memory_space<vmem_shared>> -> memref<10240x128xf32, #tpu.memory_space<vmem_shared>>
      tpu.wait_indirect_dma semaphore(%run_scoped3A_354 : memref<!tpu.dma_semaphore, #tpu.memory_space<semaphore_mem>>) src(%arg14 : memref<128x128xf32, #tpu.memory_space<vmem>>) dst(%dma_wait3A_366 : memref<10240x128xf32, #tpu.memory_space<vmem_shared>>)
      tpu.yield
    }) : () -> ()
    %run_scoped3A_171 = arith.constant 19 : i32
    "tpu.region"() ({
      %run_scoped3A_354 = tpu.sem_alloc : memref<!tpu.dma_semaphore, #tpu.memory_space<semaphore_mem>>
      %dma_start3A_355 = arith.constant 0 : i32
      %dma_start3A_356 = tpu.memref_slice %arg11[%run_scoped3A_171, %dma_start3A_355] : memref<20x128xi32, #tpu.memory_space<vmem>> -> memref<1x128xi32, #tpu.memory_space<vmem>>
      %dma_start3A_357 = tpu.memref_squeeze %dma_start3A_356 : memref<1x128xi32, #tpu.memory_space<vmem>> -> memref<128xi32, #tpu.memory_space<vmem>>
      %dma_start3A_358 = arith.constant 0 : i32
      %dma_start3A_359 = tpu.memref_slice %arg17[%dma_start3A_358] : memref<10240xf32, #tpu.memory_space<vmem_shared>> -> memref<10240xf32, #tpu.memory_space<vmem_shared>>
      tpu.enqueue_indirect_dma source(%arg15 : memref<128xf32, #tpu.memory_space<vmem>>) target(%dma_start3A_359 : memref<10240xf32, #tpu.memory_space<vmem_shared>>) offsets(%dma_start3A_357 : memref<128xi32, #tpu.memory_space<vmem>>) semaphore(%run_scoped3A_354 : memref<!tpu.dma_semaphore, #tpu.memory_space<semaphore_mem>>) {add = true}
      %dma_wait3A_360 = arith.constant 0 : i32
      %dma_wait3A_361 = tpu.memref_slice %arg11[%run_scoped3A_171, %dma_wait3A_360] : memref<20x128xi32, #tpu.memory_space<vmem>> -> memref<1x128xi32, #tpu.memory_space<vmem>>
      %dma_wait3A_362 = tpu.memref_squeeze %dma_wait3A_361 : memref<1x128xi32, #tpu.memory_space<vmem>> -> memref<128xi32, #tpu.memory_space<vmem>>
      %dma_wait3A_363 = arith.constant 0 : i32
      %dma_wait3A_364 = tpu.memref_slice %arg17[%dma_wait3A_363] : memref<10240xf32, #tpu.memory_space<vmem_shared>> -> memref<10240xf32, #tpu.memory_space<vmem_shared>>
      tpu.wait_indirect_dma semaphore(%run_scoped3A_354 : memref<!tpu.dma_semaphore, #tpu.memory_space<semaphore_mem>>) src(%arg15 : memref<128xf32, #tpu.memory_space<vmem>>) dst(%dma_wait3A_364 : memref<10240xf32, #tpu.memory_space<vmem_shared>>)
      tpu.yield
    }) : () -> ()
    %dma_start3A_172 = arith.constant 2 : i32
    %dma_start3A_173 = arith.constant 0 : i32
    %dma_start3A_174 = arith.constant 0 : i32
    %dma_start3A_175 = tpu.memref_slice %arg3[%add3A, %dma_start3A_172, %dma_start3A_173, %dma_start3A_174] : memref<32x4x20x128xi32, #tpu.memory_space<hbm>> -> memref<1x1x20x128xi32, #tpu.memory_space<hbm>>
    %dma_start3A_176 = tpu.memref_squeeze %dma_start3A_175 : memref<1x1x20x128xi32, #tpu.memory_space<hbm>> -> memref<20x128xi32, #tpu.memory_space<hbm>>
    %dma_start3A_177 = arith.constant 0 : i32
    %dma_start3A_178 = arith.constant 0 : i32
    %dma_start3A_179 = tpu.memref_slice %arg3[%add3A, %dma_start3A_172, %dma_start3A_177, %dma_start3A_178] : memref<32x4x20x128xi32, #tpu.memory_space<hbm>> -> memref<1x1x20x128xi32, #tpu.memory_space<hbm>>
    %dma_start3A_180 = tpu.memref_squeeze %dma_start3A_179 : memref<1x1x20x128xi32, #tpu.memory_space<hbm>> -> memref<20x128xi32, #tpu.memory_space<hbm>>
    tpu.enqueue_dma source(%dma_start3A_180 : memref<20x128xi32, #tpu.memory_space<hbm>>) target(%arg9 : memref<20x128xi32, #tpu.memory_space<vmem>>) target_semaphore(%arg20 : memref<!tpu.dma_semaphore, #tpu.memory_space<semaphore_mem>>)
    %dma_start3A_181 = arith.constant 2 : i32
    %dma_start3A_182 = arith.constant 0 : i32
    %dma_start3A_183 = arith.constant 0 : i32
    %dma_start3A_184 = tpu.memref_slice %arg4[%add3A, %dma_start3A_181, %dma_start3A_182, %dma_start3A_183] : memref<32x4x20x128xi32, #tpu.memory_space<hbm>> -> memref<1x1x20x128xi32, #tpu.memory_space<hbm>>
    %dma_start3A_185 = tpu.memref_squeeze %dma_start3A_184 : memref<1x1x20x128xi32, #tpu.memory_space<hbm>> -> memref<20x128xi32, #tpu.memory_space<hbm>>
    %dma_start3A_186 = arith.constant 0 : i32
    %dma_start3A_187 = arith.constant 0 : i32
    %dma_start3A_188 = tpu.memref_slice %arg4[%add3A, %dma_start3A_181, %dma_start3A_186, %dma_start3A_187] : memref<32x4x20x128xi32, #tpu.memory_space<hbm>> -> memref<1x1x20x128xi32, #tpu.memory_space<hbm>>
    %dma_start3A_189 = tpu.memref_squeeze %dma_start3A_188 : memref<1x1x20x128xi32, #tpu.memory_space<hbm>> -> memref<20x128xi32, #tpu.memory_space<hbm>>
    tpu.enqueue_dma source(%dma_start3A_189 : memref<20x128xi32, #tpu.memory_space<hbm>>) target(%arg11 : memref<20x128xi32, #tpu.memory_space<vmem>>) target_semaphore(%arg20 : memref<!tpu.dma_semaphore, #tpu.memory_space<semaphore_mem>>)
    %scan3A_190 = arith.constant 0 : i32
    %scan3A_191 = arith.constant 0 : i32
    %scan3A_192 = arith.constant 9 : i32
    %scan3A_193 = arith.addi %scan3A_191, %scan3A_192 : i32
    %scan3A_194 = arith.constant 1 : i32
    scf.for %scan3A_354 = %scan3A_191 to %scan3A_193 step %scan3A_194  : i32 {
      %mul3A_355 = arith.constant 2 : i32
      %mul3A_356 = arith.muli %mul3A_355, %scan3A_354 : i32
      %add3A_357 = arith.constant 1 : i32
      %add3A_358 = arith.addi %mul3A_356, %add3A_357 : i32
      %dma_start3A_359 = arith.constant 0 : i32
      %dma_start3A_360 = tpu.memref_slice %arg10[%add3A_358, %dma_start3A_359] : memref<20x128xi32, #tpu.memory_space<vmem>> -> memref<1x128xi32, #tpu.memory_space<vmem>>
      %dma_start3A_361 = tpu.memref_squeeze %dma_start3A_360 : memref<1x128xi32, #tpu.memory_space<vmem>> -> memref<128xi32, #tpu.memory_space<vmem>>
      %dma_start3A_362 = arith.constant 0 : i32
      %dma_start3A_363 = arith.constant 0 : i32
      %dma_start3A_364 = tpu.memref_slice %arg2[%dma_start3A_362, %dma_start3A_363] : memref<10000x128xf32, #tpu.memory_space<hbm>> -> memref<10000x128xf32, #tpu.memory_space<hbm>>
      tpu.enqueue_indirect_dma source(%dma_start3A_364 : memref<10000x128xf32, #tpu.memory_space<hbm>>) target(%arg14 : memref<128x128xf32, #tpu.memory_space<vmem>>) offsets(%dma_start3A_361 : memref<128xi32, #tpu.memory_space<vmem>>) semaphore(%arg19 : memref<!tpu.dma_semaphore, #tpu.memory_space<semaphore_mem>>)
      %dma_wait3A_365 = arith.constant 0 : i32
      %dma_wait3A_366 = arith.constant 0 : i32
      %dma_wait3A_367 = tpu.memref_slice %arg2[%dma_wait3A_365, %dma_wait3A_366] : memref<10000x128xf32, #tpu.memory_space<hbm>> -> memref<128x128xf32, #tpu.memory_space<hbm>>
      %dma_wait3A_368 = arith.constant 0 : i32
      %dma_wait3A_369 = arith.constant 0 : i32
      %dma_wait3A_370 = tpu.memref_slice %arg2[%dma_wait3A_368, %dma_wait3A_369] : memref<10000x128xf32, #tpu.memory_space<hbm>> -> memref<128x128xf32, #tpu.memory_space<hbm>>
      tpu.wait_dma2 semaphore(%arg18 : memref<!tpu.dma_semaphore, #tpu.memory_space<semaphore_mem>>) src(%dma_wait3A_370 : memref<128x128xf32, #tpu.memory_space<hbm>>) dst(%arg13 : memref<128x128xf32, #tpu.memory_space<vmem>>)
      "tpu.region"() ({
        %run_scoped3A_387 = tpu.sem_alloc : memref<!tpu.dma_semaphore, #tpu.memory_space<semaphore_mem>>
        %dma_start3A_388 = arith.constant 0 : i32
        %dma_start3A_389 = tpu.memref_slice %arg12[%mul3A_356, %dma_start3A_388] : memref<20x128xi32, #tpu.memory_space<vmem>> -> memref<1x128xi32, #tpu.memory_space<vmem>>
        %dma_start3A_390 = tpu.memref_squeeze %dma_start3A_389 : memref<1x128xi32, #tpu.memory_space<vmem>> -> memref<128xi32, #tpu.memory_space<vmem>>
        %dma_start3A_391 = arith.constant 0 : i32
        %dma_start3A_392 = arith.constant 0 : i32
        %dma_start3A_393 = tpu.memref_slice %arg16[%dma_start3A_391, %dma_start3A_392] : memref<10240x128xf32, #tpu.memory_space<vmem_shared>> -> memref<10240x128xf32, #tpu.memory_space<vmem_shared>>
        tpu.enqueue_indirect_dma source(%arg13 : memref<128x128xf32, #tpu.memory_space<vmem>>) target(%dma_start3A_393 : memref<10240x128xf32, #tpu.memory_space<vmem_shared>>) offsets(%dma_start3A_390 : memref<128xi32, #tpu.memory_space<vmem>>) semaphore(%run_scoped3A_387 : memref<!tpu.dma_semaphore, #tpu.memory_space<semaphore_mem>>) {add = true}
        %dma_wait3A_394 = arith.constant 0 : i32
        %dma_wait3A_395 = tpu.memref_slice %arg12[%mul3A_356, %dma_wait3A_394] : memref<20x128xi32, #tpu.memory_space<vmem>> -> memref<1x128xi32, #tpu.memory_space<vmem>>
        %dma_wait3A_396 = tpu.memref_squeeze %dma_wait3A_395 : memref<1x128xi32, #tpu.memory_space<vmem>> -> memref<128xi32, #tpu.memory_space<vmem>>
        %dma_wait3A_397 = arith.constant 0 : i32
        %dma_wait3A_398 = arith.constant 0 : i32
        %dma_wait3A_399 = tpu.memref_slice %arg16[%dma_wait3A_397, %dma_wait3A_398] : memref<10240x128xf32, #tpu.memory_space<vmem_shared>> -> memref<10240x128xf32, #tpu.memory_space<vmem_shared>>
        tpu.wait_indirect_dma semaphore(%run_scoped3A_387 : memref<!tpu.dma_semaphore, #tpu.memory_space<semaphore_mem>>) src(%arg13 : memref<128x128xf32, #tpu.memory_space<vmem>>) dst(%dma_wait3A_399 : memref<10240x128xf32, #tpu.memory_space<vmem_shared>>)
        tpu.yield
      }) : () -> ()
      "tpu.region"() ({
        %run_scoped3A_387 = tpu.sem_alloc : memref<!tpu.dma_semaphore, #tpu.memory_space<semaphore_mem>>
        %dma_start3A_388 = arith.constant 0 : i32
        %dma_start3A_389 = tpu.memref_slice %arg12[%mul3A_356, %dma_start3A_388] : memref<20x128xi32, #tpu.memory_space<vmem>> -> memref<1x128xi32, #tpu.memory_space<vmem>>
        %dma_start3A_390 = tpu.memref_squeeze %dma_start3A_389 : memref<1x128xi32, #tpu.memory_space<vmem>> -> memref<128xi32, #tpu.memory_space<vmem>>
        %dma_start3A_391 = arith.constant 0 : i32
        %dma_start3A_392 = tpu.memref_slice %arg17[%dma_start3A_391] : memref<10240xf32, #tpu.memory_space<vmem_shared>> -> memref<10240xf32, #tpu.memory_space<vmem_shared>>
        tpu.enqueue_indirect_dma source(%arg15 : memref<128xf32, #tpu.memory_space<vmem>>) target(%dma_start3A_392 : memref<10240xf32, #tpu.memory_space<vmem_shared>>) offsets(%dma_start3A_390 : memref<128xi32, #tpu.memory_space<vmem>>) semaphore(%run_scoped3A_387 : memref<!tpu.dma_semaphore, #tpu.memory_space<semaphore_mem>>) {add = true}
        %dma_wait3A_393 = arith.constant 0 : i32
        %dma_wait3A_394 = tpu.memref_slice %arg12[%mul3A_356, %dma_wait3A_393] : memref<20x128xi32, #tpu.memory_space<vmem>> -> memref<1x128xi32, #tpu.memory_space<vmem>>
        %dma_wait3A_395 = tpu.memref_squeeze %dma_wait3A_394 : memref<1x128xi32, #tpu.memory_space<vmem>> -> memref<128xi32, #tpu.memory_space<vmem>>
        %dma_wait3A_396 = arith.constant 0 : i32
        %dma_wait3A_397 = tpu.memref_slice %arg17[%dma_wait3A_396] : memref<10240xf32, #tpu.memory_space<vmem_shared>> -> memref<10240xf32, #tpu.memory_space<vmem_shared>>
        tpu.wait_indirect_dma semaphore(%run_scoped3A_387 : memref<!tpu.dma_semaphore, #tpu.memory_space<semaphore_mem>>) src(%arg15 : memref<128xf32, #tpu.memory_space<vmem>>) dst(%dma_wait3A_397 : memref<10240xf32, #tpu.memory_space<vmem_shared>>)
        tpu.yield
      }) : () -> ()
      %add3A_371 = arith.constant 2 : i32
      %add3A_372 = arith.addi %mul3A_356, %add3A_371 : i32
      %dma_start3A_373 = arith.constant 0 : i32
      %dma_start3A_374 = tpu.memref_slice %arg10[%add3A_372, %dma_start3A_373] : memref<20x128xi32, #tpu.memory_space<vmem>> -> memref<1x128xi32, #tpu.memory_space<vmem>>
      %dma_start3A_375 = tpu.memref_squeeze %dma_start3A_374 : memref<1x128xi32, #tpu.memory_space<vmem>> -> memref<128xi32, #tpu.memory_space<vmem>>
      %dma_start3A_376 = arith.constant 0 : i32
      %dma_start3A_377 = arith.constant 0 : i32
      %dma_start3A_378 = tpu.memref_slice %arg2[%dma_start3A_376, %dma_start3A_377] : memref<10000x128xf32, #tpu.memory_space<hbm>> -> memref<10000x128xf32, #tpu.memory_space<hbm>>
      tpu.enqueue_indirect_dma source(%dma_start3A_378 : memref<10000x128xf32, #tpu.memory_space<hbm>>) target(%arg13 : memref<128x128xf32, #tpu.memory_space<vmem>>) offsets(%dma_start3A_375 : memref<128xi32, #tpu.memory_space<vmem>>) semaphore(%arg18 : memref<!tpu.dma_semaphore, #tpu.memory_space<semaphore_mem>>)
      %dma_wait3A_379 = arith.constant 0 : i32
      %dma_wait3A_380 = arith.constant 0 : i32
      %dma_wait3A_381 = tpu.memref_slice %arg2[%dma_wait3A_379, %dma_wait3A_380] : memref<10000x128xf32, #tpu.memory_space<hbm>> -> memref<128x128xf32, #tpu.memory_space<hbm>>
      %dma_wait3A_382 = arith.constant 0 : i32
      %dma_wait3A_383 = arith.constant 0 : i32
      %dma_wait3A_384 = tpu.memref_slice %arg2[%dma_wait3A_382, %dma_wait3A_383] : memref<10000x128xf32, #tpu.memory_space<hbm>> -> memref<128x128xf32, #tpu.memory_space<hbm>>
      tpu.wait_dma2 semaphore(%arg19 : memref<!tpu.dma_semaphore, #tpu.memory_space<semaphore_mem>>) src(%dma_wait3A_384 : memref<128x128xf32, #tpu.memory_space<hbm>>) dst(%arg14 : memref<128x128xf32, #tpu.memory_space<vmem>>)
      %add3A_385 = arith.constant 1 : i32
      %add3A_386 = arith.addi %mul3A_356, %add3A_385 : i32
      "tpu.region"() ({
        %run_scoped3A_387 = tpu.sem_alloc : memref<!tpu.dma_semaphore, #tpu.memory_space<semaphore_mem>>
        %dma_start3A_388 = arith.constant 0 : i32
        %dma_start3A_389 = tpu.memref_slice %arg12[%add3A_386, %dma_start3A_388] : memref<20x128xi32, #tpu.memory_space<vmem>> -> memref<1x128xi32, #tpu.memory_space<vmem>>
        %dma_start3A_390 = tpu.memref_squeeze %dma_start3A_389 : memref<1x128xi32, #tpu.memory_space<vmem>> -> memref<128xi32, #tpu.memory_space<vmem>>
        %dma_start3A_391 = arith.constant 0 : i32
        %dma_start3A_392 = arith.constant 0 : i32
        %dma_start3A_393 = tpu.memref_slice %arg16[%dma_start3A_391, %dma_start3A_392] : memref<10240x128xf32, #tpu.memory_space<vmem_shared>> -> memref<10240x128xf32, #tpu.memory_space<vmem_shared>>
        tpu.enqueue_indirect_dma source(%arg14 : memref<128x128xf32, #tpu.memory_space<vmem>>) target(%dma_start3A_393 : memref<10240x128xf32, #tpu.memory_space<vmem_shared>>) offsets(%dma_start3A_390 : memref<128xi32, #tpu.memory_space<vmem>>) semaphore(%run_scoped3A_387 : memref<!tpu.dma_semaphore, #tpu.memory_space<semaphore_mem>>) {add = true}
        %dma_wait3A_394 = arith.constant 0 : i32
        %dma_wait3A_395 = tpu.memref_slice %arg12[%add3A_386, %dma_wait3A_394] : memref<20x128xi32, #tpu.memory_space<vmem>> -> memref<1x128xi32, #tpu.memory_space<vmem>>
        %dma_wait3A_396 = tpu.memref_squeeze %dma_wait3A_395 : memref<1x128xi32, #tpu.memory_space<vmem>> -> memref<128xi32, #tpu.memory_space<vmem>>
        %dma_wait3A_397 = arith.constant 0 : i32
        %dma_wait3A_398 = arith.constant 0 : i32
        %dma_wait3A_399 = tpu.memref_slice %arg16[%dma_wait3A_397, %dma_wait3A_398] : memref<10240x128xf32, #tpu.memory_space<vmem_shared>> -> memref<10240x128xf32, #tpu.memory_space<vmem_shared>>
        tpu.wait_indirect_dma semaphore(%run_scoped3A_387 : memref<!tpu.dma_semaphore, #tpu.memory_space<semaphore_mem>>) src(%arg14 : memref<128x128xf32, #tpu.memory_space<vmem>>) dst(%dma_wait3A_399 : memref<10240x128xf32, #tpu.memory_space<vmem_shared>>)
        tpu.yield
      }) : () -> ()
      "tpu.region"() ({
        %run_scoped3A_387 = tpu.sem_alloc : memref<!tpu.dma_semaphore, #tpu.memory_space<semaphore_mem>>
        %dma_start3A_388 = arith.constant 0 : i32
        %dma_start3A_389 = tpu.memref_slice %arg12[%add3A_386, %dma_start3A_388] : memref<20x128xi32, #tpu.memory_space<vmem>> -> memref<1x128xi32, #tpu.memory_space<vmem>>
        %dma_start3A_390 = tpu.memref_squeeze %dma_start3A_389 : memref<1x128xi32, #tpu.memory_space<vmem>> -> memref<128xi32, #tpu.memory_space<vmem>>
        %dma_start3A_391 = arith.constant 0 : i32
        %dma_start3A_392 = tpu.memref_slice %arg17[%dma_start3A_391] : memref<10240xf32, #tpu.memory_space<vmem_shared>> -> memref<10240xf32, #tpu.memory_space<vmem_shared>>
        tpu.enqueue_indirect_dma source(%arg15 : memref<128xf32, #tpu.memory_space<vmem>>) target(%dma_start3A_392 : memref<10240xf32, #tpu.memory_space<vmem_shared>>) offsets(%dma_start3A_390 : memref<128xi32, #tpu.memory_space<vmem>>) semaphore(%run_scoped3A_387 : memref<!tpu.dma_semaphore, #tpu.memory_space<semaphore_mem>>) {add = true}
        %dma_wait3A_393 = arith.constant 0 : i32
        %dma_wait3A_394 = tpu.memref_slice %arg12[%add3A_386, %dma_wait3A_393] : memref<20x128xi32, #tpu.memory_space<vmem>> -> memref<1x128xi32, #tpu.memory_space<vmem>>
        %dma_wait3A_395 = tpu.memref_squeeze %dma_wait3A_394 : memref<1x128xi32, #tpu.memory_space<vmem>> -> memref<128xi32, #tpu.memory_space<vmem>>
        %dma_wait3A_396 = arith.constant 0 : i32
        %dma_wait3A_397 = tpu.memref_slice %arg17[%dma_wait3A_396] : memref<10240xf32, #tpu.memory_space<vmem_shared>> -> memref<10240xf32, #tpu.memory_space<vmem_shared>>
        tpu.wait_indirect_dma semaphore(%run_scoped3A_387 : memref<!tpu.dma_semaphore, #tpu.memory_space<semaphore_mem>>) src(%arg15 : memref<128xf32, #tpu.memory_space<vmem>>) dst(%dma_wait3A_397 : memref<10240xf32, #tpu.memory_space<vmem_shared>>)
        tpu.yield
      }) : () -> ()
    }
    %scan3A_195 = arith.constant 9 : i32
    %dma_start3A_196 = arith.constant 19 : i32
    %dma_start3A_197 = arith.constant 0 : i32
    %dma_start3A_198 = tpu.memref_slice %arg10[%dma_start3A_196, %dma_start3A_197] : memref<20x128xi32, #tpu.memory_space<vmem>> -> memref<1x128xi32, #tpu.memory_space<vmem>>
    %dma_start3A_199 = tpu.memref_squeeze %dma_start3A_198 : memref<1x128xi32, #tpu.memory_space<vmem>> -> memref<128xi32, #tpu.memory_space<vmem>>
    %dma_start3A_200 = arith.constant 0 : i32
    %dma_start3A_201 = arith.constant 0 : i32
    %dma_start3A_202 = tpu.memref_slice %arg2[%dma_start3A_200, %dma_start3A_201] : memref<10000x128xf32, #tpu.memory_space<hbm>> -> memref<10000x128xf32, #tpu.memory_space<hbm>>
    tpu.enqueue_indirect_dma source(%dma_start3A_202 : memref<10000x128xf32, #tpu.memory_space<hbm>>) target(%arg14 : memref<128x128xf32, #tpu.memory_space<vmem>>) offsets(%dma_start3A_199 : memref<128xi32, #tpu.memory_space<vmem>>) semaphore(%arg19 : memref<!tpu.dma_semaphore, #tpu.memory_space<semaphore_mem>>)
    %dma_wait3A_203 = arith.constant 0 : i32
    %dma_wait3A_204 = arith.constant 0 : i32
    %dma_wait3A_205 = tpu.memref_slice %arg2[%dma_wait3A_203, %dma_wait3A_204] : memref<10000x128xf32, #tpu.memory_space<hbm>> -> memref<128x128xf32, #tpu.memory_space<hbm>>
    %dma_wait3A_206 = arith.constant 0 : i32
    %dma_wait3A_207 = arith.constant 0 : i32
    %dma_wait3A_208 = tpu.memref_slice %arg2[%dma_wait3A_206, %dma_wait3A_207] : memref<10000x128xf32, #tpu.memory_space<hbm>> -> memref<128x128xf32, #tpu.memory_space<hbm>>
    tpu.wait_dma2 semaphore(%arg18 : memref<!tpu.dma_semaphore, #tpu.memory_space<semaphore_mem>>) src(%dma_wait3A_208 : memref<128x128xf32, #tpu.memory_space<hbm>>) dst(%arg13 : memref<128x128xf32, #tpu.memory_space<vmem>>)
    %run_scoped3A_209 = arith.constant 18 : i32
    "tpu.region"() ({
      %run_scoped3A_354 = tpu.sem_alloc : memref<!tpu.dma_semaphore, #tpu.memory_space<semaphore_mem>>
      %dma_start3A_355 = arith.constant 0 : i32
      %dma_start3A_356 = tpu.memref_slice %arg12[%run_scoped3A_209, %dma_start3A_355] : memref<20x128xi32, #tpu.memory_space<vmem>> -> memref<1x128xi32, #tpu.memory_space<vmem>>
      %dma_start3A_357 = tpu.memref_squeeze %dma_start3A_356 : memref<1x128xi32, #tpu.memory_space<vmem>> -> memref<128xi32, #tpu.memory_space<vmem>>
      %dma_start3A_358 = arith.constant 0 : i32
      %dma_start3A_359 = arith.constant 0 : i32
      %dma_start3A_360 = tpu.memref_slice %arg16[%dma_start3A_358, %dma_start3A_359] : memref<10240x128xf32, #tpu.memory_space<vmem_shared>> -> memref<10240x128xf32, #tpu.memory_space<vmem_shared>>
      tpu.enqueue_indirect_dma source(%arg13 : memref<128x128xf32, #tpu.memory_space<vmem>>) target(%dma_start3A_360 : memref<10240x128xf32, #tpu.memory_space<vmem_shared>>) offsets(%dma_start3A_357 : memref<128xi32, #tpu.memory_space<vmem>>) semaphore(%run_scoped3A_354 : memref<!tpu.dma_semaphore, #tpu.memory_space<semaphore_mem>>) {add = true}
      %dma_wait3A_361 = arith.constant 0 : i32
      %dma_wait3A_362 = tpu.memref_slice %arg12[%run_scoped3A_209, %dma_wait3A_361] : memref<20x128xi32, #tpu.memory_space<vmem>> -> memref<1x128xi32, #tpu.memory_space<vmem>>
      %dma_wait3A_363 = tpu.memref_squeeze %dma_wait3A_362 : memref<1x128xi32, #tpu.memory_space<vmem>> -> memref<128xi32, #tpu.memory_space<vmem>>
      %dma_wait3A_364 = arith.constant 0 : i32
      %dma_wait3A_365 = arith.constant 0 : i32
      %dma_wait3A_366 = tpu.memref_slice %arg16[%dma_wait3A_364, %dma_wait3A_365] : memref<10240x128xf32, #tpu.memory_space<vmem_shared>> -> memref<10240x128xf32, #tpu.memory_space<vmem_shared>>
      tpu.wait_indirect_dma semaphore(%run_scoped3A_354 : memref<!tpu.dma_semaphore, #tpu.memory_space<semaphore_mem>>) src(%arg13 : memref<128x128xf32, #tpu.memory_space<vmem>>) dst(%dma_wait3A_366 : memref<10240x128xf32, #tpu.memory_space<vmem_shared>>)
      tpu.yield
    }) : () -> ()
    %run_scoped3A_210 = arith.constant 18 : i32
    "tpu.region"() ({
      %run_scoped3A_354 = tpu.sem_alloc : memref<!tpu.dma_semaphore, #tpu.memory_space<semaphore_mem>>
      %dma_start3A_355 = arith.constant 0 : i32
      %dma_start3A_356 = tpu.memref_slice %arg12[%run_scoped3A_210, %dma_start3A_355] : memref<20x128xi32, #tpu.memory_space<vmem>> -> memref<1x128xi32, #tpu.memory_space<vmem>>
      %dma_start3A_357 = tpu.memref_squeeze %dma_start3A_356 : memref<1x128xi32, #tpu.memory_space<vmem>> -> memref<128xi32, #tpu.memory_space<vmem>>
      %dma_start3A_358 = arith.constant 0 : i32
      %dma_start3A_359 = tpu.memref_slice %arg17[%dma_start3A_358] : memref<10240xf32, #tpu.memory_space<vmem_shared>> -> memref<10240xf32, #tpu.memory_space<vmem_shared>>
      tpu.enqueue_indirect_dma source(%arg15 : memref<128xf32, #tpu.memory_space<vmem>>) target(%dma_start3A_359 : memref<10240xf32, #tpu.memory_space<vmem_shared>>) offsets(%dma_start3A_357 : memref<128xi32, #tpu.memory_space<vmem>>) semaphore(%run_scoped3A_354 : memref<!tpu.dma_semaphore, #tpu.memory_space<semaphore_mem>>) {add = true}
      %dma_wait3A_360 = arith.constant 0 : i32
      %dma_wait3A_361 = tpu.memref_slice %arg12[%run_scoped3A_210, %dma_wait3A_360] : memref<20x128xi32, #tpu.memory_space<vmem>> -> memref<1x128xi32, #tpu.memory_space<vmem>>
      %dma_wait3A_362 = tpu.memref_squeeze %dma_wait3A_361 : memref<1x128xi32, #tpu.memory_space<vmem>> -> memref<128xi32, #tpu.memory_space<vmem>>
      %dma_wait3A_363 = arith.constant 0 : i32
      %dma_wait3A_364 = tpu.memref_slice %arg17[%dma_wait3A_363] : memref<10240xf32, #tpu.memory_space<vmem_shared>> -> memref<10240xf32, #tpu.memory_space<vmem_shared>>
      tpu.wait_indirect_dma semaphore(%run_scoped3A_354 : memref<!tpu.dma_semaphore, #tpu.memory_space<semaphore_mem>>) src(%arg15 : memref<128xf32, #tpu.memory_space<vmem>>) dst(%dma_wait3A_364 : memref<10240xf32, #tpu.memory_space<vmem_shared>>)
      tpu.yield
    }) : () -> ()
    %dma_wait3A_211 = arith.constant 2 : i32
    %dma_wait3A_212 = arith.constant 0 : i32
    %dma_wait3A_213 = arith.constant 0 : i32
    %dma_wait3A_214 = tpu.memref_slice %arg3[%add3A, %dma_wait3A_211, %dma_wait3A_212, %dma_wait3A_213] : memref<32x4x20x128xi32, #tpu.memory_space<hbm>> -> memref<1x1x20x128xi32, #tpu.memory_space<hbm>>
    %dma_wait3A_215 = tpu.memref_squeeze %dma_wait3A_214 : memref<1x1x20x128xi32, #tpu.memory_space<hbm>> -> memref<20x128xi32, #tpu.memory_space<hbm>>
    %dma_wait3A_216 = arith.constant 0 : i32
    %dma_wait3A_217 = arith.constant 0 : i32
    %dma_wait3A_218 = tpu.memref_slice %arg3[%add3A, %dma_wait3A_211, %dma_wait3A_216, %dma_wait3A_217] : memref<32x4x20x128xi32, #tpu.memory_space<hbm>> -> memref<1x1x20x128xi32, #tpu.memory_space<hbm>>
    %dma_wait3A_219 = tpu.memref_squeeze %dma_wait3A_218 : memref<1x1x20x128xi32, #tpu.memory_space<hbm>> -> memref<20x128xi32, #tpu.memory_space<hbm>>
    tpu.wait_dma2 semaphore(%arg20 : memref<!tpu.dma_semaphore, #tpu.memory_space<semaphore_mem>>) src(%dma_wait3A_219 : memref<20x128xi32, #tpu.memory_space<hbm>>) dst(%arg9 : memref<20x128xi32, #tpu.memory_space<vmem>>)
    %dma_wait3A_220 = arith.constant 2 : i32
    %dma_wait3A_221 = arith.constant 0 : i32
    %dma_wait3A_222 = arith.constant 0 : i32
    %dma_wait3A_223 = tpu.memref_slice %arg4[%add3A, %dma_wait3A_220, %dma_wait3A_221, %dma_wait3A_222] : memref<32x4x20x128xi32, #tpu.memory_space<hbm>> -> memref<1x1x20x128xi32, #tpu.memory_space<hbm>>
    %dma_wait3A_224 = tpu.memref_squeeze %dma_wait3A_223 : memref<1x1x20x128xi32, #tpu.memory_space<hbm>> -> memref<20x128xi32, #tpu.memory_space<hbm>>
    %dma_wait3A_225 = arith.constant 0 : i32
    %dma_wait3A_226 = arith.constant 0 : i32
    %dma_wait3A_227 = tpu.memref_slice %arg4[%add3A, %dma_wait3A_220, %dma_wait3A_225, %dma_wait3A_226] : memref<32x4x20x128xi32, #tpu.memory_space<hbm>> -> memref<1x1x20x128xi32, #tpu.memory_space<hbm>>
    %dma_wait3A_228 = tpu.memref_squeeze %dma_wait3A_227 : memref<1x1x20x128xi32, #tpu.memory_space<hbm>> -> memref<20x128xi32, #tpu.memory_space<hbm>>
    tpu.wait_dma2 semaphore(%arg20 : memref<!tpu.dma_semaphore, #tpu.memory_space<semaphore_mem>>) src(%dma_wait3A_228 : memref<20x128xi32, #tpu.memory_space<hbm>>) dst(%arg11 : memref<20x128xi32, #tpu.memory_space<vmem>>)
    %dma_start3A_229 = arith.constant 0 : i32
    %dma_start3A_230 = arith.constant 0 : i32
    %dma_start3A_231 = tpu.memref_slice %arg9[%dma_start3A_229, %dma_start3A_230] : memref<20x128xi32, #tpu.memory_space<vmem>> -> memref<1x128xi32, #tpu.memory_space<vmem>>
    %dma_start3A_232 = tpu.memref_squeeze %dma_start3A_231 : memref<1x128xi32, #tpu.memory_space<vmem>> -> memref<128xi32, #tpu.memory_space<vmem>>
    %dma_start3A_233 = arith.constant 0 : i32
    %dma_start3A_234 = arith.constant 0 : i32
    %dma_start3A_235 = tpu.memref_slice %arg2[%dma_start3A_233, %dma_start3A_234] : memref<10000x128xf32, #tpu.memory_space<hbm>> -> memref<10000x128xf32, #tpu.memory_space<hbm>>
    tpu.enqueue_indirect_dma source(%dma_start3A_235 : memref<10000x128xf32, #tpu.memory_space<hbm>>) target(%arg13 : memref<128x128xf32, #tpu.memory_space<vmem>>) offsets(%dma_start3A_232 : memref<128xi32, #tpu.memory_space<vmem>>) semaphore(%arg18 : memref<!tpu.dma_semaphore, #tpu.memory_space<semaphore_mem>>)
    %dma_wait3A_236 = arith.constant 0 : i32
    %dma_wait3A_237 = arith.constant 0 : i32
    %dma_wait3A_238 = tpu.memref_slice %arg2[%dma_wait3A_236, %dma_wait3A_237] : memref<10000x128xf32, #tpu.memory_space<hbm>> -> memref<128x128xf32, #tpu.memory_space<hbm>>
    %dma_wait3A_239 = arith.constant 0 : i32
    %dma_wait3A_240 = arith.constant 0 : i32
    %dma_wait3A_241 = tpu.memref_slice %arg2[%dma_wait3A_239, %dma_wait3A_240] : memref<10000x128xf32, #tpu.memory_space<hbm>> -> memref<128x128xf32, #tpu.memory_space<hbm>>
    tpu.wait_dma2 semaphore(%arg19 : memref<!tpu.dma_semaphore, #tpu.memory_space<semaphore_mem>>) src(%dma_wait3A_241 : memref<128x128xf32, #tpu.memory_space<hbm>>) dst(%arg14 : memref<128x128xf32, #tpu.memory_space<vmem>>)
    %run_scoped3A_242 = arith.constant 19 : i32
    "tpu.region"() ({
      %run_scoped3A_354 = tpu.sem_alloc : memref<!tpu.dma_semaphore, #tpu.memory_space<semaphore_mem>>
      %dma_start3A_355 = arith.constant 0 : i32
      %dma_start3A_356 = tpu.memref_slice %arg12[%run_scoped3A_242, %dma_start3A_355] : memref<20x128xi32, #tpu.memory_space<vmem>> -> memref<1x128xi32, #tpu.memory_space<vmem>>
      %dma_start3A_357 = tpu.memref_squeeze %dma_start3A_356 : memref<1x128xi32, #tpu.memory_space<vmem>> -> memref<128xi32, #tpu.memory_space<vmem>>
      %dma_start3A_358 = arith.constant 0 : i32
      %dma_start3A_359 = arith.constant 0 : i32
      %dma_start3A_360 = tpu.memref_slice %arg16[%dma_start3A_358, %dma_start3A_359] : memref<10240x128xf32, #tpu.memory_space<vmem_shared>> -> memref<10240x128xf32, #tpu.memory_space<vmem_shared>>
      tpu.enqueue_indirect_dma source(%arg14 : memref<128x128xf32, #tpu.memory_space<vmem>>) target(%dma_start3A_360 : memref<10240x128xf32, #tpu.memory_space<vmem_shared>>) offsets(%dma_start3A_357 : memref<128xi32, #tpu.memory_space<vmem>>) semaphore(%run_scoped3A_354 : memref<!tpu.dma_semaphore, #tpu.memory_space<semaphore_mem>>) {add = true}
      %dma_wait3A_361 = arith.constant 0 : i32
      %dma_wait3A_362 = tpu.memref_slice %arg12[%run_scoped3A_242, %dma_wait3A_361] : memref<20x128xi32, #tpu.memory_space<vmem>> -> memref<1x128xi32, #tpu.memory_space<vmem>>
      %dma_wait3A_363 = tpu.memref_squeeze %dma_wait3A_362 : memref<1x128xi32, #tpu.memory_space<vmem>> -> memref<128xi32, #tpu.memory_space<vmem>>
      %dma_wait3A_364 = arith.constant 0 : i32
      %dma_wait3A_365 = arith.constant 0 : i32
      %dma_wait3A_366 = tpu.memref_slice %arg16[%dma_wait3A_364, %dma_wait3A_365] : memref<10240x128xf32, #tpu.memory_space<vmem_shared>> -> memref<10240x128xf32, #tpu.memory_space<vmem_shared>>
      tpu.wait_indirect_dma semaphore(%run_scoped3A_354 : memref<!tpu.dma_semaphore, #tpu.memory_space<semaphore_mem>>) src(%arg14 : memref<128x128xf32, #tpu.memory_space<vmem>>) dst(%dma_wait3A_366 : memref<10240x128xf32, #tpu.memory_space<vmem_shared>>)
      tpu.yield
    }) : () -> ()
    %run_scoped3A_243 = arith.constant 19 : i32
    "tpu.region"() ({
      %run_scoped3A_354 = tpu.sem_alloc : memref<!tpu.dma_semaphore, #tpu.memory_space<semaphore_mem>>
      %dma_start3A_355 = arith.constant 0 : i32
      %dma_start3A_356 = tpu.memref_slice %arg12[%run_scoped3A_243, %dma_start3A_355] : memref<20x128xi32, #tpu.memory_space<vmem>> -> memref<1x128xi32, #tpu.memory_space<vmem>>
      %dma_start3A_357 = tpu.memref_squeeze %dma_start3A_356 : memref<1x128xi32, #tpu.memory_space<vmem>> -> memref<128xi32, #tpu.memory_space<vmem>>
      %dma_start3A_358 = arith.constant 0 : i32
      %dma_start3A_359 = tpu.memref_slice %arg17[%dma_start3A_358] : memref<10240xf32, #tpu.memory_space<vmem_shared>> -> memref<10240xf32, #tpu.memory_space<vmem_shared>>
      tpu.enqueue_indirect_dma source(%arg15 : memref<128xf32, #tpu.memory_space<vmem>>) target(%dma_start3A_359 : memref<10240xf32, #tpu.memory_space<vmem_shared>>) offsets(%dma_start3A_357 : memref<128xi32, #tpu.memory_space<vmem>>) semaphore(%run_scoped3A_354 : memref<!tpu.dma_semaphore, #tpu.memory_space<semaphore_mem>>) {add = true}
      %dma_wait3A_360 = arith.constant 0 : i32
      %dma_wait3A_361 = tpu.memref_slice %arg12[%run_scoped3A_243, %dma_wait3A_360] : memref<20x128xi32, #tpu.memory_space<vmem>> -> memref<1x128xi32, #tpu.memory_space<vmem>>
      %dma_wait3A_362 = tpu.memref_squeeze %dma_wait3A_361 : memref<1x128xi32, #tpu.memory_space<vmem>> -> memref<128xi32, #tpu.memory_space<vmem>>
      %dma_wait3A_363 = arith.constant 0 : i32
      %dma_wait3A_364 = tpu.memref_slice %arg17[%dma_wait3A_363] : memref<10240xf32, #tpu.memory_space<vmem_shared>> -> memref<10240xf32, #tpu.memory_space<vmem_shared>>
      tpu.wait_indirect_dma semaphore(%run_scoped3A_354 : memref<!tpu.dma_semaphore, #tpu.memory_space<semaphore_mem>>) src(%arg15 : memref<128xf32, #tpu.memory_space<vmem>>) dst(%dma_wait3A_364 : memref<10240xf32, #tpu.memory_space<vmem_shared>>)
      tpu.yield
    }) : () -> ()
    %dma_start3A_244 = arith.constant 3 : i32
    %dma_start3A_245 = arith.constant 0 : i32
    %dma_start3A_246 = arith.constant 0 : i32
    %dma_start3A_247 = tpu.memref_slice %arg3[%add3A, %dma_start3A_244, %dma_start3A_245, %dma_start3A_246] : memref<32x4x20x128xi32, #tpu.memory_space<hbm>> -> memref<1x1x20x128xi32, #tpu.memory_space<hbm>>
    %dma_start3A_248 = tpu.memref_squeeze %dma_start3A_247 : memref<1x1x20x128xi32, #tpu.memory_space<hbm>> -> memref<20x128xi32, #tpu.memory_space<hbm>>
    %dma_start3A_249 = arith.constant 0 : i32
    %dma_start3A_250 = arith.constant 0 : i32
    %dma_start3A_251 = tpu.memref_slice %arg3[%add3A, %dma_start3A_244, %dma_start3A_249, %dma_start3A_250] : memref<32x4x20x128xi32, #tpu.memory_space<hbm>> -> memref<1x1x20x128xi32, #tpu.memory_space<hbm>>
    %dma_start3A_252 = tpu.memref_squeeze %dma_start3A_251 : memref<1x1x20x128xi32, #tpu.memory_space<hbm>> -> memref<20x128xi32, #tpu.memory_space<hbm>>
    tpu.enqueue_dma source(%dma_start3A_252 : memref<20x128xi32, #tpu.memory_space<hbm>>) target(%arg10 : memref<20x128xi32, #tpu.memory_space<vmem>>) target_semaphore(%arg20 : memref<!tpu.dma_semaphore, #tpu.memory_space<semaphore_mem>>)
    %dma_start3A_253 = arith.constant 3 : i32
    %dma_start3A_254 = arith.constant 0 : i32
    %dma_start3A_255 = arith.constant 0 : i32
    %dma_start3A_256 = tpu.memref_slice %arg4[%add3A, %dma_start3A_253, %dma_start3A_254, %dma_start3A_255] : memref<32x4x20x128xi32, #tpu.memory_space<hbm>> -> memref<1x1x20x128xi32, #tpu.memory_space<hbm>>
    %dma_start3A_257 = tpu.memref_squeeze %dma_start3A_256 : memref<1x1x20x128xi32, #tpu.memory_space<hbm>> -> memref<20x128xi32, #tpu.memory_space<hbm>>
    %dma_start3A_258 = arith.constant 0 : i32
    %dma_start3A_259 = arith.constant 0 : i32
    %dma_start3A_260 = tpu.memref_slice %arg4[%add3A, %dma_start3A_253, %dma_start3A_258, %dma_start3A_259] : memref<32x4x20x128xi32, #tpu.memory_space<hbm>> -> memref<1x1x20x128xi32, #tpu.memory_space<hbm>>
    %dma_start3A_261 = tpu.memref_squeeze %dma_start3A_260 : memref<1x1x20x128xi32, #tpu.memory_space<hbm>> -> memref<20x128xi32, #tpu.memory_space<hbm>>
    tpu.enqueue_dma source(%dma_start3A_261 : memref<20x128xi32, #tpu.memory_space<hbm>>) target(%arg12 : memref<20x128xi32, #tpu.memory_space<vmem>>) target_semaphore(%arg20 : memref<!tpu.dma_semaphore, #tpu.memory_space<semaphore_mem>>)
    %scan3A_262 = arith.constant 0 : i32
    %scan3A_263 = arith.constant 0 : i32
    %scan3A_264 = arith.constant 9 : i32
    %scan3A_265 = arith.addi %scan3A_263, %scan3A_264 : i32
    %scan3A_266 = arith.constant 1 : i32
    scf.for %scan3A_354 = %scan3A_263 to %scan3A_265 step %scan3A_266  : i32 {
      %mul3A_355 = arith.constant 2 : i32
      %mul3A_356 = arith.muli %mul3A_355, %scan3A_354 : i32
      %add3A_357 = arith.constant 1 : i32
      %add3A_358 = arith.addi %mul3A_356, %add3A_357 : i32
      %dma_start3A_359 = arith.constant 0 : i32
      %dma_start3A_360 = tpu.memref_slice %arg9[%add3A_358, %dma_start3A_359] : memref<20x128xi32, #tpu.memory_space<vmem>> -> memref<1x128xi32, #tpu.memory_space<vmem>>
      %dma_start3A_361 = tpu.memref_squeeze %dma_start3A_360 : memref<1x128xi32, #tpu.memory_space<vmem>> -> memref<128xi32, #tpu.memory_space<vmem>>
      %dma_start3A_362 = arith.constant 0 : i32
      %dma_start3A_363 = arith.constant 0 : i32
      %dma_start3A_364 = tpu.memref_slice %arg2[%dma_start3A_362, %dma_start3A_363] : memref<10000x128xf32, #tpu.memory_space<hbm>> -> memref<10000x128xf32, #tpu.memory_space<hbm>>
      tpu.enqueue_indirect_dma source(%dma_start3A_364 : memref<10000x128xf32, #tpu.memory_space<hbm>>) target(%arg14 : memref<128x128xf32, #tpu.memory_space<vmem>>) offsets(%dma_start3A_361 : memref<128xi32, #tpu.memory_space<vmem>>) semaphore(%arg19 : memref<!tpu.dma_semaphore, #tpu.memory_space<semaphore_mem>>)
      %dma_wait3A_365 = arith.constant 0 : i32
      %dma_wait3A_366 = arith.constant 0 : i32
      %dma_wait3A_367 = tpu.memref_slice %arg2[%dma_wait3A_365, %dma_wait3A_366] : memref<10000x128xf32, #tpu.memory_space<hbm>> -> memref<128x128xf32, #tpu.memory_space<hbm>>
      %dma_wait3A_368 = arith.constant 0 : i32
      %dma_wait3A_369 = arith.constant 0 : i32
      %dma_wait3A_370 = tpu.memref_slice %arg2[%dma_wait3A_368, %dma_wait3A_369] : memref<10000x128xf32, #tpu.memory_space<hbm>> -> memref<128x128xf32, #tpu.memory_space<hbm>>
      tpu.wait_dma2 semaphore(%arg18 : memref<!tpu.dma_semaphore, #tpu.memory_space<semaphore_mem>>) src(%dma_wait3A_370 : memref<128x128xf32, #tpu.memory_space<hbm>>) dst(%arg13 : memref<128x128xf32, #tpu.memory_space<vmem>>)
      "tpu.region"() ({
        %run_scoped3A_387 = tpu.sem_alloc : memref<!tpu.dma_semaphore, #tpu.memory_space<semaphore_mem>>
        %dma_start3A_388 = arith.constant 0 : i32
        %dma_start3A_389 = tpu.memref_slice %arg11[%mul3A_356, %dma_start3A_388] : memref<20x128xi32, #tpu.memory_space<vmem>> -> memref<1x128xi32, #tpu.memory_space<vmem>>
        %dma_start3A_390 = tpu.memref_squeeze %dma_start3A_389 : memref<1x128xi32, #tpu.memory_space<vmem>> -> memref<128xi32, #tpu.memory_space<vmem>>
        %dma_start3A_391 = arith.constant 0 : i32
        %dma_start3A_392 = arith.constant 0 : i32
        %dma_start3A_393 = tpu.memref_slice %arg16[%dma_start3A_391, %dma_start3A_392] : memref<10240x128xf32, #tpu.memory_space<vmem_shared>> -> memref<10240x128xf32, #tpu.memory_space<vmem_shared>>
        tpu.enqueue_indirect_dma source(%arg13 : memref<128x128xf32, #tpu.memory_space<vmem>>) target(%dma_start3A_393 : memref<10240x128xf32, #tpu.memory_space<vmem_shared>>) offsets(%dma_start3A_390 : memref<128xi32, #tpu.memory_space<vmem>>) semaphore(%run_scoped3A_387 : memref<!tpu.dma_semaphore, #tpu.memory_space<semaphore_mem>>) {add = true}
        %dma_wait3A_394 = arith.constant 0 : i32
        %dma_wait3A_395 = tpu.memref_slice %arg11[%mul3A_356, %dma_wait3A_394] : memref<20x128xi32, #tpu.memory_space<vmem>> -> memref<1x128xi32, #tpu.memory_space<vmem>>
        %dma_wait3A_396 = tpu.memref_squeeze %dma_wait3A_395 : memref<1x128xi32, #tpu.memory_space<vmem>> -> memref<128xi32, #tpu.memory_space<vmem>>
        %dma_wait3A_397 = arith.constant 0 : i32
        %dma_wait3A_398 = arith.constant 0 : i32
        %dma_wait3A_399 = tpu.memref_slice %arg16[%dma_wait3A_397, %dma_wait3A_398] : memref<10240x128xf32, #tpu.memory_space<vmem_shared>> -> memref<10240x128xf32, #tpu.memory_space<vmem_shared>>
        tpu.wait_indirect_dma semaphore(%run_scoped3A_387 : memref<!tpu.dma_semaphore, #tpu.memory_space<semaphore_mem>>) src(%arg13 : memref<128x128xf32, #tpu.memory_space<vmem>>) dst(%dma_wait3A_399 : memref<10240x128xf32, #tpu.memory_space<vmem_shared>>)
        tpu.yield
      }) : () -> ()
      "tpu.region"() ({
        %run_scoped3A_387 = tpu.sem_alloc : memref<!tpu.dma_semaphore, #tpu.memory_space<semaphore_mem>>
        %dma_start3A_388 = arith.constant 0 : i32
        %dma_start3A_389 = tpu.memref_slice %arg11[%mul3A_356, %dma_start3A_388] : memref<20x128xi32, #tpu.memory_space<vmem>> -> memref<1x128xi32, #tpu.memory_space<vmem>>
        %dma_start3A_390 = tpu.memref_squeeze %dma_start3A_389 : memref<1x128xi32, #tpu.memory_space<vmem>> -> memref<128xi32, #tpu.memory_space<vmem>>
        %dma_start3A_391 = arith.constant 0 : i32
        %dma_start3A_392 = tpu.memref_slice %arg17[%dma_start3A_391] : memref<10240xf32, #tpu.memory_space<vmem_shared>> -> memref<10240xf32, #tpu.memory_space<vmem_shared>>
        tpu.enqueue_indirect_dma source(%arg15 : memref<128xf32, #tpu.memory_space<vmem>>) target(%dma_start3A_392 : memref<10240xf32, #tpu.memory_space<vmem_shared>>) offsets(%dma_start3A_390 : memref<128xi32, #tpu.memory_space<vmem>>) semaphore(%run_scoped3A_387 : memref<!tpu.dma_semaphore, #tpu.memory_space<semaphore_mem>>) {add = true}
        %dma_wait3A_393 = arith.constant 0 : i32
        %dma_wait3A_394 = tpu.memref_slice %arg11[%mul3A_356, %dma_wait3A_393] : memref<20x128xi32, #tpu.memory_space<vmem>> -> memref<1x128xi32, #tpu.memory_space<vmem>>
        %dma_wait3A_395 = tpu.memref_squeeze %dma_wait3A_394 : memref<1x128xi32, #tpu.memory_space<vmem>> -> memref<128xi32, #tpu.memory_space<vmem>>
        %dma_wait3A_396 = arith.constant 0 : i32
        %dma_wait3A_397 = tpu.memref_slice %arg17[%dma_wait3A_396] : memref<10240xf32, #tpu.memory_space<vmem_shared>> -> memref<10240xf32, #tpu.memory_space<vmem_shared>>
        tpu.wait_indirect_dma semaphore(%run_scoped3A_387 : memref<!tpu.dma_semaphore, #tpu.memory_space<semaphore_mem>>) src(%arg15 : memref<128xf32, #tpu.memory_space<vmem>>) dst(%dma_wait3A_397 : memref<10240xf32, #tpu.memory_space<vmem_shared>>)
        tpu.yield
      }) : () -> ()
      %add3A_371 = arith.constant 2 : i32
      %add3A_372 = arith.addi %mul3A_356, %add3A_371 : i32
      %dma_start3A_373 = arith.constant 0 : i32
      %dma_start3A_374 = tpu.memref_slice %arg9[%add3A_372, %dma_start3A_373] : memref<20x128xi32, #tpu.memory_space<vmem>> -> memref<1x128xi32, #tpu.memory_space<vmem>>
      %dma_start3A_375 = tpu.memref_squeeze %dma_start3A_374 : memref<1x128xi32, #tpu.memory_space<vmem>> -> memref<128xi32, #tpu.memory_space<vmem>>
      %dma_start3A_376 = arith.constant 0 : i32
      %dma_start3A_377 = arith.constant 0 : i32
      %dma_start3A_378 = tpu.memref_slice %arg2[%dma_start3A_376, %dma_start3A_377] : memref<10000x128xf32, #tpu.memory_space<hbm>> -> memref<10000x128xf32, #tpu.memory_space<hbm>>
      tpu.enqueue_indirect_dma source(%dma_start3A_378 : memref<10000x128xf32, #tpu.memory_space<hbm>>) target(%arg13 : memref<128x128xf32, #tpu.memory_space<vmem>>) offsets(%dma_start3A_375 : memref<128xi32, #tpu.memory_space<vmem>>) semaphore(%arg18 : memref<!tpu.dma_semaphore, #tpu.memory_space<semaphore_mem>>)
      %dma_wait3A_379 = arith.constant 0 : i32
      %dma_wait3A_380 = arith.constant 0 : i32
      %dma_wait3A_381 = tpu.memref_slice %arg2[%dma_wait3A_379, %dma_wait3A_380] : memref<10000x128xf32, #tpu.memory_space<hbm>> -> memref<128x128xf32, #tpu.memory_space<hbm>>
      %dma_wait3A_382 = arith.constant 0 : i32
      %dma_wait3A_383 = arith.constant 0 : i32
      %dma_wait3A_384 = tpu.memref_slice %arg2[%dma_wait3A_382, %dma_wait3A_383] : memref<10000x128xf32, #tpu.memory_space<hbm>> -> memref<128x128xf32, #tpu.memory_space<hbm>>
      tpu.wait_dma2 semaphore(%arg19 : memref<!tpu.dma_semaphore, #tpu.memory_space<semaphore_mem>>) src(%dma_wait3A_384 : memref<128x128xf32, #tpu.memory_space<hbm>>) dst(%arg14 : memref<128x128xf32, #tpu.memory_space<vmem>>)
      %add3A_385 = arith.constant 1 : i32
      %add3A_386 = arith.addi %mul3A_356, %add3A_385 : i32
      "tpu.region"() ({
        %run_scoped3A_387 = tpu.sem_alloc : memref<!tpu.dma_semaphore, #tpu.memory_space<semaphore_mem>>
        %dma_start3A_388 = arith.constant 0 : i32
        %dma_start3A_389 = tpu.memref_slice %arg11[%add3A_386, %dma_start3A_388] : memref<20x128xi32, #tpu.memory_space<vmem>> -> memref<1x128xi32, #tpu.memory_space<vmem>>
        %dma_start3A_390 = tpu.memref_squeeze %dma_start3A_389 : memref<1x128xi32, #tpu.memory_space<vmem>> -> memref<128xi32, #tpu.memory_space<vmem>>
        %dma_start3A_391 = arith.constant 0 : i32
        %dma_start3A_392 = arith.constant 0 : i32
        %dma_start3A_393 = tpu.memref_slice %arg16[%dma_start3A_391, %dma_start3A_392] : memref<10240x128xf32, #tpu.memory_space<vmem_shared>> -> memref<10240x128xf32, #tpu.memory_space<vmem_shared>>
        tpu.enqueue_indirect_dma source(%arg14 : memref<128x128xf32, #tpu.memory_space<vmem>>) target(%dma_start3A_393 : memref<10240x128xf32, #tpu.memory_space<vmem_shared>>) offsets(%dma_start3A_390 : memref<128xi32, #tpu.memory_space<vmem>>) semaphore(%run_scoped3A_387 : memref<!tpu.dma_semaphore, #tpu.memory_space<semaphore_mem>>) {add = true}
        %dma_wait3A_394 = arith.constant 0 : i32
        %dma_wait3A_395 = tpu.memref_slice %arg11[%add3A_386, %dma_wait3A_394] : memref<20x128xi32, #tpu.memory_space<vmem>> -> memref<1x128xi32, #tpu.memory_space<vmem>>
        %dma_wait3A_396 = tpu.memref_squeeze %dma_wait3A_395 : memref<1x128xi32, #tpu.memory_space<vmem>> -> memref<128xi32, #tpu.memory_space<vmem>>
        %dma_wait3A_397 = arith.constant 0 : i32
        %dma_wait3A_398 = arith.constant 0 : i32
        %dma_wait3A_399 = tpu.memref_slice %arg16[%dma_wait3A_397, %dma_wait3A_398] : memref<10240x128xf32, #tpu.memory_space<vmem_shared>> -> memref<10240x128xf32, #tpu.memory_space<vmem_shared>>
        tpu.wait_indirect_dma semaphore(%run_scoped3A_387 : memref<!tpu.dma_semaphore, #tpu.memory_space<semaphore_mem>>) src(%arg14 : memref<128x128xf32, #tpu.memory_space<vmem>>) dst(%dma_wait3A_399 : memref<10240x128xf32, #tpu.memory_space<vmem_shared>>)
        tpu.yield
      }) : () -> ()
      "tpu.region"() ({
        %run_scoped3A_387 = tpu.sem_alloc : memref<!tpu.dma_semaphore, #tpu.memory_space<semaphore_mem>>
        %dma_start3A_388 = arith.constant 0 : i32
        %dma_start3A_389 = tpu.memref_slice %arg11[%add3A_386, %dma_start3A_388] : memref<20x128xi32, #tpu.memory_space<vmem>> -> memref<1x128xi32, #tpu.memory_space<vmem>>
        %dma_start3A_390 = tpu.memref_squeeze %dma_start3A_389 : memref<1x128xi32, #tpu.memory_space<vmem>> -> memref<128xi32, #tpu.memory_space<vmem>>
        %dma_start3A_391 = arith.constant 0 : i32
        %dma_start3A_392 = tpu.memref_slice %arg17[%dma_start3A_391] : memref<10240xf32, #tpu.memory_space<vmem_shared>> -> memref<10240xf32, #tpu.memory_space<vmem_shared>>
        tpu.enqueue_indirect_dma source(%arg15 : memref<128xf32, #tpu.memory_space<vmem>>) target(%dma_start3A_392 : memref<10240xf32, #tpu.memory_space<vmem_shared>>) offsets(%dma_start3A_390 : memref<128xi32, #tpu.memory_space<vmem>>) semaphore(%run_scoped3A_387 : memref<!tpu.dma_semaphore, #tpu.memory_space<semaphore_mem>>) {add = true}
        %dma_wait3A_393 = arith.constant 0 : i32
        %dma_wait3A_394 = tpu.memref_slice %arg11[%add3A_386, %dma_wait3A_393] : memref<20x128xi32, #tpu.memory_space<vmem>> -> memref<1x128xi32, #tpu.memory_space<vmem>>
        %dma_wait3A_395 = tpu.memref_squeeze %dma_wait3A_394 : memref<1x128xi32, #tpu.memory_space<vmem>> -> memref<128xi32, #tpu.memory_space<vmem>>
        %dma_wait3A_396 = arith.constant 0 : i32
        %dma_wait3A_397 = tpu.memref_slice %arg17[%dma_wait3A_396] : memref<10240xf32, #tpu.memory_space<vmem_shared>> -> memref<10240xf32, #tpu.memory_space<vmem_shared>>
        tpu.wait_indirect_dma semaphore(%run_scoped3A_387 : memref<!tpu.dma_semaphore, #tpu.memory_space<semaphore_mem>>) src(%arg15 : memref<128xf32, #tpu.memory_space<vmem>>) dst(%dma_wait3A_397 : memref<10240xf32, #tpu.memory_space<vmem_shared>>)
        tpu.yield
      }) : () -> ()
    }
    %scan3A_267 = arith.constant 9 : i32
    %dma_start3A_268 = arith.constant 19 : i32
    %dma_start3A_269 = arith.constant 0 : i32
    %dma_start3A_270 = tpu.memref_slice %arg9[%dma_start3A_268, %dma_start3A_269] : memref<20x128xi32, #tpu.memory_space<vmem>> -> memref<1x128xi32, #tpu.memory_space<vmem>>
    %dma_start3A_271 = tpu.memref_squeeze %dma_start3A_270 : memref<1x128xi32, #tpu.memory_space<vmem>> -> memref<128xi32, #tpu.memory_space<vmem>>
    %dma_start3A_272 = arith.constant 0 : i32
    %dma_start3A_273 = arith.constant 0 : i32
    %dma_start3A_274 = tpu.memref_slice %arg2[%dma_start3A_272, %dma_start3A_273] : memref<10000x128xf32, #tpu.memory_space<hbm>> -> memref<10000x128xf32, #tpu.memory_space<hbm>>
    tpu.enqueue_indirect_dma source(%dma_start3A_274 : memref<10000x128xf32, #tpu.memory_space<hbm>>) target(%arg14 : memref<128x128xf32, #tpu.memory_space<vmem>>) offsets(%dma_start3A_271 : memref<128xi32, #tpu.memory_space<vmem>>) semaphore(%arg19 : memref<!tpu.dma_semaphore, #tpu.memory_space<semaphore_mem>>)
    %dma_wait3A_275 = arith.constant 0 : i32
    %dma_wait3A_276 = arith.constant 0 : i32
    %dma_wait3A_277 = tpu.memref_slice %arg2[%dma_wait3A_275, %dma_wait3A_276] : memref<10000x128xf32, #tpu.memory_space<hbm>> -> memref<128x128xf32, #tpu.memory_space<hbm>>
    %dma_wait3A_278 = arith.constant 0 : i32
    %dma_wait3A_279 = arith.constant 0 : i32
    %dma_wait3A_280 = tpu.memref_slice %arg2[%dma_wait3A_278, %dma_wait3A_279] : memref<10000x128xf32, #tpu.memory_space<hbm>> -> memref<128x128xf32, #tpu.memory_space<hbm>>
    tpu.wait_dma2 semaphore(%arg18 : memref<!tpu.dma_semaphore, #tpu.memory_space<semaphore_mem>>) src(%dma_wait3A_280 : memref<128x128xf32, #tpu.memory_space<hbm>>) dst(%arg13 : memref<128x128xf32, #tpu.memory_space<vmem>>)
    %run_scoped3A_281 = arith.constant 18 : i32
    "tpu.region"() ({
      %run_scoped3A_354 = tpu.sem_alloc : memref<!tpu.dma_semaphore, #tpu.memory_space<semaphore_mem>>
      %dma_start3A_355 = arith.constant 0 : i32
      %dma_start3A_356 = tpu.memref_slice %arg11[%run_scoped3A_281, %dma_start3A_355] : memref<20x128xi32, #tpu.memory_space<vmem>> -> memref<1x128xi32, #tpu.memory_space<vmem>>
      %dma_start3A_357 = tpu.memref_squeeze %dma_start3A_356 : memref<1x128xi32, #tpu.memory_space<vmem>> -> memref<128xi32, #tpu.memory_space<vmem>>
      %dma_start3A_358 = arith.constant 0 : i32
      %dma_start3A_359 = arith.constant 0 : i32
      %dma_start3A_360 = tpu.memref_slice %arg16[%dma_start3A_358, %dma_start3A_359] : memref<10240x128xf32, #tpu.memory_space<vmem_shared>> -> memref<10240x128xf32, #tpu.memory_space<vmem_shared>>
      tpu.enqueue_indirect_dma source(%arg13 : memref<128x128xf32, #tpu.memory_space<vmem>>) target(%dma_start3A_360 : memref<10240x128xf32, #tpu.memory_space<vmem_shared>>) offsets(%dma_start3A_357 : memref<128xi32, #tpu.memory_space<vmem>>) semaphore(%run_scoped3A_354 : memref<!tpu.dma_semaphore, #tpu.memory_space<semaphore_mem>>) {add = true}
      %dma_wait3A_361 = arith.constant 0 : i32
      %dma_wait3A_362 = tpu.memref_slice %arg11[%run_scoped3A_281, %dma_wait3A_361] : memref<20x128xi32, #tpu.memory_space<vmem>> -> memref<1x128xi32, #tpu.memory_space<vmem>>
      %dma_wait3A_363 = tpu.memref_squeeze %dma_wait3A_362 : memref<1x128xi32, #tpu.memory_space<vmem>> -> memref<128xi32, #tpu.memory_space<vmem>>
      %dma_wait3A_364 = arith.constant 0 : i32
      %dma_wait3A_365 = arith.constant 0 : i32
      %dma_wait3A_366 = tpu.memref_slice %arg16[%dma_wait3A_364, %dma_wait3A_365] : memref<10240x128xf32, #tpu.memory_space<vmem_shared>> -> memref<10240x128xf32, #tpu.memory_space<vmem_shared>>
      tpu.wait_indirect_dma semaphore(%run_scoped3A_354 : memref<!tpu.dma_semaphore, #tpu.memory_space<semaphore_mem>>) src(%arg13 : memref<128x128xf32, #tpu.memory_space<vmem>>) dst(%dma_wait3A_366 : memref<10240x128xf32, #tpu.memory_space<vmem_shared>>)
      tpu.yield
    }) : () -> ()
    %run_scoped3A_282 = arith.constant 18 : i32
    "tpu.region"() ({
      %run_scoped3A_354 = tpu.sem_alloc : memref<!tpu.dma_semaphore, #tpu.memory_space<semaphore_mem>>
      %dma_start3A_355 = arith.constant 0 : i32
      %dma_start3A_356 = tpu.memref_slice %arg11[%run_scoped3A_282, %dma_start3A_355] : memref<20x128xi32, #tpu.memory_space<vmem>> -> memref<1x128xi32, #tpu.memory_space<vmem>>
      %dma_start3A_357 = tpu.memref_squeeze %dma_start3A_356 : memref<1x128xi32, #tpu.memory_space<vmem>> -> memref<128xi32, #tpu.memory_space<vmem>>
      %dma_start3A_358 = arith.constant 0 : i32
      %dma_start3A_359 = tpu.memref_slice %arg17[%dma_start3A_358] : memref<10240xf32, #tpu.memory_space<vmem_shared>> -> memref<10240xf32, #tpu.memory_space<vmem_shared>>
      tpu.enqueue_indirect_dma source(%arg15 : memref<128xf32, #tpu.memory_space<vmem>>) target(%dma_start3A_359 : memref<10240xf32, #tpu.memory_space<vmem_shared>>) offsets(%dma_start3A_357 : memref<128xi32, #tpu.memory_space<vmem>>) semaphore(%run_scoped3A_354 : memref<!tpu.dma_semaphore, #tpu.memory_space<semaphore_mem>>) {add = true}
      %dma_wait3A_360 = arith.constant 0 : i32
      %dma_wait3A_361 = tpu.memref_slice %arg11[%run_scoped3A_282, %dma_wait3A_360] : memref<20x128xi32, #tpu.memory_space<vmem>> -> memref<1x128xi32, #tpu.memory_space<vmem>>
      %dma_wait3A_362 = tpu.memref_squeeze %dma_wait3A_361 : memref<1x128xi32, #tpu.memory_space<vmem>> -> memref<128xi32, #tpu.memory_space<vmem>>
      %dma_wait3A_363 = arith.constant 0 : i32
      %dma_wait3A_364 = tpu.memref_slice %arg17[%dma_wait3A_363] : memref<10240xf32, #tpu.memory_space<vmem_shared>> -> memref<10240xf32, #tpu.memory_space<vmem_shared>>
      tpu.wait_indirect_dma semaphore(%run_scoped3A_354 : memref<!tpu.dma_semaphore, #tpu.memory_space<semaphore_mem>>) src(%arg15 : memref<128xf32, #tpu.memory_space<vmem>>) dst(%dma_wait3A_364 : memref<10240xf32, #tpu.memory_space<vmem_shared>>)
      tpu.yield
    }) : () -> ()
    %dma_wait3A_283 = arith.constant 3 : i32
    %dma_wait3A_284 = arith.constant 0 : i32
    %dma_wait3A_285 = arith.constant 0 : i32
    %dma_wait3A_286 = tpu.memref_slice %arg3[%add3A, %dma_wait3A_283, %dma_wait3A_284, %dma_wait3A_285] : memref<32x4x20x128xi32, #tpu.memory_space<hbm>> -> memref<1x1x20x128xi32, #tpu.memory_space<hbm>>
    %dma_wait3A_287 = tpu.memref_squeeze %dma_wait3A_286 : memref<1x1x20x128xi32, #tpu.memory_space<hbm>> -> memref<20x128xi32, #tpu.memory_space<hbm>>
    %dma_wait3A_288 = arith.constant 0 : i32
    %dma_wait3A_289 = arith.constant 0 : i32
    %dma_wait3A_290 = tpu.memref_slice %arg3[%add3A, %dma_wait3A_283, %dma_wait3A_288, %dma_wait3A_289] : memref<32x4x20x128xi32, #tpu.memory_space<hbm>> -> memref<1x1x20x128xi32, #tpu.memory_space<hbm>>
    %dma_wait3A_291 = tpu.memref_squeeze %dma_wait3A_290 : memref<1x1x20x128xi32, #tpu.memory_space<hbm>> -> memref<20x128xi32, #tpu.memory_space<hbm>>
    tpu.wait_dma2 semaphore(%arg20 : memref<!tpu.dma_semaphore, #tpu.memory_space<semaphore_mem>>) src(%dma_wait3A_291 : memref<20x128xi32, #tpu.memory_space<hbm>>) dst(%arg10 : memref<20x128xi32, #tpu.memory_space<vmem>>)
    %dma_wait3A_292 = arith.constant 3 : i32
    %dma_wait3A_293 = arith.constant 0 : i32
    %dma_wait3A_294 = arith.constant 0 : i32
    %dma_wait3A_295 = tpu.memref_slice %arg4[%add3A, %dma_wait3A_292, %dma_wait3A_293, %dma_wait3A_294] : memref<32x4x20x128xi32, #tpu.memory_space<hbm>> -> memref<1x1x20x128xi32, #tpu.memory_space<hbm>>
    %dma_wait3A_296 = tpu.memref_squeeze %dma_wait3A_295 : memref<1x1x20x128xi32, #tpu.memory_space<hbm>> -> memref<20x128xi32, #tpu.memory_space<hbm>>
    %dma_wait3A_297 = arith.constant 0 : i32
    %dma_wait3A_298 = arith.constant 0 : i32
    %dma_wait3A_299 = tpu.memref_slice %arg4[%add3A, %dma_wait3A_292, %dma_wait3A_297, %dma_wait3A_298] : memref<32x4x20x128xi32, #tpu.memory_space<hbm>> -> memref<1x1x20x128xi32, #tpu.memory_space<hbm>>
    %dma_wait3A_300 = tpu.memref_squeeze %dma_wait3A_299 : memref<1x1x20x128xi32, #tpu.memory_space<hbm>> -> memref<20x128xi32, #tpu.memory_space<hbm>>
    tpu.wait_dma2 semaphore(%arg20 : memref<!tpu.dma_semaphore, #tpu.memory_space<semaphore_mem>>) src(%dma_wait3A_300 : memref<20x128xi32, #tpu.memory_space<hbm>>) dst(%arg12 : memref<20x128xi32, #tpu.memory_space<vmem>>)
    %dma_start3A_301 = arith.constant 0 : i32
    %dma_start3A_302 = arith.constant 0 : i32
    %dma_start3A_303 = tpu.memref_slice %arg10[%dma_start3A_301, %dma_start3A_302] : memref<20x128xi32, #tpu.memory_space<vmem>> -> memref<1x128xi32, #tpu.memory_space<vmem>>
    %dma_start3A_304 = tpu.memref_squeeze %dma_start3A_303 : memref<1x128xi32, #tpu.memory_space<vmem>> -> memref<128xi32, #tpu.memory_space<vmem>>
    %dma_start3A_305 = arith.constant 0 : i32
    %dma_start3A_306 = arith.constant 0 : i32
    %dma_start3A_307 = tpu.memref_slice %arg2[%dma_start3A_305, %dma_start3A_306] : memref<10000x128xf32, #tpu.memory_space<hbm>> -> memref<10000x128xf32, #tpu.memory_space<hbm>>
    tpu.enqueue_indirect_dma source(%dma_start3A_307 : memref<10000x128xf32, #tpu.memory_space<hbm>>) target(%arg13 : memref<128x128xf32, #tpu.memory_space<vmem>>) offsets(%dma_start3A_304 : memref<128xi32, #tpu.memory_space<vmem>>) semaphore(%arg18 : memref<!tpu.dma_semaphore, #tpu.memory_space<semaphore_mem>>)
    %dma_wait3A_308 = arith.constant 0 : i32
    %dma_wait3A_309 = arith.constant 0 : i32
    %dma_wait3A_310 = tpu.memref_slice %arg2[%dma_wait3A_308, %dma_wait3A_309] : memref<10000x128xf32, #tpu.memory_space<hbm>> -> memref<128x128xf32, #tpu.memory_space<hbm>>
    %dma_wait3A_311 = arith.constant 0 : i32
    %dma_wait3A_312 = arith.constant 0 : i32
    %dma_wait3A_313 = tpu.memref_slice %arg2[%dma_wait3A_311, %dma_wait3A_312] : memref<10000x128xf32, #tpu.memory_space<hbm>> -> memref<128x128xf32, #tpu.memory_space<hbm>>
    tpu.wait_dma2 semaphore(%arg19 : memref<!tpu.dma_semaphore, #tpu.memory_space<semaphore_mem>>) src(%dma_wait3A_313 : memref<128x128xf32, #tpu.memory_space<hbm>>) dst(%arg14 : memref<128x128xf32, #tpu.memory_space<vmem>>)
    %run_scoped3A_314 = arith.constant 19 : i32
    "tpu.region"() ({
      %run_scoped3A_354 = tpu.sem_alloc : memref<!tpu.dma_semaphore, #tpu.memory_space<semaphore_mem>>
      %dma_start3A_355 = arith.constant 0 : i32
      %dma_start3A_356 = tpu.memref_slice %arg11[%run_scoped3A_314, %dma_start3A_355] : memref<20x128xi32, #tpu.memory_space<vmem>> -> memref<1x128xi32, #tpu.memory_space<vmem>>
      %dma_start3A_357 = tpu.memref_squeeze %dma_start3A_356 : memref<1x128xi32, #tpu.memory_space<vmem>> -> memref<128xi32, #tpu.memory_space<vmem>>
      %dma_start3A_358 = arith.constant 0 : i32
      %dma_start3A_359 = arith.constant 0 : i32
      %dma_start3A_360 = tpu.memref_slice %arg16[%dma_start3A_358, %dma_start3A_359] : memref<10240x128xf32, #tpu.memory_space<vmem_shared>> -> memref<10240x128xf32, #tpu.memory_space<vmem_shared>>
      tpu.enqueue_indirect_dma source(%arg14 : memref<128x128xf32, #tpu.memory_space<vmem>>) target(%dma_start3A_360 : memref<10240x128xf32, #tpu.memory_space<vmem_shared>>) offsets(%dma_start3A_357 : memref<128xi32, #tpu.memory_space<vmem>>) semaphore(%run_scoped3A_354 : memref<!tpu.dma_semaphore, #tpu.memory_space<semaphore_mem>>) {add = true}
      %dma_wait3A_361 = arith.constant 0 : i32
      %dma_wait3A_362 = tpu.memref_slice %arg11[%run_scoped3A_314, %dma_wait3A_361] : memref<20x128xi32, #tpu.memory_space<vmem>> -> memref<1x128xi32, #tpu.memory_space<vmem>>
      %dma_wait3A_363 = tpu.memref_squeeze %dma_wait3A_362 : memref<1x128xi32, #tpu.memory_space<vmem>> -> memref<128xi32, #tpu.memory_space<vmem>>
      %dma_wait3A_364 = arith.constant 0 : i32
      %dma_wait3A_365 = arith.constant 0 : i32
      %dma_wait3A_366 = tpu.memref_slice %arg16[%dma_wait3A_364, %dma_wait3A_365] : memref<10240x128xf32, #tpu.memory_space<vmem_shared>> -> memref<10240x128xf32, #tpu.memory_space<vmem_shared>>
      tpu.wait_indirect_dma semaphore(%run_scoped3A_354 : memref<!tpu.dma_semaphore, #tpu.memory_space<semaphore_mem>>) src(%arg14 : memref<128x128xf32, #tpu.memory_space<vmem>>) dst(%dma_wait3A_366 : memref<10240x128xf32, #tpu.memory_space<vmem_shared>>)
      tpu.yield
    }) : () -> ()
    %run_scoped3A_315 = arith.constant 19 : i32
    "tpu.region"() ({
      %run_scoped3A_354 = tpu.sem_alloc : memref<!tpu.dma_semaphore, #tpu.memory_space<semaphore_mem>>
      %dma_start3A_355 = arith.constant 0 : i32
      %dma_start3A_356 = tpu.memref_slice %arg11[%run_scoped3A_315, %dma_start3A_355] : memref<20x128xi32, #tpu.memory_space<vmem>> -> memref<1x128xi32, #tpu.memory_space<vmem>>
      %dma_start3A_357 = tpu.memref_squeeze %dma_start3A_356 : memref<1x128xi32, #tpu.memory_space<vmem>> -> memref<128xi32, #tpu.memory_space<vmem>>
      %dma_start3A_358 = arith.constant 0 : i32
      %dma_start3A_359 = tpu.memref_slice %arg17[%dma_start3A_358] : memref<10240xf32, #tpu.memory_space<vmem_shared>> -> memref<10240xf32, #tpu.memory_space<vmem_shared>>
      tpu.enqueue_indirect_dma source(%arg15 : memref<128xf32, #tpu.memory_space<vmem>>) target(%dma_start3A_359 : memref<10240xf32, #tpu.memory_space<vmem_shared>>) offsets(%dma_start3A_357 : memref<128xi32, #tpu.memory_space<vmem>>) semaphore(%run_scoped3A_354 : memref<!tpu.dma_semaphore, #tpu.memory_space<semaphore_mem>>) {add = true}
      %dma_wait3A_360 = arith.constant 0 : i32
      %dma_wait3A_361 = tpu.memref_slice %arg11[%run_scoped3A_315, %dma_wait3A_360] : memref<20x128xi32, #tpu.memory_space<vmem>> -> memref<1x128xi32, #tpu.memory_space<vmem>>
      %dma_wait3A_362 = tpu.memref_squeeze %dma_wait3A_361 : memref<1x128xi32, #tpu.memory_space<vmem>> -> memref<128xi32, #tpu.memory_space<vmem>>
      %dma_wait3A_363 = arith.constant 0 : i32
      %dma_wait3A_364 = tpu.memref_slice %arg17[%dma_wait3A_363] : memref<10240xf32, #tpu.memory_space<vmem_shared>> -> memref<10240xf32, #tpu.memory_space<vmem_shared>>
      tpu.wait_indirect_dma semaphore(%run_scoped3A_354 : memref<!tpu.dma_semaphore, #tpu.memory_space<semaphore_mem>>) src(%arg15 : memref<128xf32, #tpu.memory_space<vmem>>) dst(%dma_wait3A_364 : memref<10240xf32, #tpu.memory_space<vmem_shared>>)
      tpu.yield
    }) : () -> ()
    %scan3A_316 = arith.constant 0 : i32
    %scan3A_317 = arith.constant 0 : i32
    %scan3A_318 = arith.constant 9 : i32
    %scan3A_319 = arith.addi %scan3A_317, %scan3A_318 : i32
    %scan3A_320 = arith.constant 1 : i32
    scf.for %scan3A_354 = %scan3A_317 to %scan3A_319 step %scan3A_320  : i32 {
      %mul3A_355 = arith.constant 2 : i32
      %mul3A_356 = arith.muli %mul3A_355, %scan3A_354 : i32
      %add3A_357 = arith.constant 1 : i32
      %add3A_358 = arith.addi %mul3A_356, %add3A_357 : i32
      %dma_start3A_359 = arith.constant 0 : i32
      %dma_start3A_360 = tpu.memref_slice %arg10[%add3A_358, %dma_start3A_359] : memref<20x128xi32, #tpu.memory_space<vmem>> -> memref<1x128xi32, #tpu.memory_space<vmem>>
      %dma_start3A_361 = tpu.memref_squeeze %dma_start3A_360 : memref<1x128xi32, #tpu.memory_space<vmem>> -> memref<128xi32, #tpu.memory_space<vmem>>
      %dma_start3A_362 = arith.constant 0 : i32
      %dma_start3A_363 = arith.constant 0 : i32
      %dma_start3A_364 = tpu.memref_slice %arg2[%dma_start3A_362, %dma_start3A_363] : memref<10000x128xf32, #tpu.memory_space<hbm>> -> memref<10000x128xf32, #tpu.memory_space<hbm>>
      tpu.enqueue_indirect_dma source(%dma_start3A_364 : memref<10000x128xf32, #tpu.memory_space<hbm>>) target(%arg14 : memref<128x128xf32, #tpu.memory_space<vmem>>) offsets(%dma_start3A_361 : memref<128xi32, #tpu.memory_space<vmem>>) semaphore(%arg19 : memref<!tpu.dma_semaphore, #tpu.memory_space<semaphore_mem>>)
      %dma_wait3A_365 = arith.constant 0 : i32
      %dma_wait3A_366 = arith.constant 0 : i32
      %dma_wait3A_367 = tpu.memref_slice %arg2[%dma_wait3A_365, %dma_wait3A_366] : memref<10000x128xf32, #tpu.memory_space<hbm>> -> memref<128x128xf32, #tpu.memory_space<hbm>>
      %dma_wait3A_368 = arith.constant 0 : i32
      %dma_wait3A_369 = arith.constant 0 : i32
      %dma_wait3A_370 = tpu.memref_slice %arg2[%dma_wait3A_368, %dma_wait3A_369] : memref<10000x128xf32, #tpu.memory_space<hbm>> -> memref<128x128xf32, #tpu.memory_space<hbm>>
      tpu.wait_dma2 semaphore(%arg18 : memref<!tpu.dma_semaphore, #tpu.memory_space<semaphore_mem>>) src(%dma_wait3A_370 : memref<128x128xf32, #tpu.memory_space<hbm>>) dst(%arg13 : memref<128x128xf32, #tpu.memory_space<vmem>>)
      "tpu.region"() ({
        %run_scoped3A_387 = tpu.sem_alloc : memref<!tpu.dma_semaphore, #tpu.memory_space<semaphore_mem>>
        %dma_start3A_388 = arith.constant 0 : i32
        %dma_start3A_389 = tpu.memref_slice %arg12[%mul3A_356, %dma_start3A_388] : memref<20x128xi32, #tpu.memory_space<vmem>> -> memref<1x128xi32, #tpu.memory_space<vmem>>
        %dma_start3A_390 = tpu.memref_squeeze %dma_start3A_389 : memref<1x128xi32, #tpu.memory_space<vmem>> -> memref<128xi32, #tpu.memory_space<vmem>>
        %dma_start3A_391 = arith.constant 0 : i32
        %dma_start3A_392 = arith.constant 0 : i32
        %dma_start3A_393 = tpu.memref_slice %arg16[%dma_start3A_391, %dma_start3A_392] : memref<10240x128xf32, #tpu.memory_space<vmem_shared>> -> memref<10240x128xf32, #tpu.memory_space<vmem_shared>>
        tpu.enqueue_indirect_dma source(%arg13 : memref<128x128xf32, #tpu.memory_space<vmem>>) target(%dma_start3A_393 : memref<10240x128xf32, #tpu.memory_space<vmem_shared>>) offsets(%dma_start3A_390 : memref<128xi32, #tpu.memory_space<vmem>>) semaphore(%run_scoped3A_387 : memref<!tpu.dma_semaphore, #tpu.memory_space<semaphore_mem>>) {add = true}
        %dma_wait3A_394 = arith.constant 0 : i32
        %dma_wait3A_395 = tpu.memref_slice %arg12[%mul3A_356, %dma_wait3A_394] : memref<20x128xi32, #tpu.memory_space<vmem>> -> memref<1x128xi32, #tpu.memory_space<vmem>>
        %dma_wait3A_396 = tpu.memref_squeeze %dma_wait3A_395 : memref<1x128xi32, #tpu.memory_space<vmem>> -> memref<128xi32, #tpu.memory_space<vmem>>
        %dma_wait3A_397 = arith.constant 0 : i32
        %dma_wait3A_398 = arith.constant 0 : i32
        %dma_wait3A_399 = tpu.memref_slice %arg16[%dma_wait3A_397, %dma_wait3A_398] : memref<10240x128xf32, #tpu.memory_space<vmem_shared>> -> memref<10240x128xf32, #tpu.memory_space<vmem_shared>>
        tpu.wait_indirect_dma semaphore(%run_scoped3A_387 : memref<!tpu.dma_semaphore, #tpu.memory_space<semaphore_mem>>) src(%arg13 : memref<128x128xf32, #tpu.memory_space<vmem>>) dst(%dma_wait3A_399 : memref<10240x128xf32, #tpu.memory_space<vmem_shared>>)
        tpu.yield
      }) : () -> ()
      "tpu.region"() ({
        %run_scoped3A_387 = tpu.sem_alloc : memref<!tpu.dma_semaphore, #tpu.memory_space<semaphore_mem>>
        %dma_start3A_388 = arith.constant 0 : i32
        %dma_start3A_389 = tpu.memref_slice %arg12[%mul3A_356, %dma_start3A_388] : memref<20x128xi32, #tpu.memory_space<vmem>> -> memref<1x128xi32, #tpu.memory_space<vmem>>
        %dma_start3A_390 = tpu.memref_squeeze %dma_start3A_389 : memref<1x128xi32, #tpu.memory_space<vmem>> -> memref<128xi32, #tpu.memory_space<vmem>>
        %dma_start3A_391 = arith.constant 0 : i32
        %dma_start3A_392 = tpu.memref_slice %arg17[%dma_start3A_391] : memref<10240xf32, #tpu.memory_space<vmem_shared>> -> memref<10240xf32, #tpu.memory_space<vmem_shared>>
        tpu.enqueue_indirect_dma source(%arg15 : memref<128xf32, #tpu.memory_space<vmem>>) target(%dma_start3A_392 : memref<10240xf32, #tpu.memory_space<vmem_shared>>) offsets(%dma_start3A_390 : memref<128xi32, #tpu.memory_space<vmem>>) semaphore(%run_scoped3A_387 : memref<!tpu.dma_semaphore, #tpu.memory_space<semaphore_mem>>) {add = true}
        %dma_wait3A_393 = arith.constant 0 : i32
        %dma_wait3A_394 = tpu.memref_slice %arg12[%mul3A_356, %dma_wait3A_393] : memref<20x128xi32, #tpu.memory_space<vmem>> -> memref<1x128xi32, #tpu.memory_space<vmem>>
        %dma_wait3A_395 = tpu.memref_squeeze %dma_wait3A_394 : memref<1x128xi32, #tpu.memory_space<vmem>> -> memref<128xi32, #tpu.memory_space<vmem>>
        %dma_wait3A_396 = arith.constant 0 : i32
        %dma_wait3A_397 = tpu.memref_slice %arg17[%dma_wait3A_396] : memref<10240xf32, #tpu.memory_space<vmem_shared>> -> memref<10240xf32, #tpu.memory_space<vmem_shared>>
        tpu.wait_indirect_dma semaphore(%run_scoped3A_387 : memref<!tpu.dma_semaphore, #tpu.memory_space<semaphore_mem>>) src(%arg15 : memref<128xf32, #tpu.memory_space<vmem>>) dst(%dma_wait3A_397 : memref<10240xf32, #tpu.memory_space<vmem_shared>>)
        tpu.yield
      }) : () -> ()
      %add3A_371 = arith.constant 2 : i32
      %add3A_372 = arith.addi %mul3A_356, %add3A_371 : i32
      %dma_start3A_373 = arith.constant 0 : i32
      %dma_start3A_374 = tpu.memref_slice %arg10[%add3A_372, %dma_start3A_373] : memref<20x128xi32, #tpu.memory_space<vmem>> -> memref<1x128xi32, #tpu.memory_space<vmem>>
      %dma_start3A_375 = tpu.memref_squeeze %dma_start3A_374 : memref<1x128xi32, #tpu.memory_space<vmem>> -> memref<128xi32, #tpu.memory_space<vmem>>
      %dma_start3A_376 = arith.constant 0 : i32
      %dma_start3A_377 = arith.constant 0 : i32
      %dma_start3A_378 = tpu.memref_slice %arg2[%dma_start3A_376, %dma_start3A_377] : memref<10000x128xf32, #tpu.memory_space<hbm>> -> memref<10000x128xf32, #tpu.memory_space<hbm>>
      tpu.enqueue_indirect_dma source(%dma_start3A_378 : memref<10000x128xf32, #tpu.memory_space<hbm>>) target(%arg13 : memref<128x128xf32, #tpu.memory_space<vmem>>) offsets(%dma_start3A_375 : memref<128xi32, #tpu.memory_space<vmem>>) semaphore(%arg18 : memref<!tpu.dma_semaphore, #tpu.memory_space<semaphore_mem>>)
      %dma_wait3A_379 = arith.constant 0 : i32
      %dma_wait3A_380 = arith.constant 0 : i32
      %dma_wait3A_381 = tpu.memref_slice %arg2[%dma_wait3A_379, %dma_wait3A_380] : memref<10000x128xf32, #tpu.memory_space<hbm>> -> memref<128x128xf32, #tpu.memory_space<hbm>>
      %dma_wait3A_382 = arith.constant 0 : i32
      %dma_wait3A_383 = arith.constant 0 : i32
      %dma_wait3A_384 = tpu.memref_slice %arg2[%dma_wait3A_382, %dma_wait3A_383] : memref<10000x128xf32, #tpu.memory_space<hbm>> -> memref<128x128xf32, #tpu.memory_space<hbm>>
      tpu.wait_dma2 semaphore(%arg19 : memref<!tpu.dma_semaphore, #tpu.memory_space<semaphore_mem>>) src(%dma_wait3A_384 : memref<128x128xf32, #tpu.memory_space<hbm>>) dst(%arg14 : memref<128x128xf32, #tpu.memory_space<vmem>>)
      %add3A_385 = arith.constant 1 : i32
      %add3A_386 = arith.addi %mul3A_356, %add3A_385 : i32
      "tpu.region"() ({
        %run_scoped3A_387 = tpu.sem_alloc : memref<!tpu.dma_semaphore, #tpu.memory_space<semaphore_mem>>
        %dma_start3A_388 = arith.constant 0 : i32
        %dma_start3A_389 = tpu.memref_slice %arg12[%add3A_386, %dma_start3A_388] : memref<20x128xi32, #tpu.memory_space<vmem>> -> memref<1x128xi32, #tpu.memory_space<vmem>>
        %dma_start3A_390 = tpu.memref_squeeze %dma_start3A_389 : memref<1x128xi32, #tpu.memory_space<vmem>> -> memref<128xi32, #tpu.memory_space<vmem>>
        %dma_start3A_391 = arith.constant 0 : i32
        %dma_start3A_392 = arith.constant 0 : i32
        %dma_start3A_393 = tpu.memref_slice %arg16[%dma_start3A_391, %dma_start3A_392] : memref<10240x128xf32, #tpu.memory_space<vmem_shared>> -> memref<10240x128xf32, #tpu.memory_space<vmem_shared>>
        tpu.enqueue_indirect_dma source(%arg14 : memref<128x128xf32, #tpu.memory_space<vmem>>) target(%dma_start3A_393 : memref<10240x128xf32, #tpu.memory_space<vmem_shared>>) offsets(%dma_start3A_390 : memref<128xi32, #tpu.memory_space<vmem>>) semaphore(%run_scoped3A_387 : memref<!tpu.dma_semaphore, #tpu.memory_space<semaphore_mem>>) {add = true}
        %dma_wait3A_394 = arith.constant 0 : i32
        %dma_wait3A_395 = tpu.memref_slice %arg12[%add3A_386, %dma_wait3A_394] : memref<20x128xi32, #tpu.memory_space<vmem>> -> memref<1x128xi32, #tpu.memory_space<vmem>>
        %dma_wait3A_396 = tpu.memref_squeeze %dma_wait3A_395 : memref<1x128xi32, #tpu.memory_space<vmem>> -> memref<128xi32, #tpu.memory_space<vmem>>
        %dma_wait3A_397 = arith.constant 0 : i32
        %dma_wait3A_398 = arith.constant 0 : i32
        %dma_wait3A_399 = tpu.memref_slice %arg16[%dma_wait3A_397, %dma_wait3A_398] : memref<10240x128xf32, #tpu.memory_space<vmem_shared>> -> memref<10240x128xf32, #tpu.memory_space<vmem_shared>>
        tpu.wait_indirect_dma semaphore(%run_scoped3A_387 : memref<!tpu.dma_semaphore, #tpu.memory_space<semaphore_mem>>) src(%arg14 : memref<128x128xf32, #tpu.memory_space<vmem>>) dst(%dma_wait3A_399 : memref<10240x128xf32, #tpu.memory_space<vmem_shared>>)
        tpu.yield
      }) : () -> ()
      "tpu.region"() ({
        %run_scoped3A_387 = tpu.sem_alloc : memref<!tpu.dma_semaphore, #tpu.memory_space<semaphore_mem>>
        %dma_start3A_388 = arith.constant 0 : i32
        %dma_start3A_389 = tpu.memref_slice %arg12[%add3A_386, %dma_start3A_388] : memref<20x128xi32, #tpu.memory_space<vmem>> -> memref<1x128xi32, #tpu.memory_space<vmem>>
        %dma_start3A_390 = tpu.memref_squeeze %dma_start3A_389 : memref<1x128xi32, #tpu.memory_space<vmem>> -> memref<128xi32, #tpu.memory_space<vmem>>
        %dma_start3A_391 = arith.constant 0 : i32
        %dma_start3A_392 = tpu.memref_slice %arg17[%dma_start3A_391] : memref<10240xf32, #tpu.memory_space<vmem_shared>> -> memref<10240xf32, #tpu.memory_space<vmem_shared>>
        tpu.enqueue_indirect_dma source(%arg15 : memref<128xf32, #tpu.memory_space<vmem>>) target(%dma_start3A_392 : memref<10240xf32, #tpu.memory_space<vmem_shared>>) offsets(%dma_start3A_390 : memref<128xi32, #tpu.memory_space<vmem>>) semaphore(%run_scoped3A_387 : memref<!tpu.dma_semaphore, #tpu.memory_space<semaphore_mem>>) {add = true}
        %dma_wait3A_393 = arith.constant 0 : i32
        %dma_wait3A_394 = tpu.memref_slice %arg12[%add3A_386, %dma_wait3A_393] : memref<20x128xi32, #tpu.memory_space<vmem>> -> memref<1x128xi32, #tpu.memory_space<vmem>>
        %dma_wait3A_395 = tpu.memref_squeeze %dma_wait3A_394 : memref<1x128xi32, #tpu.memory_space<vmem>> -> memref<128xi32, #tpu.memory_space<vmem>>
        %dma_wait3A_396 = arith.constant 0 : i32
        %dma_wait3A_397 = tpu.memref_slice %arg17[%dma_wait3A_396] : memref<10240xf32, #tpu.memory_space<vmem_shared>> -> memref<10240xf32, #tpu.memory_space<vmem_shared>>
        tpu.wait_indirect_dma semaphore(%run_scoped3A_387 : memref<!tpu.dma_semaphore, #tpu.memory_space<semaphore_mem>>) src(%arg15 : memref<128xf32, #tpu.memory_space<vmem>>) dst(%dma_wait3A_397 : memref<10240xf32, #tpu.memory_space<vmem_shared>>)
        tpu.yield
      }) : () -> ()
    }
    %scan3A_321 = arith.constant 9 : i32
    %dma_start3A_322 = arith.constant 19 : i32
    %dma_start3A_323 = arith.constant 0 : i32
    %dma_start3A_324 = tpu.memref_slice %arg10[%dma_start3A_322, %dma_start3A_323] : memref<20x128xi32, #tpu.memory_space<vmem>> -> memref<1x128xi32, #tpu.memory_space<vmem>>
    %dma_start3A_325 = tpu.memref_squeeze %dma_start3A_324 : memref<1x128xi32, #tpu.memory_space<vmem>> -> memref<128xi32, #tpu.memory_space<vmem>>
    %dma_start3A_326 = arith.constant 0 : i32
    %dma_start3A_327 = arith.constant 0 : i32
    %dma_start3A_328 = tpu.memref_slice %arg2[%dma_start3A_326, %dma_start3A_327] : memref<10000x128xf32, #tpu.memory_space<hbm>> -> memref<10000x128xf32, #tpu.memory_space<hbm>>
    tpu.enqueue_indirect_dma source(%dma_start3A_328 : memref<10000x128xf32, #tpu.memory_space<hbm>>) target(%arg14 : memref<128x128xf32, #tpu.memory_space<vmem>>) offsets(%dma_start3A_325 : memref<128xi32, #tpu.memory_space<vmem>>) semaphore(%arg19 : memref<!tpu.dma_semaphore, #tpu.memory_space<semaphore_mem>>)
    %dma_wait3A_329 = arith.constant 0 : i32
    %dma_wait3A_330 = arith.constant 0 : i32
    %dma_wait3A_331 = tpu.memref_slice %arg2[%dma_wait3A_329, %dma_wait3A_330] : memref<10000x128xf32, #tpu.memory_space<hbm>> -> memref<128x128xf32, #tpu.memory_space<hbm>>
    %dma_wait3A_332 = arith.constant 0 : i32
    %dma_wait3A_333 = arith.constant 0 : i32
    %dma_wait3A_334 = tpu.memref_slice %arg2[%dma_wait3A_332, %dma_wait3A_333] : memref<10000x128xf32, #tpu.memory_space<hbm>> -> memref<128x128xf32, #tpu.memory_space<hbm>>
    tpu.wait_dma2 semaphore(%arg18 : memref<!tpu.dma_semaphore, #tpu.memory_space<semaphore_mem>>) src(%dma_wait3A_334 : memref<128x128xf32, #tpu.memory_space<hbm>>) dst(%arg13 : memref<128x128xf32, #tpu.memory_space<vmem>>)
    %run_scoped3A_335 = arith.constant 18 : i32
    "tpu.region"() ({
      %run_scoped3A_354 = tpu.sem_alloc : memref<!tpu.dma_semaphore, #tpu.memory_space<semaphore_mem>>
      %dma_start3A_355 = arith.constant 0 : i32
      %dma_start3A_356 = tpu.memref_slice %arg12[%run_scoped3A_335, %dma_start3A_355] : memref<20x128xi32, #tpu.memory_space<vmem>> -> memref<1x128xi32, #tpu.memory_space<vmem>>
      %dma_start3A_357 = tpu.memref_squeeze %dma_start3A_356 : memref<1x128xi32, #tpu.memory_space<vmem>> -> memref<128xi32, #tpu.memory_space<vmem>>
      %dma_start3A_358 = arith.constant 0 : i32
      %dma_start3A_359 = arith.constant 0 : i32
      %dma_start3A_360 = tpu.memref_slice %arg16[%dma_start3A_358, %dma_start3A_359] : memref<10240x128xf32, #tpu.memory_space<vmem_shared>> -> memref<10240x128xf32, #tpu.memory_space<vmem_shared>>
      tpu.enqueue_indirect_dma source(%arg13 : memref<128x128xf32, #tpu.memory_space<vmem>>) target(%dma_start3A_360 : memref<10240x128xf32, #tpu.memory_space<vmem_shared>>) offsets(%dma_start3A_357 : memref<128xi32, #tpu.memory_space<vmem>>) semaphore(%run_scoped3A_354 : memref<!tpu.dma_semaphore, #tpu.memory_space<semaphore_mem>>) {add = true}
      %dma_wait3A_361 = arith.constant 0 : i32
      %dma_wait3A_362 = tpu.memref_slice %arg12[%run_scoped3A_335, %dma_wait3A_361] : memref<20x128xi32, #tpu.memory_space<vmem>> -> memref<1x128xi32, #tpu.memory_space<vmem>>
      %dma_wait3A_363 = tpu.memref_squeeze %dma_wait3A_362 : memref<1x128xi32, #tpu.memory_space<vmem>> -> memref<128xi32, #tpu.memory_space<vmem>>
      %dma_wait3A_364 = arith.constant 0 : i32
      %dma_wait3A_365 = arith.constant 0 : i32
      %dma_wait3A_366 = tpu.memref_slice %arg16[%dma_wait3A_364, %dma_wait3A_365] : memref<10240x128xf32, #tpu.memory_space<vmem_shared>> -> memref<10240x128xf32, #tpu.memory_space<vmem_shared>>
      tpu.wait_indirect_dma semaphore(%run_scoped3A_354 : memref<!tpu.dma_semaphore, #tpu.memory_space<semaphore_mem>>) src(%arg13 : memref<128x128xf32, #tpu.memory_space<vmem>>) dst(%dma_wait3A_366 : memref<10240x128xf32, #tpu.memory_space<vmem_shared>>)
      tpu.yield
    }) : () -> ()
    %run_scoped3A_336 = arith.constant 18 : i32
    "tpu.region"() ({
      %run_scoped3A_354 = tpu.sem_alloc : memref<!tpu.dma_semaphore, #tpu.memory_space<semaphore_mem>>
      %dma_start3A_355 = arith.constant 0 : i32
      %dma_start3A_356 = tpu.memref_slice %arg12[%run_scoped3A_336, %dma_start3A_355] : memref<20x128xi32, #tpu.memory_space<vmem>> -> memref<1x128xi32, #tpu.memory_space<vmem>>
      %dma_start3A_357 = tpu.memref_squeeze %dma_start3A_356 : memref<1x128xi32, #tpu.memory_space<vmem>> -> memref<128xi32, #tpu.memory_space<vmem>>
      %dma_start3A_358 = arith.constant 0 : i32
      %dma_start3A_359 = tpu.memref_slice %arg17[%dma_start3A_358] : memref<10240xf32, #tpu.memory_space<vmem_shared>> -> memref<10240xf32, #tpu.memory_space<vmem_shared>>
      tpu.enqueue_indirect_dma source(%arg15 : memref<128xf32, #tpu.memory_space<vmem>>) target(%dma_start3A_359 : memref<10240xf32, #tpu.memory_space<vmem_shared>>) offsets(%dma_start3A_357 : memref<128xi32, #tpu.memory_space<vmem>>) semaphore(%run_scoped3A_354 : memref<!tpu.dma_semaphore, #tpu.memory_space<semaphore_mem>>) {add = true}
      %dma_wait3A_360 = arith.constant 0 : i32
      %dma_wait3A_361 = tpu.memref_slice %arg12[%run_scoped3A_336, %dma_wait3A_360] : memref<20x128xi32, #tpu.memory_space<vmem>> -> memref<1x128xi32, #tpu.memory_space<vmem>>
      %dma_wait3A_362 = tpu.memref_squeeze %dma_wait3A_361 : memref<1x128xi32, #tpu.memory_space<vmem>> -> memref<128xi32, #tpu.memory_space<vmem>>
      %dma_wait3A_363 = arith.constant 0 : i32
      %dma_wait3A_364 = tpu.memref_slice %arg17[%dma_wait3A_363] : memref<10240xf32, #tpu.memory_space<vmem_shared>> -> memref<10240xf32, #tpu.memory_space<vmem_shared>>
      tpu.wait_indirect_dma semaphore(%run_scoped3A_354 : memref<!tpu.dma_semaphore, #tpu.memory_space<semaphore_mem>>) src(%arg15 : memref<128xf32, #tpu.memory_space<vmem>>) dst(%dma_wait3A_364 : memref<10240xf32, #tpu.memory_space<vmem_shared>>)
      tpu.yield
    }) : () -> ()
    %dma_wait3A_337 = arith.constant 0 : i32
    %dma_wait3A_338 = arith.constant 0 : i32
    %dma_wait3A_339 = tpu.memref_slice %arg2[%dma_wait3A_337, %dma_wait3A_338] : memref<10000x128xf32, #tpu.memory_space<hbm>> -> memref<128x128xf32, #tpu.memory_space<hbm>>
    %dma_wait3A_340 = arith.constant 0 : i32
    %dma_wait3A_341 = arith.constant 0 : i32
    %dma_wait3A_342 = tpu.memref_slice %arg2[%dma_wait3A_340, %dma_wait3A_341] : memref<10000x128xf32, #tpu.memory_space<hbm>> -> memref<128x128xf32, #tpu.memory_space<hbm>>
    tpu.wait_dma2 semaphore(%arg19 : memref<!tpu.dma_semaphore, #tpu.memory_space<semaphore_mem>>) src(%dma_wait3A_342 : memref<128x128xf32, #tpu.memory_space<hbm>>) dst(%arg14 : memref<128x128xf32, #tpu.memory_space<vmem>>)
    %run_scoped3A_343 = arith.constant 19 : i32
    "tpu.region"() ({
      %run_scoped3A_354 = tpu.sem_alloc : memref<!tpu.dma_semaphore, #tpu.memory_space<semaphore_mem>>
      %dma_start3A_355 = arith.constant 0 : i32
      %dma_start3A_356 = tpu.memref_slice %arg12[%run_scoped3A_343, %dma_start3A_355] : memref<20x128xi32, #tpu.memory_space<vmem>> -> memref<1x128xi32, #tpu.memory_space<vmem>>
      %dma_start3A_357 = tpu.memref_squeeze %dma_start3A_356 : memref<1x128xi32, #tpu.memory_space<vmem>> -> memref<128xi32, #tpu.memory_space<vmem>>
      %dma_start3A_358 = arith.constant 0 : i32
      %dma_start3A_359 = arith.constant 0 : i32
      %dma_start3A_360 = tpu.memref_slice %arg16[%dma_start3A_358, %dma_start3A_359] : memref<10240x128xf32, #tpu.memory_space<vmem_shared>> -> memref<10240x128xf32, #tpu.memory_space<vmem_shared>>
      tpu.enqueue_indirect_dma source(%arg14 : memref<128x128xf32, #tpu.memory_space<vmem>>) target(%dma_start3A_360 : memref<10240x128xf32, #tpu.memory_space<vmem_shared>>) offsets(%dma_start3A_357 : memref<128xi32, #tpu.memory_space<vmem>>) semaphore(%run_scoped3A_354 : memref<!tpu.dma_semaphore, #tpu.memory_space<semaphore_mem>>) {add = true}
      %dma_wait3A_361 = arith.constant 0 : i32
      %dma_wait3A_362 = tpu.memref_slice %arg12[%run_scoped3A_343, %dma_wait3A_361] : memref<20x128xi32, #tpu.memory_space<vmem>> -> memref<1x128xi32, #tpu.memory_space<vmem>>
      %dma_wait3A_363 = tpu.memref_squeeze %dma_wait3A_362 : memref<1x128xi32, #tpu.memory_space<vmem>> -> memref<128xi32, #tpu.memory_space<vmem>>
      %dma_wait3A_364 = arith.constant 0 : i32
      %dma_wait3A_365 = arith.constant 0 : i32
      %dma_wait3A_366 = tpu.memref_slice %arg16[%dma_wait3A_364, %dma_wait3A_365] : memref<10240x128xf32, #tpu.memory_space<vmem_shared>> -> memref<10240x128xf32, #tpu.memory_space<vmem_shared>>
      tpu.wait_indirect_dma semaphore(%run_scoped3A_354 : memref<!tpu.dma_semaphore, #tpu.memory_space<semaphore_mem>>) src(%arg14 : memref<128x128xf32, #tpu.memory_space<vmem>>) dst(%dma_wait3A_366 : memref<10240x128xf32, #tpu.memory_space<vmem_shared>>)
      tpu.yield
    }) : () -> ()
    %run_scoped3A_344 = arith.constant 19 : i32
    "tpu.region"() ({
      %run_scoped3A_354 = tpu.sem_alloc : memref<!tpu.dma_semaphore, #tpu.memory_space<semaphore_mem>>
      %dma_start3A_355 = arith.constant 0 : i32
      %dma_start3A_356 = tpu.memref_slice %arg12[%run_scoped3A_344, %dma_start3A_355] : memref<20x128xi32, #tpu.memory_space<vmem>> -> memref<1x128xi32, #tpu.memory_space<vmem>>
      %dma_start3A_357 = tpu.memref_squeeze %dma_start3A_356 : memref<1x128xi32, #tpu.memory_space<vmem>> -> memref<128xi32, #tpu.memory_space<vmem>>
      %dma_start3A_358 = arith.constant 0 : i32
      %dma_start3A_359 = tpu.memref_slice %arg17[%dma_start3A_358] : memref<10240xf32, #tpu.memory_space<vmem_shared>> -> memref<10240xf32, #tpu.memory_space<vmem_shared>>
      tpu.enqueue_indirect_dma source(%arg15 : memref<128xf32, #tpu.memory_space<vmem>>) target(%dma_start3A_359 : memref<10240xf32, #tpu.memory_space<vmem_shared>>) offsets(%dma_start3A_357 : memref<128xi32, #tpu.memory_space<vmem>>) semaphore(%run_scoped3A_354 : memref<!tpu.dma_semaphore, #tpu.memory_space<semaphore_mem>>) {add = true}
      %dma_wait3A_360 = arith.constant 0 : i32
      %dma_wait3A_361 = tpu.memref_slice %arg12[%run_scoped3A_344, %dma_wait3A_360] : memref<20x128xi32, #tpu.memory_space<vmem>> -> memref<1x128xi32, #tpu.memory_space<vmem>>
      %dma_wait3A_362 = tpu.memref_squeeze %dma_wait3A_361 : memref<1x128xi32, #tpu.memory_space<vmem>> -> memref<128xi32, #tpu.memory_space<vmem>>
      %dma_wait3A_363 = arith.constant 0 : i32
      %dma_wait3A_364 = tpu.memref_slice %arg17[%dma_wait3A_363] : memref<10240xf32, #tpu.memory_space<vmem_shared>> -> memref<10240xf32, #tpu.memory_space<vmem_shared>>
      tpu.wait_indirect_dma semaphore(%run_scoped3A_354 : memref<!tpu.dma_semaphore, #tpu.memory_space<semaphore_mem>>) src(%arg15 : memref<128xf32, #tpu.memory_space<vmem>>) dst(%dma_wait3A_364 : memref<10240xf32, #tpu.memory_space<vmem_shared>>)
      tpu.yield
    }) : () -> ()
    %barrier3A_345 = arith.constant 0 : index
    tpu.barrier barrier_id(%barrier3A_345)
    %mul3A_346 = arith.constant 640 : i32
    %mul3A_347 = arith.muli %arg1, %mul3A_346 : i32
    %mul3A_348 = arith.constant 640 : i32
    %mul3A_349 = arith.muli %arg1, %mul3A_348 : i32
    "tpu.region"() ({
      %run_scoped3A_354 = tpu.sem_alloc : memref<!tpu.dma_semaphore, #tpu.memory_space<semaphore_mem>>
      %dma_start3A_355 = arith.constant 0 : i32
      %dma_start3A_356 = tpu.memref_slice %arg7[%arg0, %mul3A_349, %dma_start3A_355] : memref<2x10240x128xf32, #tpu.memory_space<hbm>> -> memref<1x640x128xf32, #tpu.memory_space<hbm>>
      %dma_start3A_357 = tpu.memref_squeeze %dma_start3A_356 : memref<1x640x128xf32, #tpu.memory_space<hbm>> -> memref<640x128xf32, #tpu.memory_space<hbm>>
      %dma_start3A_358 = arith.constant 0 : i32
      %dma_start3A_359 = tpu.memref_slice %arg16[%mul3A_347, %dma_start3A_358] : memref<10240x128xf32, #tpu.memory_space<vmem_shared>> -> memref<640x128xf32, #tpu.memory_space<vmem_shared>>
      tpu.enqueue_dma source(%dma_start3A_359 : memref<640x128xf32, #tpu.memory_space<vmem_shared>>) target(%dma_start3A_357 : memref<640x128xf32, #tpu.memory_space<hbm>>) target_semaphore(%run_scoped3A_354 : memref<!tpu.dma_semaphore, #tpu.memory_space<semaphore_mem>>)
      %dma_wait3A_360 = arith.constant 0 : i32
      %dma_wait3A_361 = tpu.memref_slice %arg7[%arg0, %mul3A_349, %dma_wait3A_360] : memref<2x10240x128xf32, #tpu.memory_space<hbm>> -> memref<1x640x128xf32, #tpu.memory_space<hbm>>
      %dma_wait3A_362 = tpu.memref_squeeze %dma_wait3A_361 : memref<1x640x128xf32, #tpu.memory_space<hbm>> -> memref<640x128xf32, #tpu.memory_space<hbm>>
      %dma_wait3A_363 = arith.constant 0 : i32
      %dma_wait3A_364 = tpu.memref_slice %arg16[%mul3A_347, %dma_wait3A_363] : memref<10240x128xf32, #tpu.memory_space<vmem_shared>> -> memref<640x128xf32, #tpu.memory_space<vmem_shared>>
      tpu.wait_dma2 semaphore(%run_scoped3A_354 : memref<!tpu.dma_semaphore, #tpu.memory_space<semaphore_mem>>) src(%dma_wait3A_364 : memref<640x128xf32, #tpu.memory_space<vmem_shared>>) dst(%dma_wait3A_362 : memref<640x128xf32, #tpu.memory_space<hbm>>)
      tpu.yield
    }) : () -> ()
    %mul3A_350 = arith.constant 640 : i32
    %mul3A_351 = arith.muli %arg1, %mul3A_350 : i32
    %mul3A_352 = arith.constant 640 : i32
    %mul3A_353 = arith.muli %arg1, %mul3A_352 : i32
    "tpu.region"() ({
      %run_scoped3A_354 = tpu.sem_alloc : memref<!tpu.dma_semaphore, #tpu.memory_space<semaphore_mem>>
      %dma_start3A_355 = tpu.memref_slice %arg8[%arg0, %mul3A_353] : memref<2x10240xf32, #tpu.memory_space<hbm>> -> memref<1x640xf32, #tpu.memory_space<hbm>>
      %dma_start3A_356 = tpu.memref_squeeze %dma_start3A_355 : memref<1x640xf32, #tpu.memory_space<hbm>> -> memref<640xf32, #tpu.memory_space<hbm>>
      %dma_start3A_357 = tpu.memref_slice %arg17[%mul3A_351] : memref<10240xf32, #tpu.memory_space<vmem_shared>> -> memref<640xf32, #tpu.memory_space<vmem_shared>>
      tpu.enqueue_dma source(%dma_start3A_357 : memref<640xf32, #tpu.memory_space<vmem_shared>>) target(%dma_start3A_356 : memref<640xf32, #tpu.memory_space<hbm>>) target_semaphore(%run_scoped3A_354 : memref<!tpu.dma_semaphore, #tpu.memory_space<semaphore_mem>>)
      %dma_wait3A_358 = tpu.memref_slice %arg8[%arg0, %mul3A_353] : memref<2x10240xf32, #tpu.memory_space<hbm>> -> memref<1x640xf32, #tpu.memory_space<hbm>>
      %dma_wait3A_359 = tpu.memref_squeeze %dma_wait3A_358 : memref<1x640xf32, #tpu.memory_space<hbm>> -> memref<640xf32, #tpu.memory_space<hbm>>
      %dma_wait3A_360 = tpu.memref_slice %arg17[%mul3A_351] : memref<10240xf32, #tpu.memory_space<vmem_shared>> -> memref<640xf32, #tpu.memory_space<vmem_shared>>
      tpu.wait_dma2 semaphore(%run_scoped3A_354 : memref<!tpu.dma_semaphore, #tpu.memory_space<semaphore_mem>>) src(%dma_wait3A_360 : memref<640xf32, #tpu.memory_space<vmem_shared>>) dst(%dma_wait3A_359 : memref<640xf32, #tpu.memory_space<hbm>>)
      tpu.yield
    }) : () -> ()
    return
  }
}

#map = affine_map<(d0, d1) -> (0, 0)>
#map1 = affine_map<(d0, d1) -> (0, 0, 0, 0)>
#map2 = affine_map<(d0, d1) -> (0, 0, 0)>
module attributes {stable_mosaic.version = 14 : i64} {
  func.func @body(%arg0: i32, %arg1: i32, %arg2: memref<10000x128xf32, #tpu.memory_space<hbm>>, %arg3: memref<32x4x20x128xi32, #tpu.memory_space<hbm>>, %arg4: memref<32x4x20x128xi32, #tpu.memory_space<hbm>>, %arg5: memref<640x128xf32, #tpu.memory_space<hbm>>, %arg6: memref<2x10240x128xf32, #tpu.memory_space<hbm>>, %arg7: memref<20x128xi32, #tpu.memory_space<vmem>>, %arg8: memref<20x128xi32, #tpu.memory_space<vmem>>, %arg9: memref<20x128xi32, #tpu.memory_space<vmem>>, %arg10: memref<20x128xi32, #tpu.memory_space<vmem>>, %arg11: memref<128x128xf32, #tpu.memory_space<vmem>>, %arg12: memref<128x128xf32, #tpu.memory_space<vmem>>, %arg13: memref<10240x128xf32, #tpu.memory_space<vmem_shared>>, %arg14: memref<!tpu.dma_semaphore, #tpu.memory_space<semaphore_mem>>, %arg15: memref<!tpu.dma_semaphore, #tpu.memory_space<semaphore_mem>>, %arg16: memref<!tpu.dma_semaphore, #tpu.memory_space<semaphore_mem>>, %arg17: memref<!tpu.dma_semaphore, #tpu.memory_space<semaphore_mem>>) attributes {dimension_semantics = [#tpu.dimension_semantics<core_parallel>, #tpu.dimension_semantics<subcore_parallel>], iteration_bounds = array<i64: 2, 16>, scalar_prefetch = 0 : i64, scratch_operands = 11 : i64, tpu.core_type = #tpu.core_type<sc_vector_subcore>, window_params = [{transform_indices = #map}, {transform_indices = #map1}, {transform_indices = #map1}, {transform_indices = #map}, {transform_indices = #map2}]} {
    %mul3A = arith.constant 2 : i32
    %mul3A_0 = arith.muli %arg1, %mul3A : i32
    %add3A = arith.addi %mul3A_0, %arg0 : i32
    %mul3A_1 = arith.constant 640 : i32
    %mul3A_2 = arith.muli %arg1, %mul3A_1 : i32
    %dma_start3A = arith.constant 0 : i32
    %dma_start3A_3 = tpu.memref_slice %arg13[%mul3A_2, %dma_start3A] : memref<10240x128xf32, #tpu.memory_space<vmem_shared>> -> memref<640x128xf32, #tpu.memory_space<vmem_shared>>
    tpu.enqueue_dma source(%arg5 : memref<640x128xf32, #tpu.memory_space<hbm>>) target(%dma_start3A_3 : memref<640x128xf32, #tpu.memory_space<vmem_shared>>) target_semaphore(%arg17 : memref<!tpu.dma_semaphore, #tpu.memory_space<semaphore_mem>>)
    %dma_start3A_4 = arith.constant 0 : i32
    %dma_start3A_5 = arith.constant 0 : i32
    %dma_start3A_6 = arith.constant 0 : i32
    %dma_start3A_7 = tpu.memref_slice %arg3[%add3A, %dma_start3A_4, %dma_start3A_5, %dma_start3A_6] : memref<32x4x20x128xi32, #tpu.memory_space<hbm>> -> memref<1x1x20x128xi32, #tpu.memory_space<hbm>>
    %dma_start3A_8 = tpu.memref_squeeze %dma_start3A_7 : memref<1x1x20x128xi32, #tpu.memory_space<hbm>> -> memref<20x128xi32, #tpu.memory_space<hbm>>
    %dma_start3A_9 = arith.constant 0 : i32
    %dma_start3A_10 = arith.constant 0 : i32
    %dma_start3A_11 = tpu.memref_slice %arg3[%add3A, %dma_start3A_4, %dma_start3A_9, %dma_start3A_10] : memref<32x4x20x128xi32, #tpu.memory_space<hbm>> -> memref<1x1x20x128xi32, #tpu.memory_space<hbm>>
    %dma_start3A_12 = tpu.memref_squeeze %dma_start3A_11 : memref<1x1x20x128xi32, #tpu.memory_space<hbm>> -> memref<20x128xi32, #tpu.memory_space<hbm>>
    tpu.enqueue_dma source(%dma_start3A_12 : memref<20x128xi32, #tpu.memory_space<hbm>>) target(%arg7 : memref<20x128xi32, #tpu.memory_space<vmem>>) target_semaphore(%arg16 : memref<!tpu.dma_semaphore, #tpu.memory_space<semaphore_mem>>)
    %dma_start3A_13 = arith.constant 0 : i32
    %dma_start3A_14 = arith.constant 0 : i32
    %dma_start3A_15 = arith.constant 0 : i32
    %dma_start3A_16 = tpu.memref_slice %arg4[%add3A, %dma_start3A_13, %dma_start3A_14, %dma_start3A_15] : memref<32x4x20x128xi32, #tpu.memory_space<hbm>> -> memref<1x1x20x128xi32, #tpu.memory_space<hbm>>
    %dma_start3A_17 = tpu.memref_squeeze %dma_start3A_16 : memref<1x1x20x128xi32, #tpu.memory_space<hbm>> -> memref<20x128xi32, #tpu.memory_space<hbm>>
    %dma_start3A_18 = arith.constant 0 : i32
    %dma_start3A_19 = arith.constant 0 : i32
    %dma_start3A_20 = tpu.memref_slice %arg4[%add3A, %dma_start3A_13, %dma_start3A_18, %dma_start3A_19] : memref<32x4x20x128xi32, #tpu.memory_space<hbm>> -> memref<1x1x20x128xi32, #tpu.memory_space<hbm>>
    %dma_start3A_21 = tpu.memref_squeeze %dma_start3A_20 : memref<1x1x20x128xi32, #tpu.memory_space<hbm>> -> memref<20x128xi32, #tpu.memory_space<hbm>>
    tpu.enqueue_dma source(%dma_start3A_21 : memref<20x128xi32, #tpu.memory_space<hbm>>) target(%arg9 : memref<20x128xi32, #tpu.memory_space<vmem>>) target_semaphore(%arg16 : memref<!tpu.dma_semaphore, #tpu.memory_space<semaphore_mem>>)
    %dma_wait3A = arith.constant 0 : i32
    %dma_wait3A_22 = arith.constant 0 : i32
    %dma_wait3A_23 = arith.constant 0 : i32
    %dma_wait3A_24 = tpu.memref_slice %arg3[%add3A, %dma_wait3A, %dma_wait3A_22, %dma_wait3A_23] : memref<32x4x20x128xi32, #tpu.memory_space<hbm>> -> memref<1x1x20x128xi32, #tpu.memory_space<hbm>>
    %dma_wait3A_25 = tpu.memref_squeeze %dma_wait3A_24 : memref<1x1x20x128xi32, #tpu.memory_space<hbm>> -> memref<20x128xi32, #tpu.memory_space<hbm>>
    %dma_wait3A_26 = arith.constant 0 : i32
    %dma_wait3A_27 = arith.constant 0 : i32
    %dma_wait3A_28 = tpu.memref_slice %arg3[%add3A, %dma_wait3A, %dma_wait3A_26, %dma_wait3A_27] : memref<32x4x20x128xi32, #tpu.memory_space<hbm>> -> memref<1x1x20x128xi32, #tpu.memory_space<hbm>>
    %dma_wait3A_29 = tpu.memref_squeeze %dma_wait3A_28 : memref<1x1x20x128xi32, #tpu.memory_space<hbm>> -> memref<20x128xi32, #tpu.memory_space<hbm>>
    tpu.wait_dma2 semaphore(%arg16 : memref<!tpu.dma_semaphore, #tpu.memory_space<semaphore_mem>>) src(%dma_wait3A_29 : memref<20x128xi32, #tpu.memory_space<hbm>>) dst(%arg7 : memref<20x128xi32, #tpu.memory_space<vmem>>)
    %dma_wait3A_30 = arith.constant 0 : i32
    %dma_wait3A_31 = arith.constant 0 : i32
    %dma_wait3A_32 = arith.constant 0 : i32
    %dma_wait3A_33 = tpu.memref_slice %arg4[%add3A, %dma_wait3A_30, %dma_wait3A_31, %dma_wait3A_32] : memref<32x4x20x128xi32, #tpu.memory_space<hbm>> -> memref<1x1x20x128xi32, #tpu.memory_space<hbm>>
    %dma_wait3A_34 = tpu.memref_squeeze %dma_wait3A_33 : memref<1x1x20x128xi32, #tpu.memory_space<hbm>> -> memref<20x128xi32, #tpu.memory_space<hbm>>
    %dma_wait3A_35 = arith.constant 0 : i32
    %dma_wait3A_36 = arith.constant 0 : i32
    %dma_wait3A_37 = tpu.memref_slice %arg4[%add3A, %dma_wait3A_30, %dma_wait3A_35, %dma_wait3A_36] : memref<32x4x20x128xi32, #tpu.memory_space<hbm>> -> memref<1x1x20x128xi32, #tpu.memory_space<hbm>>
    %dma_wait3A_38 = tpu.memref_squeeze %dma_wait3A_37 : memref<1x1x20x128xi32, #tpu.memory_space<hbm>> -> memref<20x128xi32, #tpu.memory_space<hbm>>
    tpu.wait_dma2 semaphore(%arg16 : memref<!tpu.dma_semaphore, #tpu.memory_space<semaphore_mem>>) src(%dma_wait3A_38 : memref<20x128xi32, #tpu.memory_space<hbm>>) dst(%arg9 : memref<20x128xi32, #tpu.memory_space<vmem>>)
    %dma_start3A_39 = arith.constant 1 : i32
    %dma_start3A_40 = arith.constant 0 : i32
    %dma_start3A_41 = arith.constant 0 : i32
    %dma_start3A_42 = tpu.memref_slice %arg3[%add3A, %dma_start3A_39, %dma_start3A_40, %dma_start3A_41] : memref<32x4x20x128xi32, #tpu.memory_space<hbm>> -> memref<1x1x20x128xi32, #tpu.memory_space<hbm>>
    %dma_start3A_43 = tpu.memref_squeeze %dma_start3A_42 : memref<1x1x20x128xi32, #tpu.memory_space<hbm>> -> memref<20x128xi32, #tpu.memory_space<hbm>>
    %dma_start3A_44 = arith.constant 0 : i32
    %dma_start3A_45 = arith.constant 0 : i32
    %dma_start3A_46 = tpu.memref_slice %arg3[%add3A, %dma_start3A_39, %dma_start3A_44, %dma_start3A_45] : memref<32x4x20x128xi32, #tpu.memory_space<hbm>> -> memref<1x1x20x128xi32, #tpu.memory_space<hbm>>
    %dma_start3A_47 = tpu.memref_squeeze %dma_start3A_46 : memref<1x1x20x128xi32, #tpu.memory_space<hbm>> -> memref<20x128xi32, #tpu.memory_space<hbm>>
    tpu.enqueue_dma source(%dma_start3A_47 : memref<20x128xi32, #tpu.memory_space<hbm>>) target(%arg8 : memref<20x128xi32, #tpu.memory_space<vmem>>) target_semaphore(%arg16 : memref<!tpu.dma_semaphore, #tpu.memory_space<semaphore_mem>>)
    %dma_start3A_48 = arith.constant 1 : i32
    %dma_start3A_49 = arith.constant 0 : i32
    %dma_start3A_50 = arith.constant 0 : i32
    %dma_start3A_51 = tpu.memref_slice %arg4[%add3A, %dma_start3A_48, %dma_start3A_49, %dma_start3A_50] : memref<32x4x20x128xi32, #tpu.memory_space<hbm>> -> memref<1x1x20x128xi32, #tpu.memory_space<hbm>>
    %dma_start3A_52 = tpu.memref_squeeze %dma_start3A_51 : memref<1x1x20x128xi32, #tpu.memory_space<hbm>> -> memref<20x128xi32, #tpu.memory_space<hbm>>
    %dma_start3A_53 = arith.constant 0 : i32
    %dma_start3A_54 = arith.constant 0 : i32
    %dma_start3A_55 = tpu.memref_slice %arg4[%add3A, %dma_start3A_48, %dma_start3A_53, %dma_start3A_54] : memref<32x4x20x128xi32, #tpu.memory_space<hbm>> -> memref<1x1x20x128xi32, #tpu.memory_space<hbm>>
    %dma_start3A_56 = tpu.memref_squeeze %dma_start3A_55 : memref<1x1x20x128xi32, #tpu.memory_space<hbm>> -> memref<20x128xi32, #tpu.memory_space<hbm>>
    tpu.enqueue_dma source(%dma_start3A_56 : memref<20x128xi32, #tpu.memory_space<hbm>>) target(%arg10 : memref<20x128xi32, #tpu.memory_space<vmem>>) target_semaphore(%arg16 : memref<!tpu.dma_semaphore, #tpu.memory_space<semaphore_mem>>)
    %dma_start3A_57 = arith.constant 0 : i32
    %dma_start3A_58 = arith.constant 0 : i32
    %dma_start3A_59 = tpu.memref_slice %arg7[%dma_start3A_57, %dma_start3A_58] : memref<20x128xi32, #tpu.memory_space<vmem>> -> memref<1x128xi32, #tpu.memory_space<vmem>>
    %dma_start3A_60 = tpu.memref_squeeze %dma_start3A_59 : memref<1x128xi32, #tpu.memory_space<vmem>> -> memref<128xi32, #tpu.memory_space<vmem>>
    %dma_start3A_61 = arith.constant 0 : i32
    %dma_start3A_62 = arith.constant 0 : i32
    %dma_start3A_63 = tpu.memref_slice %arg2[%dma_start3A_61, %dma_start3A_62] : memref<10000x128xf32, #tpu.memory_space<hbm>> -> memref<10000x128xf32, #tpu.memory_space<hbm>>
    tpu.enqueue_indirect_dma source(%dma_start3A_63 : memref<10000x128xf32, #tpu.memory_space<hbm>>) target(%arg11 : memref<128x128xf32, #tpu.memory_space<vmem>>) offsets(%dma_start3A_60 : memref<128xi32, #tpu.memory_space<vmem>>) semaphore(%arg14 : memref<!tpu.dma_semaphore, #tpu.memory_space<semaphore_mem>>)
    %mul3A_64 = arith.constant 640 : i32
    %mul3A_65 = arith.muli %arg1, %mul3A_64 : i32
    %dma_wait3A_66 = arith.constant 0 : i32
    %dma_wait3A_67 = tpu.memref_slice %arg13[%mul3A_65, %dma_wait3A_66] : memref<10240x128xf32, #tpu.memory_space<vmem_shared>> -> memref<640x128xf32, #tpu.memory_space<vmem_shared>>
    tpu.wait_dma2 semaphore(%arg17 : memref<!tpu.dma_semaphore, #tpu.memory_space<semaphore_mem>>) src(%arg5 : memref<640x128xf32, #tpu.memory_space<hbm>>) dst(%dma_wait3A_67 : memref<640x128xf32, #tpu.memory_space<vmem_shared>>)
    %barrier3A = arith.constant 0 : index
    tpu.barrier barrier_id(%barrier3A)
    %scan3A = arith.constant 0 : i32
    %scan3A_68 = arith.constant 0 : i32
    %scan3A_69 = arith.constant 9 : i32
    %scan3A_70 = arith.addi %scan3A_68, %scan3A_69 : i32
    %scan3A_71 = arith.constant 1 : i32
    scf.for %scan3A_290 = %scan3A_68 to %scan3A_70 step %scan3A_71  : i32 {
      %mul3A_291 = arith.constant 2 : i32
      %mul3A_292 = arith.muli %mul3A_291, %scan3A_290 : i32
      %add3A_293 = arith.constant 1 : i32
      %add3A_294 = arith.addi %mul3A_292, %add3A_293 : i32
      %dma_start3A_295 = arith.constant 0 : i32
      %dma_start3A_296 = tpu.memref_slice %arg7[%add3A_294, %dma_start3A_295] : memref<20x128xi32, #tpu.memory_space<vmem>> -> memref<1x128xi32, #tpu.memory_space<vmem>>
      %dma_start3A_297 = tpu.memref_squeeze %dma_start3A_296 : memref<1x128xi32, #tpu.memory_space<vmem>> -> memref<128xi32, #tpu.memory_space<vmem>>
      %dma_start3A_298 = arith.constant 0 : i32
      %dma_start3A_299 = arith.constant 0 : i32
      %dma_start3A_300 = tpu.memref_slice %arg2[%dma_start3A_298, %dma_start3A_299] : memref<10000x128xf32, #tpu.memory_space<hbm>> -> memref<10000x128xf32, #tpu.memory_space<hbm>>
      tpu.enqueue_indirect_dma source(%dma_start3A_300 : memref<10000x128xf32, #tpu.memory_space<hbm>>) target(%arg12 : memref<128x128xf32, #tpu.memory_space<vmem>>) offsets(%dma_start3A_297 : memref<128xi32, #tpu.memory_space<vmem>>) semaphore(%arg15 : memref<!tpu.dma_semaphore, #tpu.memory_space<semaphore_mem>>)
      %dma_wait3A_301 = arith.constant 0 : i32
      %dma_wait3A_302 = arith.constant 0 : i32
      %dma_wait3A_303 = tpu.memref_slice %arg2[%dma_wait3A_301, %dma_wait3A_302] : memref<10000x128xf32, #tpu.memory_space<hbm>> -> memref<128x128xf32, #tpu.memory_space<hbm>>
      %dma_wait3A_304 = arith.constant 0 : i32
      %dma_wait3A_305 = arith.constant 0 : i32
      %dma_wait3A_306 = tpu.memref_slice %arg2[%dma_wait3A_304, %dma_wait3A_305] : memref<10000x128xf32, #tpu.memory_space<hbm>> -> memref<128x128xf32, #tpu.memory_space<hbm>>
      tpu.wait_dma2 semaphore(%arg14 : memref<!tpu.dma_semaphore, #tpu.memory_space<semaphore_mem>>) src(%dma_wait3A_306 : memref<128x128xf32, #tpu.memory_space<hbm>>) dst(%arg11 : memref<128x128xf32, #tpu.memory_space<vmem>>)
      "tpu.region"() ({
        %run_scoped3A_323 = tpu.sem_alloc : memref<!tpu.dma_semaphore, #tpu.memory_space<semaphore_mem>>
        %dma_start3A_324 = arith.constant 0 : i32
        %dma_start3A_325 = tpu.memref_slice %arg9[%mul3A_292, %dma_start3A_324] : memref<20x128xi32, #tpu.memory_space<vmem>> -> memref<1x128xi32, #tpu.memory_space<vmem>>
        %dma_start3A_326 = tpu.memref_squeeze %dma_start3A_325 : memref<1x128xi32, #tpu.memory_space<vmem>> -> memref<128xi32, #tpu.memory_space<vmem>>
        %dma_start3A_327 = arith.constant 0 : i32
        %dma_start3A_328 = arith.constant 0 : i32
        %dma_start3A_329 = tpu.memref_slice %arg13[%dma_start3A_327, %dma_start3A_328] : memref<10240x128xf32, #tpu.memory_space<vmem_shared>> -> memref<10240x128xf32, #tpu.memory_space<vmem_shared>>
        tpu.enqueue_indirect_dma source(%arg11 : memref<128x128xf32, #tpu.memory_space<vmem>>) target(%dma_start3A_329 : memref<10240x128xf32, #tpu.memory_space<vmem_shared>>) offsets(%dma_start3A_326 : memref<128xi32, #tpu.memory_space<vmem>>) semaphore(%run_scoped3A_323 : memref<!tpu.dma_semaphore, #tpu.memory_space<semaphore_mem>>) {add = true}
        %dma_wait3A_330 = arith.constant 0 : i32
        %dma_wait3A_331 = tpu.memref_slice %arg9[%mul3A_292, %dma_wait3A_330] : memref<20x128xi32, #tpu.memory_space<vmem>> -> memref<1x128xi32, #tpu.memory_space<vmem>>
        %dma_wait3A_332 = tpu.memref_squeeze %dma_wait3A_331 : memref<1x128xi32, #tpu.memory_space<vmem>> -> memref<128xi32, #tpu.memory_space<vmem>>
        %dma_wait3A_333 = arith.constant 0 : i32
        %dma_wait3A_334 = arith.constant 0 : i32
        %dma_wait3A_335 = tpu.memref_slice %arg13[%dma_wait3A_333, %dma_wait3A_334] : memref<10240x128xf32, #tpu.memory_space<vmem_shared>> -> memref<10240x128xf32, #tpu.memory_space<vmem_shared>>
        tpu.wait_indirect_dma semaphore(%run_scoped3A_323 : memref<!tpu.dma_semaphore, #tpu.memory_space<semaphore_mem>>) src(%arg11 : memref<128x128xf32, #tpu.memory_space<vmem>>) dst(%dma_wait3A_335 : memref<10240x128xf32, #tpu.memory_space<vmem_shared>>)
        tpu.yield
      }) : () -> ()
      %add3A_307 = arith.constant 2 : i32
      %add3A_308 = arith.addi %mul3A_292, %add3A_307 : i32
      %dma_start3A_309 = arith.constant 0 : i32
      %dma_start3A_310 = tpu.memref_slice %arg7[%add3A_308, %dma_start3A_309] : memref<20x128xi32, #tpu.memory_space<vmem>> -> memref<1x128xi32, #tpu.memory_space<vmem>>
      %dma_start3A_311 = tpu.memref_squeeze %dma_start3A_310 : memref<1x128xi32, #tpu.memory_space<vmem>> -> memref<128xi32, #tpu.memory_space<vmem>>
      %dma_start3A_312 = arith.constant 0 : i32
      %dma_start3A_313 = arith.constant 0 : i32
      %dma_start3A_314 = tpu.memref_slice %arg2[%dma_start3A_312, %dma_start3A_313] : memref<10000x128xf32, #tpu.memory_space<hbm>> -> memref<10000x128xf32, #tpu.memory_space<hbm>>
      tpu.enqueue_indirect_dma source(%dma_start3A_314 : memref<10000x128xf32, #tpu.memory_space<hbm>>) target(%arg11 : memref<128x128xf32, #tpu.memory_space<vmem>>) offsets(%dma_start3A_311 : memref<128xi32, #tpu.memory_space<vmem>>) semaphore(%arg14 : memref<!tpu.dma_semaphore, #tpu.memory_space<semaphore_mem>>)
      %dma_wait3A_315 = arith.constant 0 : i32
      %dma_wait3A_316 = arith.constant 0 : i32
      %dma_wait3A_317 = tpu.memref_slice %arg2[%dma_wait3A_315, %dma_wait3A_316] : memref<10000x128xf32, #tpu.memory_space<hbm>> -> memref<128x128xf32, #tpu.memory_space<hbm>>
      %dma_wait3A_318 = arith.constant 0 : i32
      %dma_wait3A_319 = arith.constant 0 : i32
      %dma_wait3A_320 = tpu.memref_slice %arg2[%dma_wait3A_318, %dma_wait3A_319] : memref<10000x128xf32, #tpu.memory_space<hbm>> -> memref<128x128xf32, #tpu.memory_space<hbm>>
      tpu.wait_dma2 semaphore(%arg15 : memref<!tpu.dma_semaphore, #tpu.memory_space<semaphore_mem>>) src(%dma_wait3A_320 : memref<128x128xf32, #tpu.memory_space<hbm>>) dst(%arg12 : memref<128x128xf32, #tpu.memory_space<vmem>>)
      %add3A_321 = arith.constant 1 : i32
      %add3A_322 = arith.addi %mul3A_292, %add3A_321 : i32
      "tpu.region"() ({
        %run_scoped3A_323 = tpu.sem_alloc : memref<!tpu.dma_semaphore, #tpu.memory_space<semaphore_mem>>
        %dma_start3A_324 = arith.constant 0 : i32
        %dma_start3A_325 = tpu.memref_slice %arg9[%add3A_322, %dma_start3A_324] : memref<20x128xi32, #tpu.memory_space<vmem>> -> memref<1x128xi32, #tpu.memory_space<vmem>>
        %dma_start3A_326 = tpu.memref_squeeze %dma_start3A_325 : memref<1x128xi32, #tpu.memory_space<vmem>> -> memref<128xi32, #tpu.memory_space<vmem>>
        %dma_start3A_327 = arith.constant 0 : i32
        %dma_start3A_328 = arith.constant 0 : i32
        %dma_start3A_329 = tpu.memref_slice %arg13[%dma_start3A_327, %dma_start3A_328] : memref<10240x128xf32, #tpu.memory_space<vmem_shared>> -> memref<10240x128xf32, #tpu.memory_space<vmem_shared>>
        tpu.enqueue_indirect_dma source(%arg12 : memref<128x128xf32, #tpu.memory_space<vmem>>) target(%dma_start3A_329 : memref<10240x128xf32, #tpu.memory_space<vmem_shared>>) offsets(%dma_start3A_326 : memref<128xi32, #tpu.memory_space<vmem>>) semaphore(%run_scoped3A_323 : memref<!tpu.dma_semaphore, #tpu.memory_space<semaphore_mem>>) {add = true}
        %dma_wait3A_330 = arith.constant 0 : i32
        %dma_wait3A_331 = tpu.memref_slice %arg9[%add3A_322, %dma_wait3A_330] : memref<20x128xi32, #tpu.memory_space<vmem>> -> memref<1x128xi32, #tpu.memory_space<vmem>>
        %dma_wait3A_332 = tpu.memref_squeeze %dma_wait3A_331 : memref<1x128xi32, #tpu.memory_space<vmem>> -> memref<128xi32, #tpu.memory_space<vmem>>
        %dma_wait3A_333 = arith.constant 0 : i32
        %dma_wait3A_334 = arith.constant 0 : i32
        %dma_wait3A_335 = tpu.memref_slice %arg13[%dma_wait3A_333, %dma_wait3A_334] : memref<10240x128xf32, #tpu.memory_space<vmem_shared>> -> memref<10240x128xf32, #tpu.memory_space<vmem_shared>>
        tpu.wait_indirect_dma semaphore(%run_scoped3A_323 : memref<!tpu.dma_semaphore, #tpu.memory_space<semaphore_mem>>) src(%arg12 : memref<128x128xf32, #tpu.memory_space<vmem>>) dst(%dma_wait3A_335 : memref<10240x128xf32, #tpu.memory_space<vmem_shared>>)
        tpu.yield
      }) : () -> ()
    }
    %scan3A_72 = arith.constant 9 : i32
    %dma_start3A_73 = arith.constant 19 : i32
    %dma_start3A_74 = arith.constant 0 : i32
    %dma_start3A_75 = tpu.memref_slice %arg7[%dma_start3A_73, %dma_start3A_74] : memref<20x128xi32, #tpu.memory_space<vmem>> -> memref<1x128xi32, #tpu.memory_space<vmem>>
    %dma_start3A_76 = tpu.memref_squeeze %dma_start3A_75 : memref<1x128xi32, #tpu.memory_space<vmem>> -> memref<128xi32, #tpu.memory_space<vmem>>
    %dma_start3A_77 = arith.constant 0 : i32
    %dma_start3A_78 = arith.constant 0 : i32
    %dma_start3A_79 = tpu.memref_slice %arg2[%dma_start3A_77, %dma_start3A_78] : memref<10000x128xf32, #tpu.memory_space<hbm>> -> memref<10000x128xf32, #tpu.memory_space<hbm>>
    tpu.enqueue_indirect_dma source(%dma_start3A_79 : memref<10000x128xf32, #tpu.memory_space<hbm>>) target(%arg12 : memref<128x128xf32, #tpu.memory_space<vmem>>) offsets(%dma_start3A_76 : memref<128xi32, #tpu.memory_space<vmem>>) semaphore(%arg15 : memref<!tpu.dma_semaphore, #tpu.memory_space<semaphore_mem>>)
    %dma_wait3A_80 = arith.constant 0 : i32
    %dma_wait3A_81 = arith.constant 0 : i32
    %dma_wait3A_82 = tpu.memref_slice %arg2[%dma_wait3A_80, %dma_wait3A_81] : memref<10000x128xf32, #tpu.memory_space<hbm>> -> memref<128x128xf32, #tpu.memory_space<hbm>>
    %dma_wait3A_83 = arith.constant 0 : i32
    %dma_wait3A_84 = arith.constant 0 : i32
    %dma_wait3A_85 = tpu.memref_slice %arg2[%dma_wait3A_83, %dma_wait3A_84] : memref<10000x128xf32, #tpu.memory_space<hbm>> -> memref<128x128xf32, #tpu.memory_space<hbm>>
    tpu.wait_dma2 semaphore(%arg14 : memref<!tpu.dma_semaphore, #tpu.memory_space<semaphore_mem>>) src(%dma_wait3A_85 : memref<128x128xf32, #tpu.memory_space<hbm>>) dst(%arg11 : memref<128x128xf32, #tpu.memory_space<vmem>>)
    %run_scoped3A = arith.constant 18 : i32
    "tpu.region"() ({
      %run_scoped3A_290 = tpu.sem_alloc : memref<!tpu.dma_semaphore, #tpu.memory_space<semaphore_mem>>
      %dma_start3A_291 = arith.constant 0 : i32
      %dma_start3A_292 = tpu.memref_slice %arg9[%run_scoped3A, %dma_start3A_291] : memref<20x128xi32, #tpu.memory_space<vmem>> -> memref<1x128xi32, #tpu.memory_space<vmem>>
      %dma_start3A_293 = tpu.memref_squeeze %dma_start3A_292 : memref<1x128xi32, #tpu.memory_space<vmem>> -> memref<128xi32, #tpu.memory_space<vmem>>
      %dma_start3A_294 = arith.constant 0 : i32
      %dma_start3A_295 = arith.constant 0 : i32
      %dma_start3A_296 = tpu.memref_slice %arg13[%dma_start3A_294, %dma_start3A_295] : memref<10240x128xf32, #tpu.memory_space<vmem_shared>> -> memref<10240x128xf32, #tpu.memory_space<vmem_shared>>
      tpu.enqueue_indirect_dma source(%arg11 : memref<128x128xf32, #tpu.memory_space<vmem>>) target(%dma_start3A_296 : memref<10240x128xf32, #tpu.memory_space<vmem_shared>>) offsets(%dma_start3A_293 : memref<128xi32, #tpu.memory_space<vmem>>) semaphore(%run_scoped3A_290 : memref<!tpu.dma_semaphore, #tpu.memory_space<semaphore_mem>>) {add = true}
      %dma_wait3A_297 = arith.constant 0 : i32
      %dma_wait3A_298 = tpu.memref_slice %arg9[%run_scoped3A, %dma_wait3A_297] : memref<20x128xi32, #tpu.memory_space<vmem>> -> memref<1x128xi32, #tpu.memory_space<vmem>>
      %dma_wait3A_299 = tpu.memref_squeeze %dma_wait3A_298 : memref<1x128xi32, #tpu.memory_space<vmem>> -> memref<128xi32, #tpu.memory_space<vmem>>
      %dma_wait3A_300 = arith.constant 0 : i32
      %dma_wait3A_301 = arith.constant 0 : i32
      %dma_wait3A_302 = tpu.memref_slice %arg13[%dma_wait3A_300, %dma_wait3A_301] : memref<10240x128xf32, #tpu.memory_space<vmem_shared>> -> memref<10240x128xf32, #tpu.memory_space<vmem_shared>>
      tpu.wait_indirect_dma semaphore(%run_scoped3A_290 : memref<!tpu.dma_semaphore, #tpu.memory_space<semaphore_mem>>) src(%arg11 : memref<128x128xf32, #tpu.memory_space<vmem>>) dst(%dma_wait3A_302 : memref<10240x128xf32, #tpu.memory_space<vmem_shared>>)
      tpu.yield
    }) : () -> ()
    %dma_wait3A_86 = arith.constant 1 : i32
    %dma_wait3A_87 = arith.constant 0 : i32
    %dma_wait3A_88 = arith.constant 0 : i32
    %dma_wait3A_89 = tpu.memref_slice %arg3[%add3A, %dma_wait3A_86, %dma_wait3A_87, %dma_wait3A_88] : memref<32x4x20x128xi32, #tpu.memory_space<hbm>> -> memref<1x1x20x128xi32, #tpu.memory_space<hbm>>
    %dma_wait3A_90 = tpu.memref_squeeze %dma_wait3A_89 : memref<1x1x20x128xi32, #tpu.memory_space<hbm>> -> memref<20x128xi32, #tpu.memory_space<hbm>>
    %dma_wait3A_91 = arith.constant 0 : i32
    %dma_wait3A_92 = arith.constant 0 : i32
    %dma_wait3A_93 = tpu.memref_slice %arg3[%add3A, %dma_wait3A_86, %dma_wait3A_91, %dma_wait3A_92] : memref<32x4x20x128xi32, #tpu.memory_space<hbm>> -> memref<1x1x20x128xi32, #tpu.memory_space<hbm>>
    %dma_wait3A_94 = tpu.memref_squeeze %dma_wait3A_93 : memref<1x1x20x128xi32, #tpu.memory_space<hbm>> -> memref<20x128xi32, #tpu.memory_space<hbm>>
    tpu.wait_dma2 semaphore(%arg16 : memref<!tpu.dma_semaphore, #tpu.memory_space<semaphore_mem>>) src(%dma_wait3A_94 : memref<20x128xi32, #tpu.memory_space<hbm>>) dst(%arg8 : memref<20x128xi32, #tpu.memory_space<vmem>>)
    %dma_wait3A_95 = arith.constant 1 : i32
    %dma_wait3A_96 = arith.constant 0 : i32
    %dma_wait3A_97 = arith.constant 0 : i32
    %dma_wait3A_98 = tpu.memref_slice %arg4[%add3A, %dma_wait3A_95, %dma_wait3A_96, %dma_wait3A_97] : memref<32x4x20x128xi32, #tpu.memory_space<hbm>> -> memref<1x1x20x128xi32, #tpu.memory_space<hbm>>
    %dma_wait3A_99 = tpu.memref_squeeze %dma_wait3A_98 : memref<1x1x20x128xi32, #tpu.memory_space<hbm>> -> memref<20x128xi32, #tpu.memory_space<hbm>>
    %dma_wait3A_100 = arith.constant 0 : i32
    %dma_wait3A_101 = arith.constant 0 : i32
    %dma_wait3A_102 = tpu.memref_slice %arg4[%add3A, %dma_wait3A_95, %dma_wait3A_100, %dma_wait3A_101] : memref<32x4x20x128xi32, #tpu.memory_space<hbm>> -> memref<1x1x20x128xi32, #tpu.memory_space<hbm>>
    %dma_wait3A_103 = tpu.memref_squeeze %dma_wait3A_102 : memref<1x1x20x128xi32, #tpu.memory_space<hbm>> -> memref<20x128xi32, #tpu.memory_space<hbm>>
    tpu.wait_dma2 semaphore(%arg16 : memref<!tpu.dma_semaphore, #tpu.memory_space<semaphore_mem>>) src(%dma_wait3A_103 : memref<20x128xi32, #tpu.memory_space<hbm>>) dst(%arg10 : memref<20x128xi32, #tpu.memory_space<vmem>>)
    %dma_start3A_104 = arith.constant 0 : i32
    %dma_start3A_105 = arith.constant 0 : i32
    %dma_start3A_106 = tpu.memref_slice %arg8[%dma_start3A_104, %dma_start3A_105] : memref<20x128xi32, #tpu.memory_space<vmem>> -> memref<1x128xi32, #tpu.memory_space<vmem>>
    %dma_start3A_107 = tpu.memref_squeeze %dma_start3A_106 : memref<1x128xi32, #tpu.memory_space<vmem>> -> memref<128xi32, #tpu.memory_space<vmem>>
    %dma_start3A_108 = arith.constant 0 : i32
    %dma_start3A_109 = arith.constant 0 : i32
    %dma_start3A_110 = tpu.memref_slice %arg2[%dma_start3A_108, %dma_start3A_109] : memref<10000x128xf32, #tpu.memory_space<hbm>> -> memref<10000x128xf32, #tpu.memory_space<hbm>>
    tpu.enqueue_indirect_dma source(%dma_start3A_110 : memref<10000x128xf32, #tpu.memory_space<hbm>>) target(%arg11 : memref<128x128xf32, #tpu.memory_space<vmem>>) offsets(%dma_start3A_107 : memref<128xi32, #tpu.memory_space<vmem>>) semaphore(%arg14 : memref<!tpu.dma_semaphore, #tpu.memory_space<semaphore_mem>>)
    %dma_wait3A_111 = arith.constant 0 : i32
    %dma_wait3A_112 = arith.constant 0 : i32
    %dma_wait3A_113 = tpu.memref_slice %arg2[%dma_wait3A_111, %dma_wait3A_112] : memref<10000x128xf32, #tpu.memory_space<hbm>> -> memref<128x128xf32, #tpu.memory_space<hbm>>
    %dma_wait3A_114 = arith.constant 0 : i32
    %dma_wait3A_115 = arith.constant 0 : i32
    %dma_wait3A_116 = tpu.memref_slice %arg2[%dma_wait3A_114, %dma_wait3A_115] : memref<10000x128xf32, #tpu.memory_space<hbm>> -> memref<128x128xf32, #tpu.memory_space<hbm>>
    tpu.wait_dma2 semaphore(%arg15 : memref<!tpu.dma_semaphore, #tpu.memory_space<semaphore_mem>>) src(%dma_wait3A_116 : memref<128x128xf32, #tpu.memory_space<hbm>>) dst(%arg12 : memref<128x128xf32, #tpu.memory_space<vmem>>)
    %run_scoped3A_117 = arith.constant 19 : i32
    "tpu.region"() ({
      %run_scoped3A_290 = tpu.sem_alloc : memref<!tpu.dma_semaphore, #tpu.memory_space<semaphore_mem>>
      %dma_start3A_291 = arith.constant 0 : i32
      %dma_start3A_292 = tpu.memref_slice %arg9[%run_scoped3A_117, %dma_start3A_291] : memref<20x128xi32, #tpu.memory_space<vmem>> -> memref<1x128xi32, #tpu.memory_space<vmem>>
      %dma_start3A_293 = tpu.memref_squeeze %dma_start3A_292 : memref<1x128xi32, #tpu.memory_space<vmem>> -> memref<128xi32, #tpu.memory_space<vmem>>
      %dma_start3A_294 = arith.constant 0 : i32
      %dma_start3A_295 = arith.constant 0 : i32
      %dma_start3A_296 = tpu.memref_slice %arg13[%dma_start3A_294, %dma_start3A_295] : memref<10240x128xf32, #tpu.memory_space<vmem_shared>> -> memref<10240x128xf32, #tpu.memory_space<vmem_shared>>
      tpu.enqueue_indirect_dma source(%arg12 : memref<128x128xf32, #tpu.memory_space<vmem>>) target(%dma_start3A_296 : memref<10240x128xf32, #tpu.memory_space<vmem_shared>>) offsets(%dma_start3A_293 : memref<128xi32, #tpu.memory_space<vmem>>) semaphore(%run_scoped3A_290 : memref<!tpu.dma_semaphore, #tpu.memory_space<semaphore_mem>>) {add = true}
      %dma_wait3A_297 = arith.constant 0 : i32
      %dma_wait3A_298 = tpu.memref_slice %arg9[%run_scoped3A_117, %dma_wait3A_297] : memref<20x128xi32, #tpu.memory_space<vmem>> -> memref<1x128xi32, #tpu.memory_space<vmem>>
      %dma_wait3A_299 = tpu.memref_squeeze %dma_wait3A_298 : memref<1x128xi32, #tpu.memory_space<vmem>> -> memref<128xi32, #tpu.memory_space<vmem>>
      %dma_wait3A_300 = arith.constant 0 : i32
      %dma_wait3A_301 = arith.constant 0 : i32
      %dma_wait3A_302 = tpu.memref_slice %arg13[%dma_wait3A_300, %dma_wait3A_301] : memref<10240x128xf32, #tpu.memory_space<vmem_shared>> -> memref<10240x128xf32, #tpu.memory_space<vmem_shared>>
      tpu.wait_indirect_dma semaphore(%run_scoped3A_290 : memref<!tpu.dma_semaphore, #tpu.memory_space<semaphore_mem>>) src(%arg12 : memref<128x128xf32, #tpu.memory_space<vmem>>) dst(%dma_wait3A_302 : memref<10240x128xf32, #tpu.memory_space<vmem_shared>>)
      tpu.yield
    }) : () -> ()
    %dma_start3A_118 = arith.constant 2 : i32
    %dma_start3A_119 = arith.constant 0 : i32
    %dma_start3A_120 = arith.constant 0 : i32
    %dma_start3A_121 = tpu.memref_slice %arg3[%add3A, %dma_start3A_118, %dma_start3A_119, %dma_start3A_120] : memref<32x4x20x128xi32, #tpu.memory_space<hbm>> -> memref<1x1x20x128xi32, #tpu.memory_space<hbm>>
    %dma_start3A_122 = tpu.memref_squeeze %dma_start3A_121 : memref<1x1x20x128xi32, #tpu.memory_space<hbm>> -> memref<20x128xi32, #tpu.memory_space<hbm>>
    %dma_start3A_123 = arith.constant 0 : i32
    %dma_start3A_124 = arith.constant 0 : i32
    %dma_start3A_125 = tpu.memref_slice %arg3[%add3A, %dma_start3A_118, %dma_start3A_123, %dma_start3A_124] : memref<32x4x20x128xi32, #tpu.memory_space<hbm>> -> memref<1x1x20x128xi32, #tpu.memory_space<hbm>>
    %dma_start3A_126 = tpu.memref_squeeze %dma_start3A_125 : memref<1x1x20x128xi32, #tpu.memory_space<hbm>> -> memref<20x128xi32, #tpu.memory_space<hbm>>
    tpu.enqueue_dma source(%dma_start3A_126 : memref<20x128xi32, #tpu.memory_space<hbm>>) target(%arg7 : memref<20x128xi32, #tpu.memory_space<vmem>>) target_semaphore(%arg16 : memref<!tpu.dma_semaphore, #tpu.memory_space<semaphore_mem>>)
    %dma_start3A_127 = arith.constant 2 : i32
    %dma_start3A_128 = arith.constant 0 : i32
    %dma_start3A_129 = arith.constant 0 : i32
    %dma_start3A_130 = tpu.memref_slice %arg4[%add3A, %dma_start3A_127, %dma_start3A_128, %dma_start3A_129] : memref<32x4x20x128xi32, #tpu.memory_space<hbm>> -> memref<1x1x20x128xi32, #tpu.memory_space<hbm>>
    %dma_start3A_131 = tpu.memref_squeeze %dma_start3A_130 : memref<1x1x20x128xi32, #tpu.memory_space<hbm>> -> memref<20x128xi32, #tpu.memory_space<hbm>>
    %dma_start3A_132 = arith.constant 0 : i32
    %dma_start3A_133 = arith.constant 0 : i32
    %dma_start3A_134 = tpu.memref_slice %arg4[%add3A, %dma_start3A_127, %dma_start3A_132, %dma_start3A_133] : memref<32x4x20x128xi32, #tpu.memory_space<hbm>> -> memref<1x1x20x128xi32, #tpu.memory_space<hbm>>
    %dma_start3A_135 = tpu.memref_squeeze %dma_start3A_134 : memref<1x1x20x128xi32, #tpu.memory_space<hbm>> -> memref<20x128xi32, #tpu.memory_space<hbm>>
    tpu.enqueue_dma source(%dma_start3A_135 : memref<20x128xi32, #tpu.memory_space<hbm>>) target(%arg9 : memref<20x128xi32, #tpu.memory_space<vmem>>) target_semaphore(%arg16 : memref<!tpu.dma_semaphore, #tpu.memory_space<semaphore_mem>>)
    %scan3A_136 = arith.constant 0 : i32
    %scan3A_137 = arith.constant 0 : i32
    %scan3A_138 = arith.constant 9 : i32
    %scan3A_139 = arith.addi %scan3A_137, %scan3A_138 : i32
    %scan3A_140 = arith.constant 1 : i32
    scf.for %scan3A_290 = %scan3A_137 to %scan3A_139 step %scan3A_140  : i32 {
      %mul3A_291 = arith.constant 2 : i32
      %mul3A_292 = arith.muli %mul3A_291, %scan3A_290 : i32
      %add3A_293 = arith.constant 1 : i32
      %add3A_294 = arith.addi %mul3A_292, %add3A_293 : i32
      %dma_start3A_295 = arith.constant 0 : i32
      %dma_start3A_296 = tpu.memref_slice %arg8[%add3A_294, %dma_start3A_295] : memref<20x128xi32, #tpu.memory_space<vmem>> -> memref<1x128xi32, #tpu.memory_space<vmem>>
      %dma_start3A_297 = tpu.memref_squeeze %dma_start3A_296 : memref<1x128xi32, #tpu.memory_space<vmem>> -> memref<128xi32, #tpu.memory_space<vmem>>
      %dma_start3A_298 = arith.constant 0 : i32
      %dma_start3A_299 = arith.constant 0 : i32
      %dma_start3A_300 = tpu.memref_slice %arg2[%dma_start3A_298, %dma_start3A_299] : memref<10000x128xf32, #tpu.memory_space<hbm>> -> memref<10000x128xf32, #tpu.memory_space<hbm>>
      tpu.enqueue_indirect_dma source(%dma_start3A_300 : memref<10000x128xf32, #tpu.memory_space<hbm>>) target(%arg12 : memref<128x128xf32, #tpu.memory_space<vmem>>) offsets(%dma_start3A_297 : memref<128xi32, #tpu.memory_space<vmem>>) semaphore(%arg15 : memref<!tpu.dma_semaphore, #tpu.memory_space<semaphore_mem>>)
      %dma_wait3A_301 = arith.constant 0 : i32
      %dma_wait3A_302 = arith.constant 0 : i32
      %dma_wait3A_303 = tpu.memref_slice %arg2[%dma_wait3A_301, %dma_wait3A_302] : memref<10000x128xf32, #tpu.memory_space<hbm>> -> memref<128x128xf32, #tpu.memory_space<hbm>>
      %dma_wait3A_304 = arith.constant 0 : i32
      %dma_wait3A_305 = arith.constant 0 : i32
      %dma_wait3A_306 = tpu.memref_slice %arg2[%dma_wait3A_304, %dma_wait3A_305] : memref<10000x128xf32, #tpu.memory_space<hbm>> -> memref<128x128xf32, #tpu.memory_space<hbm>>
      tpu.wait_dma2 semaphore(%arg14 : memref<!tpu.dma_semaphore, #tpu.memory_space<semaphore_mem>>) src(%dma_wait3A_306 : memref<128x128xf32, #tpu.memory_space<hbm>>) dst(%arg11 : memref<128x128xf32, #tpu.memory_space<vmem>>)
      "tpu.region"() ({
        %run_scoped3A_323 = tpu.sem_alloc : memref<!tpu.dma_semaphore, #tpu.memory_space<semaphore_mem>>
        %dma_start3A_324 = arith.constant 0 : i32
        %dma_start3A_325 = tpu.memref_slice %arg10[%mul3A_292, %dma_start3A_324] : memref<20x128xi32, #tpu.memory_space<vmem>> -> memref<1x128xi32, #tpu.memory_space<vmem>>
        %dma_start3A_326 = tpu.memref_squeeze %dma_start3A_325 : memref<1x128xi32, #tpu.memory_space<vmem>> -> memref<128xi32, #tpu.memory_space<vmem>>
        %dma_start3A_327 = arith.constant 0 : i32
        %dma_start3A_328 = arith.constant 0 : i32
        %dma_start3A_329 = tpu.memref_slice %arg13[%dma_start3A_327, %dma_start3A_328] : memref<10240x128xf32, #tpu.memory_space<vmem_shared>> -> memref<10240x128xf32, #tpu.memory_space<vmem_shared>>
        tpu.enqueue_indirect_dma source(%arg11 : memref<128x128xf32, #tpu.memory_space<vmem>>) target(%dma_start3A_329 : memref<10240x128xf32, #tpu.memory_space<vmem_shared>>) offsets(%dma_start3A_326 : memref<128xi32, #tpu.memory_space<vmem>>) semaphore(%run_scoped3A_323 : memref<!tpu.dma_semaphore, #tpu.memory_space<semaphore_mem>>) {add = true}
        %dma_wait3A_330 = arith.constant 0 : i32
        %dma_wait3A_331 = tpu.memref_slice %arg10[%mul3A_292, %dma_wait3A_330] : memref<20x128xi32, #tpu.memory_space<vmem>> -> memref<1x128xi32, #tpu.memory_space<vmem>>
        %dma_wait3A_332 = tpu.memref_squeeze %dma_wait3A_331 : memref<1x128xi32, #tpu.memory_space<vmem>> -> memref<128xi32, #tpu.memory_space<vmem>>
        %dma_wait3A_333 = arith.constant 0 : i32
        %dma_wait3A_334 = arith.constant 0 : i32
        %dma_wait3A_335 = tpu.memref_slice %arg13[%dma_wait3A_333, %dma_wait3A_334] : memref<10240x128xf32, #tpu.memory_space<vmem_shared>> -> memref<10240x128xf32, #tpu.memory_space<vmem_shared>>
        tpu.wait_indirect_dma semaphore(%run_scoped3A_323 : memref<!tpu.dma_semaphore, #tpu.memory_space<semaphore_mem>>) src(%arg11 : memref<128x128xf32, #tpu.memory_space<vmem>>) dst(%dma_wait3A_335 : memref<10240x128xf32, #tpu.memory_space<vmem_shared>>)
        tpu.yield
      }) : () -> ()
      %add3A_307 = arith.constant 2 : i32
      %add3A_308 = arith.addi %mul3A_292, %add3A_307 : i32
      %dma_start3A_309 = arith.constant 0 : i32
      %dma_start3A_310 = tpu.memref_slice %arg8[%add3A_308, %dma_start3A_309] : memref<20x128xi32, #tpu.memory_space<vmem>> -> memref<1x128xi32, #tpu.memory_space<vmem>>
      %dma_start3A_311 = tpu.memref_squeeze %dma_start3A_310 : memref<1x128xi32, #tpu.memory_space<vmem>> -> memref<128xi32, #tpu.memory_space<vmem>>
      %dma_start3A_312 = arith.constant 0 : i32
      %dma_start3A_313 = arith.constant 0 : i32
      %dma_start3A_314 = tpu.memref_slice %arg2[%dma_start3A_312, %dma_start3A_313] : memref<10000x128xf32, #tpu.memory_space<hbm>> -> memref<10000x128xf32, #tpu.memory_space<hbm>>
      tpu.enqueue_indirect_dma source(%dma_start3A_314 : memref<10000x128xf32, #tpu.memory_space<hbm>>) target(%arg11 : memref<128x128xf32, #tpu.memory_space<vmem>>) offsets(%dma_start3A_311 : memref<128xi32, #tpu.memory_space<vmem>>) semaphore(%arg14 : memref<!tpu.dma_semaphore, #tpu.memory_space<semaphore_mem>>)
      %dma_wait3A_315 = arith.constant 0 : i32
      %dma_wait3A_316 = arith.constant 0 : i32
      %dma_wait3A_317 = tpu.memref_slice %arg2[%dma_wait3A_315, %dma_wait3A_316] : memref<10000x128xf32, #tpu.memory_space<hbm>> -> memref<128x128xf32, #tpu.memory_space<hbm>>
      %dma_wait3A_318 = arith.constant 0 : i32
      %dma_wait3A_319 = arith.constant 0 : i32
      %dma_wait3A_320 = tpu.memref_slice %arg2[%dma_wait3A_318, %dma_wait3A_319] : memref<10000x128xf32, #tpu.memory_space<hbm>> -> memref<128x128xf32, #tpu.memory_space<hbm>>
      tpu.wait_dma2 semaphore(%arg15 : memref<!tpu.dma_semaphore, #tpu.memory_space<semaphore_mem>>) src(%dma_wait3A_320 : memref<128x128xf32, #tpu.memory_space<hbm>>) dst(%arg12 : memref<128x128xf32, #tpu.memory_space<vmem>>)
      %add3A_321 = arith.constant 1 : i32
      %add3A_322 = arith.addi %mul3A_292, %add3A_321 : i32
      "tpu.region"() ({
        %run_scoped3A_323 = tpu.sem_alloc : memref<!tpu.dma_semaphore, #tpu.memory_space<semaphore_mem>>
        %dma_start3A_324 = arith.constant 0 : i32
        %dma_start3A_325 = tpu.memref_slice %arg10[%add3A_322, %dma_start3A_324] : memref<20x128xi32, #tpu.memory_space<vmem>> -> memref<1x128xi32, #tpu.memory_space<vmem>>
        %dma_start3A_326 = tpu.memref_squeeze %dma_start3A_325 : memref<1x128xi32, #tpu.memory_space<vmem>> -> memref<128xi32, #tpu.memory_space<vmem>>
        %dma_start3A_327 = arith.constant 0 : i32
        %dma_start3A_328 = arith.constant 0 : i32
        %dma_start3A_329 = tpu.memref_slice %arg13[%dma_start3A_327, %dma_start3A_328] : memref<10240x128xf32, #tpu.memory_space<vmem_shared>> -> memref<10240x128xf32, #tpu.memory_space<vmem_shared>>
        tpu.enqueue_indirect_dma source(%arg12 : memref<128x128xf32, #tpu.memory_space<vmem>>) target(%dma_start3A_329 : memref<10240x128xf32, #tpu.memory_space<vmem_shared>>) offsets(%dma_start3A_326 : memref<128xi32, #tpu.memory_space<vmem>>) semaphore(%run_scoped3A_323 : memref<!tpu.dma_semaphore, #tpu.memory_space<semaphore_mem>>) {add = true}
        %dma_wait3A_330 = arith.constant 0 : i32
        %dma_wait3A_331 = tpu.memref_slice %arg10[%add3A_322, %dma_wait3A_330] : memref<20x128xi32, #tpu.memory_space<vmem>> -> memref<1x128xi32, #tpu.memory_space<vmem>>
        %dma_wait3A_332 = tpu.memref_squeeze %dma_wait3A_331 : memref<1x128xi32, #tpu.memory_space<vmem>> -> memref<128xi32, #tpu.memory_space<vmem>>
        %dma_wait3A_333 = arith.constant 0 : i32
        %dma_wait3A_334 = arith.constant 0 : i32
        %dma_wait3A_335 = tpu.memref_slice %arg13[%dma_wait3A_333, %dma_wait3A_334] : memref<10240x128xf32, #tpu.memory_space<vmem_shared>> -> memref<10240x128xf32, #tpu.memory_space<vmem_shared>>
        tpu.wait_indirect_dma semaphore(%run_scoped3A_323 : memref<!tpu.dma_semaphore, #tpu.memory_space<semaphore_mem>>) src(%arg12 : memref<128x128xf32, #tpu.memory_space<vmem>>) dst(%dma_wait3A_335 : memref<10240x128xf32, #tpu.memory_space<vmem_shared>>)
        tpu.yield
      }) : () -> ()
    }
    %scan3A_141 = arith.constant 9 : i32
    %dma_start3A_142 = arith.constant 19 : i32
    %dma_start3A_143 = arith.constant 0 : i32
    %dma_start3A_144 = tpu.memref_slice %arg8[%dma_start3A_142, %dma_start3A_143] : memref<20x128xi32, #tpu.memory_space<vmem>> -> memref<1x128xi32, #tpu.memory_space<vmem>>
    %dma_start3A_145 = tpu.memref_squeeze %dma_start3A_144 : memref<1x128xi32, #tpu.memory_space<vmem>> -> memref<128xi32, #tpu.memory_space<vmem>>
    %dma_start3A_146 = arith.constant 0 : i32
    %dma_start3A_147 = arith.constant 0 : i32
    %dma_start3A_148 = tpu.memref_slice %arg2[%dma_start3A_146, %dma_start3A_147] : memref<10000x128xf32, #tpu.memory_space<hbm>> -> memref<10000x128xf32, #tpu.memory_space<hbm>>
    tpu.enqueue_indirect_dma source(%dma_start3A_148 : memref<10000x128xf32, #tpu.memory_space<hbm>>) target(%arg12 : memref<128x128xf32, #tpu.memory_space<vmem>>) offsets(%dma_start3A_145 : memref<128xi32, #tpu.memory_space<vmem>>) semaphore(%arg15 : memref<!tpu.dma_semaphore, #tpu.memory_space<semaphore_mem>>)
    %dma_wait3A_149 = arith.constant 0 : i32
    %dma_wait3A_150 = arith.constant 0 : i32
    %dma_wait3A_151 = tpu.memref_slice %arg2[%dma_wait3A_149, %dma_wait3A_150] : memref<10000x128xf32, #tpu.memory_space<hbm>> -> memref<128x128xf32, #tpu.memory_space<hbm>>
    %dma_wait3A_152 = arith.constant 0 : i32
    %dma_wait3A_153 = arith.constant 0 : i32
    %dma_wait3A_154 = tpu.memref_slice %arg2[%dma_wait3A_152, %dma_wait3A_153] : memref<10000x128xf32, #tpu.memory_space<hbm>> -> memref<128x128xf32, #tpu.memory_space<hbm>>
    tpu.wait_dma2 semaphore(%arg14 : memref<!tpu.dma_semaphore, #tpu.memory_space<semaphore_mem>>) src(%dma_wait3A_154 : memref<128x128xf32, #tpu.memory_space<hbm>>) dst(%arg11 : memref<128x128xf32, #tpu.memory_space<vmem>>)
    %run_scoped3A_155 = arith.constant 18 : i32
    "tpu.region"() ({
      %run_scoped3A_290 = tpu.sem_alloc : memref<!tpu.dma_semaphore, #tpu.memory_space<semaphore_mem>>
      %dma_start3A_291 = arith.constant 0 : i32
      %dma_start3A_292 = tpu.memref_slice %arg10[%run_scoped3A_155, %dma_start3A_291] : memref<20x128xi32, #tpu.memory_space<vmem>> -> memref<1x128xi32, #tpu.memory_space<vmem>>
      %dma_start3A_293 = tpu.memref_squeeze %dma_start3A_292 : memref<1x128xi32, #tpu.memory_space<vmem>> -> memref<128xi32, #tpu.memory_space<vmem>>
      %dma_start3A_294 = arith.constant 0 : i32
      %dma_start3A_295 = arith.constant 0 : i32
      %dma_start3A_296 = tpu.memref_slice %arg13[%dma_start3A_294, %dma_start3A_295] : memref<10240x128xf32, #tpu.memory_space<vmem_shared>> -> memref<10240x128xf32, #tpu.memory_space<vmem_shared>>
      tpu.enqueue_indirect_dma source(%arg11 : memref<128x128xf32, #tpu.memory_space<vmem>>) target(%dma_start3A_296 : memref<10240x128xf32, #tpu.memory_space<vmem_shared>>) offsets(%dma_start3A_293 : memref<128xi32, #tpu.memory_space<vmem>>) semaphore(%run_scoped3A_290 : memref<!tpu.dma_semaphore, #tpu.memory_space<semaphore_mem>>) {add = true}
      %dma_wait3A_297 = arith.constant 0 : i32
      %dma_wait3A_298 = tpu.memref_slice %arg10[%run_scoped3A_155, %dma_wait3A_297] : memref<20x128xi32, #tpu.memory_space<vmem>> -> memref<1x128xi32, #tpu.memory_space<vmem>>
      %dma_wait3A_299 = tpu.memref_squeeze %dma_wait3A_298 : memref<1x128xi32, #tpu.memory_space<vmem>> -> memref<128xi32, #tpu.memory_space<vmem>>
      %dma_wait3A_300 = arith.constant 0 : i32
      %dma_wait3A_301 = arith.constant 0 : i32
      %dma_wait3A_302 = tpu.memref_slice %arg13[%dma_wait3A_300, %dma_wait3A_301] : memref<10240x128xf32, #tpu.memory_space<vmem_shared>> -> memref<10240x128xf32, #tpu.memory_space<vmem_shared>>
      tpu.wait_indirect_dma semaphore(%run_scoped3A_290 : memref<!tpu.dma_semaphore, #tpu.memory_space<semaphore_mem>>) src(%arg11 : memref<128x128xf32, #tpu.memory_space<vmem>>) dst(%dma_wait3A_302 : memref<10240x128xf32, #tpu.memory_space<vmem_shared>>)
      tpu.yield
    }) : () -> ()
    %dma_wait3A_156 = arith.constant 2 : i32
    %dma_wait3A_157 = arith.constant 0 : i32
    %dma_wait3A_158 = arith.constant 0 : i32
    %dma_wait3A_159 = tpu.memref_slice %arg3[%add3A, %dma_wait3A_156, %dma_wait3A_157, %dma_wait3A_158] : memref<32x4x20x128xi32, #tpu.memory_space<hbm>> -> memref<1x1x20x128xi32, #tpu.memory_space<hbm>>
    %dma_wait3A_160 = tpu.memref_squeeze %dma_wait3A_159 : memref<1x1x20x128xi32, #tpu.memory_space<hbm>> -> memref<20x128xi32, #tpu.memory_space<hbm>>
    %dma_wait3A_161 = arith.constant 0 : i32
    %dma_wait3A_162 = arith.constant 0 : i32
    %dma_wait3A_163 = tpu.memref_slice %arg3[%add3A, %dma_wait3A_156, %dma_wait3A_161, %dma_wait3A_162] : memref<32x4x20x128xi32, #tpu.memory_space<hbm>> -> memref<1x1x20x128xi32, #tpu.memory_space<hbm>>
    %dma_wait3A_164 = tpu.memref_squeeze %dma_wait3A_163 : memref<1x1x20x128xi32, #tpu.memory_space<hbm>> -> memref<20x128xi32, #tpu.memory_space<hbm>>
    tpu.wait_dma2 semaphore(%arg16 : memref<!tpu.dma_semaphore, #tpu.memory_space<semaphore_mem>>) src(%dma_wait3A_164 : memref<20x128xi32, #tpu.memory_space<hbm>>) dst(%arg7 : memref<20x128xi32, #tpu.memory_space<vmem>>)
    %dma_wait3A_165 = arith.constant 2 : i32
    %dma_wait3A_166 = arith.constant 0 : i32
    %dma_wait3A_167 = arith.constant 0 : i32
    %dma_wait3A_168 = tpu.memref_slice %arg4[%add3A, %dma_wait3A_165, %dma_wait3A_166, %dma_wait3A_167] : memref<32x4x20x128xi32, #tpu.memory_space<hbm>> -> memref<1x1x20x128xi32, #tpu.memory_space<hbm>>
    %dma_wait3A_169 = tpu.memref_squeeze %dma_wait3A_168 : memref<1x1x20x128xi32, #tpu.memory_space<hbm>> -> memref<20x128xi32, #tpu.memory_space<hbm>>
    %dma_wait3A_170 = arith.constant 0 : i32
    %dma_wait3A_171 = arith.constant 0 : i32
    %dma_wait3A_172 = tpu.memref_slice %arg4[%add3A, %dma_wait3A_165, %dma_wait3A_170, %dma_wait3A_171] : memref<32x4x20x128xi32, #tpu.memory_space<hbm>> -> memref<1x1x20x128xi32, #tpu.memory_space<hbm>>
    %dma_wait3A_173 = tpu.memref_squeeze %dma_wait3A_172 : memref<1x1x20x128xi32, #tpu.memory_space<hbm>> -> memref<20x128xi32, #tpu.memory_space<hbm>>
    tpu.wait_dma2 semaphore(%arg16 : memref<!tpu.dma_semaphore, #tpu.memory_space<semaphore_mem>>) src(%dma_wait3A_173 : memref<20x128xi32, #tpu.memory_space<hbm>>) dst(%arg9 : memref<20x128xi32, #tpu.memory_space<vmem>>)
    %dma_start3A_174 = arith.constant 0 : i32
    %dma_start3A_175 = arith.constant 0 : i32
    %dma_start3A_176 = tpu.memref_slice %arg7[%dma_start3A_174, %dma_start3A_175] : memref<20x128xi32, #tpu.memory_space<vmem>> -> memref<1x128xi32, #tpu.memory_space<vmem>>
    %dma_start3A_177 = tpu.memref_squeeze %dma_start3A_176 : memref<1x128xi32, #tpu.memory_space<vmem>> -> memref<128xi32, #tpu.memory_space<vmem>>
    %dma_start3A_178 = arith.constant 0 : i32
    %dma_start3A_179 = arith.constant 0 : i32
    %dma_start3A_180 = tpu.memref_slice %arg2[%dma_start3A_178, %dma_start3A_179] : memref<10000x128xf32, #tpu.memory_space<hbm>> -> memref<10000x128xf32, #tpu.memory_space<hbm>>
    tpu.enqueue_indirect_dma source(%dma_start3A_180 : memref<10000x128xf32, #tpu.memory_space<hbm>>) target(%arg11 : memref<128x128xf32, #tpu.memory_space<vmem>>) offsets(%dma_start3A_177 : memref<128xi32, #tpu.memory_space<vmem>>) semaphore(%arg14 : memref<!tpu.dma_semaphore, #tpu.memory_space<semaphore_mem>>)
    %dma_wait3A_181 = arith.constant 0 : i32
    %dma_wait3A_182 = arith.constant 0 : i32
    %dma_wait3A_183 = tpu.memref_slice %arg2[%dma_wait3A_181, %dma_wait3A_182] : memref<10000x128xf32, #tpu.memory_space<hbm>> -> memref<128x128xf32, #tpu.memory_space<hbm>>
    %dma_wait3A_184 = arith.constant 0 : i32
    %dma_wait3A_185 = arith.constant 0 : i32
    %dma_wait3A_186 = tpu.memref_slice %arg2[%dma_wait3A_184, %dma_wait3A_185] : memref<10000x128xf32, #tpu.memory_space<hbm>> -> memref<128x128xf32, #tpu.memory_space<hbm>>
    tpu.wait_dma2 semaphore(%arg15 : memref<!tpu.dma_semaphore, #tpu.memory_space<semaphore_mem>>) src(%dma_wait3A_186 : memref<128x128xf32, #tpu.memory_space<hbm>>) dst(%arg12 : memref<128x128xf32, #tpu.memory_space<vmem>>)
    %run_scoped3A_187 = arith.constant 19 : i32
    "tpu.region"() ({
      %run_scoped3A_290 = tpu.sem_alloc : memref<!tpu.dma_semaphore, #tpu.memory_space<semaphore_mem>>
      %dma_start3A_291 = arith.constant 0 : i32
      %dma_start3A_292 = tpu.memref_slice %arg10[%run_scoped3A_187, %dma_start3A_291] : memref<20x128xi32, #tpu.memory_space<vmem>> -> memref<1x128xi32, #tpu.memory_space<vmem>>
      %dma_start3A_293 = tpu.memref_squeeze %dma_start3A_292 : memref<1x128xi32, #tpu.memory_space<vmem>> -> memref<128xi32, #tpu.memory_space<vmem>>
      %dma_start3A_294 = arith.constant 0 : i32
      %dma_start3A_295 = arith.constant 0 : i32
      %dma_start3A_296 = tpu.memref_slice %arg13[%dma_start3A_294, %dma_start3A_295] : memref<10240x128xf32, #tpu.memory_space<vmem_shared>> -> memref<10240x128xf32, #tpu.memory_space<vmem_shared>>
      tpu.enqueue_indirect_dma source(%arg12 : memref<128x128xf32, #tpu.memory_space<vmem>>) target(%dma_start3A_296 : memref<10240x128xf32, #tpu.memory_space<vmem_shared>>) offsets(%dma_start3A_293 : memref<128xi32, #tpu.memory_space<vmem>>) semaphore(%run_scoped3A_290 : memref<!tpu.dma_semaphore, #tpu.memory_space<semaphore_mem>>) {add = true}
      %dma_wait3A_297 = arith.constant 0 : i32
      %dma_wait3A_298 = tpu.memref_slice %arg10[%run_scoped3A_187, %dma_wait3A_297] : memref<20x128xi32, #tpu.memory_space<vmem>> -> memref<1x128xi32, #tpu.memory_space<vmem>>
      %dma_wait3A_299 = tpu.memref_squeeze %dma_wait3A_298 : memref<1x128xi32, #tpu.memory_space<vmem>> -> memref<128xi32, #tpu.memory_space<vmem>>
      %dma_wait3A_300 = arith.constant 0 : i32
      %dma_wait3A_301 = arith.constant 0 : i32
      %dma_wait3A_302 = tpu.memref_slice %arg13[%dma_wait3A_300, %dma_wait3A_301] : memref<10240x128xf32, #tpu.memory_space<vmem_shared>> -> memref<10240x128xf32, #tpu.memory_space<vmem_shared>>
      tpu.wait_indirect_dma semaphore(%run_scoped3A_290 : memref<!tpu.dma_semaphore, #tpu.memory_space<semaphore_mem>>) src(%arg12 : memref<128x128xf32, #tpu.memory_space<vmem>>) dst(%dma_wait3A_302 : memref<10240x128xf32, #tpu.memory_space<vmem_shared>>)
      tpu.yield
    }) : () -> ()
    %dma_start3A_188 = arith.constant 3 : i32
    %dma_start3A_189 = arith.constant 0 : i32
    %dma_start3A_190 = arith.constant 0 : i32
    %dma_start3A_191 = tpu.memref_slice %arg3[%add3A, %dma_start3A_188, %dma_start3A_189, %dma_start3A_190] : memref<32x4x20x128xi32, #tpu.memory_space<hbm>> -> memref<1x1x20x128xi32, #tpu.memory_space<hbm>>
    %dma_start3A_192 = tpu.memref_squeeze %dma_start3A_191 : memref<1x1x20x128xi32, #tpu.memory_space<hbm>> -> memref<20x128xi32, #tpu.memory_space<hbm>>
    %dma_start3A_193 = arith.constant 0 : i32
    %dma_start3A_194 = arith.constant 0 : i32
    %dma_start3A_195 = tpu.memref_slice %arg3[%add3A, %dma_start3A_188, %dma_start3A_193, %dma_start3A_194] : memref<32x4x20x128xi32, #tpu.memory_space<hbm>> -> memref<1x1x20x128xi32, #tpu.memory_space<hbm>>
    %dma_start3A_196 = tpu.memref_squeeze %dma_start3A_195 : memref<1x1x20x128xi32, #tpu.memory_space<hbm>> -> memref<20x128xi32, #tpu.memory_space<hbm>>
    tpu.enqueue_dma source(%dma_start3A_196 : memref<20x128xi32, #tpu.memory_space<hbm>>) target(%arg8 : memref<20x128xi32, #tpu.memory_space<vmem>>) target_semaphore(%arg16 : memref<!tpu.dma_semaphore, #tpu.memory_space<semaphore_mem>>)
    %dma_start3A_197 = arith.constant 3 : i32
    %dma_start3A_198 = arith.constant 0 : i32
    %dma_start3A_199 = arith.constant 0 : i32
    %dma_start3A_200 = tpu.memref_slice %arg4[%add3A, %dma_start3A_197, %dma_start3A_198, %dma_start3A_199] : memref<32x4x20x128xi32, #tpu.memory_space<hbm>> -> memref<1x1x20x128xi32, #tpu.memory_space<hbm>>
    %dma_start3A_201 = tpu.memref_squeeze %dma_start3A_200 : memref<1x1x20x128xi32, #tpu.memory_space<hbm>> -> memref<20x128xi32, #tpu.memory_space<hbm>>
    %dma_start3A_202 = arith.constant 0 : i32
    %dma_start3A_203 = arith.constant 0 : i32
    %dma_start3A_204 = tpu.memref_slice %arg4[%add3A, %dma_start3A_197, %dma_start3A_202, %dma_start3A_203] : memref<32x4x20x128xi32, #tpu.memory_space<hbm>> -> memref<1x1x20x128xi32, #tpu.memory_space<hbm>>
    %dma_start3A_205 = tpu.memref_squeeze %dma_start3A_204 : memref<1x1x20x128xi32, #tpu.memory_space<hbm>> -> memref<20x128xi32, #tpu.memory_space<hbm>>
    tpu.enqueue_dma source(%dma_start3A_205 : memref<20x128xi32, #tpu.memory_space<hbm>>) target(%arg10 : memref<20x128xi32, #tpu.memory_space<vmem>>) target_semaphore(%arg16 : memref<!tpu.dma_semaphore, #tpu.memory_space<semaphore_mem>>)
    %scan3A_206 = arith.constant 0 : i32
    %scan3A_207 = arith.constant 0 : i32
    %scan3A_208 = arith.constant 9 : i32
    %scan3A_209 = arith.addi %scan3A_207, %scan3A_208 : i32
    %scan3A_210 = arith.constant 1 : i32
    scf.for %scan3A_290 = %scan3A_207 to %scan3A_209 step %scan3A_210  : i32 {
      %mul3A_291 = arith.constant 2 : i32
      %mul3A_292 = arith.muli %mul3A_291, %scan3A_290 : i32
      %add3A_293 = arith.constant 1 : i32
      %add3A_294 = arith.addi %mul3A_292, %add3A_293 : i32
      %dma_start3A_295 = arith.constant 0 : i32
      %dma_start3A_296 = tpu.memref_slice %arg7[%add3A_294, %dma_start3A_295] : memref<20x128xi32, #tpu.memory_space<vmem>> -> memref<1x128xi32, #tpu.memory_space<vmem>>
      %dma_start3A_297 = tpu.memref_squeeze %dma_start3A_296 : memref<1x128xi32, #tpu.memory_space<vmem>> -> memref<128xi32, #tpu.memory_space<vmem>>
      %dma_start3A_298 = arith.constant 0 : i32
      %dma_start3A_299 = arith.constant 0 : i32
      %dma_start3A_300 = tpu.memref_slice %arg2[%dma_start3A_298, %dma_start3A_299] : memref<10000x128xf32, #tpu.memory_space<hbm>> -> memref<10000x128xf32, #tpu.memory_space<hbm>>
      tpu.enqueue_indirect_dma source(%dma_start3A_300 : memref<10000x128xf32, #tpu.memory_space<hbm>>) target(%arg12 : memref<128x128xf32, #tpu.memory_space<vmem>>) offsets(%dma_start3A_297 : memref<128xi32, #tpu.memory_space<vmem>>) semaphore(%arg15 : memref<!tpu.dma_semaphore, #tpu.memory_space<semaphore_mem>>)
      %dma_wait3A_301 = arith.constant 0 : i32
      %dma_wait3A_302 = arith.constant 0 : i32
      %dma_wait3A_303 = tpu.memref_slice %arg2[%dma_wait3A_301, %dma_wait3A_302] : memref<10000x128xf32, #tpu.memory_space<hbm>> -> memref<128x128xf32, #tpu.memory_space<hbm>>
      %dma_wait3A_304 = arith.constant 0 : i32
      %dma_wait3A_305 = arith.constant 0 : i32
      %dma_wait3A_306 = tpu.memref_slice %arg2[%dma_wait3A_304, %dma_wait3A_305] : memref<10000x128xf32, #tpu.memory_space<hbm>> -> memref<128x128xf32, #tpu.memory_space<hbm>>
      tpu.wait_dma2 semaphore(%arg14 : memref<!tpu.dma_semaphore, #tpu.memory_space<semaphore_mem>>) src(%dma_wait3A_306 : memref<128x128xf32, #tpu.memory_space<hbm>>) dst(%arg11 : memref<128x128xf32, #tpu.memory_space<vmem>>)
      "tpu.region"() ({
        %run_scoped3A_323 = tpu.sem_alloc : memref<!tpu.dma_semaphore, #tpu.memory_space<semaphore_mem>>
        %dma_start3A_324 = arith.constant 0 : i32
        %dma_start3A_325 = tpu.memref_slice %arg9[%mul3A_292, %dma_start3A_324] : memref<20x128xi32, #tpu.memory_space<vmem>> -> memref<1x128xi32, #tpu.memory_space<vmem>>
        %dma_start3A_326 = tpu.memref_squeeze %dma_start3A_325 : memref<1x128xi32, #tpu.memory_space<vmem>> -> memref<128xi32, #tpu.memory_space<vmem>>
        %dma_start3A_327 = arith.constant 0 : i32
        %dma_start3A_328 = arith.constant 0 : i32
        %dma_start3A_329 = tpu.memref_slice %arg13[%dma_start3A_327, %dma_start3A_328] : memref<10240x128xf32, #tpu.memory_space<vmem_shared>> -> memref<10240x128xf32, #tpu.memory_space<vmem_shared>>
        tpu.enqueue_indirect_dma source(%arg11 : memref<128x128xf32, #tpu.memory_space<vmem>>) target(%dma_start3A_329 : memref<10240x128xf32, #tpu.memory_space<vmem_shared>>) offsets(%dma_start3A_326 : memref<128xi32, #tpu.memory_space<vmem>>) semaphore(%run_scoped3A_323 : memref<!tpu.dma_semaphore, #tpu.memory_space<semaphore_mem>>) {add = true}
        %dma_wait3A_330 = arith.constant 0 : i32
        %dma_wait3A_331 = tpu.memref_slice %arg9[%mul3A_292, %dma_wait3A_330] : memref<20x128xi32, #tpu.memory_space<vmem>> -> memref<1x128xi32, #tpu.memory_space<vmem>>
        %dma_wait3A_332 = tpu.memref_squeeze %dma_wait3A_331 : memref<1x128xi32, #tpu.memory_space<vmem>> -> memref<128xi32, #tpu.memory_space<vmem>>
        %dma_wait3A_333 = arith.constant 0 : i32
        %dma_wait3A_334 = arith.constant 0 : i32
        %dma_wait3A_335 = tpu.memref_slice %arg13[%dma_wait3A_333, %dma_wait3A_334] : memref<10240x128xf32, #tpu.memory_space<vmem_shared>> -> memref<10240x128xf32, #tpu.memory_space<vmem_shared>>
        tpu.wait_indirect_dma semaphore(%run_scoped3A_323 : memref<!tpu.dma_semaphore, #tpu.memory_space<semaphore_mem>>) src(%arg11 : memref<128x128xf32, #tpu.memory_space<vmem>>) dst(%dma_wait3A_335 : memref<10240x128xf32, #tpu.memory_space<vmem_shared>>)
        tpu.yield
      }) : () -> ()
      %add3A_307 = arith.constant 2 : i32
      %add3A_308 = arith.addi %mul3A_292, %add3A_307 : i32
      %dma_start3A_309 = arith.constant 0 : i32
      %dma_start3A_310 = tpu.memref_slice %arg7[%add3A_308, %dma_start3A_309] : memref<20x128xi32, #tpu.memory_space<vmem>> -> memref<1x128xi32, #tpu.memory_space<vmem>>
      %dma_start3A_311 = tpu.memref_squeeze %dma_start3A_310 : memref<1x128xi32, #tpu.memory_space<vmem>> -> memref<128xi32, #tpu.memory_space<vmem>>
      %dma_start3A_312 = arith.constant 0 : i32
      %dma_start3A_313 = arith.constant 0 : i32
      %dma_start3A_314 = tpu.memref_slice %arg2[%dma_start3A_312, %dma_start3A_313] : memref<10000x128xf32, #tpu.memory_space<hbm>> -> memref<10000x128xf32, #tpu.memory_space<hbm>>
      tpu.enqueue_indirect_dma source(%dma_start3A_314 : memref<10000x128xf32, #tpu.memory_space<hbm>>) target(%arg11 : memref<128x128xf32, #tpu.memory_space<vmem>>) offsets(%dma_start3A_311 : memref<128xi32, #tpu.memory_space<vmem>>) semaphore(%arg14 : memref<!tpu.dma_semaphore, #tpu.memory_space<semaphore_mem>>)
      %dma_wait3A_315 = arith.constant 0 : i32
      %dma_wait3A_316 = arith.constant 0 : i32
      %dma_wait3A_317 = tpu.memref_slice %arg2[%dma_wait3A_315, %dma_wait3A_316] : memref<10000x128xf32, #tpu.memory_space<hbm>> -> memref<128x128xf32, #tpu.memory_space<hbm>>
      %dma_wait3A_318 = arith.constant 0 : i32
      %dma_wait3A_319 = arith.constant 0 : i32
      %dma_wait3A_320 = tpu.memref_slice %arg2[%dma_wait3A_318, %dma_wait3A_319] : memref<10000x128xf32, #tpu.memory_space<hbm>> -> memref<128x128xf32, #tpu.memory_space<hbm>>
      tpu.wait_dma2 semaphore(%arg15 : memref<!tpu.dma_semaphore, #tpu.memory_space<semaphore_mem>>) src(%dma_wait3A_320 : memref<128x128xf32, #tpu.memory_space<hbm>>) dst(%arg12 : memref<128x128xf32, #tpu.memory_space<vmem>>)
      %add3A_321 = arith.constant 1 : i32
      %add3A_322 = arith.addi %mul3A_292, %add3A_321 : i32
      "tpu.region"() ({
        %run_scoped3A_323 = tpu.sem_alloc : memref<!tpu.dma_semaphore, #tpu.memory_space<semaphore_mem>>
        %dma_start3A_324 = arith.constant 0 : i32
        %dma_start3A_325 = tpu.memref_slice %arg9[%add3A_322, %dma_start3A_324] : memref<20x128xi32, #tpu.memory_space<vmem>> -> memref<1x128xi32, #tpu.memory_space<vmem>>
        %dma_start3A_326 = tpu.memref_squeeze %dma_start3A_325 : memref<1x128xi32, #tpu.memory_space<vmem>> -> memref<128xi32, #tpu.memory_space<vmem>>
        %dma_start3A_327 = arith.constant 0 : i32
        %dma_start3A_328 = arith.constant 0 : i32
        %dma_start3A_329 = tpu.memref_slice %arg13[%dma_start3A_327, %dma_start3A_328] : memref<10240x128xf32, #tpu.memory_space<vmem_shared>> -> memref<10240x128xf32, #tpu.memory_space<vmem_shared>>
        tpu.enqueue_indirect_dma source(%arg12 : memref<128x128xf32, #tpu.memory_space<vmem>>) target(%dma_start3A_329 : memref<10240x128xf32, #tpu.memory_space<vmem_shared>>) offsets(%dma_start3A_326 : memref<128xi32, #tpu.memory_space<vmem>>) semaphore(%run_scoped3A_323 : memref<!tpu.dma_semaphore, #tpu.memory_space<semaphore_mem>>) {add = true}
        %dma_wait3A_330 = arith.constant 0 : i32
        %dma_wait3A_331 = tpu.memref_slice %arg9[%add3A_322, %dma_wait3A_330] : memref<20x128xi32, #tpu.memory_space<vmem>> -> memref<1x128xi32, #tpu.memory_space<vmem>>
        %dma_wait3A_332 = tpu.memref_squeeze %dma_wait3A_331 : memref<1x128xi32, #tpu.memory_space<vmem>> -> memref<128xi32, #tpu.memory_space<vmem>>
        %dma_wait3A_333 = arith.constant 0 : i32
        %dma_wait3A_334 = arith.constant 0 : i32
        %dma_wait3A_335 = tpu.memref_slice %arg13[%dma_wait3A_333, %dma_wait3A_334] : memref<10240x128xf32, #tpu.memory_space<vmem_shared>> -> memref<10240x128xf32, #tpu.memory_space<vmem_shared>>
        tpu.wait_indirect_dma semaphore(%run_scoped3A_323 : memref<!tpu.dma_semaphore, #tpu.memory_space<semaphore_mem>>) src(%arg12 : memref<128x128xf32, #tpu.memory_space<vmem>>) dst(%dma_wait3A_335 : memref<10240x128xf32, #tpu.memory_space<vmem_shared>>)
        tpu.yield
      }) : () -> ()
    }
    %scan3A_211 = arith.constant 9 : i32
    %dma_start3A_212 = arith.constant 19 : i32
    %dma_start3A_213 = arith.constant 0 : i32
    %dma_start3A_214 = tpu.memref_slice %arg7[%dma_start3A_212, %dma_start3A_213] : memref<20x128xi32, #tpu.memory_space<vmem>> -> memref<1x128xi32, #tpu.memory_space<vmem>>
    %dma_start3A_215 = tpu.memref_squeeze %dma_start3A_214 : memref<1x128xi32, #tpu.memory_space<vmem>> -> memref<128xi32, #tpu.memory_space<vmem>>
    %dma_start3A_216 = arith.constant 0 : i32
    %dma_start3A_217 = arith.constant 0 : i32
    %dma_start3A_218 = tpu.memref_slice %arg2[%dma_start3A_216, %dma_start3A_217] : memref<10000x128xf32, #tpu.memory_space<hbm>> -> memref<10000x128xf32, #tpu.memory_space<hbm>>
    tpu.enqueue_indirect_dma source(%dma_start3A_218 : memref<10000x128xf32, #tpu.memory_space<hbm>>) target(%arg12 : memref<128x128xf32, #tpu.memory_space<vmem>>) offsets(%dma_start3A_215 : memref<128xi32, #tpu.memory_space<vmem>>) semaphore(%arg15 : memref<!tpu.dma_semaphore, #tpu.memory_space<semaphore_mem>>)
    %dma_wait3A_219 = arith.constant 0 : i32
    %dma_wait3A_220 = arith.constant 0 : i32
    %dma_wait3A_221 = tpu.memref_slice %arg2[%dma_wait3A_219, %dma_wait3A_220] : memref<10000x128xf32, #tpu.memory_space<hbm>> -> memref<128x128xf32, #tpu.memory_space<hbm>>
    %dma_wait3A_222 = arith.constant 0 : i32
    %dma_wait3A_223 = arith.constant 0 : i32
    %dma_wait3A_224 = tpu.memref_slice %arg2[%dma_wait3A_222, %dma_wait3A_223] : memref<10000x128xf32, #tpu.memory_space<hbm>> -> memref<128x128xf32, #tpu.memory_space<hbm>>
    tpu.wait_dma2 semaphore(%arg14 : memref<!tpu.dma_semaphore, #tpu.memory_space<semaphore_mem>>) src(%dma_wait3A_224 : memref<128x128xf32, #tpu.memory_space<hbm>>) dst(%arg11 : memref<128x128xf32, #tpu.memory_space<vmem>>)
    %run_scoped3A_225 = arith.constant 18 : i32
    "tpu.region"() ({
      %run_scoped3A_290 = tpu.sem_alloc : memref<!tpu.dma_semaphore, #tpu.memory_space<semaphore_mem>>
      %dma_start3A_291 = arith.constant 0 : i32
      %dma_start3A_292 = tpu.memref_slice %arg9[%run_scoped3A_225, %dma_start3A_291] : memref<20x128xi32, #tpu.memory_space<vmem>> -> memref<1x128xi32, #tpu.memory_space<vmem>>
      %dma_start3A_293 = tpu.memref_squeeze %dma_start3A_292 : memref<1x128xi32, #tpu.memory_space<vmem>> -> memref<128xi32, #tpu.memory_space<vmem>>
      %dma_start3A_294 = arith.constant 0 : i32
      %dma_start3A_295 = arith.constant 0 : i32
      %dma_start3A_296 = tpu.memref_slice %arg13[%dma_start3A_294, %dma_start3A_295] : memref<10240x128xf32, #tpu.memory_space<vmem_shared>> -> memref<10240x128xf32, #tpu.memory_space<vmem_shared>>
      tpu.enqueue_indirect_dma source(%arg11 : memref<128x128xf32, #tpu.memory_space<vmem>>) target(%dma_start3A_296 : memref<10240x128xf32, #tpu.memory_space<vmem_shared>>) offsets(%dma_start3A_293 : memref<128xi32, #tpu.memory_space<vmem>>) semaphore(%run_scoped3A_290 : memref<!tpu.dma_semaphore, #tpu.memory_space<semaphore_mem>>) {add = true}
      %dma_wait3A_297 = arith.constant 0 : i32
      %dma_wait3A_298 = tpu.memref_slice %arg9[%run_scoped3A_225, %dma_wait3A_297] : memref<20x128xi32, #tpu.memory_space<vmem>> -> memref<1x128xi32, #tpu.memory_space<vmem>>
      %dma_wait3A_299 = tpu.memref_squeeze %dma_wait3A_298 : memref<1x128xi32, #tpu.memory_space<vmem>> -> memref<128xi32, #tpu.memory_space<vmem>>
      %dma_wait3A_300 = arith.constant 0 : i32
      %dma_wait3A_301 = arith.constant 0 : i32
      %dma_wait3A_302 = tpu.memref_slice %arg13[%dma_wait3A_300, %dma_wait3A_301] : memref<10240x128xf32, #tpu.memory_space<vmem_shared>> -> memref<10240x128xf32, #tpu.memory_space<vmem_shared>>
      tpu.wait_indirect_dma semaphore(%run_scoped3A_290 : memref<!tpu.dma_semaphore, #tpu.memory_space<semaphore_mem>>) src(%arg11 : memref<128x128xf32, #tpu.memory_space<vmem>>) dst(%dma_wait3A_302 : memref<10240x128xf32, #tpu.memory_space<vmem_shared>>)
      tpu.yield
    }) : () -> ()
    %dma_wait3A_226 = arith.constant 3 : i32
    %dma_wait3A_227 = arith.constant 0 : i32
    %dma_wait3A_228 = arith.constant 0 : i32
    %dma_wait3A_229 = tpu.memref_slice %arg3[%add3A, %dma_wait3A_226, %dma_wait3A_227, %dma_wait3A_228] : memref<32x4x20x128xi32, #tpu.memory_space<hbm>> -> memref<1x1x20x128xi32, #tpu.memory_space<hbm>>
    %dma_wait3A_230 = tpu.memref_squeeze %dma_wait3A_229 : memref<1x1x20x128xi32, #tpu.memory_space<hbm>> -> memref<20x128xi32, #tpu.memory_space<hbm>>
    %dma_wait3A_231 = arith.constant 0 : i32
    %dma_wait3A_232 = arith.constant 0 : i32
    %dma_wait3A_233 = tpu.memref_slice %arg3[%add3A, %dma_wait3A_226, %dma_wait3A_231, %dma_wait3A_232] : memref<32x4x20x128xi32, #tpu.memory_space<hbm>> -> memref<1x1x20x128xi32, #tpu.memory_space<hbm>>
    %dma_wait3A_234 = tpu.memref_squeeze %dma_wait3A_233 : memref<1x1x20x128xi32, #tpu.memory_space<hbm>> -> memref<20x128xi32, #tpu.memory_space<hbm>>
    tpu.wait_dma2 semaphore(%arg16 : memref<!tpu.dma_semaphore, #tpu.memory_space<semaphore_mem>>) src(%dma_wait3A_234 : memref<20x128xi32, #tpu.memory_space<hbm>>) dst(%arg8 : memref<20x128xi32, #tpu.memory_space<vmem>>)
    %dma_wait3A_235 = arith.constant 3 : i32
    %dma_wait3A_236 = arith.constant 0 : i32
    %dma_wait3A_237 = arith.constant 0 : i32
    %dma_wait3A_238 = tpu.memref_slice %arg4[%add3A, %dma_wait3A_235, %dma_wait3A_236, %dma_wait3A_237] : memref<32x4x20x128xi32, #tpu.memory_space<hbm>> -> memref<1x1x20x128xi32, #tpu.memory_space<hbm>>
    %dma_wait3A_239 = tpu.memref_squeeze %dma_wait3A_238 : memref<1x1x20x128xi32, #tpu.memory_space<hbm>> -> memref<20x128xi32, #tpu.memory_space<hbm>>
    %dma_wait3A_240 = arith.constant 0 : i32
    %dma_wait3A_241 = arith.constant 0 : i32
    %dma_wait3A_242 = tpu.memref_slice %arg4[%add3A, %dma_wait3A_235, %dma_wait3A_240, %dma_wait3A_241] : memref<32x4x20x128xi32, #tpu.memory_space<hbm>> -> memref<1x1x20x128xi32, #tpu.memory_space<hbm>>
    %dma_wait3A_243 = tpu.memref_squeeze %dma_wait3A_242 : memref<1x1x20x128xi32, #tpu.memory_space<hbm>> -> memref<20x128xi32, #tpu.memory_space<hbm>>
    tpu.wait_dma2 semaphore(%arg16 : memref<!tpu.dma_semaphore, #tpu.memory_space<semaphore_mem>>) src(%dma_wait3A_243 : memref<20x128xi32, #tpu.memory_space<hbm>>) dst(%arg10 : memref<20x128xi32, #tpu.memory_space<vmem>>)
    %dma_start3A_244 = arith.constant 0 : i32
    %dma_start3A_245 = arith.constant 0 : i32
    %dma_start3A_246 = tpu.memref_slice %arg8[%dma_start3A_244, %dma_start3A_245] : memref<20x128xi32, #tpu.memory_space<vmem>> -> memref<1x128xi32, #tpu.memory_space<vmem>>
    %dma_start3A_247 = tpu.memref_squeeze %dma_start3A_246 : memref<1x128xi32, #tpu.memory_space<vmem>> -> memref<128xi32, #tpu.memory_space<vmem>>
    %dma_start3A_248 = arith.constant 0 : i32
    %dma_start3A_249 = arith.constant 0 : i32
    %dma_start3A_250 = tpu.memref_slice %arg2[%dma_start3A_248, %dma_start3A_249] : memref<10000x128xf32, #tpu.memory_space<hbm>> -> memref<10000x128xf32, #tpu.memory_space<hbm>>
    tpu.enqueue_indirect_dma source(%dma_start3A_250 : memref<10000x128xf32, #tpu.memory_space<hbm>>) target(%arg11 : memref<128x128xf32, #tpu.memory_space<vmem>>) offsets(%dma_start3A_247 : memref<128xi32, #tpu.memory_space<vmem>>) semaphore(%arg14 : memref<!tpu.dma_semaphore, #tpu.memory_space<semaphore_mem>>)
    %dma_wait3A_251 = arith.constant 0 : i32
    %dma_wait3A_252 = arith.constant 0 : i32
    %dma_wait3A_253 = tpu.memref_slice %arg2[%dma_wait3A_251, %dma_wait3A_252] : memref<10000x128xf32, #tpu.memory_space<hbm>> -> memref<128x128xf32, #tpu.memory_space<hbm>>
    %dma_wait3A_254 = arith.constant 0 : i32
    %dma_wait3A_255 = arith.constant 0 : i32
    %dma_wait3A_256 = tpu.memref_slice %arg2[%dma_wait3A_254, %dma_wait3A_255] : memref<10000x128xf32, #tpu.memory_space<hbm>> -> memref<128x128xf32, #tpu.memory_space<hbm>>
    tpu.wait_dma2 semaphore(%arg15 : memref<!tpu.dma_semaphore, #tpu.memory_space<semaphore_mem>>) src(%dma_wait3A_256 : memref<128x128xf32, #tpu.memory_space<hbm>>) dst(%arg12 : memref<128x128xf32, #tpu.memory_space<vmem>>)
    %run_scoped3A_257 = arith.constant 19 : i32
    "tpu.region"() ({
      %run_scoped3A_290 = tpu.sem_alloc : memref<!tpu.dma_semaphore, #tpu.memory_space<semaphore_mem>>
      %dma_start3A_291 = arith.constant 0 : i32
      %dma_start3A_292 = tpu.memref_slice %arg9[%run_scoped3A_257, %dma_start3A_291] : memref<20x128xi32, #tpu.memory_space<vmem>> -> memref<1x128xi32, #tpu.memory_space<vmem>>
      %dma_start3A_293 = tpu.memref_squeeze %dma_start3A_292 : memref<1x128xi32, #tpu.memory_space<vmem>> -> memref<128xi32, #tpu.memory_space<vmem>>
      %dma_start3A_294 = arith.constant 0 : i32
      %dma_start3A_295 = arith.constant 0 : i32
      %dma_start3A_296 = tpu.memref_slice %arg13[%dma_start3A_294, %dma_start3A_295] : memref<10240x128xf32, #tpu.memory_space<vmem_shared>> -> memref<10240x128xf32, #tpu.memory_space<vmem_shared>>
      tpu.enqueue_indirect_dma source(%arg12 : memref<128x128xf32, #tpu.memory_space<vmem>>) target(%dma_start3A_296 : memref<10240x128xf32, #tpu.memory_space<vmem_shared>>) offsets(%dma_start3A_293 : memref<128xi32, #tpu.memory_space<vmem>>) semaphore(%run_scoped3A_290 : memref<!tpu.dma_semaphore, #tpu.memory_space<semaphore_mem>>) {add = true}
      %dma_wait3A_297 = arith.constant 0 : i32
      %dma_wait3A_298 = tpu.memref_slice %arg9[%run_scoped3A_257, %dma_wait3A_297] : memref<20x128xi32, #tpu.memory_space<vmem>> -> memref<1x128xi32, #tpu.memory_space<vmem>>
      %dma_wait3A_299 = tpu.memref_squeeze %dma_wait3A_298 : memref<1x128xi32, #tpu.memory_space<vmem>> -> memref<128xi32, #tpu.memory_space<vmem>>
      %dma_wait3A_300 = arith.constant 0 : i32
      %dma_wait3A_301 = arith.constant 0 : i32
      %dma_wait3A_302 = tpu.memref_slice %arg13[%dma_wait3A_300, %dma_wait3A_301] : memref<10240x128xf32, #tpu.memory_space<vmem_shared>> -> memref<10240x128xf32, #tpu.memory_space<vmem_shared>>
      tpu.wait_indirect_dma semaphore(%run_scoped3A_290 : memref<!tpu.dma_semaphore, #tpu.memory_space<semaphore_mem>>) src(%arg12 : memref<128x128xf32, #tpu.memory_space<vmem>>) dst(%dma_wait3A_302 : memref<10240x128xf32, #tpu.memory_space<vmem_shared>>)
      tpu.yield
    }) : () -> ()
    %scan3A_258 = arith.constant 0 : i32
    %scan3A_259 = arith.constant 0 : i32
    %scan3A_260 = arith.constant 9 : i32
    %scan3A_261 = arith.addi %scan3A_259, %scan3A_260 : i32
    %scan3A_262 = arith.constant 1 : i32
    scf.for %scan3A_290 = %scan3A_259 to %scan3A_261 step %scan3A_262  : i32 {
      %mul3A_291 = arith.constant 2 : i32
      %mul3A_292 = arith.muli %mul3A_291, %scan3A_290 : i32
      %add3A_293 = arith.constant 1 : i32
      %add3A_294 = arith.addi %mul3A_292, %add3A_293 : i32
      %dma_start3A_295 = arith.constant 0 : i32
      %dma_start3A_296 = tpu.memref_slice %arg8[%add3A_294, %dma_start3A_295] : memref<20x128xi32, #tpu.memory_space<vmem>> -> memref<1x128xi32, #tpu.memory_space<vmem>>
      %dma_start3A_297 = tpu.memref_squeeze %dma_start3A_296 : memref<1x128xi32, #tpu.memory_space<vmem>> -> memref<128xi32, #tpu.memory_space<vmem>>
      %dma_start3A_298 = arith.constant 0 : i32
      %dma_start3A_299 = arith.constant 0 : i32
      %dma_start3A_300 = tpu.memref_slice %arg2[%dma_start3A_298, %dma_start3A_299] : memref<10000x128xf32, #tpu.memory_space<hbm>> -> memref<10000x128xf32, #tpu.memory_space<hbm>>
      tpu.enqueue_indirect_dma source(%dma_start3A_300 : memref<10000x128xf32, #tpu.memory_space<hbm>>) target(%arg12 : memref<128x128xf32, #tpu.memory_space<vmem>>) offsets(%dma_start3A_297 : memref<128xi32, #tpu.memory_space<vmem>>) semaphore(%arg15 : memref<!tpu.dma_semaphore, #tpu.memory_space<semaphore_mem>>)
      %dma_wait3A_301 = arith.constant 0 : i32
      %dma_wait3A_302 = arith.constant 0 : i32
      %dma_wait3A_303 = tpu.memref_slice %arg2[%dma_wait3A_301, %dma_wait3A_302] : memref<10000x128xf32, #tpu.memory_space<hbm>> -> memref<128x128xf32, #tpu.memory_space<hbm>>
      %dma_wait3A_304 = arith.constant 0 : i32
      %dma_wait3A_305 = arith.constant 0 : i32
      %dma_wait3A_306 = tpu.memref_slice %arg2[%dma_wait3A_304, %dma_wait3A_305] : memref<10000x128xf32, #tpu.memory_space<hbm>> -> memref<128x128xf32, #tpu.memory_space<hbm>>
      tpu.wait_dma2 semaphore(%arg14 : memref<!tpu.dma_semaphore, #tpu.memory_space<semaphore_mem>>) src(%dma_wait3A_306 : memref<128x128xf32, #tpu.memory_space<hbm>>) dst(%arg11 : memref<128x128xf32, #tpu.memory_space<vmem>>)
      "tpu.region"() ({
        %run_scoped3A_323 = tpu.sem_alloc : memref<!tpu.dma_semaphore, #tpu.memory_space<semaphore_mem>>
        %dma_start3A_324 = arith.constant 0 : i32
        %dma_start3A_325 = tpu.memref_slice %arg10[%mul3A_292, %dma_start3A_324] : memref<20x128xi32, #tpu.memory_space<vmem>> -> memref<1x128xi32, #tpu.memory_space<vmem>>
        %dma_start3A_326 = tpu.memref_squeeze %dma_start3A_325 : memref<1x128xi32, #tpu.memory_space<vmem>> -> memref<128xi32, #tpu.memory_space<vmem>>
        %dma_start3A_327 = arith.constant 0 : i32
        %dma_start3A_328 = arith.constant 0 : i32
        %dma_start3A_329 = tpu.memref_slice %arg13[%dma_start3A_327, %dma_start3A_328] : memref<10240x128xf32, #tpu.memory_space<vmem_shared>> -> memref<10240x128xf32, #tpu.memory_space<vmem_shared>>
        tpu.enqueue_indirect_dma source(%arg11 : memref<128x128xf32, #tpu.memory_space<vmem>>) target(%dma_start3A_329 : memref<10240x128xf32, #tpu.memory_space<vmem_shared>>) offsets(%dma_start3A_326 : memref<128xi32, #tpu.memory_space<vmem>>) semaphore(%run_scoped3A_323 : memref<!tpu.dma_semaphore, #tpu.memory_space<semaphore_mem>>) {add = true}
        %dma_wait3A_330 = arith.constant 0 : i32
        %dma_wait3A_331 = tpu.memref_slice %arg10[%mul3A_292, %dma_wait3A_330] : memref<20x128xi32, #tpu.memory_space<vmem>> -> memref<1x128xi32, #tpu.memory_space<vmem>>
        %dma_wait3A_332 = tpu.memref_squeeze %dma_wait3A_331 : memref<1x128xi32, #tpu.memory_space<vmem>> -> memref<128xi32, #tpu.memory_space<vmem>>
        %dma_wait3A_333 = arith.constant 0 : i32
        %dma_wait3A_334 = arith.constant 0 : i32
        %dma_wait3A_335 = tpu.memref_slice %arg13[%dma_wait3A_333, %dma_wait3A_334] : memref<10240x128xf32, #tpu.memory_space<vmem_shared>> -> memref<10240x128xf32, #tpu.memory_space<vmem_shared>>
        tpu.wait_indirect_dma semaphore(%run_scoped3A_323 : memref<!tpu.dma_semaphore, #tpu.memory_space<semaphore_mem>>) src(%arg11 : memref<128x128xf32, #tpu.memory_space<vmem>>) dst(%dma_wait3A_335 : memref<10240x128xf32, #tpu.memory_space<vmem_shared>>)
        tpu.yield
      }) : () -> ()
      %add3A_307 = arith.constant 2 : i32
      %add3A_308 = arith.addi %mul3A_292, %add3A_307 : i32
      %dma_start3A_309 = arith.constant 0 : i32
      %dma_start3A_310 = tpu.memref_slice %arg8[%add3A_308, %dma_start3A_309] : memref<20x128xi32, #tpu.memory_space<vmem>> -> memref<1x128xi32, #tpu.memory_space<vmem>>
      %dma_start3A_311 = tpu.memref_squeeze %dma_start3A_310 : memref<1x128xi32, #tpu.memory_space<vmem>> -> memref<128xi32, #tpu.memory_space<vmem>>
      %dma_start3A_312 = arith.constant 0 : i32
      %dma_start3A_313 = arith.constant 0 : i32
      %dma_start3A_314 = tpu.memref_slice %arg2[%dma_start3A_312, %dma_start3A_313] : memref<10000x128xf32, #tpu.memory_space<hbm>> -> memref<10000x128xf32, #tpu.memory_space<hbm>>
      tpu.enqueue_indirect_dma source(%dma_start3A_314 : memref<10000x128xf32, #tpu.memory_space<hbm>>) target(%arg11 : memref<128x128xf32, #tpu.memory_space<vmem>>) offsets(%dma_start3A_311 : memref<128xi32, #tpu.memory_space<vmem>>) semaphore(%arg14 : memref<!tpu.dma_semaphore, #tpu.memory_space<semaphore_mem>>)
      %dma_wait3A_315 = arith.constant 0 : i32
      %dma_wait3A_316 = arith.constant 0 : i32
      %dma_wait3A_317 = tpu.memref_slice %arg2[%dma_wait3A_315, %dma_wait3A_316] : memref<10000x128xf32, #tpu.memory_space<hbm>> -> memref<128x128xf32, #tpu.memory_space<hbm>>
      %dma_wait3A_318 = arith.constant 0 : i32
      %dma_wait3A_319 = arith.constant 0 : i32
      %dma_wait3A_320 = tpu.memref_slice %arg2[%dma_wait3A_318, %dma_wait3A_319] : memref<10000x128xf32, #tpu.memory_space<hbm>> -> memref<128x128xf32, #tpu.memory_space<hbm>>
      tpu.wait_dma2 semaphore(%arg15 : memref<!tpu.dma_semaphore, #tpu.memory_space<semaphore_mem>>) src(%dma_wait3A_320 : memref<128x128xf32, #tpu.memory_space<hbm>>) dst(%arg12 : memref<128x128xf32, #tpu.memory_space<vmem>>)
      %add3A_321 = arith.constant 1 : i32
      %add3A_322 = arith.addi %mul3A_292, %add3A_321 : i32
      "tpu.region"() ({
        %run_scoped3A_323 = tpu.sem_alloc : memref<!tpu.dma_semaphore, #tpu.memory_space<semaphore_mem>>
        %dma_start3A_324 = arith.constant 0 : i32
        %dma_start3A_325 = tpu.memref_slice %arg10[%add3A_322, %dma_start3A_324] : memref<20x128xi32, #tpu.memory_space<vmem>> -> memref<1x128xi32, #tpu.memory_space<vmem>>
        %dma_start3A_326 = tpu.memref_squeeze %dma_start3A_325 : memref<1x128xi32, #tpu.memory_space<vmem>> -> memref<128xi32, #tpu.memory_space<vmem>>
        %dma_start3A_327 = arith.constant 0 : i32
        %dma_start3A_328 = arith.constant 0 : i32
        %dma_start3A_329 = tpu.memref_slice %arg13[%dma_start3A_327, %dma_start3A_328] : memref<10240x128xf32, #tpu.memory_space<vmem_shared>> -> memref<10240x128xf32, #tpu.memory_space<vmem_shared>>
        tpu.enqueue_indirect_dma source(%arg12 : memref<128x128xf32, #tpu.memory_space<vmem>>) target(%dma_start3A_329 : memref<10240x128xf32, #tpu.memory_space<vmem_shared>>) offsets(%dma_start3A_326 : memref<128xi32, #tpu.memory_space<vmem>>) semaphore(%run_scoped3A_323 : memref<!tpu.dma_semaphore, #tpu.memory_space<semaphore_mem>>) {add = true}
        %dma_wait3A_330 = arith.constant 0 : i32
        %dma_wait3A_331 = tpu.memref_slice %arg10[%add3A_322, %dma_wait3A_330] : memref<20x128xi32, #tpu.memory_space<vmem>> -> memref<1x128xi32, #tpu.memory_space<vmem>>
        %dma_wait3A_332 = tpu.memref_squeeze %dma_wait3A_331 : memref<1x128xi32, #tpu.memory_space<vmem>> -> memref<128xi32, #tpu.memory_space<vmem>>
        %dma_wait3A_333 = arith.constant 0 : i32
        %dma_wait3A_334 = arith.constant 0 : i32
        %dma_wait3A_335 = tpu.memref_slice %arg13[%dma_wait3A_333, %dma_wait3A_334] : memref<10240x128xf32, #tpu.memory_space<vmem_shared>> -> memref<10240x128xf32, #tpu.memory_space<vmem_shared>>
        tpu.wait_indirect_dma semaphore(%run_scoped3A_323 : memref<!tpu.dma_semaphore, #tpu.memory_space<semaphore_mem>>) src(%arg12 : memref<128x128xf32, #tpu.memory_space<vmem>>) dst(%dma_wait3A_335 : memref<10240x128xf32, #tpu.memory_space<vmem_shared>>)
        tpu.yield
      }) : () -> ()
    }
    %scan3A_263 = arith.constant 9 : i32
    %dma_start3A_264 = arith.constant 19 : i32
    %dma_start3A_265 = arith.constant 0 : i32
    %dma_start3A_266 = tpu.memref_slice %arg8[%dma_start3A_264, %dma_start3A_265] : memref<20x128xi32, #tpu.memory_space<vmem>> -> memref<1x128xi32, #tpu.memory_space<vmem>>
    %dma_start3A_267 = tpu.memref_squeeze %dma_start3A_266 : memref<1x128xi32, #tpu.memory_space<vmem>> -> memref<128xi32, #tpu.memory_space<vmem>>
    %dma_start3A_268 = arith.constant 0 : i32
    %dma_start3A_269 = arith.constant 0 : i32
    %dma_start3A_270 = tpu.memref_slice %arg2[%dma_start3A_268, %dma_start3A_269] : memref<10000x128xf32, #tpu.memory_space<hbm>> -> memref<10000x128xf32, #tpu.memory_space<hbm>>
    tpu.enqueue_indirect_dma source(%dma_start3A_270 : memref<10000x128xf32, #tpu.memory_space<hbm>>) target(%arg12 : memref<128x128xf32, #tpu.memory_space<vmem>>) offsets(%dma_start3A_267 : memref<128xi32, #tpu.memory_space<vmem>>) semaphore(%arg15 : memref<!tpu.dma_semaphore, #tpu.memory_space<semaphore_mem>>)
    %dma_wait3A_271 = arith.constant 0 : i32
    %dma_wait3A_272 = arith.constant 0 : i32
    %dma_wait3A_273 = tpu.memref_slice %arg2[%dma_wait3A_271, %dma_wait3A_272] : memref<10000x128xf32, #tpu.memory_space<hbm>> -> memref<128x128xf32, #tpu.memory_space<hbm>>
    %dma_wait3A_274 = arith.constant 0 : i32
    %dma_wait3A_275 = arith.constant 0 : i32
    %dma_wait3A_276 = tpu.memref_slice %arg2[%dma_wait3A_274, %dma_wait3A_275] : memref<10000x128xf32, #tpu.memory_space<hbm>> -> memref<128x128xf32, #tpu.memory_space<hbm>>
    tpu.wait_dma2 semaphore(%arg14 : memref<!tpu.dma_semaphore, #tpu.memory_space<semaphore_mem>>) src(%dma_wait3A_276 : memref<128x128xf32, #tpu.memory_space<hbm>>) dst(%arg11 : memref<128x128xf32, #tpu.memory_space<vmem>>)
    %run_scoped3A_277 = arith.constant 18 : i32
    "tpu.region"() ({
      %run_scoped3A_290 = tpu.sem_alloc : memref<!tpu.dma_semaphore, #tpu.memory_space<semaphore_mem>>
      %dma_start3A_291 = arith.constant 0 : i32
      %dma_start3A_292 = tpu.memref_slice %arg10[%run_scoped3A_277, %dma_start3A_291] : memref<20x128xi32, #tpu.memory_space<vmem>> -> memref<1x128xi32, #tpu.memory_space<vmem>>
      %dma_start3A_293 = tpu.memref_squeeze %dma_start3A_292 : memref<1x128xi32, #tpu.memory_space<vmem>> -> memref<128xi32, #tpu.memory_space<vmem>>
      %dma_start3A_294 = arith.constant 0 : i32
      %dma_start3A_295 = arith.constant 0 : i32
      %dma_start3A_296 = tpu.memref_slice %arg13[%dma_start3A_294, %dma_start3A_295] : memref<10240x128xf32, #tpu.memory_space<vmem_shared>> -> memref<10240x128xf32, #tpu.memory_space<vmem_shared>>
      tpu.enqueue_indirect_dma source(%arg11 : memref<128x128xf32, #tpu.memory_space<vmem>>) target(%dma_start3A_296 : memref<10240x128xf32, #tpu.memory_space<vmem_shared>>) offsets(%dma_start3A_293 : memref<128xi32, #tpu.memory_space<vmem>>) semaphore(%run_scoped3A_290 : memref<!tpu.dma_semaphore, #tpu.memory_space<semaphore_mem>>) {add = true}
      %dma_wait3A_297 = arith.constant 0 : i32
      %dma_wait3A_298 = tpu.memref_slice %arg10[%run_scoped3A_277, %dma_wait3A_297] : memref<20x128xi32, #tpu.memory_space<vmem>> -> memref<1x128xi32, #tpu.memory_space<vmem>>
      %dma_wait3A_299 = tpu.memref_squeeze %dma_wait3A_298 : memref<1x128xi32, #tpu.memory_space<vmem>> -> memref<128xi32, #tpu.memory_space<vmem>>
      %dma_wait3A_300 = arith.constant 0 : i32
      %dma_wait3A_301 = arith.constant 0 : i32
      %dma_wait3A_302 = tpu.memref_slice %arg13[%dma_wait3A_300, %dma_wait3A_301] : memref<10240x128xf32, #tpu.memory_space<vmem_shared>> -> memref<10240x128xf32, #tpu.memory_space<vmem_shared>>
      tpu.wait_indirect_dma semaphore(%run_scoped3A_290 : memref<!tpu.dma_semaphore, #tpu.memory_space<semaphore_mem>>) src(%arg11 : memref<128x128xf32, #tpu.memory_space<vmem>>) dst(%dma_wait3A_302 : memref<10240x128xf32, #tpu.memory_space<vmem_shared>>)
      tpu.yield
    }) : () -> ()
    %dma_wait3A_278 = arith.constant 0 : i32
    %dma_wait3A_279 = arith.constant 0 : i32
    %dma_wait3A_280 = tpu.memref_slice %arg2[%dma_wait3A_278, %dma_wait3A_279] : memref<10000x128xf32, #tpu.memory_space<hbm>> -> memref<128x128xf32, #tpu.memory_space<hbm>>
    %dma_wait3A_281 = arith.constant 0 : i32
    %dma_wait3A_282 = arith.constant 0 : i32
    %dma_wait3A_283 = tpu.memref_slice %arg2[%dma_wait3A_281, %dma_wait3A_282] : memref<10000x128xf32, #tpu.memory_space<hbm>> -> memref<128x128xf32, #tpu.memory_space<hbm>>
    tpu.wait_dma2 semaphore(%arg15 : memref<!tpu.dma_semaphore, #tpu.memory_space<semaphore_mem>>) src(%dma_wait3A_283 : memref<128x128xf32, #tpu.memory_space<hbm>>) dst(%arg12 : memref<128x128xf32, #tpu.memory_space<vmem>>)
    %run_scoped3A_284 = arith.constant 19 : i32
    "tpu.region"() ({
      %run_scoped3A_290 = tpu.sem_alloc : memref<!tpu.dma_semaphore, #tpu.memory_space<semaphore_mem>>
      %dma_start3A_291 = arith.constant 0 : i32
      %dma_start3A_292 = tpu.memref_slice %arg10[%run_scoped3A_284, %dma_start3A_291] : memref<20x128xi32, #tpu.memory_space<vmem>> -> memref<1x128xi32, #tpu.memory_space<vmem>>
      %dma_start3A_293 = tpu.memref_squeeze %dma_start3A_292 : memref<1x128xi32, #tpu.memory_space<vmem>> -> memref<128xi32, #tpu.memory_space<vmem>>
      %dma_start3A_294 = arith.constant 0 : i32
      %dma_start3A_295 = arith.constant 0 : i32
      %dma_start3A_296 = tpu.memref_slice %arg13[%dma_start3A_294, %dma_start3A_295] : memref<10240x128xf32, #tpu.memory_space<vmem_shared>> -> memref<10240x128xf32, #tpu.memory_space<vmem_shared>>
      tpu.enqueue_indirect_dma source(%arg12 : memref<128x128xf32, #tpu.memory_space<vmem>>) target(%dma_start3A_296 : memref<10240x128xf32, #tpu.memory_space<vmem_shared>>) offsets(%dma_start3A_293 : memref<128xi32, #tpu.memory_space<vmem>>) semaphore(%run_scoped3A_290 : memref<!tpu.dma_semaphore, #tpu.memory_space<semaphore_mem>>) {add = true}
      %dma_wait3A_297 = arith.constant 0 : i32
      %dma_wait3A_298 = tpu.memref_slice %arg10[%run_scoped3A_284, %dma_wait3A_297] : memref<20x128xi32, #tpu.memory_space<vmem>> -> memref<1x128xi32, #tpu.memory_space<vmem>>
      %dma_wait3A_299 = tpu.memref_squeeze %dma_wait3A_298 : memref<1x128xi32, #tpu.memory_space<vmem>> -> memref<128xi32, #tpu.memory_space<vmem>>
      %dma_wait3A_300 = arith.constant 0 : i32
      %dma_wait3A_301 = arith.constant 0 : i32
      %dma_wait3A_302 = tpu.memref_slice %arg13[%dma_wait3A_300, %dma_wait3A_301] : memref<10240x128xf32, #tpu.memory_space<vmem_shared>> -> memref<10240x128xf32, #tpu.memory_space<vmem_shared>>
      tpu.wait_indirect_dma semaphore(%run_scoped3A_290 : memref<!tpu.dma_semaphore, #tpu.memory_space<semaphore_mem>>) src(%arg12 : memref<128x128xf32, #tpu.memory_space<vmem>>) dst(%dma_wait3A_302 : memref<10240x128xf32, #tpu.memory_space<vmem_shared>>)
      tpu.yield
    }) : () -> ()
    %barrier3A_285 = arith.constant 0 : index
    tpu.barrier barrier_id(%barrier3A_285)
    %mul3A_286 = arith.constant 640 : i32
    %mul3A_287 = arith.muli %arg1, %mul3A_286 : i32
    %mul3A_288 = arith.constant 640 : i32
    %mul3A_289 = arith.muli %arg1, %mul3A_288 : i32
    "tpu.region"() ({
      %run_scoped3A_290 = tpu.sem_alloc : memref<!tpu.dma_semaphore, #tpu.memory_space<semaphore_mem>>
      %dma_start3A_291 = arith.constant 0 : i32
      %dma_start3A_292 = tpu.memref_slice %arg6[%arg0, %mul3A_289, %dma_start3A_291] : memref<2x10240x128xf32, #tpu.memory_space<hbm>> -> memref<1x640x128xf32, #tpu.memory_space<hbm>>
      %dma_start3A_293 = tpu.memref_squeeze %dma_start3A_292 : memref<1x640x128xf32, #tpu.memory_space<hbm>> -> memref<640x128xf32, #tpu.memory_space<hbm>>
      %dma_start3A_294 = arith.constant 0 : i32
      %dma_start3A_295 = tpu.memref_slice %arg13[%mul3A_287, %dma_start3A_294] : memref<10240x128xf32, #tpu.memory_space<vmem_shared>> -> memref<640x128xf32, #tpu.memory_space<vmem_shared>>
      tpu.enqueue_dma source(%dma_start3A_295 : memref<640x128xf32, #tpu.memory_space<vmem_shared>>) target(%dma_start3A_293 : memref<640x128xf32, #tpu.memory_space<hbm>>) target_semaphore(%run_scoped3A_290 : memref<!tpu.dma_semaphore, #tpu.memory_space<semaphore_mem>>)
      %dma_wait3A_296 = arith.constant 0 : i32
      %dma_wait3A_297 = tpu.memref_slice %arg6[%arg0, %mul3A_289, %dma_wait3A_296] : memref<2x10240x128xf32, #tpu.memory_space<hbm>> -> memref<1x640x128xf32, #tpu.memory_space<hbm>>
      %dma_wait3A_298 = tpu.memref_squeeze %dma_wait3A_297 : memref<1x640x128xf32, #tpu.memory_space<hbm>> -> memref<640x128xf32, #tpu.memory_space<hbm>>
      %dma_wait3A_299 = arith.constant 0 : i32
      %dma_wait3A_300 = tpu.memref_slice %arg13[%mul3A_287, %dma_wait3A_299] : memref<10240x128xf32, #tpu.memory_space<vmem_shared>> -> memref<640x128xf32, #tpu.memory_space<vmem_shared>>
      tpu.wait_dma2 semaphore(%run_scoped3A_290 : memref<!tpu.dma_semaphore, #tpu.memory_space<semaphore_mem>>) src(%dma_wait3A_300 : memref<640x128xf32, #tpu.memory_space<vmem_shared>>) dst(%dma_wait3A_298 : memref<640x128xf32, #tpu.memory_space<hbm>>)
      tpu.yield
    }) : () -> ()
    return
  }
}

module attributes {stable_mosaic.version = 14 : i64} {
  func.func @_mid_body(%arg0: i32, %arg1: memref<2x1280x128xf32, #tpu.memory_space<vmem>>, %arg2: memref<2x1280xf32, #tpu.memory_space<vmem>>, %arg3: memref<1280x128xf32, #tpu.memory_space<vmem>>, %arg4: memref<128x256xf32, #tpu.memory_space<vmem>>, %arg5: memref<1x256xf32, #tpu.memory_space<vmem>>, %arg6: memref<128x256xf32, #tpu.memory_space<vmem>>, %arg7: memref<256x128xf32, #tpu.memory_space<vmem>>, %arg8: memref<1x128xf32, #tpu.memory_space<vmem>>, %arg9: memref<256x128xf32, #tpu.memory_space<vmem>>, %arg10: memref<1280x128xf32, #tpu.memory_space<vmem>>, %arg11: memref<1280x128xf32, #tpu.memory_space<vmem>>) attributes {dimension_semantics = [#tpu.dimension_semantics<arbitrary>], iteration_bounds = array<i64: 8>, scalar_prefetch = 0 : i64, scratch_operands = 0 : i64, tpu.core_type = #tpu.core_type<tc>, window_params = [{transform_indices = @transform_0, window_bounds = array<i64: 2, 1280, 128>}, {transform_indices = @transform_1, window_bounds = array<i64: 2, 1280>}, {transform_indices = @transform_2, window_bounds = array<i64: 1280, 128>}, {pipeline_mode = #tpu.pipeline_mode<synchronous>, transform_indices = @transform_3, window_bounds = array<i64: 128, 256>}, {pipeline_mode = #tpu.pipeline_mode<synchronous>, transform_indices = @transform_4, window_bounds = array<i64: 1, 256>}, {pipeline_mode = #tpu.pipeline_mode<synchronous>, transform_indices = @transform_5, window_bounds = array<i64: 128, 256>}, {pipeline_mode = #tpu.pipeline_mode<synchronous>, transform_indices = @transform_6, window_bounds = array<i64: 256, 128>}, {pipeline_mode = #tpu.pipeline_mode<synchronous>, transform_indices = @transform_7, window_bounds = array<i64: 1, 128>}, {pipeline_mode = #tpu.pipeline_mode<synchronous>, transform_indices = @transform_8, window_bounds = array<i64: 256, 128>}, {transform_indices = @transform_9, window_bounds = array<i64: 1280, 128>}, {transform_indices = @transform_10, window_bounds = array<i64: 1280, 128>}]} {
    %get3A = arith.constant 0 : index
    %get3A_0 = arith.constant 0 : index
    %get3A_1 = arith.constant 0 : index
    %get3A_2 = vector.load %arg1[%get3A, %get3A_0, %get3A_1] : memref<2x1280x128xf32, #tpu.memory_space<vmem>>, vector<1x1280x128xf32>
    %get3A_3 = vector.shape_cast %get3A_2 : vector<1x1280x128xf32> to vector<1280x128xf32>
    %get3A_4 = arith.constant 1 : index
    %get3A_5 = arith.constant 0 : index
    %get3A_6 = arith.constant 0 : index
    %get3A_7 = vector.load %arg1[%get3A_4, %get3A_5, %get3A_6] : memref<2x1280x128xf32, #tpu.memory_space<vmem>>, vector<1x1280x128xf32>
    %get3A_8 = vector.shape_cast %get3A_7 : vector<1x1280x128xf32> to vector<1280x128xf32>
    %add3A = arith.addf %get3A_3, %get3A_8 : vector<1280x128xf32>
    %get3A_9 = arith.constant 0 : index
    %get3A_10 = arith.constant 0 : index
    %get3A_11 = vector.load %arg2[%get3A_9, %get3A_10] : memref<2x1280xf32, #tpu.memory_space<vmem>>, vector<2x1280xf32>
    %slice3A = vector.extract_strided_slice %get3A_11 {offsets = [0, 0], sizes = [1, 1280], strides = [1, 1]} : vector<2x1280xf32> to vector<1x1280xf32>
    %squeeze3A = vector.shape_cast %slice3A : vector<1x1280xf32> to vector<1280xf32>
    %slice3A_12 = vector.extract_strided_slice %get3A_11 {offsets = [1, 0], sizes = [1, 1280], strides = [1, 1]} : vector<2x1280xf32> to vector<1x1280xf32>
    %squeeze3A_13 = vector.shape_cast %slice3A_12 : vector<1x1280xf32> to vector<1280xf32>
    %add3A_14 = arith.addf %squeeze3A, %squeeze3A_13 : vector<1280xf32>
    %max3A = arith.constant 1.000000e+00 : f32
    %max3A_15 = vector.broadcast %max3A : f32 to vector<1280xf32>
    %max3A_16 = arith.maximumf %add3A_14, %max3A_15 : vector<1280xf32>
    %div3A = arith.constant 1.000000e+00 : f32
    %div3A_17 = vector.broadcast %div3A : f32 to vector<1280xf32>
    %div3A_18 = arith.divf %div3A_17, %max3A_16 : vector<1280xf32>
    %broadcast_in_dim3A = vector.shape_cast %div3A_18 : vector<1280xf32> to vector<1280x1xf32>
    %mul3A = vector.broadcast %broadcast_in_dim3A : vector<1280x1xf32> to vector<1280x128xf32>
    %mul3A_19 = arith.mulf %add3A, %mul3A : vector<1280x128xf32>
    %get3A_20 = arith.constant 0 : index
    %get3A_21 = arith.constant 0 : index
    %get3A_22 = vector.load %arg4[%get3A_20, %get3A_21] : memref<128x256xf32, #tpu.memory_space<vmem>>, vector<128x256xf32>
    %dot_general3A = arith.constant dense<0.000000e+00> : vector<1280x256xf32>
    %dot_general3A_23 = tpu.matmul %mul3A_19, %get3A_22, %dot_general3A {dimension_numbers = #tpu.dot_dimension_numbers<[1], [0], [0], [1], [0, 0, 1, 1], [], []>, transpose_lhs_hint = false} : vector<1280x128xf32>, vector<128x256xf32>, vector<1280x256xf32> -> vector<1280x256xf32>
    %get3A_24 = arith.constant 0 : index
    %get3A_25 = arith.constant 0 : index
    %get3A_26 = vector.load %arg3[%get3A_24, %get3A_25] : memref<1280x128xf32, #tpu.memory_space<vmem>>, vector<1280x128xf32>
    %get3A_27 = arith.constant 0 : index
    %get3A_28 = arith.constant 0 : index
    %get3A_29 = vector.load %arg6[%get3A_27, %get3A_28] : memref<128x256xf32, #tpu.memory_space<vmem>>, vector<128x256xf32>
    %dot_general3A_30 = arith.constant dense<0.000000e+00> : vector<1280x256xf32>
    %dot_general3A_31 = tpu.matmul %get3A_26, %get3A_29, %dot_general3A_30 {dimension_numbers = #tpu.dot_dimension_numbers<[1], [0], [0], [1], [0, 0, 1, 1], [], []>, transpose_lhs_hint = false} : vector<1280x128xf32>, vector<128x256xf32>, vector<1280x256xf32> -> vector<1280x256xf32>
    %add3A_32 = arith.addf %dot_general3A_23, %dot_general3A_31 : vector<1280x256xf32>
    %get3A_33 = arith.constant 0 : index
    %get3A_34 = arith.constant 0 : index
    %get3A_35 = vector.load %arg5[%get3A_33, %get3A_34] : memref<1x256xf32, #tpu.memory_space<vmem>>, vector<1x256xf32>
    %add3A_36 = vector.broadcast %get3A_35 : vector<1x256xf32> to vector<1280x256xf32>
    %add3A_37 = arith.addf %add3A_32, %add3A_36 : vector<1280x256xf32>
    %max3A_38 = arith.constant 0.000000e+00 : f32
    %max3A_39 = vector.broadcast %max3A_38 : f32 to vector<1280x256xf32>
    %max3A_40 = arith.maximumf %add3A_37, %max3A_39 : vector<1280x256xf32>
    %get3A_41 = arith.constant 0 : index
    %get3A_42 = arith.constant 0 : index
    %get3A_43 = vector.load %arg7[%get3A_41, %get3A_42] : memref<256x128xf32, #tpu.memory_space<vmem>>, vector<256x128xf32>
    %dot_general3A_44 = arith.constant dense<0.000000e+00> : vector<1280x128xf32>
    %dot_general3A_45 = tpu.matmul %max3A_40, %get3A_43, %dot_general3A_44 {dimension_numbers = #tpu.dot_dimension_numbers<[1], [0], [0], [1], [0, 0, 1, 1], [], []>, transpose_lhs_hint = false} : vector<1280x256xf32>, vector<256x128xf32>, vector<1280x128xf32> -> vector<1280x128xf32>
    %swap3A = arith.constant 0 : index
    %swap3A_46 = arith.constant 0 : index
    %swap3A_47 = vector.load %arg10[%swap3A, %swap3A_46] : memref<1280x128xf32, #tpu.memory_space<vmem>>, vector<1280x128xf32>
    tpu.vector_store %arg10[%swap3A, %swap3A_46], %dot_general3A_45 {strides = array<i32>} : memref<1280x128xf32, #tpu.memory_space<vmem>>, vector<1280x128xf32>,
    %get3A_48 = arith.constant 0 : index
    %get3A_49 = arith.constant 0 : index
    %get3A_50 = vector.load %arg9[%get3A_48, %get3A_49] : memref<256x128xf32, #tpu.memory_space<vmem>>, vector<256x128xf32>
    %dot_general3A_51 = arith.constant dense<0.000000e+00> : vector<1280x128xf32>
    %dot_general3A_52 = tpu.matmul %max3A_40, %get3A_50, %dot_general3A_51 {dimension_numbers = #tpu.dot_dimension_numbers<[1], [0], [0], [1], [0, 0, 1, 1], [], []>, transpose_lhs_hint = false} : vector<1280x256xf32>, vector<256x128xf32>, vector<1280x128xf32> -> vector<1280x128xf32>
    %get3A_53 = arith.constant 0 : index
    %get3A_54 = arith.constant 0 : index
    %get3A_55 = vector.load %arg8[%get3A_53, %get3A_54] : memref<1x128xf32, #tpu.memory_space<vmem>>, vector<1x128xf32>
    %add3A_56 = vector.broadcast %get3A_55 : vector<1x128xf32> to vector<1280x128xf32>
    %add3A_57 = arith.addf %dot_general3A_52, %add3A_56 : vector<1280x128xf32>
    %swap3A_58 = arith.constant 0 : index
    %swap3A_59 = arith.constant 0 : index
    %swap3A_60 = vector.load %arg11[%swap3A_58, %swap3A_59] : memref<1280x128xf32, #tpu.memory_space<vmem>>, vector<1280x128xf32>
    tpu.vector_store %arg11[%swap3A_58, %swap3A_59], %add3A_57 {strides = array<i32>} : memref<1280x128xf32, #tpu.memory_space<vmem>>, vector<1280x128xf32>,
    return
  }
  func.func @transform_0(%arg0: i32) -> (i32, i32, i32) {
    %c0_i32 = arith.constant 0 : i32
    %c0_i32_0 = arith.constant 0 : i32
    %c0_i32_1 = arith.constant 0 : i32
    return %c0_i32, %arg0, %c0_i32_0 : i32, i32, i32
  }
  func.func @transform_1(%arg0: i32) -> (i32, i32) {
    %c0_i32 = arith.constant 0 : i32
    %c0_i32_0 = arith.constant 0 : i32
    return %c0_i32, %arg0 : i32, i32
  }
  func.func @transform_2(%arg0: i32) -> (i32, i32) {
    %c0_i32 = arith.constant 0 : i32
    %c0_i32_0 = arith.constant 0 : i32
    return %arg0, %c0_i32 : i32, i32
  }
  func.func @transform_3(%arg0: i32) -> (i32, i32) {
    %c0_i32 = arith.constant 0 : i32
    %c0_i32_0 = arith.constant 0 : i32
    %c0_i32_1 = arith.constant 0 : i32
    return %c0_i32, %c0_i32_0 : i32, i32
  }
  func.func @transform_4(%arg0: i32) -> (i32, i32) {
    %c0_i32 = arith.constant 0 : i32
    %c0_i32_0 = arith.constant 0 : i32
    %c0_i32_1 = arith.constant 0 : i32
    return %c0_i32, %c0_i32_0 : i32, i32
  }
  func.func @transform_5(%arg0: i32) -> (i32, i32) {
    %c0_i32 = arith.constant 0 : i32
    %c0_i32_0 = arith.constant 0 : i32
    %c0_i32_1 = arith.constant 0 : i32
    return %c0_i32, %c0_i32_0 : i32, i32
  }
  func.func @transform_6(%arg0: i32) -> (i32, i32) {
    %c0_i32 = arith.constant 0 : i32
    %c0_i32_0 = arith.constant 0 : i32
    %c0_i32_1 = arith.constant 0 : i32
    return %c0_i32, %c0_i32_0 : i32, i32
  }
  func.func @transform_7(%arg0: i32) -> (i32, i32) {
    %c0_i32 = arith.constant 0 : i32
    %c0_i32_0 = arith.constant 0 : i32
    %c0_i32_1 = arith.constant 0 : i32
    return %c0_i32, %c0_i32_0 : i32, i32
  }
  func.func @transform_8(%arg0: i32) -> (i32, i32) {
    %c0_i32 = arith.constant 0 : i32
    %c0_i32_0 = arith.constant 0 : i32
    %c0_i32_1 = arith.constant 0 : i32
    return %c0_i32, %c0_i32_0 : i32, i32
  }
  func.func @transform_9(%arg0: i32) -> (i32, i32) {
    %c0_i32 = arith.constant 0 : i32
    %c0_i32_0 = arith.constant 0 : i32
    return %arg0, %c0_i32 : i32, i32
  }
  func.func @transform_10(%arg0: i32) -> (i32, i32) {
    %c0_i32 = arith.constant 0 : i32
    %c0_i32_0 = arith.constant 0 : i32
    return %arg0, %c0_i32 : i32, i32
  }
}

module attributes {stable_mosaic.version = 14 : i64} {
  func.func @_fin_body(%arg0: i32, %arg1: memref<2x1280x128xf32, #tpu.memory_space<vmem>>, %arg2: memref<2x1280xf32, #tpu.memory_space<vmem>>, %arg3: memref<1280x128xf32, #tpu.memory_space<vmem>>, %arg4: memref<1280x128xf32, #tpu.memory_space<vmem>>) attributes {dimension_semantics = [#tpu.dimension_semantics<arbitrary>], iteration_bounds = array<i64: 8>, scalar_prefetch = 0 : i64, scratch_operands = 0 : i64, tpu.core_type = #tpu.core_type<tc>, window_params = [{transform_indices = @transform_0, window_bounds = array<i64: 2, 1280, 128>}, {transform_indices = @transform_1, window_bounds = array<i64: 2, 1280>}, {transform_indices = @transform_2, window_bounds = array<i64: 1280, 128>}, {transform_indices = @transform_3, window_bounds = array<i64: 1280, 128>}]} {
    %get3A = arith.constant 0 : index
    %get3A_0 = arith.constant 0 : index
    %get3A_1 = arith.constant 0 : index
    %get3A_2 = vector.load %arg1[%get3A, %get3A_0, %get3A_1] : memref<2x1280x128xf32, #tpu.memory_space<vmem>>, vector<1x1280x128xf32>
    %get3A_3 = vector.shape_cast %get3A_2 : vector<1x1280x128xf32> to vector<1280x128xf32>
    %get3A_4 = arith.constant 1 : index
    %get3A_5 = arith.constant 0 : index
    %get3A_6 = arith.constant 0 : index
    %get3A_7 = vector.load %arg1[%get3A_4, %get3A_5, %get3A_6] : memref<2x1280x128xf32, #tpu.memory_space<vmem>>, vector<1x1280x128xf32>
    %get3A_8 = vector.shape_cast %get3A_7 : vector<1x1280x128xf32> to vector<1280x128xf32>
    %add3A = arith.addf %get3A_3, %get3A_8 : vector<1280x128xf32>
    %get3A_9 = arith.constant 0 : index
    %get3A_10 = arith.constant 0 : index
    %get3A_11 = vector.load %arg2[%get3A_9, %get3A_10] : memref<2x1280xf32, #tpu.memory_space<vmem>>, vector<2x1280xf32>
    %slice3A = vector.extract_strided_slice %get3A_11 {offsets = [0, 0], sizes = [1, 1280], strides = [1, 1]} : vector<2x1280xf32> to vector<1x1280xf32>
    %squeeze3A = vector.shape_cast %slice3A : vector<1x1280xf32> to vector<1280xf32>
    %slice3A_12 = vector.extract_strided_slice %get3A_11 {offsets = [1, 0], sizes = [1, 1280], strides = [1, 1]} : vector<2x1280xf32> to vector<1x1280xf32>
    %squeeze3A_13 = vector.shape_cast %slice3A_12 : vector<1x1280xf32> to vector<1280xf32>
    %add3A_14 = arith.addf %squeeze3A, %squeeze3A_13 : vector<1280xf32>
    %max3A = arith.constant 1.000000e+00 : f32
    %max3A_15 = vector.broadcast %max3A : f32 to vector<1280xf32>
    %max3A_16 = arith.maximumf %add3A_14, %max3A_15 : vector<1280xf32>
    %div3A = arith.constant 1.000000e+00 : f32
    %div3A_17 = vector.broadcast %div3A : f32 to vector<1280xf32>
    %div3A_18 = arith.divf %div3A_17, %max3A_16 : vector<1280xf32>
    %broadcast_in_dim3A = vector.shape_cast %div3A_18 : vector<1280xf32> to vector<1280x1xf32>
    %mul3A = vector.broadcast %broadcast_in_dim3A : vector<1280x1xf32> to vector<1280x128xf32>
    %mul3A_19 = arith.mulf %add3A, %mul3A : vector<1280x128xf32>
    %get3A_20 = arith.constant 0 : index
    %get3A_21 = arith.constant 0 : index
    %get3A_22 = vector.load %arg3[%get3A_20, %get3A_21] : memref<1280x128xf32, #tpu.memory_space<vmem>>, vector<1280x128xf32>
    %add3A_23 = arith.addf %mul3A_19, %get3A_22 : vector<1280x128xf32>
    %swap3A = arith.constant 0 : index
    %swap3A_24 = arith.constant 0 : index
    %swap3A_25 = vector.load %arg4[%swap3A, %swap3A_24] : memref<1280x128xf32, #tpu.memory_space<vmem>>, vector<1280x128xf32>
    tpu.vector_store %arg4[%swap3A, %swap3A_24], %add3A_23 {strides = array<i32>} : memref<1280x128xf32, #tpu.memory_space<vmem>>, vector<1280x128xf32>,
    return
  }
  func.func @transform_0(%arg0: i32) -> (i32, i32, i32) {
    %c0_i32 = arith.constant 0 : i32
    %c0_i32_0 = arith.constant 0 : i32
    %c0_i32_1 = arith.constant 0 : i32
    return %c0_i32, %arg0, %c0_i32_0 : i32, i32, i32
  }
  func.func @transform_1(%arg0: i32) -> (i32, i32) {
    %c0_i32 = arith.constant 0 : i32
    %c0_i32_0 = arith.constant 0 : i32
    return %c0_i32, %arg0 : i32, i32
  }
  func.func @transform_2(%arg0: i32) -> (i32, i32) {
    %c0_i32 = arith.constant 0 : i32
    %c0_i32_0 = arith.constant 0 : i32
    return %arg0, %c0_i32 : i32, i32
  }
  func.func @transform_3(%arg0: i32) -> (i32, i32) {
    %c0_i32 = arith.constant 0 : i32
    %c0_i32_0 = arith.constant 0 : i32
    return %arg0, %c0_i32 : i32, i32
  }
}

</mosaic_0001>

<sc_bundles>
// kernel: kernel.6.cloned.1.call-start
scs
__scs_entry_jumppad:
0x0: {  	(pc) =	sbr.rel $0x88, $3  }
0x1: {  	(tag) =	ssettag $0x0;
	lr =	simm.s32 $0x1  }
0x2: {  	[smem:$0x3F99] =	sst lr;
	_ =	strace $0xD0000000  }
0x3: {  	_ = 	snop  }
0x4: {  	_ = 	snop  }
0x5: {  	_ = 	snop  }
0x6: {  	_ = 	snop  }
0x7: {  	_ = 	snop  }
__scs_overlays_trampoline_lowered:
0x8: {  	[smem:$0x3FA8] =	sst s0  }
0x9: {  	[smem:$0x3FA9] =	sst s1  }
0xa: {  	[smem:$0x3FAA] =	sst s2  }
0xb: {  	[smem:$0x3FAB] =	sst s3  }
0xc: {  	[smem:$0x3FAC] =	sst s4  }
0xd: {  	[smem:$0x3FAD] =	sst s5  }
0xe: {  	[smem:$0x3FAE] =	sst s6  }
0xf: {  	[smem:$0x3FAF] =	sst s7  }
0x10: {  	[smem:$0x3FB0] =	sst s8  }
0x11: {  	[smem:$0x3FB1] =	sst s9;
	s0 =	simm.s32 @!p0 $0x0  }
0x12: {  	s1 =	sld [smem:$0x3F97];
	s0 =	simm.s32 @p0 $0x1  }
0x13: {  	[smem:$0x3FB2] =	sst s0;
	s0 =	simm.s32 @!p1 $0x0  }
0x14: {  	s2 =	sld [smem:$0x3F96];
	s0 =	simm.s32 @p1 $0x1  }
0x15: {  	[smem:$0x3FB3] =	sst s0;
	s0 =	simm.s32 @!p2 $0x0  }
0x16: {  	s3 =	sld [smem:$0x3FDB];
	s0 =	simm.s32 @p2 $0x1  }
0x17: {  	s4 =	simm.s32 $0x1BF5;
	[smem:$0x3FB5] =	sst s0  }
0x18: {  	s0 =	sld [smem:$0x3F98];
	_ =	swait.ge [sflag:s4], $0x0  }
0x19: {  	s7 =	sld [smem:$0x3F99]  }
0x1a: {  	s8 =	sadd.s32 $0xFFFFE003, lr  }
0x1b: {  	s9 =	sadd.s32 $0xFFFFFEF7, lr;
	s5 =	simm.s32 $0xFFFFFFFF;
	p2 =	slt.u32 s8, $0xFFFFF086  }
0x1c: {  	p1 =	slt.u32 s9, $0xF7A;
	s5 =	simm.s32 @!p2 $0x0  }
0x1d: {  	s5 =	simm.s32 @p1 $0x1;
	p0 =	seq.s32 s7, s2  }
0x1e: {  	s7 =	smul.u32 @!p0 $0xF7A, s2;
	p2 =	seq.s32 @!p0 s5, $0x0  }
0x1f: {  	s9 =	smul.u32 $0xF7A, s1;
	s8 =	simm.s32 @!p0 $0x1BF5;
	p2 =	por !p2, p0  }
0x20: {  	[sflag:s8] =	ssyncset.s32 @!p0 $0xFFFFF086;
	s6 =	sadd.s32 @!p0 s3, s7;
	s7 =	simm.s32 @!p0 $0x108  }
0x21: {  	s3 =	sadd.s32 s3, s9;
	s6 =	sadd.s32 @!p0 $0x88, s6;
	s7 =	simm.s32 @p2 $0x1082  }
0x22: {  	[simem:s7], [sflag:s8] =	dma.local @!p0 [hbm:s6], $0xF7A  }
0x23: {  	s9 =	sor.u32 $0xD0000000, s2;
	s6 =	simm.s32 $0x108;
	_ =	swait.ge @!p0 [sflag:s8], $0x0  }
0x24: {  	s3 =	sadd.s32 $0x88, s3;
	s6 =	simm.s32 @!p1 $0x1082;
	[sflag:s4] =	ssyncset.s32 $0xFFFFF086  }
0x25: {  	[simem:s6], [sflag:s4] =	dma.local [hbm:s3], $0xF7A  }
0x26: {  	[smem:$0x3F99] =	sst s1;
	(tag) =	ssettag s2;
	_ =	strace s9  }
0x27: {  	s1 =	sld [smem:$0x3FA9]  }
0x28: {  	s2 =	sld [smem:$0x3FAA]  }
0x29: {  	s4 =	sld [smem:$0x3FAC]  }
0x2a: {  	p0 =	seq.s32 s5, $0x0;
	s5 =	sld [smem:$0x3FAD]  }
0x2b: {  	s6 =	sld [smem:$0x3FAE]  }
0x2c: {  	s7 =	sld [smem:$0x3FAF]  }
0x2d: {  	s3 =	simm.s32 $0x108;
	s8 =	sld [smem:$0x3FB0]  }
0x2e: {  	s3 =	simm.s32 @!p0 $0x1082;
	s9 =	sld [smem:$0x3FB1]  }
0x2f: {  	lr =	sadd.s32 s0, s3;
	s0 =	sld [smem:$0x3FA8]  }
0x30: {  	s3 =	sld [smem:$0x3FAB]  }
0x31: {  	[smem:$0x3FB4] =	sst s10  }
0x32: {  	s10 =	sld [smem:$0x3FB2];
	_ =	sdelay $0x3  }
0x33: {  	p0 =	seq.s32 s10, $0x1;
	s10 =	sld [smem:$0x3FB4];
	_ =	sdelay $0x3  }
0x34: {  	[smem:$0x3FB4] =	sst s10  }
0x35: {  	s10 =	sld [smem:$0x3FB3];
	_ =	sdelay $0x3  }
0x36: {  	p1 =	seq.s32 s10, $0x1;
	s10 =	sld [smem:$0x3FB4];
	_ =	sdelay $0x3  }
0x37: {  	[smem:$0x3FB4] =	sst s10  }
0x38: {  	s10 =	sld [smem:$0x3FB5]  }
0x39: {  	_ = 	snop;
	(pc) =	sbr.ind lr, $3  }
0x3a: {  	_ = 	snop  }
0x3b: {  	_ = 	snop  }
0x3c: {  	p2 =	seq.s32 s10, $0x1;
	s10 =	sld [smem:$0x3FB4]  }
0x3d: {  	_ =	shalt  }
0x3e: {  	_ =	shalt  }
0x3f: {  	_ =	shalt  }
0x40: {  	_ =	shalt  }
0x41: {  	_ =	shalt  }
0x42: {  	_ =	shalt  }
0x43: {  	_ =	shalt  }
0x44: {  	_ =	shalt  }
0x45: {  	_ =	shalt  }
0x46: {  	_ =	shalt  }
0x47: {  	_ =	shalt  }
0x48: {  	_ =	shalt  }
0x49: {  	_ =	shalt  }
0x4a: {  	_ =	shalt  }
0x4b: {  	_ =	shalt  }
0x4c: {  	_ =	shalt  }
0x4d: {  	_ =	shalt  }
0x4e: {  	_ =	shalt  }
0x4f: {  	_ =	shalt  }
0x50: {  	_ =	shalt  }
0x51: {  	_ =	shalt  }
0x52: {  	_ =	shalt  }
0x53: {  	_ =	shalt  }
0x54: {  	_ =	shalt  }
0x55: {  	_ =	shalt  }
0x56: {  	_ =	shalt  }
0x57: {  	_ =	shalt  }
0x58: {  	_ =	shalt  }
0x59: {  	_ =	shalt  }
0x5a: {  	_ =	shalt  }
0x5b: {  	_ =	shalt  }
0x5c: {  	_ =	shalt  }
0x5d: {  	_ =	shalt  }
0x5e: {  	_ =	shalt  }
0x5f: {  	_ =	shalt  }
0x60: {  	_ =	shalt  }
0x61: {  	_ =	shalt  }
0x62: {  	_ =	shalt  }
0x63: {  	_ =	shalt  }
0x64: {  	_ =	shalt  }
0x65: {  	_ =	shalt  }
0x66: {  	_ =	shalt  }
0x67: {  	_ =	shalt  }
0x68: {  	_ =	shalt  }
0x69: {  	_ =	shalt  }
0x6a: {  	_ =	shalt  }
0x6b: {  	_ =	shalt  }
0x6c: {  	_ =	shalt  }
0x6d: {  	_ =	shalt  }
0x6e: {  	_ =	shalt  }
0x6f: {  	_ =	shalt  }
0x70: {  	_ =	shalt  }
0x71: {  	_ =	shalt  }
0x72: {  	_ =	shalt  }
0x73: {  	_ =	shalt  }
0x74: {  	_ =	shalt  }
0x75: {  	_ =	shalt  }
0x76: {  	_ =	shalt  }
0x77: {  	_ =	shalt  }
0x78: {  	_ =	shalt  }
0x79: {  	_ =	shalt  }
0x7a: {  	_ =	shalt  }
0x7b: {  	_ =	shalt  }
0x7c: {  	_ =	shalt  }
0x7d: {  	_ =	shalt  }
0x7e: {  	_ =	shalt  }
0x7f: {  	_ =	shalt  }
0x80: {  	_ =	shalt  }
0x81: {  	_ =	shalt  }
0x82: {  	_ =	shalt  }
0x83: {  	_ =	shalt  }
0x84: {  	_ =	shalt  }
0x85: {  	_ =	shalt  }
0x86: {  	_ =	shalt  }
0x87: {  	_ =	shalt  }
.Lfunc_end0:
.L_simem_size_0:
called_computation_lowered:
.L_overlay_start_0:
0x88: {  	s2 =	sld [smem:$0x3FD9]  }
0x89: {  	s3 =	sld [smem:$0x3FFE];
	_ =	sdelay $0x1  }
0x8a: {  	s1 =	srdreg.scid  }
0x8b: {  	s0 =	sand.u32 $0x1, s1  }
0x8c: {  	s17 =	sshll.u32 s0, $0xA;
	s2 =	sadd.s32 s3, s2  }
0x8d: {  	s2 =	sadd.s32 s2, s17  }
0x8e: {  	[smem:$0x3FC0] =	sst s2  }
0x8f: {  	_ = 	snop  }
0x90: {  	s2 =	sld [smem:$0x3FC9]  }
0x91: {  	s18 =	sld [smem:$0x3FD0];
	(tm) =	ssettm $0x1  }
0x92: {  	s4 =	sld [smem:$0x3FFB];
	_ =	sdelay $0x3  }
0x93: {  	_ =	strace s4  }
0x94: {  	s4 =	sld [smem:$0x3FFC];
	_ =	sdelay $0x3  }
0x95: {  	_ =	strace s4  }
0x96: {  	s4 =	sld [smem:$0x3FFD];
	_ =	sdelay $0x3  }
0x97: {  	_ =	strace s4  }
0x98: {  	_ =	strace $0x8FFFFFFF  }
0x99: {  	s19 =	sld [smem:$0x3FDB];
	_ =	sdelay $0x1  }
0x9a: {  	s5 =	simm.s32 $_scs_section_size  }
0x9b: {  	s6 =	simm.s32 $_size__tile_overlayer_lowered;
	s7 =	simm.s32 $_tile_overlayer_lowered  }
0x9c: {  	s22 =	simm.s32 $0x1BFF;
	s21 =	sshll.u32 s7, $0x1;
	s4 =	sadd.s32 s5, s19  }
0x9d: {  	s8 =	simm.s32 $0x0;
	s20 =	sshll.u32 s6, $0x1;
	s6 =	sadd.s32 s21, s4  }
0x9e: {  	[timem:s8], [sflag:s22] =	dma.local [hbm:s6], s20  }
0x9f: {  	_ =	swait.ge [sflag:s22], s20  }
0xa0: {  	s5 =	ssub.s32 $0x0, s20;
	[sflag:s22] =	ssyncset.done $0x0  }
0xa1: {  	[sflag:s22] =	ssyncadd.s32 s5;
	_ =	sdelay $0x1  }
0xa2: {  	s23 =	simm.s32 $0x1B8B  }
0xa3: {  	_ =	swait.ge [sflag:s23], $0x1  }
0xa4: {  	[sflag:s23] =	ssyncset.done $0x0  }
0xa5: {  	s25 =	simm.s32 $0x1B8E;
	s24 =	sld [smem:$0x3FFE];
	[sflag:s23] =	ssyncadd.s32 $0xFFFFFFFF  }
0xa6: {  	s26 =	simm.s32 $execute0_lowered;
	[smem:$0x3FD2] =	sst s25  }
0xa7: {  	s6 =	sshll.u32 s26, $0x1;
	_ =	strace $0x80000046;
	[dreg:$0x1] =	wrdreg $0xFFFFFFFF  }
0xa8: {  	s28 =	simm.s32 $_size_execute0_lowered;
	s4 =	sadd.s32 s4, s6;
	[dreg:$0x0] =	wrdreg $0x0  }
0xa9: {  	s6 =	sshll.u32 s28, $0x1;
	[dreg:$0x2] =	wrdreg s4  }
0xaa: {  	[dreg:$0x3] =	wrdreg s6  }
0xab: {  	[dreg:$0x4] =	wrdreg $0xC0  }
0xac: {  	_ =	task [dreg:s8], $0x5FFFF  }
0xad: {  	[dreg:$0x1] =	wrdreg $0xFFFFFFFF  }
0xae: {  	[dreg:$0x0] =	wrdreg $0x60  }
0xaf: {  	[dreg:$0x2] =	wrdreg s2  }
0xb0: {  	[dreg:$0x3] =	wrdreg s24  }
0xb1: {  	[dreg:$0x4] =	wrdreg s18  }
0xb2: {  	[dreg:$0x5] =	wrdreg $0xB0800  }
0xb3: {  	[dreg:$0x6] =	wrdreg $0x1F0800  }
0xb4: {  	[dreg:$0x7] =	wrdreg $0x9  }
0xb5: {  	_ =	task.clear_ibuf [dreg:s8], $0x8FFFF;
	_ =	strace $0x90000046  }
0xb6: {  	s29 =	simm.s32 $0x9;
	_ =	strace $0x80000048  }
0xb7: {  	_ =	swait.ge [sflag:s29], $0x1  }
0xb8: {  	[sflag:s29] =	ssyncadd.s32 $0xFFFFFFFF  }
0xb9: {  	_ =	strace $0x90000048  }
0xba: {  	_ =	sfence  }
0xbb: {  	s30 =	sld [smem:$0x0];
	_ =	sdelay $0x2  }
0xbc: {  	s31 =	sshll.u32 s1, $0xD;
	s1 =	sshrl.u32 s1, $0x2  }
0xbd: {  	s3 =	sand.u32 $0x4000, s31;
	s1 =	sadd.s32 s1, s30  }
0xbe: {  	s0 =	sor.u32 s3, s0;
	s1 =	sshll.u32 s1, $0x11  }
0xbf: {  	s0 =	sor.u32 s1, s0  }
0xc0: {  	s0 =	sadd.s32 $0x8F2B, s0  }
0xc1: {  	[sflag:s0] =	ssyncadd.remote.s32 $0x1  }
0xc2: {  	_ =	sfence.sel $0xFFFF  }
0xc3: {  	[dreg:$0x0] =	wrdreg $0xFFFFFFFF;
	(pc) =	sbr.abs _section_cstart, $3  }
0xc4: {  	[dreg:$0x1] =	wrdreg $0xFFFFFFFF  }
0xc5: {  	_ =	task.clear_ibuf [dreg:s8], $0x2FFFF;
	_ =	strace $0x9FFFFFFF  }
0xc6: {  	(tm) =	ssettm $0x7FFFFFFF  }
0xc7: {  	_ =	shalt  }
tec
execute0_lowered:
.L_overlay_start_1:
0x0: {  	(tag) =	ssettag $0x1  }
0x1: {  	s1 =	rddreg [dreg:$0x0]  }
0x2: {  	s0 =	rddreg [dreg:$0x1]  }
0x3: {  	s3 =	rddreg [dreg:$0x3]  }
0x4: {  	s4 =	rddreg [dreg:$0x4]  }
0x5: {  	s2 =	srdreg.scid;
	s6 =	simm.s32 $0x0;
	s14 =	stileid.u32  }
0x6: {  	s28 =	simm.s32 $0x80;
	s29 =	simm.s32 $0x3000;
	s7 =	smul.u32 $0x14000, s14  }
0x7: {  	s30 =	simm.s32 $0x4;
	s31 =	simm.s32 $0x7000;
	s8 =	smul.u32 $0x500, s14  }
0x8: {  	s2 =	sand.u32 $0x1, s2;
	[smem:$0x7FF] =	sst s6;
	s16 =	smul.u32 $0x50000, s14  }
0x9: {  	s11 =	sadd.s32 $0x2400, s0;
	s12 =	sadd.s32 $0xE400, s0;
	s17 =	smul.u32 $0xA00, s14  }
0xa: {  	s13 =	sadd.s32 $0x1A400, s0;
	s15 =	sshll.u32 s14, $0x1;
	s5 =	smul.u32 $0x140000, s2  }
0xb: {  	_ =	strace $0x80000047;
	s10 =	sshll.u32 s2, $0x7;
	[dreg:$0x6] =	wrdreg s13  }
0xc: {  	s9 =	ssub.s32 $0x2, s2;
	s2 =	sor.u32 s2, s15;
	s15 =	simm.s32 $0x0  }
0xd: {  	s2 =	smul.u32 $0x3000, s2;
	s5 =	sadd.s32 s7, s5;
	s7 =	sor.u32 s10, s8  }
0xe: {  	s10 =	sshrl.u32 s9, $0x1;
	s8 =	sshrl.u32 s16, $0x2;
	s5 =	sshrl.u32 s5, $0x3  }
0xf: {  	s7 =	sshrl.u32 s7, $0x3;
	s13 =	ssub.s32 s9, s10;
	s8 =	sadd.s32 s8, s3  }
0x10: {  	s9 =	sshll.u32 s14, $0x6;
	s2 =	sshrl.u32 s2, $0x3;
	s14 =	simm.s32 $0x2D00  }
0x11: {  	s5 =	sadd.s32 s5, s0;
	s0 =	sadd.s32 s7, s0;
	[dreg:$0x7] =	wrdreg s8  }
0x12: {  	s10 =	sor.u32 $0x1C04, s9;
	s7 =	sshrl.u32 s17, $0x2;
	s18 =	sadd.s32 s11, s2  }
0x13: {  	s19 =	sor.u32 $0x180, s2;
	s20 =	sadd.s32 s12, s2;
	[dreg:$0x9] =	wrdreg s18  }
0x14: {  	s22 =	sadd.s32 $0x300, s2;
	s7 =	sadd.s32 s7, s4;
	[dreg:$0xa] =	wrdreg s20  }
0x15: {  	s2 =	sadd.s32 $0x480, s2;
	s21 =	sadd.s32 s11, s19;
	[dreg:$0x8] =	wrdreg s7  }
0x16: {  	s8 =	simm.s32 $0x980;
	s23 =	sadd.s32 s11, s22;
	[dreg:$0xb] =	wrdreg s21  }
0x17: {  	s24 =	sadd.s32 s12, s22;
	s25 =	sadd.s32 s11, s2;
	[dreg:$0xd] =	wrdreg s23  }
0x18: {  	s2 =	sadd.s32 s12, s2;
	s26 =	sadd.s32 $0x1CC00, s5;
	[dreg:$0xe] =	wrdreg s24  }
0x19: {  	s0 =	sadd.s32 $0x6CC00, s0;
	s22 =	smax.u32 s13, $0x1;
	[dreg:$0xf] =	wrdreg s25  }
0x1a: {  	s5 =	simm.s32 $0x5;
	s11 =	simm.s32 $0x2100;
	[dreg:$0x10] =	wrdreg s2  }
0x1b: {  	s13 =	simm.s32 $0x1580;
	s7 =	sadd.s32 s12, s19;
	[dreg:$0x11] =	wrdreg s26  }
0x1c: {  	[dreg:$0x12] =	wrdreg s0;
	s24 =	simm.s32 $0x3;
	s25 =	simm.s32 $0xC00  }
0x1d: {  	s0 =	simm.s32 $0x1;
	s2 =	simm.s32 $0xB000;
	s12 =	simm.s32 $0x2180  }
0x1e: {  	v0 =	vimm.f32 $1.000000000e+00;
	s23 =	simm.s32 $0x2D80;
	[dreg:$0xc] =	wrdreg s7;
	s7 =	simm.s32 $0x2  }
.LBB2_1:
0x1f: {  	s16 =	rddreg [dreg:$0x7]  }
0x20: {  	s20 =	rddreg [dreg:$0x6];
	s26 =	sshrl.u32 s16, $0x3  }
0x21: {  	[spmem:s26], [sflag:s10] =	dma.local [hbm:s20], $0x2800  }
0x22: {  	s16 =	rddreg [dreg:$0x8]  }
0x23: {  	s17 =	rddreg [dreg:$0x2];
	s16 =	sshrl.u32 s16, $0x3  }
0x24: {  	[spmem:s16], [sflag:s10] =	dma.local [hbm:s17], $0x50;
	[tilespmem:$0xB000] =	vst v0  }
0x25: {  	[tilespmem:$0xB010] =	vst v0  }
0x26: {  	[tilespmem:$0xB020] =	vst v0  }
0x27: {  	[tilespmem:$0xB030] =	vst v0  }
0x28: {  	[tilespmem:$0xB040] =	vst v0  }
0x29: {  	[tilespmem:$0xB050] =	vst v0  }
0x2a: {  	[tilespmem:$0xB060] =	vst v0  }
0x2b: {  	[tilespmem:$0xB070] =	vst v0;
	s17 =	rddreg [dreg:$0x9]  }
0x2c: {  	[tilespmem:s6], [sflag:$0x3] =	stream.linear.gather [hbm4b:s17+s6], $0xA00, $0x38;
	[tilespmem:$0x1F300] =	vst v63  }
0x2d: {  	s18 =	simm.s32 $0x1800;
	s21 =	rddreg [dreg:$0xa]  }
0x2e: {  	[tilespmem:s18], [sflag:$0x3] =	stream.linear.gather [hbm4b:s21+s6], $0xA00, $0x38;
	[tilespmem:$0x1F300] =	vst v63  }
0x2f: {  	_ =	swait.ge [sflag:s24], $0xA00  }
0x30: {  	[sflag:s24] =	ssyncset.done $0x0  }
0x31: {  	[sflag:s24] =	ssyncadd.s32 $0xFFFFF600  }
0x32: {  	_ =	swait.ge [sflag:s24], $0xA00  }
0x33: {  	[sflag:s24] =	ssyncset.done $0x0  }
0x34: {  	s19 =	rddreg [dreg:$0xb];
	[sflag:s24] =	ssyncadd.s32 $0xFFFFF600  }
0x35: {  	[tilespmem:s25], [sflag:$0x3] =	stream.linear.gather [hbm4b:s19+s6], $0xA00, $0x38;
	[tilespmem:$0x1F300] =	vst v63  }
0x36: {  	s21 =	simm.s32 $0x2400;
	s20 =	rddreg [dreg:$0xc]  }
0x37: {  	[tilespmem:s21], [sflag:$0x3] =	stream.linear.gather [hbm4b:s20+s6], $0xA00, $0x38;
	[tilespmem:$0x1F300] =	vst v63  }
0x38: {  	_ = 	snop  }
0x39: {  	[tilespmem:s29], [sflag:$0x1] =	stream.indirect.gather [hbm4b:s1+s28], $0x80, s6, s28, $0xb8;
	[tilespmem:$0x1F300] =	vst v63  }
0x3a: {  	_ =	swait.ge [sflag:s30], $0x2800  }
0x3b: {  	[sflag:s30] =	ssyncset.done $0x0  }
0x3c: {  	[sflag:s30] =	ssyncadd.s32 $0xFFFFD800  }
0x3d: {  	_ =	swait.ge [sflag:s30], $0x50  }
0x3e: {  	[sflag:s30] =	ssyncset.done $0x0  }
0x3f: {  	[sflag:s30] =	ssyncadd.s32 $0xFFFFFFB0  }
0x40: {  	s18 =	simm.s32 $0x80;
	[bflag:$0x0] =	sbarrier.arrive $0xFFFF  }
0x41: {  	[tilespmem:s31], [sflag:$0x2] =	stream.indirect.gather [hbm4b:s1+s28], $0x80, s18, s28, $0xb8;
	[tilespmem:$0x1F300] =	vst v63  }
0x42: {  	_ =	swait.ge [sflag:s0], $0x4000  }
0x43: {  	[sflag:s0] =	ssyncset.done $0x0  }
0x44: {  	s19 =	simm.s32 $0x1800;
	[sflag:s0] =	ssyncadd.s32 $0xFFFFC000  }
0x45: {  	[spmem:s3] =	stream.indirect.scatter.add.f32 [tilespmem:s29], [sflag:$0x5], $0x80, s19, s28, $0xb8;
	[tilespmem:$0x1F300] =	vst v63  }
0x46: {  	_ =	swait.ge [sflag:s5], $0x4000  }
0x47: {  	[sflag:s5] =	ssyncset.done $0x0  }
0x48: {  	[sflag:s5] =	ssyncadd.s32 $0xFFFFC000  }
0x49: {  	[spmem:s4] =	stream.indirect.scatter.add.f32 [tilespmem:s2], [sflag:$0x5], $0x1, s19, s28, $0xb8;
	[tilespmem:$0x1F300] =	vst v63  }
0x4a: {  	_ =	swait.ge [sflag:s5], $0x80  }
0x4b: {  	[sflag:s5] =	ssyncset.done $0x0  }
0x4c: {  	s20 =	simm.s32 $0x100;
	[sflag:s5] =	ssyncadd.s32 $0xFFFFFF80  }
0x4d: {  	[tilespmem:s29], [sflag:$0x1] =	stream.indirect.gather [hbm4b:s1+s28], $0x80, s20, s28, $0xb8;
	[tilespmem:$0x1F300] =	vst v63  }
0x4e: {  	_ =	swait.ge [sflag:s7], $0x4000  }
0x4f: {  	[sflag:s7] =	ssyncset.done $0x0  }
0x50: {  	s21 =	simm.s32 $0x1880;
	[sflag:s7] =	ssyncadd.s32 $0xFFFFC000  }
0x51: {  	[spmem:s3] =	stream.indirect.scatter.add.f32 [tilespmem:s31], [sflag:$0x5], $0x80, s21, s28, $0xb8;
	[tilespmem:$0x1F300] =	vst v63  }
0x52: {  	_ =	swait.ge [sflag:s5], $0x4000  }
0x53: {  	[sflag:s5] =	ssyncset.done $0x0  }
0x54: {  	[sflag:s5] =	ssyncadd.s32 $0xFFFFC000  }
0x55: {  	[spmem:s4] =	stream.indirect.scatter.add.f32 [tilespmem:s2], [sflag:$0x5], $0x1, s21, s28, $0xb8;
	[tilespmem:$0x1F300] =	vst v63  }
0x56: {  	_ =	swait.ge [sflag:s5], $0x80  }
0x57: {  	s17 =	simm.s32 $0x100;
	s18 =	simm.s32 $0x800;
	[sflag:s5] =	ssyncset.done $0x0  }
.LBB2_2:
0x58: {  	s19 =	sadd.s32 $0x80, s17  }
0x59: {  	[sflag:s5] =	ssyncadd.s32 $0xFFFFFF80;
	s20 =	smov.u32 s18;
	s21 =	sadd.s32 $0x400, s18  }
0x5a: {  	[tilespmem:s31], [sflag:$0x2] =	stream.indirect.gather [hbm4b:s1+s28], $0x80, s19, s28, $0xb8;
	[tilespmem:$0x1F300] =	vst v63  }
0x5b: {  	p0 =	sne.s32 s18, $0x2000;
	_ =	swait.ge [sflag:s0], $0x4000  }
0x5c: {  	[sflag:s0] =	ssyncset.done $0x0  }
0x5d: {  	s18 =	sadd.s32 $0x1800, s17;
	[sflag:s0] =	ssyncadd.s32 $0xFFFFC000  }
0x5e: {  	[spmem:s3] =	stream.indirect.scatter.add.f32 [tilespmem:s29], [sflag:$0x5], $0x80, s18, s28, $0xb8;
	[tilespmem:$0x1F300] =	vst v63  }
0x5f: {  	_ =	swait.ge [sflag:s5], $0x4000  }
0x60: {  	[sflag:s5] =	ssyncset.done $0x0  }
0x61: {  	[sflag:s5] =	ssyncadd.s32 $0xFFFFC000  }
0x62: {  	[spmem:s4] =	stream.indirect.scatter.add.f32 [tilespmem:s2], [sflag:$0x5], $0x1, s18, s28, $0xb8;
	[tilespmem:$0x1F300] =	vst v63  }
0x63: {  	_ =	swait.ge [sflag:s5], $0x80  }
0x64: {  	[sflag:s5] =	ssyncset.done $0x0  }
0x65: {  	s18 =	sadd.s32 $0x100, s17;
	[sflag:s5] =	ssyncadd.s32 $0xFFFFFF80  }
0x66: {  	[tilespmem:s29], [sflag:$0x1] =	stream.indirect.gather [hbm4b:s1+s28], $0x80, s18, s28, $0xb8;
	[tilespmem:$0x1F300] =	vst v63  }
0x67: {  	_ =	swait.ge [sflag:s7], $0x4000  }
0x68: {  	[sflag:s7] =	ssyncset.done $0x0  }
0x69: {  	s17 =	sadd.s32 $0x1880, s17;
	[sflag:s7] =	ssyncadd.s32 $0xFFFFC000  }
0x6a: {  	[spmem:s3] =	stream.indirect.scatter.add.f32 [tilespmem:s31], [sflag:$0x5], $0x80, s17, s28, $0xb8;
	[tilespmem:$0x1F300] =	vst v63  }
0x6b: {  	_ =	swait.ge [sflag:s5], $0x4000  }
.Ltmp0:
0x6c: {  	[sflag:s5] =	ssyncset.done $0x0;
	(pc) =	sbr.rel @p0 .LBB2_2-.Ltmp0, $4  }
0x6d: {  	[sflag:s5] =	ssyncadd.s32 $0xFFFFC000  }
0x6e: {  	[spmem:s4] =	stream.indirect.scatter.add.f32 [tilespmem:s2], [sflag:$0x5], $0x1, s17, s28, $0xb8;
	[tilespmem:$0x1F300] =	vst v63  }
0x6f: {  	_ =	swait.ge [sflag:s5], $0x80  }
0x70: {  	s18 =	smov.u32 s21;
	s17 =	sshra.s32 s20, $0x2;
	[sflag:s5] =	ssyncset.done $0x0  }
0x71: {  	s18 =	sadd.s32 $0x80, s17;
	[sflag:s5] =	ssyncadd.s32 $0xFFFFFF80  }
0x72: {  	[tilespmem:s31], [sflag:$0x2] =	stream.indirect.gather [hbm4b:s1+s28], $0x80, s18, s28, $0xb8;
	[tilespmem:$0x1F300] =	vst v63  }
0x73: {  	_ =	swait.ge [sflag:s0], $0x4000  }
0x74: {  	[sflag:s0] =	ssyncset.done $0x0  }
0x75: {  	s20 =	sadd.s32 $0x1800, s17;
	[sflag:s0] =	ssyncadd.s32 $0xFFFFC000  }
0x76: {  	[spmem:s3] =	stream.indirect.scatter.add.f32 [tilespmem:s29], [sflag:$0x5], $0x80, s20, s28, $0xb8;
	[tilespmem:$0x1F300] =	vst v63  }
0x77: {  	_ =	swait.ge [sflag:s5], $0x4000  }
0x78: {  	[sflag:s5] =	ssyncset.done $0x0  }
0x79: {  	[sflag:s5] =	ssyncadd.s32 $0xFFFFC000  }
0x7a: {  	[spmem:s4] =	stream.indirect.scatter.add.f32 [tilespmem:s2], [sflag:$0x5], $0x1, s20, s28, $0xb8;
	[tilespmem:$0x1F300] =	vst v63  }
0x7b: {  	_ =	swait.ge [sflag:s5], $0x80  }
0x7c: {  	[sflag:s5] =	ssyncset.done $0x0  }
0x7d: {  	s21 =	sadd.s32 $0x100, s17;
	[sflag:s5] =	ssyncadd.s32 $0xFFFFFF80  }
0x7e: {  	[tilespmem:s29], [sflag:$0x1] =	stream.indirect.gather [hbm4b:s1+s28], $0x80, s21, s28, $0xb8;
	[tilespmem:$0x1F300] =	vst v63  }
0x7f: {  	_ =	swait.ge [sflag:s7], $0x4000  }
0x80: {  	[sflag:s7] =	ssyncset.done $0x0  }
0x81: {  	s19 =	sadd.s32 $0x1880, s17;
	[sflag:s7] =	ssyncadd.s32 $0xFFFFC000  }
0x82: {  	[spmem:s3] =	stream.indirect.scatter.add.f32 [tilespmem:s31], [sflag:$0x5], $0x80, s19, s28, $0xb8;
	[tilespmem:$0x1F300] =	vst v63  }
0x83: {  	_ =	swait.ge [sflag:s5], $0x4000  }
0x84: {  	[sflag:s5] =	ssyncset.done $0x0  }
0x85: {  	[sflag:s5] =	ssyncadd.s32 $0xFFFFC000  }
0x86: {  	[spmem:s4] =	stream.indirect.scatter.add.f32 [tilespmem:s2], [sflag:$0x5], $0x1, s19, s28, $0xb8;
	[tilespmem:$0x1F300] =	vst v63  }
0x87: {  	_ =	swait.ge [sflag:s5], $0x80  }
0x88: {  	[sflag:s5] =	ssyncset.done $0x0  }
0x89: {  	[sflag:s5] =	ssyncadd.s32 $0xFFFFFF80  }
0x8a: {  	[tilespmem:s31], [sflag:$0x2] =	stream.indirect.gather [hbm4b:s1+s28], $0x80, s8, s28, $0xb8;
	[tilespmem:$0x1F300] =	vst v63  }
0x8b: {  	_ =	swait.ge [sflag:s0], $0x4000  }
0x8c: {  	[sflag:s0] =	ssyncset.done $0x0  }
0x8d: {  	[sflag:s0] =	ssyncadd.s32 $0xFFFFC000  }
0x8e: {  	[spmem:s3] =	stream.indirect.scatter.add.f32 [tilespmem:s29], [sflag:$0x5], $0x80, s11, s28, $0xb8;
	[tilespmem:$0x1F300] =	vst v63  }
0x8f: {  	_ =	swait.ge [sflag:s5], $0x4000  }
0x90: {  	[sflag:s5] =	ssyncset.done $0x0  }
0x91: {  	[sflag:s5] =	ssyncadd.s32 $0xFFFFC000  }
0x92: {  	[spmem:s4] =	stream.indirect.scatter.add.f32 [tilespmem:s2], [sflag:$0x5], $0x1, s11, s28, $0xb8;
	[tilespmem:$0x1F300] =	vst v63  }
0x93: {  	_ =	swait.ge [sflag:s5], $0x80  }
0x94: {  	[sflag:s5] =	ssyncset.done $0x0  }
0x95: {  	[sflag:s5] =	ssyncadd.s32 $0xFFFFFF80  }
0x96: {  	_ =	swait.ge [sflag:s24], $0xA00  }
0x97: {  	[sflag:s24] =	ssyncset.done $0x0  }
0x98: {  	[sflag:s24] =	ssyncadd.s32 $0xFFFFF600  }
0x99: {  	_ =	swait.ge [sflag:s24], $0xA00  }
0x9a: {  	[sflag:s24] =	ssyncset.done $0x0  }
0x9b: {  	[sflag:s24] =	ssyncadd.s32 $0xFFFFF600  }
0x9c: {  	[tilespmem:s29], [sflag:$0x1] =	stream.indirect.gather [hbm4b:s1+s28], $0x80, s25, s28, $0xb8;
	[tilespmem:$0x1F300] =	vst v63  }
0x9d: {  	_ =	swait.ge [sflag:s7], $0x4000  }
0x9e: {  	[sflag:s7] =	ssyncset.done $0x0  }
0x9f: {  	[sflag:s7] =	ssyncadd.s32 $0xFFFFC000  }
0xa0: {  	[spmem:s3] =	stream.indirect.scatter.add.f32 [tilespmem:s31], [sflag:$0x5], $0x80, s12, s28, $0xb8;
	[tilespmem:$0x1F300] =	vst v63  }
0xa1: {  	_ =	swait.ge [sflag:s5], $0x4000  }
0xa2: {  	[sflag:s5] =	ssyncset.done $0x0  }
0xa3: {  	[sflag:s5] =	ssyncadd.s32 $0xFFFFC000  }
0xa4: {  	[spmem:s4] =	stream.indirect.scatter.add.f32 [tilespmem:s2], [sflag:$0x5], $0x1, s12, s28, $0xb8;
	[tilespmem:$0x1F300] =	vst v63  }
0xa5: {  	_ =	swait.ge [sflag:s5], $0x80  }
0xa6: {  	[sflag:s5] =	ssyncset.done $0x0  }
0xa7: {  	s17 =	simm.s32 $0x0;
	s20 =	rddreg [dreg:$0xd];
	[sflag:s5] =	ssyncadd.s32 $0xFFFFFF80  }
0xa8: {  	[tilespmem:s17], [sflag:$0x3] =	stream.linear.gather [hbm4b:s20+s17], $0xA00, $0x38;
	[tilespmem:$0x1F300] =	vst v63  }
0xa9: {  	s19 =	simm.s32 $0x1800;
	s21 =	rddreg [dreg:$0xe]  }
0xaa: {  	[tilespmem:s19], [sflag:$0x3] =	stream.linear.gather [hbm4b:s21+s17], $0xA00, $0x38;
	[tilespmem:$0x1F300] =	vst v63  }
0xab: {  	s18 =	simm.s32 $0xC80  }
0xac: {  	[tilespmem:s31], [sflag:$0x2] =	stream.indirect.gather [hbm4b:s1+s28], $0x80, s18, s28, $0xb8;
	[tilespmem:$0x1F300] =	vst v63  }
0xad: {  	_ =	swait.ge [sflag:s0], $0x4000  }
0xae: {  	[sflag:s0] =	ssyncset.done $0x0  }
0xaf: {  	s19 =	simm.s32 $0x2400;
	[sflag:s0] =	ssyncadd.s32 $0xFFFFC000  }
0xb0: {  	[spmem:s3] =	stream.indirect.scatter.add.f32 [tilespmem:s29], [sflag:$0x5], $0x80, s19, s28, $0xb8;
	[tilespmem:$0x1F300] =	vst v63  }
0xb1: {  	_ =	swait.ge [sflag:s5], $0x4000  }
0xb2: {  	[sflag:s5] =	ssyncset.done $0x0  }
0xb3: {  	[sflag:s5] =	ssyncadd.s32 $0xFFFFC000  }
0xb4: {  	[spmem:s4] =	stream.indirect.scatter.add.f32 [tilespmem:s2], [sflag:$0x5], $0x1, s19, s28, $0xb8;
	[tilespmem:$0x1F300] =	vst v63  }
0xb5: {  	_ =	swait.ge [sflag:s5], $0x80  }
0xb6: {  	[sflag:s5] =	ssyncset.done $0x0  }
0xb7: {  	s20 =	simm.s32 $0xD00;
	[sflag:s5] =	ssyncadd.s32 $0xFFFFFF80  }
0xb8: {  	[tilespmem:s29], [sflag:$0x1] =	stream.indirect.gather [hbm4b:s1+s28], $0x80, s20, s28, $0xb8;
	[tilespmem:$0x1F300] =	vst v63  }
0xb9: {  	_ =	swait.ge [sflag:s7], $0x4000  }
0xba: {  	[sflag:s7] =	ssyncset.done $0x0  }
0xbb: {  	s21 =	simm.s32 $0x2480;
	[sflag:s7] =	ssyncadd.s32 $0xFFFFC000  }
0xbc: {  	[spmem:s3] =	stream.indirect.scatter.add.f32 [tilespmem:s31], [sflag:$0x5], $0x80, s21, s28, $0xb8;
	[tilespmem:$0x1F300] =	vst v63  }
0xbd: {  	_ =	swait.ge [sflag:s5], $0x4000  }
0xbe: {  	[sflag:s5] =	ssyncset.done $0x0  }
0xbf: {  	[sflag:s5] =	ssyncadd.s32 $0xFFFFC000  }
0xc0: {  	[spmem:s4] =	stream.indirect.scatter.add.f32 [tilespmem:s2], [sflag:$0x5], $0x1, s21, s28, $0xb8;
	[tilespmem:$0x1F300] =	vst v63  }
0xc1: {  	_ =	swait.ge [sflag:s5], $0x80  }
0xc2: {  	s17 =	simm.s32 $0x100;
	s18 =	simm.s32 $0x800;
	[sflag:s5] =	ssyncset.done $0x0  }
.LBB2_4:
0xc3: {  	s19 =	sadd.s32 $0xC80, s17  }
0xc4: {  	[sflag:s5] =	ssyncadd.s32 $0xFFFFFF80;
	s20 =	smov.u32 s18;
	s21 =	sadd.s32 $0x400, s18  }
0xc5: {  	[tilespmem:s31], [sflag:$0x2] =	stream.indirect.gather [hbm4b:s1+s28], $0x80, s19, s28, $0xb8;
	[tilespmem:$0x1F300] =	vst v63  }
0xc6: {  	p0 =	sne.s32 s18, $0x2000;
	_ =	swait.ge [sflag:s0], $0x4000  }
0xc7: {  	[sflag:s0] =	ssyncset.done $0x0  }
0xc8: {  	s18 =	sadd.s32 $0x2400, s17;
	[sflag:s0] =	ssyncadd.s32 $0xFFFFC000  }
0xc9: {  	[spmem:s3] =	stream.indirect.scatter.add.f32 [tilespmem:s29], [sflag:$0x5], $0x80, s18, s28, $0xb8;
	[tilespmem:$0x1F300] =	vst v63  }
0xca: {  	_ =	swait.ge [sflag:s5], $0x4000  }
0xcb: {  	[sflag:s5] =	ssyncset.done $0x0  }
0xcc: {  	[sflag:s5] =	ssyncadd.s32 $0xFFFFC000  }
0xcd: {  	[spmem:s4] =	stream.indirect.scatter.add.f32 [tilespmem:s2], [sflag:$0x5], $0x1, s18, s28, $0xb8;
	[tilespmem:$0x1F300] =	vst v63  }
0xce: {  	_ =	swait.ge [sflag:s5], $0x80  }
0xcf: {  	[sflag:s5] =	ssyncset.done $0x0  }
0xd0: {  	s18 =	sadd.s32 $0xD00, s17;
	[sflag:s5] =	ssyncadd.s32 $0xFFFFFF80  }
0xd1: {  	[tilespmem:s29], [sflag:$0x1] =	stream.indirect.gather [hbm4b:s1+s28], $0x80, s18, s28, $0xb8;
	[tilespmem:$0x1F300] =	vst v63  }
0xd2: {  	_ =	swait.ge [sflag:s7], $0x4000  }
0xd3: {  	[sflag:s7] =	ssyncset.done $0x0  }
0xd4: {  	s17 =	sadd.s32 $0x2480, s17;
	[sflag:s7] =	ssyncadd.s32 $0xFFFFC000  }
0xd5: {  	[spmem:s3] =	stream.indirect.scatter.add.f32 [tilespmem:s31], [sflag:$0x5], $0x80, s17, s28, $0xb8;
	[tilespmem:$0x1F300] =	vst v63  }
0xd6: {  	_ =	swait.ge [sflag:s5], $0x4000  }
.Ltmp1:
0xd7: {  	[sflag:s5] =	ssyncset.done $0x0;
	(pc) =	sbr.rel @p0 .LBB2_4-.Ltmp1, $4  }
0xd8: {  	[sflag:s5] =	ssyncadd.s32 $0xFFFFC000  }
0xd9: {  	[spmem:s4] =	stream.indirect.scatter.add.f32 [tilespmem:s2], [sflag:$0x5], $0x1, s17, s28, $0xb8;
	[tilespmem:$0x1F300] =	vst v63  }
0xda: {  	_ =	swait.ge [sflag:s5], $0x80  }
0xdb: {  	s18 =	smov.u32 s21;
	s17 =	sshra.s32 s20, $0x2;
	[sflag:s5] =	ssyncset.done $0x0  }
0xdc: {  	s18 =	sadd.s32 $0xC80, s17;
	[sflag:s5] =	ssyncadd.s32 $0xFFFFFF80  }
0xdd: {  	[tilespmem:s31], [sflag:$0x2] =	stream.indirect.gather [hbm4b:s1+s28], $0x80, s18, s28, $0xb8;
	[tilespmem:$0x1F300] =	vst v63  }
0xde: {  	_ =	swait.ge [sflag:s0], $0x4000  }
0xdf: {  	[sflag:s0] =	ssyncset.done $0x0  }
0xe0: {  	s20 =	sadd.s32 $0x2400, s17;
	[sflag:s0] =	ssyncadd.s32 $0xFFFFC000  }
0xe1: {  	[spmem:s3] =	stream.indirect.scatter.add.f32 [tilespmem:s29], [sflag:$0x5], $0x80, s20, s28, $0xb8;
	[tilespmem:$0x1F300] =	vst v63  }
0xe2: {  	_ =	swait.ge [sflag:s5], $0x4000  }
0xe3: {  	[sflag:s5] =	ssyncset.done $0x0  }
0xe4: {  	[sflag:s5] =	ssyncadd.s32 $0xFFFFC000  }
0xe5: {  	[spmem:s4] =	stream.indirect.scatter.add.f32 [tilespmem:s2], [sflag:$0x5], $0x1, s20, s28, $0xb8;
	[tilespmem:$0x1F300] =	vst v63  }
0xe6: {  	_ =	swait.ge [sflag:s5], $0x80  }
0xe7: {  	[sflag:s5] =	ssyncset.done $0x0  }
0xe8: {  	s21 =	sadd.s32 $0xD00, s17;
	[sflag:s5] =	ssyncadd.s32 $0xFFFFFF80  }
0xe9: {  	[tilespmem:s29], [sflag:$0x1] =	stream.indirect.gather [hbm4b:s1+s28], $0x80, s21, s28, $0xb8;
	[tilespmem:$0x1F300] =	vst v63  }
0xea: {  	_ =	swait.ge [sflag:s7], $0x4000  }
0xeb: {  	[sflag:s7] =	ssyncset.done $0x0  }
0xec: {  	s19 =	sadd.s32 $0x2480, s17;
	[sflag:s7] =	ssyncadd.s32 $0xFFFFC000  }
0xed: {  	[spmem:s3] =	stream.indirect.scatter.add.f32 [tilespmem:s31], [sflag:$0x5], $0x80, s19, s28, $0xb8;
	[tilespmem:$0x1F300] =	vst v63  }
0xee: {  	_ =	swait.ge [sflag:s5], $0x4000  }
0xef: {  	[sflag:s5] =	ssyncset.done $0x0  }
0xf0: {  	[sflag:s5] =	ssyncadd.s32 $0xFFFFC000  }
0xf1: {  	[spmem:s4] =	stream.indirect.scatter.add.f32 [tilespmem:s2], [sflag:$0x5], $0x1, s19, s28, $0xb8;
	[tilespmem:$0x1F300] =	vst v63  }
0xf2: {  	_ =	swait.ge [sflag:s5], $0x80  }
0xf3: {  	[sflag:s5] =	ssyncset.done $0x0  }
0xf4: {  	[sflag:s5] =	ssyncadd.s32 $0xFFFFFF80  }
0xf5: {  	[tilespmem:s31], [sflag:$0x2] =	stream.indirect.gather [hbm4b:s1+s28], $0x80, s13, s28, $0xb8;
	[tilespmem:$0x1F300] =	vst v63  }
0xf6: {  	_ =	swait.ge [sflag:s0], $0x4000  }
0xf7: {  	[sflag:s0] =	ssyncset.done $0x0  }
0xf8: {  	[sflag:s0] =	ssyncadd.s32 $0xFFFFC000  }
0xf9: {  	[spmem:s3] =	stream.indirect.scatter.add.f32 [tilespmem:s29], [sflag:$0x5], $0x80, s14, s28, $0xb8;
	[tilespmem:$0x1F300] =	vst v63  }
0xfa: {  	_ =	swait.ge [sflag:s5], $0x4000  }
0xfb: {  	[sflag:s5] =	ssyncset.done $0x0  }
0xfc: {  	[sflag:s5] =	ssyncadd.s32 $0xFFFFC000  }
0xfd: {  	[spmem:s4] =	stream.indirect.scatter.add.f32 [tilespmem:s2], [sflag:$0x5], $0x1, s14, s28, $0xb8;
	[tilespmem:$0x1F300] =	vst v63  }
0xfe: {  	_ =	swait.ge [sflag:s5], $0x80  }
0xff: {  	[sflag:s5] =	ssyncset.done $0x0  }
0x100: {  	[sflag:s5] =	ssyncadd.s32 $0xFFFFFF80  }
0x101: {  	_ =	swait.ge [sflag:s24], $0xA00  }
0x102: {  	[sflag:s24] =	ssyncset.done $0x0  }
0x103: {  	[sflag:s24] =	ssyncadd.s32 $0xFFFFF600  }
0x104: {  	_ =	swait.ge [sflag:s24], $0xA00  }
0x105: {  	[sflag:s24] =	ssyncset.done $0x0  }
0x106: {  	s17 =	simm.s32 $0x0;
	[sflag:s24] =	ssyncadd.s32 $0xFFFFF600  }
0x107: {  	[tilespmem:s29], [sflag:$0x1] =	stream.indirect.gather [hbm4b:s1+s28], $0x80, s17, s28, $0xb8;
	[tilespmem:$0x1F300] =	vst v63  }
0x108: {  	_ =	swait.ge [sflag:s7], $0x4000  }
0x109: {  	[sflag:s7] =	ssyncset.done $0x0  }
0x10a: {  	[sflag:s7] =	ssyncadd.s32 $0xFFFFC000  }
0x10b: {  	[spmem:s3] =	stream.indirect.scatter.add.f32 [tilespmem:s31], [sflag:$0x5], $0x80, s23, s28, $0xb8;
	[tilespmem:$0x1F300] =	vst v63  }
0x10c: {  	_ =	swait.ge [sflag:s5], $0x4000  }
0x10d: {  	[sflag:s5] =	ssyncset.done $0x0  }
0x10e: {  	[sflag:s5] =	ssyncadd.s32 $0xFFFFC000  }
0x10f: {  	[spmem:s4] =	stream.indirect.scatter.add.f32 [tilespmem:s2], [sflag:$0x5], $0x1, s23, s28, $0xb8;
	[tilespmem:$0x1F300] =	vst v63  }
0x110: {  	_ =	swait.ge [sflag:s5], $0x80  }
0x111: {  	[sflag:s5] =	ssyncset.done $0x0  }
0x112: {  	s20 =	rddreg [dreg:$0xf];
	[sflag:s5] =	ssyncadd.s32 $0xFFFFFF80  }
0x113: {  	[tilespmem:s25], [sflag:$0x3] =	stream.linear.gather [hbm4b:s20+s17], $0xA00, $0x38;
	[tilespmem:$0x1F300] =	vst v63  }
0x114: {  	s19 =	simm.s32 $0x2400;
	s21 =	rddreg [dreg:$0x10]  }
0x115: {  	[tilespmem:s19], [sflag:$0x3] =	stream.linear.gather [hbm4b:s21+s17], $0xA00, $0x38;
	[tilespmem:$0x1F300] =	vst v63  }
0x116: {  	s18 =	simm.s32 $0x80  }
0x117: {  	[tilespmem:s31], [sflag:$0x2] =	stream.indirect.gather [hbm4b:s1+s28], $0x80, s18, s28, $0xb8;
	[tilespmem:$0x1F300] =	vst v63  }
0x118: {  	_ =	swait.ge [sflag:s0], $0x4000  }
0x119: {  	[sflag:s0] =	ssyncset.done $0x0  }
0x11a: {  	s19 =	simm.s32 $0x1800;
	[sflag:s0] =	ssyncadd.s32 $0xFFFFC000  }
0x11b: {  	[spmem:s3] =	stream.indirect.scatter.add.f32 [tilespmem:s29], [sflag:$0x5], $0x80, s19, s28, $0xb8;
	[tilespmem:$0x1F300] =	vst v63  }
0x11c: {  	_ =	swait.ge [sflag:s5], $0x4000  }
0x11d: {  	[sflag:s5] =	ssyncset.done $0x0  }
0x11e: {  	[sflag:s5] =	ssyncadd.s32 $0xFFFFC000  }
0x11f: {  	[spmem:s4] =	stream.indirect.scatter.add.f32 [tilespmem:s2], [sflag:$0x5], $0x1, s19, s28, $0xb8;
	[tilespmem:$0x1F300] =	vst v63  }
0x120: {  	_ =	swait.ge [sflag:s5], $0x80  }
0x121: {  	[sflag:s5] =	ssyncset.done $0x0  }
0x122: {  	s20 =	simm.s32 $0x100;
	[sflag:s5] =	ssyncadd.s32 $0xFFFFFF80  }
0x123: {  	[tilespmem:s29], [sflag:$0x1] =	stream.indirect.gather [hbm4b:s1+s28], $0x80, s20, s28, $0xb8;
	[tilespmem:$0x1F300] =	vst v63  }
0x124: {  	_ =	swait.ge [sflag:s7], $0x4000  }
0x125: {  	[sflag:s7] =	ssyncset.done $0x0  }
0x126: {  	s21 =	simm.s32 $0x1880;
	[sflag:s7] =	ssyncadd.s32 $0xFFFFC000  }
0x127: {  	[spmem:s3] =	stream.indirect.scatter.add.f32 [tilespmem:s31], [sflag:$0x5], $0x80, s21, s28, $0xb8;
	[tilespmem:$0x1F300] =	vst v63  }
0x128: {  	_ =	swait.ge [sflag:s5], $0x4000  }
0x129: {  	[sflag:s5] =	ssyncset.done $0x0  }
0x12a: {  	[sflag:s5] =	ssyncadd.s32 $0xFFFFC000  }
0x12b: {  	[spmem:s4] =	stream.indirect.scatter.add.f32 [tilespmem:s2], [sflag:$0x5], $0x1, s21, s28, $0xb8;
	[tilespmem:$0x1F300] =	vst v63  }
0x12c: {  	_ =	swait.ge [sflag:s5], $0x80  }
0x12d: {  	s17 =	simm.s32 $0x100;
	s18 =	simm.s32 $0x800;
	[sflag:s5] =	ssyncset.done $0x0  }
.LBB2_6:
0x12e: {  	s19 =	sadd.s32 $0x80, s17  }
0x12f: {  	[sflag:s5] =	ssyncadd.s32 $0xFFFFFF80;
	s20 =	smov.u32 s18;
	s21 =	sadd.s32 $0x400, s18  }
0x130: {  	[tilespmem:s31], [sflag:$0x2] =	stream.indirect.gather [hbm4b:s1+s28], $0x80, s19, s28, $0xb8;
	[tilespmem:$0x1F300] =	vst v63  }
0x131: {  	p0 =	sne.s32 s18, $0x2000;
	_ =	swait.ge [sflag:s0], $0x4000  }
0x132: {  	[sflag:s0] =	ssyncset.done $0x0  }
0x133: {  	s18 =	sadd.s32 $0x1800, s17;
	[sflag:s0] =	ssyncadd.s32 $0xFFFFC000  }
0x134: {  	[spmem:s3] =	stream.indirect.scatter.add.f32 [tilespmem:s29], [sflag:$0x5], $0x80, s18, s28, $0xb8;
	[tilespmem:$0x1F300] =	vst v63  }
0x135: {  	_ =	swait.ge [sflag:s5], $0x4000  }
0x136: {  	[sflag:s5] =	ssyncset.done $0x0  }
0x137: {  	[sflag:s5] =	ssyncadd.s32 $0xFFFFC000  }
0x138: {  	[spmem:s4] =	stream.indirect.scatter.add.f32 [tilespmem:s2], [sflag:$0x5], $0x1, s18, s28, $0xb8;
	[tilespmem:$0x1F300] =	vst v63  }
0x139: {  	_ =	swait.ge [sflag:s5], $0x80  }
0x13a: {  	[sflag:s5] =	ssyncset.done $0x0  }
0x13b: {  	s18 =	sadd.s32 $0x100, s17;
	[sflag:s5] =	ssyncadd.s32 $0xFFFFFF80  }
0x13c: {  	[tilespmem:s29], [sflag:$0x1] =	stream.indirect.gather [hbm4b:s1+s28], $0x80, s18, s28, $0xb8;
	[tilespmem:$0x1F300] =	vst v63  }
0x13d: {  	_ =	swait.ge [sflag:s7], $0x4000  }
0x13e: {  	[sflag:s7] =	ssyncset.done $0x0  }
0x13f: {  	s17 =	sadd.s32 $0x1880, s17;
	[sflag:s7] =	ssyncadd.s32 $0xFFFFC000  }
0x140: {  	[spmem:s3] =	stream.indirect.scatter.add.f32 [tilespmem:s31], [sflag:$0x5], $0x80, s17, s28, $0xb8;
	[tilespmem:$0x1F300] =	vst v63  }
0x141: {  	_ =	swait.ge [sflag:s5], $0x4000  }
.Ltmp2:
0x142: {  	[sflag:s5] =	ssyncset.done $0x0;
	(pc) =	sbr.rel @p0 .LBB2_6-.Ltmp2, $4  }
0x143: {  	[sflag:s5] =	ssyncadd.s32 $0xFFFFC000  }
0x144: {  	[spmem:s4] =	stream.indirect.scatter.add.f32 [tilespmem:s2], [sflag:$0x5], $0x1, s17, s28, $0xb8;
	[tilespmem:$0x1F300] =	vst v63  }
0x145: {  	_ =	swait.ge [sflag:s5], $0x80  }
0x146: {  	s18 =	smov.u32 s21;
	s17 =	sshra.s32 s20, $0x2;
	[sflag:s5] =	ssyncset.done $0x0  }
0x147: {  	s18 =	sadd.s32 $0x80, s17;
	[sflag:s5] =	ssyncadd.s32 $0xFFFFFF80  }
0x148: {  	[tilespmem:s31], [sflag:$0x2] =	stream.indirect.gather [hbm4b:s1+s28], $0x80, s18, s28, $0xb8;
	[tilespmem:$0x1F300] =	vst v63  }
0x149: {  	_ =	swait.ge [sflag:s0], $0x4000  }
0x14a: {  	[sflag:s0] =	ssyncset.done $0x0  }
0x14b: {  	s19 =	sadd.s32 $0x1800, s17;
	[sflag:s0] =	ssyncadd.s32 $0xFFFFC000  }
0x14c: {  	[spmem:s3] =	stream.indirect.scatter.add.f32 [tilespmem:s29], [sflag:$0x5], $0x80, s19, s28, $0xb8;
	[tilespmem:$0x1F300] =	vst v63  }
0x14d: {  	_ =	swait.ge [sflag:s5], $0x4000  }
0x14e: {  	[sflag:s5] =	ssyncset.done $0x0  }
0x14f: {  	[sflag:s5] =	ssyncadd.s32 $0xFFFFC000  }
0x150: {  	[spmem:s4] =	stream.indirect.scatter.add.f32 [tilespmem:s2], [sflag:$0x5], $0x1, s19, s28, $0xb8;
	[tilespmem:$0x1F300] =	vst v63  }
0x151: {  	_ =	swait.ge [sflag:s5], $0x80  }
0x152: {  	[sflag:s5] =	ssyncset.done $0x0  }
0x153: {  	s20 =	sadd.s32 $0x100, s17;
	[sflag:s5] =	ssyncadd.s32 $0xFFFFFF80  }
0x154: {  	[tilespmem:s29], [sflag:$0x1] =	stream.indirect.gather [hbm4b:s1+s28], $0x80, s20, s28, $0xb8;
	[tilespmem:$0x1F300] =	vst v63  }
0x155: {  	_ =	swait.ge [sflag:s7], $0x4000  }
0x156: {  	[sflag:s7] =	ssyncset.done $0x0  }
0x157: {  	s21 =	sadd.s32 $0x1880, s17;
	[sflag:s7] =	ssyncadd.s32 $0xFFFFC000  }
0x158: {  	[spmem:s3] =	stream.indirect.scatter.add.f32 [tilespmem:s31], [sflag:$0x5], $0x80, s21, s28, $0xb8;
	[tilespmem:$0x1F300] =	vst v63  }
0x159: {  	_ =	swait.ge [sflag:s5], $0x4000  }
0x15a: {  	[sflag:s5] =	ssyncset.done $0x0  }
0x15b: {  	[sflag:s5] =	ssyncadd.s32 $0xFFFFC000  }
0x15c: {  	[spmem:s4] =	stream.indirect.scatter.add.f32 [tilespmem:s2], [sflag:$0x5], $0x1, s21, s28, $0xb8;
	[tilespmem:$0x1F300] =	vst v63  }
0x15d: {  	_ =	swait.ge [sflag:s5], $0x80  }
0x15e: {  	[sflag:s5] =	ssyncset.done $0x0  }
0x15f: {  	[sflag:s5] =	ssyncadd.s32 $0xFFFFFF80  }
0x160: {  	[tilespmem:s31], [sflag:$0x2] =	stream.indirect.gather [hbm4b:s1+s28], $0x80, s8, s28, $0xb8;
	[tilespmem:$0x1F300] =	vst v63  }
0x161: {  	_ =	swait.ge [sflag:s0], $0x4000  }
0x162: {  	[sflag:s0] =	ssyncset.done $0x0  }
0x163: {  	[sflag:s0] =	ssyncadd.s32 $0xFFFFC000  }
0x164: {  	[spmem:s3] =	stream.indirect.scatter.add.f32 [tilespmem:s29], [sflag:$0x5], $0x80, s11, s28, $0xb8;
	[tilespmem:$0x1F300] =	vst v63  }
0x165: {  	_ =	swait.ge [sflag:s5], $0x4000  }
0x166: {  	[sflag:s5] =	ssyncset.done $0x0  }
0x167: {  	[sflag:s5] =	ssyncadd.s32 $0xFFFFC000  }
0x168: {  	[spmem:s4] =	stream.indirect.scatter.add.f32 [tilespmem:s2], [sflag:$0x5], $0x1, s11, s28, $0xb8;
	[tilespmem:$0x1F300] =	vst v63  }
0x169: {  	_ =	swait.ge [sflag:s5], $0x80  }
0x16a: {  	[sflag:s5] =	ssyncset.done $0x0  }
0x16b: {  	[sflag:s5] =	ssyncadd.s32 $0xFFFFFF80  }
0x16c: {  	_ =	swait.ge [sflag:s24], $0xA00  }
0x16d: {  	[sflag:s24] =	ssyncset.done $0x0  }
0x16e: {  	[sflag:s24] =	ssyncadd.s32 $0xFFFFF600  }
0x16f: {  	_ =	swait.ge [sflag:s24], $0xA00  }
0x170: {  	[sflag:s24] =	ssyncset.done $0x0  }
0x171: {  	[sflag:s24] =	ssyncadd.s32 $0xFFFFF600  }
0x172: {  	[tilespmem:s29], [sflag:$0x1] =	stream.indirect.gather [hbm4b:s1+s28], $0x80, s25, s28, $0xb8;
	[tilespmem:$0x1F300] =	vst v63  }
0x173: {  	_ =	swait.ge [sflag:s7], $0x4000  }
0x174: {  	[sflag:s7] =	ssyncset.done $0x0  }
0x175: {  	[sflag:s7] =	ssyncadd.s32 $0xFFFFC000  }
0x176: {  	[spmem:s3] =	stream.indirect.scatter.add.f32 [tilespmem:s31], [sflag:$0x5], $0x80, s12, s28, $0xb8;
	[tilespmem:$0x1F300] =	vst v63  }
0x177: {  	_ =	swait.ge [sflag:s5], $0x4000  }
0x178: {  	[sflag:s5] =	ssyncset.done $0x0  }
0x179: {  	[sflag:s5] =	ssyncadd.s32 $0xFFFFC000  }
0x17a: {  	[spmem:s4] =	stream.indirect.scatter.add.f32 [tilespmem:s2], [sflag:$0x5], $0x1, s12, s28, $0xb8;
	[tilespmem:$0x1F300] =	vst v63  }
0x17b: {  	_ =	swait.ge [sflag:s5], $0x80  }
0x17c: {  	[sflag:s5] =	ssyncset.done $0x0  }
0x17d: {  	s18 =	simm.s32 $0xC80;
	[sflag:s5] =	ssyncadd.s32 $0xFFFFFF80  }
0x17e: {  	[tilespmem:s31], [sflag:$0x2] =	stream.indirect.gather [hbm4b:s1+s28], $0x80, s18, s28, $0xb8;
	[tilespmem:$0x1F300] =	vst v63  }
0x17f: {  	_ =	swait.ge [sflag:s0], $0x4000  }
0x180: {  	[sflag:s0] =	ssyncset.done $0x0  }
0x181: {  	s19 =	simm.s32 $0x2400;
	[sflag:s0] =	ssyncadd.s32 $0xFFFFC000  }
0x182: {  	[spmem:s3] =	stream.indirect.scatter.add.f32 [tilespmem:s29], [sflag:$0x5], $0x80, s19, s28, $0xb8;
	[tilespmem:$0x1F300] =	vst v63  }
0x183: {  	_ =	swait.ge [sflag:s5], $0x4000  }
0x184: {  	[sflag:s5] =	ssyncset.done $0x0  }
0x185: {  	[sflag:s5] =	ssyncadd.s32 $0xFFFFC000  }
0x186: {  	[spmem:s4] =	stream.indirect.scatter.add.f32 [tilespmem:s2], [sflag:$0x5], $0x1, s19, s28, $0xb8;
	[tilespmem:$0x1F300] =	vst v63  }
0x187: {  	_ =	swait.ge [sflag:s5], $0x80  }
0x188: {  	[sflag:s5] =	ssyncset.done $0x0  }
0x189: {  	s20 =	simm.s32 $0xD00;
	[sflag:s5] =	ssyncadd.s32 $0xFFFFFF80  }
0x18a: {  	[tilespmem:s29], [sflag:$0x1] =	stream.indirect.gather [hbm4b:s1+s28], $0x80, s20, s28, $0xb8;
	[tilespmem:$0x1F300] =	vst v63  }
0x18b: {  	_ =	swait.ge [sflag:s7], $0x4000  }
0x18c: {  	[sflag:s7] =	ssyncset.done $0x0  }
0x18d: {  	s21 =	simm.s32 $0x2480;
	[sflag:s7] =	ssyncadd.s32 $0xFFFFC000  }
0x18e: {  	[spmem:s3] =	stream.indirect.scatter.add.f32 [tilespmem:s31], [sflag:$0x5], $0x80, s21, s28, $0xb8;
	[tilespmem:$0x1F300] =	vst v63  }
0x18f: {  	_ =	swait.ge [sflag:s5], $0x4000  }
0x190: {  	[sflag:s5] =	ssyncset.done $0x0  }
0x191: {  	[sflag:s5] =	ssyncadd.s32 $0xFFFFC000  }
0x192: {  	[spmem:s4] =	stream.indirect.scatter.add.f32 [tilespmem:s2], [sflag:$0x5], $0x1, s21, s28, $0xb8;
	[tilespmem:$0x1F300] =	vst v63  }
0x193: {  	_ =	swait.ge [sflag:s5], $0x80  }
0x194: {  	s17 =	simm.s32 $0x100;
	s18 =	simm.s32 $0x800;
	[sflag:s5] =	ssyncset.done $0x0  }
.LBB2_8:
0x195: {  	s19 =	sadd.s32 $0xC80, s17  }
0x196: {  	[sflag:s5] =	ssyncadd.s32 $0xFFFFFF80;
	s20 =	smov.u32 s18;
	s21 =	sadd.s32 $0x400, s18  }
0x197: {  	[tilespmem:s31], [sflag:$0x2] =	stream.indirect.gather [hbm4b:s1+s28], $0x80, s19, s28, $0xb8;
	[tilespmem:$0x1F300] =	vst v63  }
0x198: {  	p0 =	sne.s32 s18, $0x2000;
	_ =	swait.ge [sflag:s0], $0x4000  }
0x199: {  	[sflag:s0] =	ssyncset.done $0x0  }
0x19a: {  	s18 =	sadd.s32 $0x2400, s17;
	[sflag:s0] =	ssyncadd.s32 $0xFFFFC000  }
0x19b: {  	[spmem:s3] =	stream.indirect.scatter.add.f32 [tilespmem:s29], [sflag:$0x5], $0x80, s18, s28, $0xb8;
	[tilespmem:$0x1F300] =	vst v63  }
0x19c: {  	_ =	swait.ge [sflag:s5], $0x4000  }
0x19d: {  	[sflag:s5] =	ssyncset.done $0x0  }
0x19e: {  	[sflag:s5] =	ssyncadd.s32 $0xFFFFC000  }
0x19f: {  	[spmem:s4] =	stream.indirect.scatter.add.f32 [tilespmem:s2], [sflag:$0x5], $0x1, s18, s28, $0xb8;
	[tilespmem:$0x1F300] =	vst v63  }
0x1a0: {  	_ =	swait.ge [sflag:s5], $0x80  }
0x1a1: {  	[sflag:s5] =	ssyncset.done $0x0  }
0x1a2: {  	s18 =	sadd.s32 $0xD00, s17;
	[sflag:s5] =	ssyncadd.s32 $0xFFFFFF80  }
0x1a3: {  	[tilespmem:s29], [sflag:$0x1] =	stream.indirect.gather [hbm4b:s1+s28], $0x80, s18, s28, $0xb8;
	[tilespmem:$0x1F300] =	vst v63  }
0x1a4: {  	_ =	swait.ge [sflag:s7], $0x4000  }
0x1a5: {  	[sflag:s7] =	ssyncset.done $0x0  }
0x1a6: {  	s17 =	sadd.s32 $0x2480, s17;
	[sflag:s7] =	ssyncadd.s32 $0xFFFFC000  }
0x1a7: {  	[spmem:s3] =	stream.indirect.scatter.add.f32 [tilespmem:s31], [sflag:$0x5], $0x80, s17, s28, $0xb8;
	[tilespmem:$0x1F300] =	vst v63  }
0x1a8: {  	_ =	swait.ge [sflag:s5], $0x4000  }
.Ltmp3:
0x1a9: {  	[sflag:s5] =	ssyncset.done $0x0;
	(pc) =	sbr.rel @p0 .LBB2_8-.Ltmp3, $4  }
0x1aa: {  	[sflag:s5] =	ssyncadd.s32 $0xFFFFC000  }
0x1ab: {  	[spmem:s4] =	stream.indirect.scatter.add.f32 [tilespmem:s2], [sflag:$0x5], $0x1, s17, s28, $0xb8;
	[tilespmem:$0x1F300] =	vst v63  }
0x1ac: {  	_ =	swait.ge [sflag:s5], $0x80  }
0x1ad: {  	s18 =	smov.u32 s21;
	s17 =	sshra.s32 s20, $0x2;
	[sflag:s5] =	ssyncset.done $0x0  }
0x1ae: {  	s18 =	sadd.s32 $0xC80, s17;
	[sflag:s5] =	ssyncadd.s32 $0xFFFFFF80  }
0x1af: {  	[tilespmem:s31], [sflag:$0x2] =	stream.indirect.gather [hbm4b:s1+s28], $0x80, s18, s28, $0xb8;
	[tilespmem:$0x1F300] =	vst v63  }
0x1b0: {  	_ =	swait.ge [sflag:s0], $0x4000  }
0x1b1: {  	[sflag:s0] =	ssyncset.done $0x0  }
0x1b2: {  	s21 =	sadd.s32 $0x2400, s17;
	[sflag:s0] =	ssyncadd.s32 $0xFFFFC000  }
0x1b3: {  	[spmem:s3] =	stream.indirect.scatter.add.f32 [tilespmem:s29], [sflag:$0x5], $0x80, s21, s28, $0xb8;
	[tilespmem:$0x1F300] =	vst v63  }
0x1b4: {  	_ =	swait.ge [sflag:s5], $0x4000  }
0x1b5: {  	[sflag:s5] =	ssyncset.done $0x0  }
0x1b6: {  	[sflag:s5] =	ssyncadd.s32 $0xFFFFC000  }
0x1b7: {  	[spmem:s4] =	stream.indirect.scatter.add.f32 [tilespmem:s2], [sflag:$0x5], $0x1, s21, s28, $0xb8;
	[tilespmem:$0x1F300] =	vst v63  }
0x1b8: {  	_ =	swait.ge [sflag:s5], $0x80  }
0x1b9: {  	[sflag:s5] =	ssyncset.done $0x0  }
0x1ba: {  	s19 =	sadd.s32 $0xD00, s17;
	[sflag:s5] =	ssyncadd.s32 $0xFFFFFF80  }
0x1bb: {  	[tilespmem:s29], [sflag:$0x1] =	stream.indirect.gather [hbm4b:s1+s28], $0x80, s19, s28, $0xb8;
	[tilespmem:$0x1F300] =	vst v63  }
0x1bc: {  	_ =	swait.ge [sflag:s7], $0x4000  }
0x1bd: {  	[sflag:s7] =	ssyncset.done $0x0  }
0x1be: {  	s20 =	sadd.s32 $0x2480, s17;
	[sflag:s7] =	ssyncadd.s32 $0xFFFFC000  }
0x1bf: {  	[spmem:s3] =	stream.indirect.scatter.add.f32 [tilespmem:s31], [sflag:$0x5], $0x80, s20, s28, $0xb8;
	[tilespmem:$0x1F300] =	vst v63  }
0x1c0: {  	_ =	swait.ge [sflag:s5], $0x4000  }
0x1c1: {  	[sflag:s5] =	ssyncset.done $0x0  }
0x1c2: {  	[sflag:s5] =	ssyncadd.s32 $0xFFFFC000  }
0x1c3: {  	[spmem:s4] =	stream.indirect.scatter.add.f32 [tilespmem:s2], [sflag:$0x5], $0x1, s20, s28, $0xb8;
	[tilespmem:$0x1F300] =	vst v63  }
0x1c4: {  	_ =	swait.ge [sflag:s5], $0x80  }
0x1c5: {  	[sflag:s5] =	ssyncset.done $0x0  }
0x1c6: {  	[sflag:s5] =	ssyncadd.s32 $0xFFFFFF80  }
0x1c7: {  	[tilespmem:s31], [sflag:$0x2] =	stream.indirect.gather [hbm4b:s1+s28], $0x80, s13, s28, $0xb8;
	[tilespmem:$0x1F300] =	vst v63  }
0x1c8: {  	_ =	swait.ge [sflag:s0], $0x4000  }
0x1c9: {  	[sflag:s0] =	ssyncset.done $0x0  }
0x1ca: {  	[sflag:s0] =	ssyncadd.s32 $0xFFFFC000  }
0x1cb: {  	[spmem:s3] =	stream.indirect.scatter.add.f32 [tilespmem:s29], [sflag:$0x5], $0x80, s14, s28, $0xb8;
	[tilespmem:$0x1F300] =	vst v63  }
0x1cc: {  	_ =	swait.ge [sflag:s5], $0x4000  }
0x1cd: {  	[sflag:s5] =	ssyncset.done $0x0  }
0x1ce: {  	[sflag:s5] =	ssyncadd.s32 $0xFFFFC000  }
0x1cf: {  	[spmem:s4] =	stream.indirect.scatter.add.f32 [tilespmem:s2], [sflag:$0x5], $0x1, s14, s28, $0xb8;
	[tilespmem:$0x1F300] =	vst v63  }
0x1d0: {  	_ =	swait.ge [sflag:s5], $0x80  }
0x1d1: {  	[sflag:s5] =	ssyncset.done $0x0  }
0x1d2: {  	[sflag:s5] =	ssyncadd.s32 $0xFFFFFF80  }
0x1d3: {  	_ =	swait.ge [sflag:s7], $0x4000  }
0x1d4: {  	[sflag:s7] =	ssyncset.done $0x0  }
0x1d5: {  	[sflag:s7] =	ssyncadd.s32 $0xFFFFC000  }
0x1d6: {  	[spmem:s3] =	stream.indirect.scatter.add.f32 [tilespmem:s31], [sflag:$0x5], $0x80, s23, s28, $0xb8;
	[tilespmem:$0x1F300] =	vst v63  }
0x1d7: {  	_ =	swait.ge [sflag:s5], $0x4000  }
0x1d8: {  	[sflag:s5] =	ssyncset.done $0x0  }
0x1d9: {  	[sflag:s5] =	ssyncadd.s32 $0xFFFFC000  }
0x1da: {  	[spmem:s4] =	stream.indirect.scatter.add.f32 [tilespmem:s2], [sflag:$0x5], $0x1, s23, s28, $0xb8;
	[tilespmem:$0x1F300] =	vst v63  }
0x1db: {  	_ =	swait.ge [sflag:s5], $0x80  }
0x1dc: {  	[sflag:s5] =	ssyncset.done $0x0  }
0x1dd: {  	[sflag:s5] =	ssyncadd.s32 $0xFFFFFF80  }
0x1de: {  	[bflag:$0x0] =	sbarrier.arrive $0xFFFF  }
0x1df: {  	s17 =	sor.u32 $0x1C05, s9;
	s15 =	sadd.s32 $0x1, s15;
	s21 =	rddreg [dreg:$0x11]  }
0x1e0: {  	[hbm:s21], [sflag:s17] =	dma.local [spmem:s26], $0x2800  }
0x1e1: {  	p0 =	sne.s32 s15, s22;
	_ =	swait.ge [sflag:s5], $0x2800  }
0x1e2: {  	s19 =	simm.s32 $0x20;
	s20 =	simm.s32 $0x10;
	[sflag:s5] =	ssyncset.done $0x0  }
.Ltmp4:
0x1e3: {  	s26 =	rddreg [dreg:$0x12];
	[sflag:s5] =	ssyncadd.s32 $0xFFFFD800;
	(pc) =	sbr.rel @p0 .LBB2_1-.Ltmp4, $4  }
0x1e4: {  	[hbm:s26@s19], [sflag:s17] =	dma.strided [spmem:s16@s20], $0x50, s0, $0x10   }
0x1e5: {  	_ =	swait.ge [sflag:s5], $0x50  }
0x1e6: {  	[sflag:s5] =	ssyncset.done $0x0  }
0x1e7: {  	[sflag:s5] =	ssyncadd.s32 $0xFFFFFFB0  }
0x1e8: {  	_ =	sfence.sel $0x180000  }
0x1e9: {  	[bflag:$0x0] =	sbarrier.arrive $0xFFFF  }
0x1ea: {  	_ =	strace $0x90000047  }
0x1eb: {  	s0 =	stileid.u32;
	[bflag:$0x2] =	sbarrier.arrive $0xFFFF  }
0x1ec: {  	p0 =	sne.s32 s0, $0x0;
	s0 =	rddreg [dreg:$0x5]  }
0x1ed: {  	s0 =	sadd.s32 @!p0 $0x100000, s0  }
0x1ee: {  	[sflag:s0] =	ssyncadd.tile.s32 @!p0 $0x1;
	_ =	shalt  }
.Lfunc_end2:
_tile_overlayer_lowered:
.L_overlay_start_2:
0x1ef: {  	(tag) =	ssettag $0x2  }
0x1f0: {  	s0 =	rddreg [dreg:$0x0];
	s2 =	stileid.u32  }
0x1f1: {  	s1 =	rddreg [dreg:$0x1];
	p0 =	sne.s32 s2, $0x0  }
0x1f2: {  	s3 =	rddreg [dreg:$0x2];
	[bflag:$0x3] =	sbarrier.arrive $0xFFFF;
	s2 =	simm.s32 @!p0 $0x1C05  }
0x1f3: {  	[timem:s3], [sflag:s2] =	dma.local @!p0 [hbm:s0], s1  }
0x1f4: {  	s0 =	simm.s32 @!p0 $0x5  }
0x1f5: {  	_ =	swait.ge @!p0 [sflag:s0], s1  }
0x1f6: {  	s1 =	ssub.s32 @!p0 $0x0, s1;
	[sflag:s0] =	ssyncset.done @!p0 $0x0  }
0x1f7: {  	[sflag:s0] =	ssyncadd.s32 @!p0 s1  }
0x1f8: {  	[bflag:$0x3] =	sbarrier.arrive $0xFFFF  }
0x1f9: {  	_ =	shalt  }

// kernel: kernel.9.cloned.1.call-start
scs
__scs_entry_jumppad:
0x0: {  	(pc) =	sbr.rel $0x88, $3  }
0x1: {  	(tag) =	ssettag $0x0;
	lr =	simm.s32 $0x1  }
0x2: {  	[smem:$0x3F99] =	sst lr;
	_ =	strace $0xD0000000  }
0x3: {  	_ = 	snop  }
0x4: {  	_ = 	snop  }
0x5: {  	_ = 	snop  }
0x6: {  	_ = 	snop  }
0x7: {  	_ = 	snop  }
__scs_overlays_trampoline_lowered:
0x8: {  	[smem:$0x3FA8] =	sst s0  }
0x9: {  	[smem:$0x3FA9] =	sst s1  }
0xa: {  	[smem:$0x3FAA] =	sst s2  }
0xb: {  	[smem:$0x3FAB] =	sst s3  }
0xc: {  	[smem:$0x3FAC] =	sst s4  }
0xd: {  	[smem:$0x3FAD] =	sst s5  }
0xe: {  	[smem:$0x3FAE] =	sst s6  }
0xf: {  	[smem:$0x3FAF] =	sst s7  }
0x10: {  	[smem:$0x3FB0] =	sst s8  }
0x11: {  	[smem:$0x3FB1] =	sst s9;
	s0 =	simm.s32 @!p0 $0x0  }
0x12: {  	s1 =	sld [smem:$0x3F97];
	s0 =	simm.s32 @p0 $0x1  }
0x13: {  	[smem:$0x3FB2] =	sst s0;
	s0 =	simm.s32 @!p1 $0x0  }
0x14: {  	s2 =	sld [smem:$0x3F96];
	s0 =	simm.s32 @p1 $0x1  }
0x15: {  	[smem:$0x3FB3] =	sst s0;
	s0 =	simm.s32 @!p2 $0x0  }
0x16: {  	s3 =	sld [smem:$0x3FDB];
	s0 =	simm.s32 @p2 $0x1  }
0x17: {  	s4 =	simm.s32 $0x1BF5;
	[smem:$0x3FB5] =	sst s0  }
0x18: {  	s0 =	sld [smem:$0x3F98];
	_ =	swait.ge [sflag:s4], $0x0  }
0x19: {  	s7 =	sld [smem:$0x3F99]  }
0x1a: {  	s8 =	sadd.s32 $0xFFFFE003, lr  }
0x1b: {  	s9 =	sadd.s32 $0xFFFFFEF7, lr;
	s5 =	simm.s32 $0xFFFFFFFF;
	p2 =	slt.u32 s8, $0xFFFFF086  }
0x1c: {  	p1 =	slt.u32 s9, $0xF7A;
	s5 =	simm.s32 @!p2 $0x0  }
0x1d: {  	s5 =	simm.s32 @p1 $0x1;
	p0 =	seq.s32 s7, s2  }
0x1e: {  	s7 =	smul.u32 @!p0 $0xF7A, s2;
	p2 =	seq.s32 @!p0 s5, $0x0  }
0x1f: {  	s9 =	smul.u32 $0xF7A, s1;
	s8 =	simm.s32 @!p0 $0x1BF5;
	p2 =	por !p2, p0  }
0x20: {  	[sflag:s8] =	ssyncset.s32 @!p0 $0xFFFFF086;
	s6 =	sadd.s32 @!p0 s3, s7;
	s7 =	simm.s32 @!p0 $0x108  }
0x21: {  	s3 =	sadd.s32 s3, s9;
	s6 =	sadd.s32 @!p0 $0x88, s6;
	s7 =	simm.s32 @p2 $0x1082  }
0x22: {  	[simem:s7], [sflag:s8] =	dma.local @!p0 [hbm:s6], $0xF7A  }
0x23: {  	s9 =	sor.u32 $0xD0000000, s2;
	s6 =	simm.s32 $0x108;
	_ =	swait.ge @!p0 [sflag:s8], $0x0  }
0x24: {  	s3 =	sadd.s32 $0x88, s3;
	s6 =	simm.s32 @!p1 $0x1082;
	[sflag:s4] =	ssyncset.s32 $0xFFFFF086  }
0x25: {  	[simem:s6], [sflag:s4] =	dma.local [hbm:s3], $0xF7A  }
0x26: {  	[smem:$0x3F99] =	sst s1;
	(tag) =	ssettag s2;
	_ =	strace s9  }
0x27: {  	s1 =	sld [smem:$0x3FA9]  }
0x28: {  	s2 =	sld [smem:$0x3FAA]  }
0x29: {  	s4 =	sld [smem:$0x3FAC]  }
0x2a: {  	p0 =	seq.s32 s5, $0x0;
	s5 =	sld [smem:$0x3FAD]  }
0x2b: {  	s6 =	sld [smem:$0x3FAE]  }
0x2c: {  	s7 =	sld [smem:$0x3FAF]  }
0x2d: {  	s3 =	simm.s32 $0x108;
	s8 =	sld [smem:$0x3FB0]  }
0x2e: {  	s3 =	simm.s32 @!p0 $0x1082;
	s9 =	sld [smem:$0x3FB1]  }
0x2f: {  	lr =	sadd.s32 s0, s3;
	s0 =	sld [smem:$0x3FA8]  }
0x30: {  	s3 =	sld [smem:$0x3FAB]  }
0x31: {  	[smem:$0x3FB4] =	sst s10  }
0x32: {  	s10 =	sld [smem:$0x3FB2];
	_ =	sdelay $0x3  }
0x33: {  	p0 =	seq.s32 s10, $0x1;
	s10 =	sld [smem:$0x3FB4];
	_ =	sdelay $0x3  }
0x34: {  	[smem:$0x3FB4] =	sst s10  }
0x35: {  	s10 =	sld [smem:$0x3FB3];
	_ =	sdelay $0x3  }
0x36: {  	p1 =	seq.s32 s10, $0x1;
	s10 =	sld [smem:$0x3FB4];
	_ =	sdelay $0x3  }
0x37: {  	[smem:$0x3FB4] =	sst s10  }
0x38: {  	s10 =	sld [smem:$0x3FB5]  }
0x39: {  	_ = 	snop;
	(pc) =	sbr.ind lr, $3  }
0x3a: {  	_ = 	snop  }
0x3b: {  	_ = 	snop  }
0x3c: {  	p2 =	seq.s32 s10, $0x1;
	s10 =	sld [smem:$0x3FB4]  }
0x3d: {  	_ =	shalt  }
0x3e: {  	_ =	shalt  }
0x3f: {  	_ =	shalt  }
0x40: {  	_ =	shalt  }
0x41: {  	_ =	shalt  }
0x42: {  	_ =	shalt  }
0x43: {  	_ =	shalt  }
0x44: {  	_ =	shalt  }
0x45: {  	_ =	shalt  }
0x46: {  	_ =	shalt  }
0x47: {  	_ =	shalt  }
0x48: {  	_ =	shalt  }
0x49: {  	_ =	shalt  }
0x4a: {  	_ =	shalt  }
0x4b: {  	_ =	shalt  }
0x4c: {  	_ =	shalt  }
0x4d: {  	_ =	shalt  }
0x4e: {  	_ =	shalt  }
0x4f: {  	_ =	shalt  }
0x50: {  	_ =	shalt  }
0x51: {  	_ =	shalt  }
0x52: {  	_ =	shalt  }
0x53: {  	_ =	shalt  }
0x54: {  	_ =	shalt  }
0x55: {  	_ =	shalt  }
0x56: {  	_ =	shalt  }
0x57: {  	_ =	shalt  }
0x58: {  	_ =	shalt  }
0x59: {  	_ =	shalt  }
0x5a: {  	_ =	shalt  }
0x5b: {  	_ =	shalt  }
0x5c: {  	_ =	shalt  }
0x5d: {  	_ =	shalt  }
0x5e: {  	_ =	shalt  }
0x5f: {  	_ =	shalt  }
0x60: {  	_ =	shalt  }
0x61: {  	_ =	shalt  }
0x62: {  	_ =	shalt  }
0x63: {  	_ =	shalt  }
0x64: {  	_ =	shalt  }
0x65: {  	_ =	shalt  }
0x66: {  	_ =	shalt  }
0x67: {  	_ =	shalt  }
0x68: {  	_ =	shalt  }
0x69: {  	_ =	shalt  }
0x6a: {  	_ =	shalt  }
0x6b: {  	_ =	shalt  }
0x6c: {  	_ =	shalt  }
0x6d: {  	_ =	shalt  }
0x6e: {  	_ =	shalt  }
0x6f: {  	_ =	shalt  }
0x70: {  	_ =	shalt  }
0x71: {  	_ =	shalt  }
0x72: {  	_ =	shalt  }
0x73: {  	_ =	shalt  }
0x74: {  	_ =	shalt  }
0x75: {  	_ =	shalt  }
0x76: {  	_ =	shalt  }
0x77: {  	_ =	shalt  }
0x78: {  	_ =	shalt  }
0x79: {  	_ =	shalt  }
0x7a: {  	_ =	shalt  }
0x7b: {  	_ =	shalt  }
0x7c: {  	_ =	shalt  }
0x7d: {  	_ =	shalt  }
0x7e: {  	_ =	shalt  }
0x7f: {  	_ =	shalt  }
0x80: {  	_ =	shalt  }
0x81: {  	_ =	shalt  }
0x82: {  	_ =	shalt  }
0x83: {  	_ =	shalt  }
0x84: {  	_ =	shalt  }
0x85: {  	_ =	shalt  }
0x86: {  	_ =	shalt  }
0x87: {  	_ =	shalt  }
.Lfunc_end0:
.L_simem_size_0:
called_computation.1_lowered:
.L_overlay_start_0:
0x88: {  	s2 =	sld [smem:$0x3FD9]  }
0x89: {  	s3 =	sld [smem:$0x3FFE];
	_ =	sdelay $0x1  }
0x8a: {  	s1 =	srdreg.scid  }
0x8b: {  	s0 =	sand.u32 $0x1, s1  }
0x8c: {  	s17 =	sshll.u32 s0, $0xA;
	s2 =	sadd.s32 s3, s2  }
0x8d: {  	s2 =	sadd.s32 s2, s17  }
0x8e: {  	[smem:$0x3FC0] =	sst s2  }
0x8f: {  	_ = 	snop  }
0x90: {  	s2 =	sld [smem:$0x3FD0];
	(tm) =	ssettm $0x1  }
0x91: {  	s18 =	sld [smem:$0x3FFB];
	_ =	sdelay $0x3  }
0x92: {  	_ =	strace s18  }
0x93: {  	s3 =	sld [smem:$0x3FFC];
	_ =	sdelay $0x3  }
0x94: {  	_ =	strace s3  }
0x95: {  	s3 =	sld [smem:$0x3FFD];
	_ =	sdelay $0x3  }
0x96: {  	_ =	strace s3  }
0x97: {  	_ =	strace $0x8FFFFFFF  }
0x98: {  	s19 =	sld [smem:$0x3FDB];
	_ =	sdelay $0x1  }
0x99: {  	s4 =	simm.s32 $_scs_section_size  }
0x9a: {  	s5 =	simm.s32 $_size__tile_overlayer_lowered;
	s6 =	simm.s32 $_tile_overlayer_lowered  }
0x9b: {  	s22 =	simm.s32 $0x1BFF;
	s21 =	sshll.u32 s6, $0x1;
	s3 =	sadd.s32 s4, s19  }
0x9c: {  	s7 =	simm.s32 $0x0;
	s20 =	sshll.u32 s5, $0x1;
	s5 =	sadd.s32 s21, s3  }
0x9d: {  	[timem:s7], [sflag:s22] =	dma.local [hbm:s5], s20  }
0x9e: {  	_ =	swait.ge [sflag:s22], s20  }
0x9f: {  	s4 =	ssub.s32 $0x0, s20;
	[sflag:s22] =	ssyncset.done $0x0  }
0xa0: {  	[sflag:s22] =	ssyncadd.s32 s4;
	_ =	sdelay $0x1  }
0xa1: {  	s23 =	simm.s32 $0x1B8B  }
0xa2: {  	_ =	swait.ge [sflag:s23], $0x1  }
0xa3: {  	[sflag:s23] =	ssyncset.done $0x0  }
0xa4: {  	s25 =	simm.s32 $0x1B8E;
	s24 =	sld [smem:$0x3FFE];
	[sflag:s23] =	ssyncadd.s32 $0xFFFFFFFF  }
0xa5: {  	s26 =	simm.s32 $execute0_lowered;
	[smem:$0x3FD2] =	sst s25  }
0xa6: {  	s5 =	sshll.u32 s26, $0x1;
	_ =	strace $0x80000049;
	[dreg:$0x1] =	wrdreg $0xFFFFFFFF  }
0xa7: {  	s28 =	simm.s32 $_size_execute0_lowered;
	s3 =	sadd.s32 s3, s5;
	[dreg:$0x0] =	wrdreg $0x0  }
0xa8: {  	s5 =	sshll.u32 s28, $0x1;
	[dreg:$0x2] =	wrdreg s3  }
0xa9: {  	[dreg:$0x3] =	wrdreg s5  }
0xaa: {  	[dreg:$0x4] =	wrdreg $0xC0  }
0xab: {  	_ =	task [dreg:s7], $0x5FFFF  }
0xac: {  	[dreg:$0x1] =	wrdreg $0xFFFFFFFF  }
0xad: {  	[dreg:$0x0] =	wrdreg $0x60  }
0xae: {  	[dreg:$0x2] =	wrdreg s2  }
0xaf: {  	[dreg:$0x3] =	wrdreg s24  }
0xb0: {  	[dreg:$0x4] =	wrdreg $0xB0000  }
0xb1: {  	[dreg:$0x5] =	wrdreg $0x9  }
0xb2: {  	_ =	task.clear_ibuf [dreg:s7], $0x6FFFF;
	_ =	strace $0x90000049  }
0xb3: {  	s29 =	simm.s32 $0x9;
	_ =	strace $0x8000004B  }
0xb4: {  	_ =	swait.ge [sflag:s29], $0x1  }
0xb5: {  	[sflag:s29] =	ssyncadd.s32 $0xFFFFFFFF  }
0xb6: {  	_ =	strace $0x9000004B  }
0xb7: {  	_ =	sfence  }
0xb8: {  	s30 =	sld [smem:$0x0];
	_ =	sdelay $0x2  }
0xb9: {  	s31 =	sshll.u32 s1, $0xD;
	s1 =	sshrl.u32 s1, $0x2  }
0xba: {  	s3 =	sand.u32 $0x4000, s31;
	s1 =	sadd.s32 s1, s30  }
0xbb: {  	s0 =	sor.u32 s3, s0;
	s1 =	sshll.u32 s1, $0x11  }
0xbc: {  	s0 =	sor.u32 s1, s0  }
0xbd: {  	s0 =	sadd.s32 $0x8F2B, s0  }
0xbe: {  	[sflag:s0] =	ssyncadd.remote.s32 $0x1  }
0xbf: {  	_ =	sfence.sel $0xFFFF  }
0xc0: {  	[dreg:$0x0] =	wrdreg $0xFFFFFFFF;
	(pc) =	sbr.abs _section_cstart, $3  }
0xc1: {  	[dreg:$0x1] =	wrdreg $0xFFFFFFFF  }
0xc2: {  	_ =	task.clear_ibuf [dreg:s7], $0x2FFFF;
	_ =	strace $0x9FFFFFFF  }
0xc3: {  	(tm) =	ssettm $0x7FFFFFFF  }
tec
execute0_lowered:
.L_overlay_start_1:
0x0: {  	(tag) =	ssettag $0x1  }
0x1: {  	s2 =	rddreg [dreg:$0x0]  }
0x2: {  	s0 =	rddreg [dreg:$0x1]  }
0x3: {  	s3 =	rddreg [dreg:$0x2];
	s1 =	srdreg.scid  }
0x4: {  	s11 =	stileid.u32;
	s4 =	simm.s32 $0x0;
	s9 =	sand.u32 $0x1, s1  }
0x5: {  	s22 =	sshll.u32 s11, $0x1;
	[smem:$0x7FF] =	sst s4;
	s5 =	sadd.s32 $0x2400, s0  }
0x6: {  	s6 =	sadd.s32 $0x1A400, s0;
	s7 =	sshll.u32 s11, $0x6;
	[dreg:$0x12] =	wrdreg s9  }
0x7: {  	s1 =	sor.u32 s9, s22;
	_ =	strace $0x8000004A;
	[dreg:$0x11] =	wrdreg s7  }
0x8: {  	s23 =	sor.u32 $0x1C04, s7;
	s1 =	smul.u32 $0x3000, s1;
	[dreg:$0x4] =	wrdreg s6  }
0x9: {  	s24 =	sadd.s32 $0xE400, s0;
	s10 =	smul.u32 $0x14000, s11;
	[dreg:$0x5] =	wrdreg s23  }
0xa: {  	s16 =	smul.u32 $0x50000, s11;
	s17 =	rddreg [dreg:$0x4];
	s1 =	sshrl.u32 s1, $0x3  }
0xb: {  	s9 =	smul.u32 $0x140000, s9;
	s19 =	rddreg [dreg:$0x5];
	s25 =	sadd.s32 s5, s1  }
0xc: {  	s26 =	sadd.s32 s24, s1;
	s8 =	sor.u32 $0x180, s1;
	[dreg:$0x6] =	wrdreg s25  }
0xd: {  	s18 =	sshrl.u32 s16, $0x2;
	[dreg:$0x7] =	wrdreg s26;
	s28 =	sadd.s32 s5, s8  }
0xe: {  	s31 =	sadd.s32 $0x300, s1;
	s29 =	sadd.s32 s24, s8;
	[dreg:$0x8] =	wrdreg s28  }
0xf: {  	s14 =	sadd.s32 s10, s9;
	s12 =	sadd.s32 s5, s31;
	[dreg:$0x9] =	wrdreg s29  }
0x10: {  	s1 =	sadd.s32 $0x480, s1;
	s13 =	sadd.s32 s24, s31;
	[dreg:$0xa] =	wrdreg s12  }
0x11: {  	s15 =	sshrl.u32 s14, $0x3;
	s5 =	sadd.s32 s5, s1;
	[dreg:$0xb] =	wrdreg s13  }
0x12: {  	s0 =	sadd.s32 s15, s0;
	s1 =	sadd.s32 s24, s1;
	[dreg:$0xc] =	wrdreg s5  }
0x13: {  	s0 =	sadd.s32 $0x1CC00, s0;
	s5 =	sadd.s32 s18, s3;
	[dreg:$0xd] =	wrdreg s1  }
0x14: {  	[dreg:$0xe] =	wrdreg s0;
	s31 =	sshrl.u32 s5, $0x3  }
0x15: {  	[spmem:s31], [sflag:s19] =	dma.local [hbm:s17], $0x2800  }
0x16: {  	s20 =	rddreg [dreg:$0x6]  }
0x17: {  	[tilespmem:s4], [sflag:$0x3] =	stream.linear.gather [hbm4b:s20+s4], $0xA00, $0x38;
	[tilespmem:$0x1F000] =	vst v63  }
0x18: {  	s7 =	simm.s32 $0x3;
	s8 =	simm.s32 $0x1800;
	s21 =	rddreg [dreg:$0x7]  }
0x19: {  	[tilespmem:s8], [sflag:$0x3] =	stream.linear.gather [hbm4b:s21+s4], $0xA00, $0x38;
	[tilespmem:$0x1F000] =	vst v63  }
0x1a: {  	_ =	swait.ge [sflag:s7], $0xA00  }
0x1b: {  	[sflag:s7] =	ssyncset.done $0x0  }
0x1c: {  	[sflag:s7] =	ssyncadd.s32 $0xFFFFF600  }
0x1d: {  	_ =	swait.ge [sflag:s7], $0xA00  }
0x1e: {  	[sflag:s7] =	ssyncset.done $0x0  }
0x1f: {  	s19 =	simm.s32 $0xC00;
	s22 =	rddreg [dreg:$0x8];
	[sflag:s7] =	ssyncadd.s32 $0xFFFFF600  }
0x20: {  	[tilespmem:s19], [sflag:$0x3] =	stream.linear.gather [hbm4b:s22+s4], $0xA00, $0x38;
	[tilespmem:$0x1F000] =	vst v63  }
0x21: {  	s25 =	simm.s32 $0x2400;
	s23 =	rddreg [dreg:$0x9]  }
0x22: {  	[tilespmem:s25], [sflag:$0x3] =	stream.linear.gather [hbm4b:s23+s4], $0xA00, $0x38;
	[tilespmem:$0x1F000] =	vst v63  }
0x23: {  	s11 =	simm.s32 $0x3000;
	s10 =	simm.s32 $0x80;
	s24 =	simm.s32 $0x4  }
0x24: {  	[tilespmem:s11], [sflag:$0x1] =	stream.indirect.gather [hbm4b:s2+s10], $0x80, s4, s10, $0xb8;
	[tilespmem:$0x1F000] =	vst v63  }
0x25: {  	_ =	swait.ge [sflag:s24], $0x2800  }
0x26: {  	[sflag:s24] =	ssyncset.done $0x0  }
0x27: {  	[sflag:s24] =	ssyncadd.s32 $0xFFFFD800  }
0x28: {  	s14 =	simm.s32 $0x1;
	s13 =	simm.s32 $0x7000;
	[bflag:$0x0] =	sbarrier.arrive $0xFFFF  }
0x29: {  	[tilespmem:s13], [sflag:$0x2] =	stream.indirect.gather [hbm4b:s2+s10], $0x80, s10, s10, $0xb8;
	[tilespmem:$0x1F000] =	vst v63  }
0x2a: {  	_ =	swait.ge [sflag:s14], $0x4000  }
0x2b: {  	[sflag:s14] =	ssyncset.done $0x0  }
0x2c: {  	s15 =	simm.s32 $0x5;
	[sflag:s14] =	ssyncadd.s32 $0xFFFFC000  }
0x2d: {  	[spmem:s3] =	stream.indirect.scatter.add.f32 [tilespmem:s11], [sflag:$0x5], $0x80, s8, s10, $0xb8;
	[tilespmem:$0x1F000] =	vst v63  }
0x2e: {  	_ =	swait.ge [sflag:s15], $0x4000  }
0x2f: {  	[sflag:s15] =	ssyncset.done $0x0  }
0x30: {  	s26 =	simm.s32 $0x100;
	s17 =	simm.s32 $0x2;
	[sflag:s15] =	ssyncadd.s32 $0xFFFFC000  }
0x31: {  	[tilespmem:s11], [sflag:$0x1] =	stream.indirect.gather [hbm4b:s2+s10], $0x80, s26, s10, $0xb8;
	[tilespmem:$0x1F000] =	vst v63  }
0x32: {  	_ =	swait.ge [sflag:s17], $0x4000  }
0x33: {  	[sflag:s17] =	ssyncset.done $0x0  }
0x34: {  	s28 =	simm.s32 $0x1880;
	[sflag:s17] =	ssyncadd.s32 $0xFFFFC000  }
0x35: {  	[spmem:s3] =	stream.indirect.scatter.add.f32 [tilespmem:s13], [sflag:$0x5], $0x80, s28, s10, $0xb8;
	[tilespmem:$0x1F000] =	vst v63  }
0x36: {  	_ =	swait.ge [sflag:s15], $0x4000  }
0x37: {  	[sflag:s15] =	ssyncset.done $0x0  }
0x38: {  	s29 =	simm.s32 $0x180;
	[sflag:s15] =	ssyncadd.s32 $0xFFFFC000  }
0x39: {  	[tilespmem:s13], [sflag:$0x2] =	stream.indirect.gather [hbm4b:s2+s10], $0x80, s29, s10, $0xb8;
	[tilespmem:$0x1F000] =	vst v63  }
0x3a: {  	_ =	swait.ge [sflag:s14], $0x4000  }
0x3b: {  	[sflag:s14] =	ssyncset.done $0x0  }
0x3c: {  	s1 =	simm.s32 $0x1900;
	[sflag:s14] =	ssyncadd.s32 $0xFFFFC000  }
0x3d: {  	[spmem:s3] =	stream.indirect.scatter.add.f32 [tilespmem:s11], [sflag:$0x5], $0x80, s1, s10, $0xb8;
	[tilespmem:$0x1F000] =	vst v63  }
0x3e: {  	_ =	swait.ge [sflag:s15], $0x4000  }
0x3f: {  	[sflag:s15] =	ssyncset.done $0x0  }
0x40: {  	s5 =	simm.s32 $0x200;
	[sflag:s15] =	ssyncadd.s32 $0xFFFFC000  }
0x41: {  	[tilespmem:s11], [sflag:$0x1] =	stream.indirect.gather [hbm4b:s2+s10], $0x80, s5, s10, $0xb8;
	[tilespmem:$0x1F000] =	vst v63  }
0x42: {  	_ =	swait.ge [sflag:s17], $0x4000  }
0x43: {  	[sflag:s17] =	ssyncset.done $0x0  }
0x44: {  	s6 =	simm.s32 $0x1980;
	[sflag:s17] =	ssyncadd.s32 $0xFFFFC000  }
0x45: {  	[spmem:s3] =	stream.indirect.scatter.add.f32 [tilespmem:s13], [sflag:$0x5], $0x80, s6, s10, $0xb8;
	[tilespmem:$0x1F000] =	vst v63  }
0x46: {  	_ =	swait.ge [sflag:s15], $0x4000  }
0x47: {  	[sflag:s15] =	ssyncset.done $0x0  }
0x48: {  	s9 =	simm.s32 $0x280;
	[sflag:s15] =	ssyncadd.s32 $0xFFFFC000  }
0x49: {  	[tilespmem:s13], [sflag:$0x2] =	stream.indirect.gather [hbm4b:s2+s10], $0x80, s9, s10, $0xb8;
	[tilespmem:$0x1F000] =	vst v63  }
0x4a: {  	_ =	swait.ge [sflag:s14], $0x4000  }
0x4b: {  	[sflag:s14] =	ssyncset.done $0x0  }
0x4c: {  	s12 =	simm.s32 $0x1A00;
	[sflag:s14] =	ssyncadd.s32 $0xFFFFC000  }
0x4d: {  	[spmem:s3] =	stream.indirect.scatter.add.f32 [tilespmem:s11], [sflag:$0x5], $0x80, s12, s10, $0xb8;
	[tilespmem:$0x1F000] =	vst v63  }
0x4e: {  	_ =	swait.ge [sflag:s15], $0x4000  }
0x4f: {  	[sflag:s15] =	ssyncset.done $0x0  }
0x50: {  	s16 =	simm.s32 $0x300;
	[sflag:s15] =	ssyncadd.s32 $0xFFFFC000  }
0x51: {  	[tilespmem:s11], [sflag:$0x1] =	stream.indirect.gather [hbm4b:s2+s10], $0x80, s16, s10, $0xb8;
	[tilespmem:$0x1F000] =	vst v63  }
0x52: {  	_ =	swait.ge [sflag:s17], $0x4000  }
0x53: {  	[sflag:s17] =	ssyncset.done $0x0  }
0x54: {  	s18 =	simm.s32 $0x1A80;
	[sflag:s17] =	ssyncadd.s32 $0xFFFFC000  }
0x55: {  	[spmem:s3] =	stream.indirect.scatter.add.f32 [tilespmem:s13], [sflag:$0x5], $0x80, s18, s10, $0xb8;
	[tilespmem:$0x1F000] =	vst v63  }
0x56: {  	_ =	swait.ge [sflag:s15], $0x4000  }
0x57: {  	[sflag:s15] =	ssyncset.done $0x0  }
0x58: {  	s20 =	simm.s32 $0x380;
	[sflag:s15] =	ssyncadd.s32 $0xFFFFC000  }
0x59: {  	[tilespmem:s13], [sflag:$0x2] =	stream.indirect.gather [hbm4b:s2+s10], $0x80, s20, s10, $0xb8;
	[tilespmem:$0x1F000] =	vst v63  }
0x5a: {  	_ =	swait.ge [sflag:s14], $0x4000  }
0x5b: {  	[sflag:s14] =	ssyncset.done $0x0  }
0x5c: {  	s21 =	simm.s32 $0x1B00;
	[sflag:s14] =	ssyncadd.s32 $0xFFFFC000  }
0x5d: {  	[spmem:s3] =	stream.indirect.scatter.add.f32 [tilespmem:s11], [sflag:$0x5], $0x80, s21, s10, $0xb8;
	[tilespmem:$0x1F000] =	vst v63  }
0x5e: {  	_ =	swait.ge [sflag:s15], $0x4000  }
0x5f: {  	[sflag:s15] =	ssyncset.done $0x0  }
0x60: {  	s22 =	simm.s32 $0x400;
	[sflag:s15] =	ssyncadd.s32 $0xFFFFC000  }
0x61: {  	[tilespmem:s11], [sflag:$0x1] =	stream.indirect.gather [hbm4b:s2+s10], $0x80, s22, s10, $0xb8;
	[tilespmem:$0x1F000] =	vst v63  }
0x62: {  	_ =	swait.ge [sflag:s17], $0x4000  }
0x63: {  	[sflag:s17] =	ssyncset.done $0x0  }
0x64: {  	s23 =	simm.s32 $0x1B80;
	[sflag:s17] =	ssyncadd.s32 $0xFFFFC000  }
0x65: {  	[spmem:s3] =	stream.indirect.scatter.add.f32 [tilespmem:s13], [sflag:$0x5], $0x80, s23, s10, $0xb8;
	[tilespmem:$0x1F000] =	vst v63  }
0x66: {  	_ =	swait.ge [sflag:s15], $0x4000  }
0x67: {  	[sflag:s15] =	ssyncset.done $0x0  }
0x68: {  	s24 =	simm.s32 $0x480;
	[sflag:s15] =	ssyncadd.s32 $0xFFFFC000  }
0x69: {  	[tilespmem:s13], [sflag:$0x2] =	stream.indirect.gather [hbm4b:s2+s10], $0x80, s24, s10, $0xb8;
	[tilespmem:$0x1F000] =	vst v63  }
0x6a: {  	_ =	swait.ge [sflag:s14], $0x4000  }
0x6b: {  	[sflag:s14] =	ssyncset.done $0x0  }
0x6c: {  	s26 =	simm.s32 $0x1C00;
	[sflag:s14] =	ssyncadd.s32 $0xFFFFC000  }
0x6d: {  	[spmem:s3] =	stream.indirect.scatter.add.f32 [tilespmem:s11], [sflag:$0x5], $0x80, s26, s10, $0xb8;
	[tilespmem:$0x1F000] =	vst v63  }
0x6e: {  	_ =	swait.ge [sflag:s15], $0x4000  }
0x6f: {  	[sflag:s15] =	ssyncset.done $0x0  }
0x70: {  	s28 =	simm.s32 $0x500;
	[sflag:s15] =	ssyncadd.s32 $0xFFFFC000  }
0x71: {  	[tilespmem:s11], [sflag:$0x1] =	stream.indirect.gather [hbm4b:s2+s10], $0x80, s28, s10, $0xb8;
	[tilespmem:$0x1F000] =	vst v63  }
0x72: {  	_ =	swait.ge [sflag:s17], $0x4000  }
0x73: {  	[sflag:s17] =	ssyncset.done $0x0  }
0x74: {  	s29 =	simm.s32 $0x1C80;
	[sflag:s17] =	ssyncadd.s32 $0xFFFFC000  }
0x75: {  	[spmem:s3] =	stream.indirect.scatter.add.f32 [tilespmem:s13], [sflag:$0x5], $0x80, s29, s10, $0xb8;
	[tilespmem:$0x1F000] =	vst v63  }
0x76: {  	_ =	swait.ge [sflag:s15], $0x4000  }
0x77: {  	[sflag:s15] =	ssyncset.done $0x0  }
0x78: {  	s1 =	simm.s32 $0x580;
	[sflag:s15] =	ssyncadd.s32 $0xFFFFC000  }
0x79: {  	[tilespmem:s13], [sflag:$0x2] =	stream.indirect.gather [hbm4b:s2+s10], $0x80, s1, s10, $0xb8;
	[tilespmem:$0x1F000] =	vst v63  }
0x7a: {  	_ =	swait.ge [sflag:s14], $0x4000  }
0x7b: {  	[sflag:s14] =	ssyncset.done $0x0  }
0x7c: {  	s5 =	simm.s32 $0x1D00;
	[sflag:s14] =	ssyncadd.s32 $0xFFFFC000  }
0x7d: {  	[spmem:s3] =	stream.indirect.scatter.add.f32 [tilespmem:s11], [sflag:$0x5], $0x80, s5, s10, $0xb8;
	[tilespmem:$0x1F000] =	vst v63  }
0x7e: {  	_ =	swait.ge [sflag:s15], $0x4000  }
0x7f: {  	[sflag:s15] =	ssyncset.done $0x0  }
0x80: {  	s6 =	simm.s32 $0x600;
	[sflag:s15] =	ssyncadd.s32 $0xFFFFC000  }
0x81: {  	[tilespmem:s11], [sflag:$0x1] =	stream.indirect.gather [hbm4b:s2+s10], $0x80, s6, s10, $0xb8;
	[tilespmem:$0x1F000] =	vst v63  }
0x82: {  	_ =	swait.ge [sflag:s17], $0x4000  }
0x83: {  	[sflag:s17] =	ssyncset.done $0x0  }
0x84: {  	s9 =	simm.s32 $0x1D80;
	[sflag:s17] =	ssyncadd.s32 $0xFFFFC000  }
0x85: {  	[spmem:s3] =	stream.indirect.scatter.add.f32 [tilespmem:s13], [sflag:$0x5], $0x80, s9, s10, $0xb8;
	[tilespmem:$0x1F000] =	vst v63  }
0x86: {  	_ =	swait.ge [sflag:s15], $0x4000  }
0x87: {  	[sflag:s15] =	ssyncset.done $0x0  }
0x88: {  	s12 =	simm.s32 $0x680;
	[sflag:s15] =	ssyncadd.s32 $0xFFFFC000  }
0x89: {  	[tilespmem:s13], [sflag:$0x2] =	stream.indirect.gather [hbm4b:s2+s10], $0x80, s12, s10, $0xb8;
	[tilespmem:$0x1F000] =	vst v63  }
0x8a: {  	_ =	swait.ge [sflag:s14], $0x4000  }
0x8b: {  	[sflag:s14] =	ssyncset.done $0x0  }
0x8c: {  	s16 =	simm.s32 $0x1E00;
	[sflag:s14] =	ssyncadd.s32 $0xFFFFC000  }
0x8d: {  	[spmem:s3] =	stream.indirect.scatter.add.f32 [tilespmem:s11], [sflag:$0x5], $0x80, s16, s10, $0xb8;
	[tilespmem:$0x1F000] =	vst v63  }
0x8e: {  	_ =	swait.ge [sflag:s15], $0x4000  }
0x8f: {  	[sflag:s15] =	ssyncset.done $0x0  }
0x90: {  	s18 =	simm.s32 $0x700;
	[sflag:s15] =	ssyncadd.s32 $0xFFFFC000  }
0x91: {  	[tilespmem:s11], [sflag:$0x1] =	stream.indirect.gather [hbm4b:s2+s10], $0x80, s18, s10, $0xb8;
	[tilespmem:$0x1F000] =	vst v63  }
0x92: {  	_ =	swait.ge [sflag:s17], $0x4000  }
0x93: {  	[sflag:s17] =	ssyncset.done $0x0  }
0x94: {  	s20 =	simm.s32 $0x1E80;
	[sflag:s17] =	ssyncadd.s32 $0xFFFFC000  }
0x95: {  	[spmem:s3] =	stream.indirect.scatter.add.f32 [tilespmem:s13], [sflag:$0x5], $0x80, s20, s10, $0xb8;
	[tilespmem:$0x1F000] =	vst v63  }
0x96: {  	_ =	swait.ge [sflag:s15], $0x4000  }
0x97: {  	[sflag:s15] =	ssyncset.done $0x0  }
0x98: {  	s21 =	simm.s32 $0x780;
	[sflag:s15] =	ssyncadd.s32 $0xFFFFC000  }
0x99: {  	[tilespmem:s13], [sflag:$0x2] =	stream.indirect.gather [hbm4b:s2+s10], $0x80, s21, s10, $0xb8;
	[tilespmem:$0x1F000] =	vst v63  }
0x9a: {  	_ =	swait.ge [sflag:s14], $0x4000  }
0x9b: {  	[sflag:s14] =	ssyncset.done $0x0  }
0x9c: {  	s22 =	simm.s32 $0x1F00;
	[sflag:s14] =	ssyncadd.s32 $0xFFFFC000  }
0x9d: {  	[spmem:s3] =	stream.indirect.scatter.add.f32 [tilespmem:s11], [sflag:$0x5], $0x80, s22, s10, $0xb8;
	[tilespmem:$0x1F000] =	vst v63  }
0x9e: {  	_ =	swait.ge [sflag:s15], $0x4000  }
0x9f: {  	[sflag:s15] =	ssyncset.done $0x0  }
0xa0: {  	s23 =	simm.s32 $0x800;
	[sflag:s15] =	ssyncadd.s32 $0xFFFFC000  }
0xa1: {  	[tilespmem:s11], [sflag:$0x1] =	stream.indirect.gather [hbm4b:s2+s10], $0x80, s23, s10, $0xb8;
	[tilespmem:$0x1F000] =	vst v63  }
0xa2: {  	_ =	swait.ge [sflag:s17], $0x4000  }
0xa3: {  	[sflag:s17] =	ssyncset.done $0x0  }
0xa4: {  	s24 =	simm.s32 $0x1F80;
	[sflag:s17] =	ssyncadd.s32 $0xFFFFC000  }
0xa5: {  	[spmem:s3] =	stream.indirect.scatter.add.f32 [tilespmem:s13], [sflag:$0x5], $0x80, s24, s10, $0xb8;
	[tilespmem:$0x1F000] =	vst v63  }
0xa6: {  	_ =	swait.ge [sflag:s15], $0x4000  }
0xa7: {  	[sflag:s15] =	ssyncset.done $0x0  }
0xa8: {  	s26 =	simm.s32 $0x880;
	[sflag:s15] =	ssyncadd.s32 $0xFFFFC000  }
0xa9: {  	[tilespmem:s13], [sflag:$0x2] =	stream.indirect.gather [hbm4b:s2+s10], $0x80, s26, s10, $0xb8;
	[tilespmem:$0x1F000] =	vst v63  }
0xaa: {  	_ =	swait.ge [sflag:s14], $0x4000  }
0xab: {  	[sflag:s14] =	ssyncset.done $0x0  }
0xac: {  	s28 =	simm.s32 $0x2000;
	[sflag:s14] =	ssyncadd.s32 $0xFFFFC000  }
0xad: {  	[spmem:s3] =	stream.indirect.scatter.add.f32 [tilespmem:s11], [sflag:$0x5], $0x80, s28, s10, $0xb8;
	[tilespmem:$0x1F000] =	vst v63  }
0xae: {  	_ =	swait.ge [sflag:s15], $0x4000  }
0xaf: {  	[sflag:s15] =	ssyncset.done $0x0  }
0xb0: {  	s29 =	simm.s32 $0x900;
	[sflag:s15] =	ssyncadd.s32 $0xFFFFC000  }
0xb1: {  	[tilespmem:s11], [sflag:$0x1] =	stream.indirect.gather [hbm4b:s2+s10], $0x80, s29, s10, $0xb8;
	[tilespmem:$0x1F000] =	vst v63  }
0xb2: {  	_ =	swait.ge [sflag:s17], $0x4000  }
0xb3: {  	[sflag:s17] =	ssyncset.done $0x0  }
0xb4: {  	s1 =	simm.s32 $0x2080;
	[sflag:s17] =	ssyncadd.s32 $0xFFFFC000  }
0xb5: {  	[spmem:s3] =	stream.indirect.scatter.add.f32 [tilespmem:s13], [sflag:$0x5], $0x80, s1, s10, $0xb8;
	[tilespmem:$0x1F000] =	vst v63  }
0xb6: {  	_ =	swait.ge [sflag:s15], $0x4000  }
0xb7: {  	[sflag:s15] =	ssyncset.done $0x0  }
0xb8: {  	s5 =	simm.s32 $0x980;
	[sflag:s15] =	ssyncadd.s32 $0xFFFFC000  }
0xb9: {  	[tilespmem:s13], [sflag:$0x2] =	stream.indirect.gather [hbm4b:s2+s10], $0x80, s5, s10, $0xb8;
	[tilespmem:$0x1F000] =	vst v63  }
0xba: {  	_ =	swait.ge [sflag:s14], $0x4000  }
0xbb: {  	[sflag:s14] =	ssyncset.done $0x0  }
0xbc: {  	s6 =	simm.s32 $0x2100;
	[sflag:s14] =	ssyncadd.s32 $0xFFFFC000  }
0xbd: {  	[spmem:s3] =	stream.indirect.scatter.add.f32 [tilespmem:s11], [sflag:$0x5], $0x80, s6, s10, $0xb8;
	[tilespmem:$0x1F000] =	vst v63  }
0xbe: {  	_ =	swait.ge [sflag:s15], $0x4000  }
0xbf: {  	[sflag:s15] =	ssyncset.done $0x0  }
0xc0: {  	[sflag:s15] =	ssyncadd.s32 $0xFFFFC000  }
0xc1: {  	_ =	swait.ge [sflag:s7], $0xA00  }
0xc2: {  	[sflag:s7] =	ssyncset.done $0x0  }
0xc3: {  	[sflag:s7] =	ssyncadd.s32 $0xFFFFF600  }
0xc4: {  	_ =	swait.ge [sflag:s7], $0xA00  }
0xc5: {  	[sflag:s7] =	ssyncset.done $0x0  }
0xc6: {  	[sflag:s7] =	ssyncadd.s32 $0xFFFFF600  }
0xc7: {  	[tilespmem:s11], [sflag:$0x1] =	stream.indirect.gather [hbm4b:s2+s10], $0x80, s19, s10, $0xb8;
	[tilespmem:$0x1F000] =	vst v63  }
0xc8: {  	_ =	swait.ge [sflag:s17], $0x4000  }
0xc9: {  	[sflag:s17] =	ssyncset.done $0x0  }
0xca: {  	s9 =	simm.s32 $0x2180;
	[sflag:s17] =	ssyncadd.s32 $0xFFFFC000  }
0xcb: {  	[spmem:s3] =	stream.indirect.scatter.add.f32 [tilespmem:s13], [sflag:$0x5], $0x80, s9, s10, $0xb8;
	[tilespmem:$0x1F000] =	vst v63  }
0xcc: {  	_ =	swait.ge [sflag:s15], $0x4000  }
0xcd: {  	[sflag:s15] =	ssyncset.done $0x0  }
0xce: {  	s12 =	rddreg [dreg:$0xa];
	[sflag:s15] =	ssyncadd.s32 $0xFFFFC000  }
0xcf: {  	[tilespmem:s4], [sflag:$0x3] =	stream.linear.gather [hbm4b:s12+s4], $0xA00, $0x38;
	[tilespmem:$0x1F000] =	vst v63  }
0xd0: {  	s16 =	rddreg [dreg:$0xb]  }
0xd1: {  	[tilespmem:s8], [sflag:$0x3] =	stream.linear.gather [hbm4b:s16+s4], $0xA00, $0x38;
	[tilespmem:$0x1F000] =	vst v63  }
0xd2: {  	s18 =	simm.s32 $0xC80  }
0xd3: {  	[tilespmem:s13], [sflag:$0x2] =	stream.indirect.gather [hbm4b:s2+s10], $0x80, s18, s10, $0xb8;
	[tilespmem:$0x1F000] =	vst v63  }
0xd4: {  	_ =	swait.ge [sflag:s14], $0x4000  }
0xd5: {  	[sflag:s14] =	ssyncset.done $0x0  }
0xd6: {  	[sflag:s14] =	ssyncadd.s32 $0xFFFFC000  }
0xd7: {  	[spmem:s3] =	stream.indirect.scatter.add.f32 [tilespmem:s11], [sflag:$0x5], $0x80, s25, s10, $0xb8;
	[tilespmem:$0x1F000] =	vst v63  }
0xd8: {  	_ =	swait.ge [sflag:s15], $0x4000  }
0xd9: {  	[sflag:s15] =	ssyncset.done $0x0  }
0xda: {  	s20 =	simm.s32 $0xD00;
	[sflag:s15] =	ssyncadd.s32 $0xFFFFC000  }
0xdb: {  	[tilespmem:s11], [sflag:$0x1] =	stream.indirect.gather [hbm4b:s2+s10], $0x80, s20, s10, $0xb8;
	[tilespmem:$0x1F000] =	vst v63  }
0xdc: {  	_ =	swait.ge [sflag:s17], $0x4000  }
0xdd: {  	[sflag:s17] =	ssyncset.done $0x0  }
0xde: {  	s21 =	simm.s32 $0x2480;
	[sflag:s17] =	ssyncadd.s32 $0xFFFFC000  }
0xdf: {  	[spmem:s3] =	stream.indirect.scatter.add.f32 [tilespmem:s13], [sflag:$0x5], $0x80, s21, s10, $0xb8;
	[tilespmem:$0x1F000] =	vst v63  }
0xe0: {  	_ =	swait.ge [sflag:s15], $0x4000  }
0xe1: {  	[sflag:s15] =	ssyncset.done $0x0  }
0xe2: {  	s22 =	simm.s32 $0xD80;
	[sflag:s15] =	ssyncadd.s32 $0xFFFFC000  }
0xe3: {  	[tilespmem:s13], [sflag:$0x2] =	stream.indirect.gather [hbm4b:s2+s10], $0x80, s22, s10, $0xb8;
	[tilespmem:$0x1F000] =	vst v63  }
0xe4: {  	_ =	swait.ge [sflag:s14], $0x4000  }
0xe5: {  	[sflag:s14] =	ssyncset.done $0x0  }
0xe6: {  	s23 =	simm.s32 $0x2500;
	[sflag:s14] =	ssyncadd.s32 $0xFFFFC000  }
0xe7: {  	[spmem:s3] =	stream.indirect.scatter.add.f32 [tilespmem:s11], [sflag:$0x5], $0x80, s23, s10, $0xb8;
	[tilespmem:$0x1F000] =	vst v63  }
0xe8: {  	_ =	swait.ge [sflag:s15], $0x4000  }
0xe9: {  	[sflag:s15] =	ssyncset.done $0x0  }
0xea: {  	s24 =	simm.s32 $0xE00;
	[sflag:s15] =	ssyncadd.s32 $0xFFFFC000  }
0xeb: {  	[tilespmem:s11], [sflag:$0x1] =	stream.indirect.gather [hbm4b:s2+s10], $0x80, s24, s10, $0xb8;
	[tilespmem:$0x1F000] =	vst v63  }
0xec: {  	_ =	swait.ge [sflag:s17], $0x4000  }
0xed: {  	[sflag:s17] =	ssyncset.done $0x0  }
0xee: {  	s26 =	simm.s32 $0x2580;
	[sflag:s17] =	ssyncadd.s32 $0xFFFFC000  }
0xef: {  	[spmem:s3] =	stream.indirect.scatter.add.f32 [tilespmem:s13], [sflag:$0x5], $0x80, s26, s10, $0xb8;
	[tilespmem:$0x1F000] =	vst v63  }
0xf0: {  	_ =	swait.ge [sflag:s15], $0x4000  }
0xf1: {  	[sflag:s15] =	ssyncset.done $0x0  }
0xf2: {  	s28 =	simm.s32 $0xE80;
	[sflag:s15] =	ssyncadd.s32 $0xFFFFC000  }
0xf3: {  	[tilespmem:s13], [sflag:$0x2] =	stream.indirect.gather [hbm4b:s2+s10], $0x80, s28, s10, $0xb8;
	[tilespmem:$0x1F000] =	vst v63  }
0xf4: {  	_ =	swait.ge [sflag:s14], $0x4000  }
0xf5: {  	[sflag:s14] =	ssyncset.done $0x0  }
0xf6: {  	s29 =	simm.s32 $0x2600;
	[sflag:s14] =	ssyncadd.s32 $0xFFFFC000  }
0xf7: {  	[spmem:s3] =	stream.indirect.scatter.add.f32 [tilespmem:s11], [sflag:$0x5], $0x80, s29, s10, $0xb8;
	[tilespmem:$0x1F000] =	vst v63  }
0xf8: {  	_ =	swait.ge [sflag:s15], $0x4000  }
0xf9: {  	[sflag:s15] =	ssyncset.done $0x0  }
0xfa: {  	s1 =	simm.s32 $0xF00;
	[sflag:s15] =	ssyncadd.s32 $0xFFFFC000  }
0xfb: {  	[tilespmem:s11], [sflag:$0x1] =	stream.indirect.gather [hbm4b:s2+s10], $0x80, s1, s10, $0xb8;
	[tilespmem:$0x1F000] =	vst v63  }
0xfc: {  	_ =	swait.ge [sflag:s17], $0x4000  }
0xfd: {  	[sflag:s17] =	ssyncset.done $0x0  }
0xfe: {  	s5 =	simm.s32 $0x2680;
	[sflag:s17] =	ssyncadd.s32 $0xFFFFC000  }
0xff: {  	[spmem:s3] =	stream.indirect.scatter.add.f32 [tilespmem:s13], [sflag:$0x5], $0x80, s5, s10, $0xb8;
	[tilespmem:$0x1F000] =	vst v63  }
0x100: {  	_ =	swait.ge [sflag:s15], $0x4000  }
0x101: {  	[sflag:s15] =	ssyncset.done $0x0  }
0x102: {  	s6 =	simm.s32 $0xF80;
	[sflag:s15] =	ssyncadd.s32 $0xFFFFC000  }
0x103: {  	[tilespmem:s13], [sflag:$0x2] =	stream.indirect.gather [hbm4b:s2+s10], $0x80, s6, s10, $0xb8;
	[tilespmem:$0x1F000] =	vst v63  }
0x104: {  	_ =	swait.ge [sflag:s14], $0x4000  }
0x105: {  	[sflag:s14] =	ssyncset.done $0x0  }
0x106: {  	s9 =	simm.s32 $0x2700;
	[sflag:s14] =	ssyncadd.s32 $0xFFFFC000  }
0x107: {  	[spmem:s3] =	stream.indirect.scatter.add.f32 [tilespmem:s11], [sflag:$0x5], $0x80, s9, s10, $0xb8;
	[tilespmem:$0x1F000] =	vst v63  }
0x108: {  	_ =	swait.ge [sflag:s15], $0x4000  }
0x109: {  	[sflag:s15] =	ssyncset.done $0x0  }
0x10a: {  	s12 =	simm.s32 $0x1000;
	[sflag:s15] =	ssyncadd.s32 $0xFFFFC000  }
0x10b: {  	[tilespmem:s11], [sflag:$0x1] =	stream.indirect.gather [hbm4b:s2+s10], $0x80, s12, s10, $0xb8;
	[tilespmem:$0x1F000] =	vst v63  }
0x10c: {  	_ =	swait.ge [sflag:s17], $0x4000  }
0x10d: {  	[sflag:s17] =	ssyncset.done $0x0  }
0x10e: {  	s16 =	simm.s32 $0x2780;
	[sflag:s17] =	ssyncadd.s32 $0xFFFFC000  }
0x10f: {  	[spmem:s3] =	stream.indirect.scatter.add.f32 [tilespmem:s13], [sflag:$0x5], $0x80, s16, s10, $0xb8;
	[tilespmem:$0x1F000] =	vst v63  }
0x110: {  	_ =	swait.ge [sflag:s15], $0x4000  }
0x111: {  	[sflag:s15] =	ssyncset.done $0x0  }
0x112: {  	s18 =	simm.s32 $0x1080;
	[sflag:s15] =	ssyncadd.s32 $0xFFFFC000  }
0x113: {  	[tilespmem:s13], [sflag:$0x2] =	stream.indirect.gather [hbm4b:s2+s10], $0x80, s18, s10, $0xb8;
	[tilespmem:$0x1F000] =	vst v63  }
0x114: {  	_ =	swait.ge [sflag:s14], $0x4000  }
0x115: {  	[sflag:s14] =	ssyncset.done $0x0  }
0x116: {  	s20 =	simm.s32 $0x2800;
	[sflag:s14] =	ssyncadd.s32 $0xFFFFC000  }
0x117: {  	[spmem:s3] =	stream.indirect.scatter.add.f32 [tilespmem:s11], [sflag:$0x5], $0x80, s20, s10, $0xb8;
	[tilespmem:$0x1F000] =	vst v63  }
0x118: {  	_ =	swait.ge [sflag:s15], $0x4000  }
0x119: {  	[sflag:s15] =	ssyncset.done $0x0  }
0x11a: {  	s21 =	simm.s32 $0x1100;
	[sflag:s15] =	ssyncadd.s32 $0xFFFFC000  }
0x11b: {  	[tilespmem:s11], [sflag:$0x1] =	stream.indirect.gather [hbm4b:s2+s10], $0x80, s21, s10, $0xb8;
	[tilespmem:$0x1F000] =	vst v63  }
0x11c: {  	_ =	swait.ge [sflag:s17], $0x4000  }
0x11d: {  	[sflag:s17] =	ssyncset.done $0x0  }
0x11e: {  	s22 =	simm.s32 $0x2880;
	[sflag:s17] =	ssyncadd.s32 $0xFFFFC000  }
0x11f: {  	[spmem:s3] =	stream.indirect.scatter.add.f32 [tilespmem:s13], [sflag:$0x5], $0x80, s22, s10, $0xb8;
	[tilespmem:$0x1F000] =	vst v63  }
0x120: {  	_ =	swait.ge [sflag:s15], $0x4000  }
0x121: {  	[sflag:s15] =	ssyncset.done $0x0  }
0x122: {  	s23 =	simm.s32 $0x1180;
	[sflag:s15] =	ssyncadd.s32 $0xFFFFC000  }
0x123: {  	[tilespmem:s13], [sflag:$0x2] =	stream.indirect.gather [hbm4b:s2+s10], $0x80, s23, s10, $0xb8;
	[tilespmem:$0x1F000] =	vst v63  }
0x124: {  	_ =	swait.ge [sflag:s14], $0x4000  }
0x125: {  	[sflag:s14] =	ssyncset.done $0x0  }
0x126: {  	s24 =	simm.s32 $0x2900;
	[sflag:s14] =	ssyncadd.s32 $0xFFFFC000  }
0x127: {  	[spmem:s3] =	stream.indirect.scatter.add.f32 [tilespmem:s11], [sflag:$0x5], $0x80, s24, s10, $0xb8;
	[tilespmem:$0x1F000] =	vst v63  }
0x128: {  	_ =	swait.ge [sflag:s15], $0x4000  }
0x129: {  	[sflag:s15] =	ssyncset.done $0x0  }
0x12a: {  	s26 =	simm.s32 $0x1200;
	[sflag:s15] =	ssyncadd.s32 $0xFFFFC000  }
0x12b: {  	[tilespmem:s11], [sflag:$0x1] =	stream.indirect.gather [hbm4b:s2+s10], $0x80, s26, s10, $0xb8;
	[tilespmem:$0x1F000] =	vst v63  }
0x12c: {  	_ =	swait.ge [sflag:s17], $0x4000  }
0x12d: {  	[sflag:s17] =	ssyncset.done $0x0  }
0x12e: {  	s28 =	simm.s32 $0x2980;
	[sflag:s17] =	ssyncadd.s32 $0xFFFFC000  }
0x12f: {  	[spmem:s3] =	stream.indirect.scatter.add.f32 [tilespmem:s13], [sflag:$0x5], $0x80, s28, s10, $0xb8;
	[tilespmem:$0x1F000] =	vst v63  }
0x130: {  	_ =	swait.ge [sflag:s15], $0x4000  }
0x131: {  	[sflag:s15] =	ssyncset.done $0x0  }
0x132: {  	s28 =	simm.s32 $0x1280;
	[sflag:s15] =	ssyncadd.s32 $0xFFFFC000  }
0x133: {  	[tilespmem:s13], [sflag:$0x2] =	stream.indirect.gather [hbm4b:s2+s10], $0x80, s28, s10, $0xb8;
	[tilespmem:$0x1F000] =	vst v63  }
0x134: {  	_ =	swait.ge [sflag:s14], $0x4000  }
0x135: {  	[sflag:s14] =	ssyncset.done $0x0  }
0x136: {  	s26 =	simm.s32 $0x2A00;
	[sflag:s14] =	ssyncadd.s32 $0xFFFFC000  }
0x137: {  	[spmem:s3] =	stream.indirect.scatter.add.f32 [tilespmem:s11], [sflag:$0x5], $0x80, s26, s10, $0xb8;
	[tilespmem:$0x1F000] =	vst v63  }
0x138: {  	_ =	swait.ge [sflag:s15], $0x4000  }
0x139: {  	[sflag:s15] =	ssyncset.done $0x0  }
0x13a: {  	s24 =	simm.s32 $0x1300;
	[sflag:s15] =	ssyncadd.s32 $0xFFFFC000  }
0x13b: {  	[tilespmem:s11], [sflag:$0x1] =	stream.indirect.gather [hbm4b:s2+s10], $0x80, s24, s10, $0xb8;
	[tilespmem:$0x1F000] =	vst v63  }
0x13c: {  	_ =	swait.ge [sflag:s17], $0x4000  }
0x13d: {  	[sflag:s17] =	ssyncset.done $0x0  }
0x13e: {  	s23 =	simm.s32 $0x2A80;
	[sflag:s17] =	ssyncadd.s32 $0xFFFFC000  }
0x13f: {  	[spmem:s3] =	stream.indirect.scatter.add.f32 [tilespmem:s13], [sflag:$0x5], $0x80, s23, s10, $0xb8;
	[tilespmem:$0x1F000] =	vst v63  }
0x140: {  	_ =	swait.ge [sflag:s15], $0x4000  }
0x141: {  	[sflag:s15] =	ssyncset.done $0x0  }
0x142: {  	s22 =	simm.s32 $0x1380;
	[sflag:s15] =	ssyncadd.s32 $0xFFFFC000  }
0x143: {  	[tilespmem:s13], [sflag:$0x2] =	stream.indirect.gather [hbm4b:s2+s10], $0x80, s22, s10, $0xb8;
	[tilespmem:$0x1F000] =	vst v63  }
0x144: {  	_ =	swait.ge [sflag:s14], $0x4000  }
0x145: {  	[sflag:s14] =	ssyncset.done $0x0  }
0x146: {  	s21 =	simm.s32 $0x2B00;
	[sflag:s14] =	ssyncadd.s32 $0xFFFFC000  }
0x147: {  	[spmem:s3] =	stream.indirect.scatter.add.f32 [tilespmem:s11], [sflag:$0x5], $0x80, s21, s10, $0xb8;
	[tilespmem:$0x1F000] =	vst v63  }
0x148: {  	_ =	swait.ge [sflag:s15], $0x4000  }
0x149: {  	[sflag:s15] =	ssyncset.done $0x0  }
0x14a: {  	s20 =	simm.s32 $0x1400;
	[sflag:s15] =	ssyncadd.s32 $0xFFFFC000  }
0x14b: {  	[tilespmem:s11], [sflag:$0x1] =	stream.indirect.gather [hbm4b:s2+s10], $0x80, s20, s10, $0xb8;
	[tilespmem:$0x1F000] =	vst v63  }
0x14c: {  	_ =	swait.ge [sflag:s17], $0x4000  }
0x14d: {  	[sflag:s17] =	ssyncset.done $0x0  }
0x14e: {  	s18 =	simm.s32 $0x2B80;
	[sflag:s17] =	ssyncadd.s32 $0xFFFFC000  }
0x14f: {  	[spmem:s3] =	stream.indirect.scatter.add.f32 [tilespmem:s13], [sflag:$0x5], $0x80, s18, s10, $0xb8;
	[tilespmem:$0x1F000] =	vst v63  }
0x150: {  	_ =	swait.ge [sflag:s15], $0x4000  }
0x151: {  	[sflag:s15] =	ssyncset.done $0x0  }
0x152: {  	s16 =	simm.s32 $0x1480;
	[sflag:s15] =	ssyncadd.s32 $0xFFFFC000  }
0x153: {  	[tilespmem:s13], [sflag:$0x2] =	stream.indirect.gather [hbm4b:s2+s10], $0x80, s16, s10, $0xb8;
	[tilespmem:$0x1F000] =	vst v63  }
0x154: {  	_ =	swait.ge [sflag:s14], $0x4000  }
0x155: {  	[sflag:s14] =	ssyncset.done $0x0  }
0x156: {  	s12 =	simm.s32 $0x2C00;
	[sflag:s14] =	ssyncadd.s32 $0xFFFFC000  }
0x157: {  	[spmem:s3] =	stream.indirect.scatter.add.f32 [tilespmem:s11], [sflag:$0x5], $0x80, s12, s10, $0xb8;
	[tilespmem:$0x1F000] =	vst v63  }
0x158: {  	_ =	swait.ge [sflag:s15], $0x4000  }
0x159: {  	[sflag:s15] =	ssyncset.done $0x0  }
0x15a: {  	s9 =	simm.s32 $0x1500;
	[sflag:s15] =	ssyncadd.s32 $0xFFFFC000  }
0x15b: {  	[tilespmem:s11], [sflag:$0x1] =	stream.indirect.gather [hbm4b:s2+s10], $0x80, s9, s10, $0xb8;
	[tilespmem:$0x1F000] =	vst v63  }
0x15c: {  	_ =	swait.ge [sflag:s17], $0x4000  }
0x15d: {  	[sflag:s17] =	ssyncset.done $0x0  }
0x15e: {  	s6 =	simm.s32 $0x2C80;
	[sflag:s17] =	ssyncadd.s32 $0xFFFFC000  }
0x15f: {  	[spmem:s3] =	stream.indirect.scatter.add.f32 [tilespmem:s13], [sflag:$0x5], $0x80, s6, s10, $0xb8;
	[tilespmem:$0x1F000] =	vst v63  }
0x160: {  	_ =	swait.ge [sflag:s15], $0x4000  }
0x161: {  	[sflag:s15] =	ssyncset.done $0x0  }
0x162: {  	s5 =	simm.s32 $0x1580;
	[sflag:s15] =	ssyncadd.s32 $0xFFFFC000  }
0x163: {  	[tilespmem:s13], [sflag:$0x2] =	stream.indirect.gather [hbm4b:s2+s10], $0x80, s5, s10, $0xb8;
	[tilespmem:$0x1F000] =	vst v63  }
0x164: {  	_ =	swait.ge [sflag:s14], $0x4000  }
0x165: {  	[sflag:s14] =	ssyncset.done $0x0  }
0x166: {  	s1 =	simm.s32 $0x2D00;
	[sflag:s14] =	ssyncadd.s32 $0xFFFFC000  }
0x167: {  	[spmem:s3] =	stream.indirect.scatter.add.f32 [tilespmem:s11], [sflag:$0x5], $0x80, s1, s10, $0xb8;
	[tilespmem:$0x1F000] =	vst v63  }
0x168: {  	_ =	swait.ge [sflag:s15], $0x4000  }
0x169: {  	[sflag:s15] =	ssyncset.done $0x0  }
0x16a: {  	[sflag:s15] =	ssyncadd.s32 $0xFFFFC000  }
0x16b: {  	_ =	swait.ge [sflag:s7], $0xA00  }
0x16c: {  	[sflag:s7] =	ssyncset.done $0x0  }
0x16d: {  	[sflag:s7] =	ssyncadd.s32 $0xFFFFF600  }
0x16e: {  	_ =	swait.ge [sflag:s7], $0xA00  }
0x16f: {  	[sflag:s7] =	ssyncset.done $0x0  }
0x170: {  	[sflag:s7] =	ssyncadd.s32 $0xFFFFF600  }
0x171: {  	[tilespmem:s11], [sflag:$0x1] =	stream.indirect.gather [hbm4b:s2+s10], $0x80, s4, s10, $0xb8;
	[tilespmem:$0x1F000] =	vst v63  }
0x172: {  	_ =	swait.ge [sflag:s17], $0x4000  }
0x173: {  	[sflag:s17] =	ssyncset.done $0x0  }
0x174: {  	s0 =	simm.s32 $0x2D80;
	[sflag:s17] =	ssyncadd.s32 $0xFFFFC000  }
0x175: {  	[spmem:s3] =	stream.indirect.scatter.add.f32 [tilespmem:s13], [sflag:$0x5], $0x80, s0, s10, $0xb8;
	[tilespmem:$0x1F000] =	vst v63  }
0x176: {  	_ =	swait.ge [sflag:s15], $0x4000  }
0x177: {  	[sflag:s15] =	ssyncset.done $0x0  }
0x178: {  	s30 =	rddreg [dreg:$0xc];
	[sflag:s15] =	ssyncadd.s32 $0xFFFFC000  }
0x179: {  	[tilespmem:s19], [sflag:$0x3] =	stream.linear.gather [hbm4b:s30+s4], $0xA00, $0x38;
	[tilespmem:$0x1F000] =	vst v63  }
0x17a: {  	s29 =	rddreg [dreg:$0xd]  }
0x17b: {  	[tilespmem:s25], [sflag:$0x3] =	stream.linear.gather [hbm4b:s29+s4], $0xA00, $0x38;
	[tilespmem:$0x1F000] =	vst v63  }
0x17c: {  	_ = 	snop  }
0x17d: {  	[tilespmem:s13], [sflag:$0x2] =	stream.indirect.gather [hbm4b:s2+s10], $0x80, s10, s10, $0xb8;
	[tilespmem:$0x1F000] =	vst v63  }
0x17e: {  	_ =	swait.ge [sflag:s14], $0x4000  }
0x17f: {  	[sflag:s14] =	ssyncset.done $0x0  }
0x180: {  	[sflag:s14] =	ssyncadd.s32 $0xFFFFC000  }
0x181: {  	[spmem:s3] =	stream.indirect.scatter.add.f32 [tilespmem:s11], [sflag:$0x5], $0x80, s8, s10, $0xb8;
	[tilespmem:$0x1F000] =	vst v63  }
0x182: {  	_ =	swait.ge [sflag:s15], $0x4000  }
0x183: {  	[sflag:s15] =	ssyncset.done $0x0  }
0x184: {  	s29 =	simm.s32 $0x100;
	[sflag:s15] =	ssyncadd.s32 $0xFFFFC000  }
0x185: {  	[tilespmem:s11], [sflag:$0x1] =	stream.indirect.gather [hbm4b:s2+s10], $0x80, s29, s10, $0xb8;
	[tilespmem:$0x1F000] =	vst v63  }
0x186: {  	_ =	swait.ge [sflag:s17], $0x4000  }
0x187: {  	[sflag:s17] =	ssyncset.done $0x0  }
0x188: {  	s29 =	simm.s32 $0x1880;
	[sflag:s17] =	ssyncadd.s32 $0xFFFFC000  }
0x189: {  	[spmem:s3] =	stream.indirect.scatter.add.f32 [tilespmem:s13], [sflag:$0x5], $0x80, s29, s10, $0xb8;
	[tilespmem:$0x1F000] =	vst v63  }
0x18a: {  	_ =	swait.ge [sflag:s15], $0x4000  }
0x18b: {  	[sflag:s15] =	ssyncset.done $0x0  }
0x18c: {  	s29 =	simm.s32 $0x180;
	[sflag:s15] =	ssyncadd.s32 $0xFFFFC000  }
0x18d: {  	[tilespmem:s13], [sflag:$0x2] =	stream.indirect.gather [hbm4b:s2+s10], $0x80, s29, s10, $0xb8;
	[tilespmem:$0x1F000] =	vst v63  }
0x18e: {  	_ =	swait.ge [sflag:s14], $0x4000  }
0x18f: {  	[sflag:s14] =	ssyncset.done $0x0  }
0x190: {  	s29 =	simm.s32 $0x1900;
	[sflag:s14] =	ssyncadd.s32 $0xFFFFC000  }
0x191: {  	[spmem:s3] =	stream.indirect.scatter.add.f32 [tilespmem:s11], [sflag:$0x5], $0x80, s29, s10, $0xb8;
	[tilespmem:$0x1F000] =	vst v63  }
0x192: {  	_ =	swait.ge [sflag:s15], $0x4000  }
0x193: {  	[sflag:s15] =	ssyncset.done $0x0  }
0x194: {  	s29 =	simm.s32 $0x200;
	[sflag:s15] =	ssyncadd.s32 $0xFFFFC000  }
0x195: {  	[tilespmem:s11], [sflag:$0x1] =	stream.indirect.gather [hbm4b:s2+s10], $0x80, s29, s10, $0xb8;
	[tilespmem:$0x1F000] =	vst v63  }
0x196: {  	_ =	swait.ge [sflag:s17], $0x4000  }
0x197: {  	[sflag:s17] =	ssyncset.done $0x0  }
0x198: {  	s29 =	simm.s32 $0x1980;
	[sflag:s17] =	ssyncadd.s32 $0xFFFFC000  }
0x199: {  	[spmem:s3] =	stream.indirect.scatter.add.f32 [tilespmem:s13], [sflag:$0x5], $0x80, s29, s10, $0xb8;
	[tilespmem:$0x1F000] =	vst v63  }
0x19a: {  	_ =	swait.ge [sflag:s15], $0x4000  }
0x19b: {  	[sflag:s15] =	ssyncset.done $0x0  }
0x19c: {  	s29 =	simm.s32 $0x280;
	[sflag:s15] =	ssyncadd.s32 $0xFFFFC000  }
0x19d: {  	[tilespmem:s13], [sflag:$0x2] =	stream.indirect.gather [hbm4b:s2+s10], $0x80, s29, s10, $0xb8;
	[tilespmem:$0x1F000] =	vst v63  }
0x19e: {  	_ =	swait.ge [sflag:s14], $0x4000  }
0x19f: {  	[sflag:s14] =	ssyncset.done $0x0  }
0x1a0: {  	s29 =	simm.s32 $0x1A00;
	[sflag:s14] =	ssyncadd.s32 $0xFFFFC000  }
0x1a1: {  	[spmem:s3] =	stream.indirect.scatter.add.f32 [tilespmem:s11], [sflag:$0x5], $0x80, s29, s10, $0xb8;
	[tilespmem:$0x1F000] =	vst v63  }
0x1a2: {  	_ =	swait.ge [sflag:s15], $0x4000  }
0x1a3: {  	[sflag:s15] =	ssyncset.done $0x0  }
0x1a4: {  	s29 =	simm.s32 $0x300;
	[sflag:s15] =	ssyncadd.s32 $0xFFFFC000  }
0x1a5: {  	[tilespmem:s11], [sflag:$0x1] =	stream.indirect.gather [hbm4b:s2+s10], $0x80, s29, s10, $0xb8;
	[tilespmem:$0x1F000] =	vst v63  }
0x1a6: {  	_ =	swait.ge [sflag:s17], $0x4000  }
0x1a7: {  	[sflag:s17] =	ssyncset.done $0x0  }
0x1a8: {  	s29 =	simm.s32 $0x1A80;
	[sflag:s17] =	ssyncadd.s32 $0xFFFFC000  }
0x1a9: {  	[spmem:s3] =	stream.indirect.scatter.add.f32 [tilespmem:s13], [sflag:$0x5], $0x80, s29, s10, $0xb8;
	[tilespmem:$0x1F000] =	vst v63  }
0x1aa: {  	_ =	swait.ge [sflag:s15], $0x4000  }
0x1ab: {  	[sflag:s15] =	ssyncset.done $0x0  }
0x1ac: {  	s29 =	simm.s32 $0x380;
	[sflag:s15] =	ssyncadd.s32 $0xFFFFC000  }
0x1ad: {  	[tilespmem:s13], [sflag:$0x2] =	stream.indirect.gather [hbm4b:s2+s10], $0x80, s29, s10, $0xb8;
	[tilespmem:$0x1F000] =	vst v63  }
0x1ae: {  	_ =	swait.ge [sflag:s14], $0x4000  }
0x1af: {  	[sflag:s14] =	ssyncset.done $0x0  }
0x1b0: {  	s29 =	simm.s32 $0x1B00;
	[sflag:s14] =	ssyncadd.s32 $0xFFFFC000  }
0x1b1: {  	[spmem:s3] =	stream.indirect.scatter.add.f32 [tilespmem:s11], [sflag:$0x5], $0x80, s29, s10, $0xb8;
	[tilespmem:$0x1F000] =	vst v63  }
0x1b2: {  	_ =	swait.ge [sflag:s15], $0x4000  }
0x1b3: {  	[sflag:s15] =	ssyncset.done $0x0  }
0x1b4: {  	s29 =	simm.s32 $0x400;
	[sflag:s15] =	ssyncadd.s32 $0xFFFFC000  }
0x1b5: {  	[tilespmem:s11], [sflag:$0x1] =	stream.indirect.gather [hbm4b:s2+s10], $0x80, s29, s10, $0xb8;
	[tilespmem:$0x1F000] =	vst v63  }
0x1b6: {  	_ =	swait.ge [sflag:s17], $0x4000  }
0x1b7: {  	[sflag:s17] =	ssyncset.done $0x0  }
0x1b8: {  	s29 =	simm.s32 $0x1B80;
	[sflag:s17] =	ssyncadd.s32 $0xFFFFC000  }
0x1b9: {  	[spmem:s3] =	stream.indirect.scatter.add.f32 [tilespmem:s13], [sflag:$0x5], $0x80, s29, s10, $0xb8;
	[tilespmem:$0x1F000] =	vst v63  }
0x1ba: {  	_ =	swait.ge [sflag:s15], $0x4000  }
0x1bb: {  	[sflag:s15] =	ssyncset.done $0x0  }
0x1bc: {  	s29 =	simm.s32 $0x480;
	[sflag:s15] =	ssyncadd.s32 $0xFFFFC000  }
0x1bd: {  	[tilespmem:s13], [sflag:$0x2] =	stream.indirect.gather [hbm4b:s2+s10], $0x80, s29, s10, $0xb8;
	[tilespmem:$0x1F000] =	vst v63  }
0x1be: {  	_ =	swait.ge [sflag:s14], $0x4000  }
0x1bf: {  	[sflag:s14] =	ssyncset.done $0x0  }
0x1c0: {  	s29 =	simm.s32 $0x1C00;
	[sflag:s14] =	ssyncadd.s32 $0xFFFFC000  }
0x1c1: {  	[spmem:s3] =	stream.indirect.scatter.add.f32 [tilespmem:s11], [sflag:$0x5], $0x80, s29, s10, $0xb8;
	[tilespmem:$0x1F000] =	vst v63  }
0x1c2: {  	_ =	swait.ge [sflag:s15], $0x4000  }
0x1c3: {  	[sflag:s15] =	ssyncset.done $0x0  }
0x1c4: {  	s29 =	simm.s32 $0x500;
	[sflag:s15] =	ssyncadd.s32 $0xFFFFC000  }
0x1c5: {  	[tilespmem:s11], [sflag:$0x1] =	stream.indirect.gather [hbm4b:s2+s10], $0x80, s29, s10, $0xb8;
	[tilespmem:$0x1F000] =	vst v63  }
0x1c6: {  	_ =	swait.ge [sflag:s17], $0x4000  }
0x1c7: {  	[sflag:s17] =	ssyncset.done $0x0  }
0x1c8: {  	s29 =	simm.s32 $0x1C80;
	[sflag:s17] =	ssyncadd.s32 $0xFFFFC000  }
0x1c9: {  	[spmem:s3] =	stream.indirect.scatter.add.f32 [tilespmem:s13], [sflag:$0x5], $0x80, s29, s10, $0xb8;
	[tilespmem:$0x1F000] =	vst v63  }
0x1ca: {  	_ =	swait.ge [sflag:s15], $0x4000  }
0x1cb: {  	[sflag:s15] =	ssyncset.done $0x0  }
0x1cc: {  	s29 =	simm.s32 $0x580;
	[sflag:s15] =	ssyncadd.s32 $0xFFFFC000  }
0x1cd: {  	[tilespmem:s13], [sflag:$0x2] =	stream.indirect.gather [hbm4b:s2+s10], $0x80, s29, s10, $0xb8;
	[tilespmem:$0x1F000] =	vst v63  }
0x1ce: {  	_ =	swait.ge [sflag:s14], $0x4000  }
0x1cf: {  	[sflag:s14] =	ssyncset.done $0x0  }
0x1d0: {  	s29 =	simm.s32 $0x1D00;
	[sflag:s14] =	ssyncadd.s32 $0xFFFFC000  }
0x1d1: {  	[spmem:s3] =	stream.indirect.scatter.add.f32 [tilespmem:s11], [sflag:$0x5], $0x80, s29, s10, $0xb8;
	[tilespmem:$0x1F000] =	vst v63  }
0x1d2: {  	_ =	swait.ge [sflag:s15], $0x4000  }
0x1d3: {  	[sflag:s15] =	ssyncset.done $0x0  }
0x1d4: {  	s29 =	simm.s32 $0x600;
	[sflag:s15] =	ssyncadd.s32 $0xFFFFC000  }
0x1d5: {  	[tilespmem:s11], [sflag:$0x1] =	stream.indirect.gather [hbm4b:s2+s10], $0x80, s29, s10, $0xb8;
	[tilespmem:$0x1F000] =	vst v63  }
0x1d6: {  	_ =	swait.ge [sflag:s17], $0x4000  }
0x1d7: {  	[sflag:s17] =	ssyncset.done $0x0  }
0x1d8: {  	s29 =	simm.s32 $0x1D80;
	[sflag:s17] =	ssyncadd.s32 $0xFFFFC000  }
0x1d9: {  	[spmem:s3] =	stream.indirect.scatter.add.f32 [tilespmem:s13], [sflag:$0x5], $0x80, s29, s10, $0xb8;
	[tilespmem:$0x1F000] =	vst v63  }
0x1da: {  	_ =	swait.ge [sflag:s15], $0x4000  }
0x1db: {  	[sflag:s15] =	ssyncset.done $0x0  }
0x1dc: {  	s29 =	simm.s32 $0x680;
	[sflag:s15] =	ssyncadd.s32 $0xFFFFC000  }
0x1dd: {  	[tilespmem:s13], [sflag:$0x2] =	stream.indirect.gather [hbm4b:s2+s10], $0x80, s29, s10, $0xb8;
	[tilespmem:$0x1F000] =	vst v63  }
0x1de: {  	_ =	swait.ge [sflag:s14], $0x4000  }
0x1df: {  	[sflag:s14] =	ssyncset.done $0x0  }
0x1e0: {  	s29 =	simm.s32 $0x1E00;
	[sflag:s14] =	ssyncadd.s32 $0xFFFFC000  }
0x1e1: {  	[spmem:s3] =	stream.indirect.scatter.add.f32 [tilespmem:s11], [sflag:$0x5], $0x80, s29, s10, $0xb8;
	[tilespmem:$0x1F000] =	vst v63  }
0x1e2: {  	_ =	swait.ge [sflag:s15], $0x4000  }
0x1e3: {  	[sflag:s15] =	ssyncset.done $0x0  }
0x1e4: {  	s29 =	simm.s32 $0x700;
	[sflag:s15] =	ssyncadd.s32 $0xFFFFC000  }
0x1e5: {  	[tilespmem:s11], [sflag:$0x1] =	stream.indirect.gather [hbm4b:s2+s10], $0x80, s29, s10, $0xb8;
	[tilespmem:$0x1F000] =	vst v63  }
0x1e6: {  	_ =	swait.ge [sflag:s17], $0x4000  }
0x1e7: {  	[sflag:s17] =	ssyncset.done $0x0  }
0x1e8: {  	s29 =	simm.s32 $0x1E80;
	[sflag:s17] =	ssyncadd.s32 $0xFFFFC000  }
0x1e9: {  	[spmem:s3] =	stream.indirect.scatter.add.f32 [tilespmem:s13], [sflag:$0x5], $0x80, s29, s10, $0xb8;
	[tilespmem:$0x1F000] =	vst v63  }
0x1ea: {  	_ =	swait.ge [sflag:s15], $0x4000  }
0x1eb: {  	[sflag:s15] =	ssyncset.done $0x0  }
0x1ec: {  	s29 =	simm.s32 $0x780;
	[sflag:s15] =	ssyncadd.s32 $0xFFFFC000  }
0x1ed: {  	[tilespmem:s13], [sflag:$0x2] =	stream.indirect.gather [hbm4b:s2+s10], $0x80, s29, s10, $0xb8;
	[tilespmem:$0x1F000] =	vst v63  }
0x1ee: {  	_ =	swait.ge [sflag:s14], $0x4000  }
0x1ef: {  	[sflag:s14] =	ssyncset.done $0x0  }
0x1f0: {  	s29 =	simm.s32 $0x1F00;
	[sflag:s14] =	ssyncadd.s32 $0xFFFFC000  }
0x1f1: {  	[spmem:s3] =	stream.indirect.scatter.add.f32 [tilespmem:s11], [sflag:$0x5], $0x80, s29, s10, $0xb8;
	[tilespmem:$0x1F000] =	vst v63  }
0x1f2: {  	_ =	swait.ge [sflag:s15], $0x4000  }
0x1f3: {  	[sflag:s15] =	ssyncset.done $0x0  }
0x1f4: {  	s29 =	simm.s32 $0x800;
	[sflag:s15] =	ssyncadd.s32 $0xFFFFC000  }
0x1f5: {  	[tilespmem:s11], [sflag:$0x1] =	stream.indirect.gather [hbm4b:s2+s10], $0x80, s29, s10, $0xb8;
	[tilespmem:$0x1F000] =	vst v63  }
0x1f6: {  	_ =	swait.ge [sflag:s17], $0x4000  }
0x1f7: {  	[sflag:s17] =	ssyncset.done $0x0  }
0x1f8: {  	s29 =	simm.s32 $0x1F80;
	[sflag:s17] =	ssyncadd.s32 $0xFFFFC000  }
0x1f9: {  	[spmem:s3] =	stream.indirect.scatter.add.f32 [tilespmem:s13], [sflag:$0x5], $0x80, s29, s10, $0xb8;
	[tilespmem:$0x1F000] =	vst v63  }
0x1fa: {  	_ =	swait.ge [sflag:s15], $0x4000  }
0x1fb: {  	[sflag:s15] =	ssyncset.done $0x0  }
0x1fc: {  	s29 =	simm.s32 $0x880;
	[sflag:s15] =	ssyncadd.s32 $0xFFFFC000  }
0x1fd: {  	[tilespmem:s13], [sflag:$0x2] =	stream.indirect.gather [hbm4b:s2+s10], $0x80, s29, s10, $0xb8;
	[tilespmem:$0x1F000] =	vst v63  }
0x1fe: {  	_ =	swait.ge [sflag:s14], $0x4000  }
0x1ff: {  	[sflag:s14] =	ssyncset.done $0x0  }
0x200: {  	s29 =	simm.s32 $0x2000;
	[sflag:s14] =	ssyncadd.s32 $0xFFFFC000  }
0x201: {  	[spmem:s3] =	stream.indirect.scatter.add.f32 [tilespmem:s11], [sflag:$0x5], $0x80, s29, s10, $0xb8;
	[tilespmem:$0x1F000] =	vst v63  }
0x202: {  	_ =	swait.ge [sflag:s15], $0x4000  }
0x203: {  	[sflag:s15] =	ssyncset.done $0x0  }
0x204: {  	s29 =	simm.s32 $0x900;
	[sflag:s15] =	ssyncadd.s32 $0xFFFFC000  }
0x205: {  	[tilespmem:s11], [sflag:$0x1] =	stream.indirect.gather [hbm4b:s2+s10], $0x80, s29, s10, $0xb8;
	[tilespmem:$0x1F000] =	vst v63  }
0x206: {  	_ =	swait.ge [sflag:s17], $0x4000  }
0x207: {  	[sflag:s17] =	ssyncset.done $0x0  }
0x208: {  	s29 =	simm.s32 $0x2080;
	[sflag:s17] =	ssyncadd.s32 $0xFFFFC000  }
0x209: {  	[spmem:s3] =	stream.indirect.scatter.add.f32 [tilespmem:s13], [sflag:$0x5], $0x80, s29, s10, $0xb8;
	[tilespmem:$0x1F000] =	vst v63  }
0x20a: {  	_ =	swait.ge [sflag:s15], $0x4000  }
0x20b: {  	[sflag:s15] =	ssyncset.done $0x0  }
0x20c: {  	s29 =	simm.s32 $0x980;
	[sflag:s15] =	ssyncadd.s32 $0xFFFFC000  }
0x20d: {  	[tilespmem:s13], [sflag:$0x2] =	stream.indirect.gather [hbm4b:s2+s10], $0x80, s29, s10, $0xb8;
	[tilespmem:$0x1F000] =	vst v63  }
0x20e: {  	_ =	swait.ge [sflag:s14], $0x4000  }
0x20f: {  	[sflag:s14] =	ssyncset.done $0x0  }
0x210: {  	s29 =	simm.s32 $0x2100;
	[sflag:s14] =	ssyncadd.s32 $0xFFFFC000  }
0x211: {  	[spmem:s3] =	stream.indirect.scatter.add.f32 [tilespmem:s11], [sflag:$0x5], $0x80, s29, s10, $0xb8;
	[tilespmem:$0x1F000] =	vst v63  }
0x212: {  	_ =	swait.ge [sflag:s15], $0x4000  }
0x213: {  	[sflag:s15] =	ssyncset.done $0x0  }
0x214: {  	[sflag:s15] =	ssyncadd.s32 $0xFFFFC000  }
0x215: {  	_ =	swait.ge [sflag:s7], $0xA00  }
0x216: {  	[sflag:s7] =	ssyncset.done $0x0  }
0x217: {  	[sflag:s7] =	ssyncadd.s32 $0xFFFFF600  }
0x218: {  	_ =	swait.ge [sflag:s7], $0xA00  }
0x219: {  	[sflag:s7] =	ssyncset.done $0x0  }
0x21a: {  	[sflag:s7] =	ssyncadd.s32 $0xFFFFF600  }
0x21b: {  	[tilespmem:s11], [sflag:$0x1] =	stream.indirect.gather [hbm4b:s2+s10], $0x80, s19, s10, $0xb8;
	[tilespmem:$0x1F000] =	vst v63  }
0x21c: {  	_ =	swait.ge [sflag:s17], $0x4000  }
0x21d: {  	[sflag:s17] =	ssyncset.done $0x0  }
0x21e: {  	s19 =	simm.s32 $0x2180;
	[sflag:s17] =	ssyncadd.s32 $0xFFFFC000  }
0x21f: {  	[spmem:s3] =	stream.indirect.scatter.add.f32 [tilespmem:s13], [sflag:$0x5], $0x80, s19, s10, $0xb8;
	[tilespmem:$0x1F000] =	vst v63  }
0x220: {  	_ =	swait.ge [sflag:s15], $0x4000  }
0x221: {  	[sflag:s15] =	ssyncset.done $0x0  }
0x222: {  	s29 =	simm.s32 $0xC80;
	[sflag:s15] =	ssyncadd.s32 $0xFFFFC000  }
0x223: {  	[tilespmem:s13], [sflag:$0x2] =	stream.indirect.gather [hbm4b:s2+s10], $0x80, s29, s10, $0xb8;
	[tilespmem:$0x1F000] =	vst v63  }
0x224: {  	_ =	swait.ge [sflag:s14], $0x4000  }
0x225: {  	[sflag:s14] =	ssyncset.done $0x0  }
0x226: {  	[sflag:s14] =	ssyncadd.s32 $0xFFFFC000  }
0x227: {  	[spmem:s3] =	stream.indirect.scatter.add.f32 [tilespmem:s11], [sflag:$0x5], $0x80, s25, s10, $0xb8;
	[tilespmem:$0x1F000] =	vst v63  }
0x228: {  	_ =	swait.ge [sflag:s15], $0x4000  }
0x229: {  	[sflag:s15] =	ssyncset.done $0x0  }
0x22a: {  	s19 =	simm.s32 $0xD00;
	[sflag:s15] =	ssyncadd.s32 $0xFFFFC000  }
0x22b: {  	[tilespmem:s11], [sflag:$0x1] =	stream.indirect.gather [hbm4b:s2+s10], $0x80, s19, s10, $0xb8;
	[tilespmem:$0x1F000] =	vst v63  }
0x22c: {  	_ =	swait.ge [sflag:s17], $0x4000  }
0x22d: {  	[sflag:s17] =	ssyncset.done $0x0  }
0x22e: {  	s25 =	simm.s32 $0x2480;
	[sflag:s17] =	ssyncadd.s32 $0xFFFFC000  }
0x22f: {  	[spmem:s3] =	stream.indirect.scatter.add.f32 [tilespmem:s13], [sflag:$0x5], $0x80, s25, s10, $0xb8;
	[tilespmem:$0x1F000] =	vst v63  }
0x230: {  	_ =	swait.ge [sflag:s15], $0x4000  }
0x231: {  	[sflag:s15] =	ssyncset.done $0x0  }
0x232: {  	s29 =	simm.s32 $0xD80;
	[sflag:s15] =	ssyncadd.s32 $0xFFFFC000  }
0x233: {  	[tilespmem:s13], [sflag:$0x2] =	stream.indirect.gather [hbm4b:s2+s10], $0x80, s29, s10, $0xb8;
	[tilespmem:$0x1F000] =	vst v63  }
0x234: {  	_ =	swait.ge [sflag:s14], $0x4000  }
0x235: {  	[sflag:s14] =	ssyncset.done $0x0  }
0x236: {  	s19 =	simm.s32 $0x2500;
	[sflag:s14] =	ssyncadd.s32 $0xFFFFC000  }
0x237: {  	[spmem:s3] =	stream.indirect.scatter.add.f32 [tilespmem:s11], [sflag:$0x5], $0x80, s19, s10, $0xb8;
	[tilespmem:$0x1F000] =	vst v63  }
0x238: {  	_ =	swait.ge [sflag:s15], $0x4000  }
0x239: {  	[sflag:s15] =	ssyncset.done $0x0  }
0x23a: {  	s25 =	simm.s32 $0xE00;
	[sflag:s15] =	ssyncadd.s32 $0xFFFFC000  }
0x23b: {  	[tilespmem:s11], [sflag:$0x1] =	stream.indirect.gather [hbm4b:s2+s10], $0x80, s25, s10, $0xb8;
	[tilespmem:$0x1F000] =	vst v63  }
0x23c: {  	_ =	swait.ge [sflag:s17], $0x4000  }
0x23d: {  	[sflag:s17] =	ssyncset.done $0x0  }
0x23e: {  	s29 =	simm.s32 $0x2580;
	[sflag:s17] =	ssyncadd.s32 $0xFFFFC000  }
0x23f: {  	[spmem:s3] =	stream.indirect.scatter.add.f32 [tilespmem:s13], [sflag:$0x5], $0x80, s29, s10, $0xb8;
	[tilespmem:$0x1F000] =	vst v63  }
0x240: {  	_ =	swait.ge [sflag:s15], $0x4000  }
0x241: {  	[sflag:s15] =	ssyncset.done $0x0  }
0x242: {  	s19 =	simm.s32 $0xE80;
	[sflag:s15] =	ssyncadd.s32 $0xFFFFC000  }
0x243: {  	[tilespmem:s13], [sflag:$0x2] =	stream.indirect.gather [hbm4b:s2+s10], $0x80, s19, s10, $0xb8;
	[tilespmem:$0x1F000] =	vst v63  }
0x244: {  	_ =	swait.ge [sflag:s14], $0x4000  }
0x245: {  	[sflag:s14] =	ssyncset.done $0x0  }
0x246: {  	s25 =	simm.s32 $0x2600;
	[sflag:s14] =	ssyncadd.s32 $0xFFFFC000  }
0x247: {  	[spmem:s3] =	stream.indirect.scatter.add.f32 [tilespmem:s11], [sflag:$0x5], $0x80, s25, s10, $0xb8;
	[tilespmem:$0x1F000] =	vst v63  }
0x248: {  	_ =	swait.ge [sflag:s15], $0x4000  }
0x249: {  	[sflag:s15] =	ssyncset.done $0x0  }
0x24a: {  	s29 =	simm.s32 $0xF00;
	[sflag:s15] =	ssyncadd.s32 $0xFFFFC000  }
0x24b: {  	[tilespmem:s11], [sflag:$0x1] =	stream.indirect.gather [hbm4b:s2+s10], $0x80, s29, s10, $0xb8;
	[tilespmem:$0x1F000] =	vst v63  }
0x24c: {  	_ =	swait.ge [sflag:s17], $0x4000  }
0x24d: {  	[sflag:s17] =	ssyncset.done $0x0  }
0x24e: {  	s19 =	simm.s32 $0x2680;
	[sflag:s17] =	ssyncadd.s32 $0xFFFFC000  }
0x24f: {  	[spmem:s3] =	stream.indirect.scatter.add.f32 [tilespmem:s13], [sflag:$0x5], $0x80, s19, s10, $0xb8;
	[tilespmem:$0x1F000] =	vst v63  }
0x250: {  	_ =	swait.ge [sflag:s15], $0x4000  }
0x251: {  	[sflag:s15] =	ssyncset.done $0x0  }
0x252: {  	s25 =	simm.s32 $0xF80;
	[sflag:s15] =	ssyncadd.s32 $0xFFFFC000  }
0x253: {  	[tilespmem:s13], [sflag:$0x2] =	stream.indirect.gather [hbm4b:s2+s10], $0x80, s25, s10, $0xb8;
	[tilespmem:$0x1F000] =	vst v63  }
0x254: {  	_ =	swait.ge [sflag:s14], $0x4000  }
0x255: {  	[sflag:s14] =	ssyncset.done $0x0  }
0x256: {  	s29 =	simm.s32 $0x2700;
	[sflag:s14] =	ssyncadd.s32 $0xFFFFC000  }
0x257: {  	[spmem:s3] =	stream.indirect.scatter.add.f32 [tilespmem:s11], [sflag:$0x5], $0x80, s29, s10, $0xb8;
	[tilespmem:$0x1F000] =	vst v63  }
0x258: {  	_ =	swait.ge [sflag:s15], $0x4000  }
0x259: {  	[sflag:s15] =	ssyncset.done $0x0  }
0x25a: {  	s19 =	simm.s32 $0x1000;
	[sflag:s15] =	ssyncadd.s32 $0xFFFFC000  }
0x25b: {  	[tilespmem:s11], [sflag:$0x1] =	stream.indirect.gather [hbm4b:s2+s10], $0x80, s19, s10, $0xb8;
	[tilespmem:$0x1F000] =	vst v63  }
0x25c: {  	_ =	swait.ge [sflag:s17], $0x4000  }
0x25d: {  	[sflag:s17] =	ssyncset.done $0x0  }
0x25e: {  	s25 =	simm.s32 $0x2780;
	[sflag:s17] =	ssyncadd.s32 $0xFFFFC000  }
0x25f: {  	[spmem:s3] =	stream.indirect.scatter.add.f32 [tilespmem:s13], [sflag:$0x5], $0x80, s25, s10, $0xb8;
	[tilespmem:$0x1F000] =	vst v63  }
0x260: {  	_ =	swait.ge [sflag:s15], $0x4000  }
0x261: {  	[sflag:s15] =	ssyncset.done $0x0  }
0x262: {  	s29 =	simm.s32 $0x1080;
	[sflag:s15] =	ssyncadd.s32 $0xFFFFC000  }
0x263: {  	[tilespmem:s13], [sflag:$0x2] =	stream.indirect.gather [hbm4b:s2+s10], $0x80, s29, s10, $0xb8;
	[tilespmem:$0x1F000] =	vst v63  }
0x264: {  	_ =	swait.ge [sflag:s14], $0x4000  }
0x265: {  	[sflag:s14] =	ssyncset.done $0x0  }
0x266: {  	s19 =	simm.s32 $0x2800;
	[sflag:s14] =	ssyncadd.s32 $0xFFFFC000  }
0x267: {  	[spmem:s3] =	stream.indirect.scatter.add.f32 [tilespmem:s11], [sflag:$0x5], $0x80, s19, s10, $0xb8;
	[tilespmem:$0x1F000] =	vst v63  }
0x268: {  	_ =	swait.ge [sflag:s15], $0x4000  }
0x269: {  	[sflag:s15] =	ssyncset.done $0x0  }
0x26a: {  	s25 =	simm.s32 $0x1100;
	[sflag:s15] =	ssyncadd.s32 $0xFFFFC000  }
0x26b: {  	[tilespmem:s11], [sflag:$0x1] =	stream.indirect.gather [hbm4b:s2+s10], $0x80, s25, s10, $0xb8;
	[tilespmem:$0x1F000] =	vst v63  }
0x26c: {  	_ =	swait.ge [sflag:s17], $0x4000  }
0x26d: {  	[sflag:s17] =	ssyncset.done $0x0  }
0x26e: {  	s29 =	simm.s32 $0x2880;
	[sflag:s17] =	ssyncadd.s32 $0xFFFFC000  }
0x26f: {  	[spmem:s3] =	stream.indirect.scatter.add.f32 [tilespmem:s13], [sflag:$0x5], $0x80, s29, s10, $0xb8;
	[tilespmem:$0x1F000] =	vst v63  }
0x270: {  	_ =	swait.ge [sflag:s15], $0x4000  }
0x271: {  	[sflag:s15] =	ssyncset.done $0x0  }
0x272: {  	s19 =	simm.s32 $0x1180;
	[sflag:s15] =	ssyncadd.s32 $0xFFFFC000  }
0x273: {  	[tilespmem:s13], [sflag:$0x2] =	stream.indirect.gather [hbm4b:s2+s10], $0x80, s19, s10, $0xb8;
	[tilespmem:$0x1F000] =	vst v63  }
0x274: {  	_ =	swait.ge [sflag:s14], $0x4000  }
0x275: {  	[sflag:s14] =	ssyncset.done $0x0  }
0x276: {  	s25 =	simm.s32 $0x2900;
	[sflag:s14] =	ssyncadd.s32 $0xFFFFC000  }
0x277: {  	[spmem:s3] =	stream.indirect.scatter.add.f32 [tilespmem:s11], [sflag:$0x5], $0x80, s25, s10, $0xb8;
	[tilespmem:$0x1F000] =	vst v63  }
0x278: {  	_ =	swait.ge [sflag:s15], $0x4000  }
0x279: {  	[sflag:s15] =	ssyncset.done $0x0  }
0x27a: {  	s29 =	simm.s32 $0x1200;
	[sflag:s15] =	ssyncadd.s32 $0xFFFFC000  }
0x27b: {  	[tilespmem:s11], [sflag:$0x1] =	stream.indirect.gather [hbm4b:s2+s10], $0x80, s29, s10, $0xb8;
	[tilespmem:$0x1F000] =	vst v63  }
0x27c: {  	_ =	swait.ge [sflag:s17], $0x4000  }
0x27d: {  	[sflag:s17] =	ssyncset.done $0x0  }
0x27e: {  	s19 =	simm.s32 $0x2980;
	[sflag:s17] =	ssyncadd.s32 $0xFFFFC000  }
0x27f: {  	[spmem:s3] =	stream.indirect.scatter.add.f32 [tilespmem:s13], [sflag:$0x5], $0x80, s19, s10, $0xb8;
	[tilespmem:$0x1F000] =	vst v63  }
0x280: {  	_ =	swait.ge [sflag:s15], $0x4000  }
0x281: {  	[sflag:s15] =	ssyncset.done $0x0  }
0x282: {  	[sflag:s15] =	ssyncadd.s32 $0xFFFFC000  }
0x283: {  	[tilespmem:s13], [sflag:$0x2] =	stream.indirect.gather [hbm4b:s2+s10], $0x80, s28, s10, $0xb8;
	[tilespmem:$0x1F000] =	vst v63  }
0x284: {  	_ =	swait.ge [sflag:s14], $0x4000  }
0x285: {  	[sflag:s14] =	ssyncset.done $0x0  }
0x286: {  	[sflag:s14] =	ssyncadd.s32 $0xFFFFC000  }
0x287: {  	[spmem:s3] =	stream.indirect.scatter.add.f32 [tilespmem:s11], [sflag:$0x5], $0x80, s26, s10, $0xb8;
	[tilespmem:$0x1F000] =	vst v63  }
0x288: {  	_ =	swait.ge [sflag:s15], $0x4000  }
0x289: {  	[sflag:s15] =	ssyncset.done $0x0  }
0x28a: {  	[sflag:s15] =	ssyncadd.s32 $0xFFFFC000  }
0x28b: {  	[tilespmem:s11], [sflag:$0x1] =	stream.indirect.gather [hbm4b:s2+s10], $0x80, s24, s10, $0xb8;
	[tilespmem:$0x1F000] =	vst v63  }
0x28c: {  	_ =	swait.ge [sflag:s17], $0x4000  }
0x28d: {  	[sflag:s17] =	ssyncset.done $0x0  }
0x28e: {  	[sflag:s17] =	ssyncadd.s32 $0xFFFFC000  }
0x28f: {  	[spmem:s3] =	stream.indirect.scatter.add.f32 [tilespmem:s13], [sflag:$0x5], $0x80, s23, s10, $0xb8;
	[tilespmem:$0x1F000] =	vst v63  }
0x290: {  	_ =	swait.ge [sflag:s15], $0x4000  }
0x291: {  	[sflag:s15] =	ssyncset.done $0x0  }
0x292: {  	[sflag:s15] =	ssyncadd.s32 $0xFFFFC000  }
0x293: {  	[tilespmem:s13], [sflag:$0x2] =	stream.indirect.gather [hbm4b:s2+s10], $0x80, s22, s10, $0xb8;
	[tilespmem:$0x1F000] =	vst v63  }
0x294: {  	_ =	swait.ge [sflag:s14], $0x4000  }
0x295: {  	[sflag:s14] =	ssyncset.done $0x0  }
0x296: {  	[sflag:s14] =	ssyncadd.s32 $0xFFFFC000  }
0x297: {  	[spmem:s3] =	stream.indirect.scatter.add.f32 [tilespmem:s11], [sflag:$0x5], $0x80, s21, s10, $0xb8;
	[tilespmem:$0x1F000] =	vst v63  }
0x298: {  	_ =	swait.ge [sflag:s15], $0x4000  }
0x299: {  	[sflag:s15] =	ssyncset.done $0x0  }
0x29a: {  	[sflag:s15] =	ssyncadd.s32 $0xFFFFC000  }
0x29b: {  	[tilespmem:s11], [sflag:$0x1] =	stream.indirect.gather [hbm4b:s2+s10], $0x80, s20, s10, $0xb8;
	[tilespmem:$0x1F000] =	vst v63  }
0x29c: {  	_ =	swait.ge [sflag:s17], $0x4000  }
0x29d: {  	[sflag:s17] =	ssyncset.done $0x0  }
0x29e: {  	[sflag:s17] =	ssyncadd.s32 $0xFFFFC000  }
0x29f: {  	[spmem:s3] =	stream.indirect.scatter.add.f32 [tilespmem:s13], [sflag:$0x5], $0x80, s18, s10, $0xb8;
	[tilespmem:$0x1F000] =	vst v63  }
0x2a0: {  	_ =	swait.ge [sflag:s15], $0x4000  }
0x2a1: {  	[sflag:s15] =	ssyncset.done $0x0  }
0x2a2: {  	[sflag:s15] =	ssyncadd.s32 $0xFFFFC000  }
0x2a3: {  	[tilespmem:s13], [sflag:$0x2] =	stream.indirect.gather [hbm4b:s2+s10], $0x80, s16, s10, $0xb8;
	[tilespmem:$0x1F000] =	vst v63  }
0x2a4: {  	_ =	swait.ge [sflag:s14], $0x4000  }
0x2a5: {  	[sflag:s14] =	ssyncset.done $0x0  }
0x2a6: {  	[sflag:s14] =	ssyncadd.s32 $0xFFFFC000  }
0x2a7: {  	[spmem:s3] =	stream.indirect.scatter.add.f32 [tilespmem:s11], [sflag:$0x5], $0x80, s12, s10, $0xb8;
	[tilespmem:$0x1F000] =	vst v63  }
0x2a8: {  	_ =	swait.ge [sflag:s15], $0x4000  }
0x2a9: {  	[sflag:s15] =	ssyncset.done $0x0  }
0x2aa: {  	[sflag:s15] =	ssyncadd.s32 $0xFFFFC000  }
0x2ab: {  	[tilespmem:s11], [sflag:$0x1] =	stream.indirect.gather [hbm4b:s2+s10], $0x80, s9, s10, $0xb8;
	[tilespmem:$0x1F000] =	vst v63  }
0x2ac: {  	_ =	swait.ge [sflag:s17], $0x4000  }
0x2ad: {  	[sflag:s17] =	ssyncset.done $0x0  }
0x2ae: {  	[sflag:s17] =	ssyncadd.s32 $0xFFFFC000  }
0x2af: {  	[spmem:s3] =	stream.indirect.scatter.add.f32 [tilespmem:s13], [sflag:$0x5], $0x80, s6, s10, $0xb8;
	[tilespmem:$0x1F000] =	vst v63  }
0x2b0: {  	_ =	swait.ge [sflag:s15], $0x4000  }
0x2b1: {  	[sflag:s15] =	ssyncset.done $0x0  }
0x2b2: {  	[sflag:s15] =	ssyncadd.s32 $0xFFFFC000  }
0x2b3: {  	[tilespmem:s13], [sflag:$0x2] =	stream.indirect.gather [hbm4b:s2+s10], $0x80, s5, s10, $0xb8;
	[tilespmem:$0x1F000] =	vst v63  }
0x2b4: {  	_ =	swait.ge [sflag:s14], $0x4000  }
0x2b5: {  	[sflag:s14] =	ssyncset.done $0x0  }
0x2b6: {  	[sflag:s14] =	ssyncadd.s32 $0xFFFFC000  }
0x2b7: {  	[spmem:s3] =	stream.indirect.scatter.add.f32 [tilespmem:s11], [sflag:$0x5], $0x80, s1, s10, $0xb8;
	[tilespmem:$0x1F000] =	vst v63  }
0x2b8: {  	_ =	swait.ge [sflag:s15], $0x4000  }
0x2b9: {  	[sflag:s15] =	ssyncset.done $0x0  }
0x2ba: {  	[sflag:s15] =	ssyncadd.s32 $0xFFFFC000  }
0x2bb: {  	_ =	swait.ge [sflag:s17], $0x4000  }
0x2bc: {  	[sflag:s17] =	ssyncset.done $0x0  }
0x2bd: {  	[sflag:s17] =	ssyncadd.s32 $0xFFFFC000  }
0x2be: {  	[spmem:s3] =	stream.indirect.scatter.add.f32 [tilespmem:s13], [sflag:$0x5], $0x80, s0, s10, $0xb8;
	[tilespmem:$0x1F000] =	vst v63  }
0x2bf: {  	_ =	swait.ge [sflag:s15], $0x4000  }
0x2c0: {  	[sflag:s15] =	ssyncset.done $0x0  }
0x2c1: {  	[sflag:s15] =	ssyncadd.s32 $0xFFFFC000  }
0x2c2: {  	[bflag:$0x0] =	sbarrier.arrive $0xFFFF  }
0x2c3: {  	s25 =	rddreg [dreg:$0x12]  }
0x2c4: {  	s26 =	ssub.s32 $0x2, s25  }
0x2c5: {  	s30 =	sshrl.u32 s26, $0x1  }
0x2c6: {  	s30 =	ssub.s32 s26, s30  }
0x2c7: {  	s30 =	smax.u32 s30, $0x1  }
0x2c8: {  	s28 =	rddreg [dreg:$0xe];
	p0 =	sne.s32 s30, $0x1  }
.Ltmp0:
0x2c9: {  	s29 =	rddreg [dreg:$0x11];
	(pc) =	sbr.rel @!p0 .LBB2_3-.Ltmp0, $4  }
0x2ca: {  	[dreg:$0xf] =	wrdreg s31;
	s0 =	sor.u32 $0x1C05, s29  }
0x2cb: {  	[dreg:$0x10] =	wrdreg s0  }
0x2cc: {  	[hbm:s28], [sflag:s0] =	dma.local [spmem:s31], $0x2800  }
0x2cd: {  	_ =	swait.ge [sflag:s15], $0x2800;
	s30 =	sadd.s32 $0xFFFFFFFF, s30  }
0x2ce: {  	s8 =	simm.s32 $0x1800  }
0x2cf: {  	s9 =	simm.s32 $0xC00;
	s12 =	simm.s32 $0xD00;
	s16 =	simm.s32 $0x2480  }
0x2d0: {  	s18 =	simm.s32 $0xD80;
	s19 =	simm.s32 $0x2500;
	s20 =	simm.s32 $0xE00  }
0x2d1: {  	s21 =	simm.s32 $0x2580;
	s22 =	simm.s32 $0xE80;
	s23 =	simm.s32 $0x2600  }
0x2d2: {  	s24 =	simm.s32 $0xF00;
	s25 =	simm.s32 $0x2680;
	s26 =	simm.s32 $0xF80  }
0x2d3: {  	s28 =	simm.s32 $0x2700;
	s29 =	simm.s32 $0x1000;
	s5 =	simm.s32 $0x2D80  }
.LBB2_2:
0x2d4: {  	s31 =	rddreg [dreg:$0x4]  }
0x2d5: {  	s0 =	rddreg [dreg:$0x5];
	[sflag:s15] =	ssyncset.done $0x0  }
0x2d6: {  	s6 =	rddreg [dreg:$0xf];
	[sflag:s15] =	ssyncadd.s32 $0xFFFFD800  }
0x2d7: {  	[spmem:s6], [sflag:s0] =	dma.local [hbm:s31], $0x2800  }
0x2d8: {  	s0 =	rddreg [dreg:$0x6]  }
0x2d9: {  	[tilespmem:s4], [sflag:$0x3] =	stream.linear.gather [hbm4b:s0+s4], $0xA00, $0x38;
	[tilespmem:$0x1F000] =	vst v63  }
0x2da: {  	s31 =	rddreg [dreg:$0x7]  }
0x2db: {  	[tilespmem:s8], [sflag:$0x3] =	stream.linear.gather [hbm4b:s31+s4], $0xA00, $0x38;
	[tilespmem:$0x1F000] =	vst v63  }
0x2dc: {  	_ =	swait.ge [sflag:s7], $0xA00  }
0x2dd: {  	[sflag:s7] =	ssyncset.done $0x0  }
0x2de: {  	[sflag:s7] =	ssyncadd.s32 $0xFFFFF600  }
0x2df: {  	_ =	swait.ge [sflag:s7], $0xA00  }
0x2e0: {  	[sflag:s7] =	ssyncset.done $0x0  }
0x2e1: {  	s1 =	rddreg [dreg:$0x8];
	[sflag:s7] =	ssyncadd.s32 $0xFFFFF600  }
0x2e2: {  	[tilespmem:s9], [sflag:$0x3] =	stream.linear.gather [hbm4b:s1+s4], $0xA00, $0x38;
	[tilespmem:$0x1F000] =	vst v63  }
0x2e3: {  	s31 =	rddreg [dreg:$0x9];
	s1 =	simm.s32 $0x2400  }
0x2e4: {  	[tilespmem:s1], [sflag:$0x3] =	stream.linear.gather [hbm4b:s31+s4], $0xA00, $0x38;
	[tilespmem:$0x1F000] =	vst v63  }
0x2e5: {  	s31 =	simm.s32 $0x4  }
0x2e6: {  	[tilespmem:s11], [sflag:$0x1] =	stream.indirect.gather [hbm4b:s2+s10], $0x80, s4, s10, $0xb8;
	[tilespmem:$0x1F000] =	vst v63  }
0x2e7: {  	_ =	swait.ge [sflag:s31], $0x2800  }
0x2e8: {  	[sflag:s31] =	ssyncset.done $0x0  }
0x2e9: {  	[sflag:s31] =	ssyncadd.s32 $0xFFFFD800  }
0x2ea: {  	[bflag:$0x0] =	sbarrier.arrive $0xFFFF  }
0x2eb: {  	[tilespmem:s13], [sflag:$0x2] =	stream.indirect.gather [hbm4b:s2+s10], $0x80, s10, s10, $0xb8;
	[tilespmem:$0x1F000] =	vst v63  }
0x2ec: {  	_ =	swait.ge [sflag:s14], $0x4000  }
0x2ed: {  	[sflag:s14] =	ssyncset.done $0x0  }
0x2ee: {  	[sflag:s14] =	ssyncadd.s32 $0xFFFFC000  }
0x2ef: {  	[spmem:s3] =	stream.indirect.scatter.add.f32 [tilespmem:s11], [sflag:$0x5], $0x80, s8, s10, $0xb8;
	[tilespmem:$0x1F000] =	vst v63  }
0x2f0: {  	_ =	swait.ge [sflag:s15], $0x4000  }
0x2f1: {  	[sflag:s15] =	ssyncset.done $0x0  }
0x2f2: {  	s31 =	simm.s32 $0x100;
	[sflag:s15] =	ssyncadd.s32 $0xFFFFC000  }
0x2f3: {  	[tilespmem:s11], [sflag:$0x1] =	stream.indirect.gather [hbm4b:s2+s10], $0x80, s31, s10, $0xb8;
	[tilespmem:$0x1F000] =	vst v63  }
0x2f4: {  	_ =	swait.ge [sflag:s17], $0x4000  }
0x2f5: {  	[sflag:s17] =	ssyncset.done $0x0  }
0x2f6: {  	s31 =	simm.s32 $0x1880;
	[sflag:s17] =	ssyncadd.s32 $0xFFFFC000  }
0x2f7: {  	[spmem:s3] =	stream.indirect.scatter.add.f32 [tilespmem:s13], [sflag:$0x5], $0x80, s31, s10, $0xb8;
	[tilespmem:$0x1F000] =	vst v63  }
0x2f8: {  	_ =	swait.ge [sflag:s15], $0x4000  }
0x2f9: {  	[sflag:s15] =	ssyncset.done $0x0  }
0x2fa: {  	s31 =	simm.s32 $0x180;
	[sflag:s15] =	ssyncadd.s32 $0xFFFFC000  }
0x2fb: {  	[tilespmem:s13], [sflag:$0x2] =	stream.indirect.gather [hbm4b:s2+s10], $0x80, s31, s10, $0xb8;
	[tilespmem:$0x1F000] =	vst v63  }
0x2fc: {  	_ =	swait.ge [sflag:s14], $0x4000  }
0x2fd: {  	[sflag:s14] =	ssyncset.done $0x0  }
0x2fe: {  	s31 =	simm.s32 $0x1900;
	[sflag:s14] =	ssyncadd.s32 $0xFFFFC000  }
0x2ff: {  	[spmem:s3] =	stream.indirect.scatter.add.f32 [tilespmem:s11], [sflag:$0x5], $0x80, s31, s10, $0xb8;
	[tilespmem:$0x1F000] =	vst v63  }
0x300: {  	_ =	swait.ge [sflag:s15], $0x4000  }
0x301: {  	[sflag:s15] =	ssyncset.done $0x0  }
0x302: {  	s31 =	simm.s32 $0x200;
	[sflag:s15] =	ssyncadd.s32 $0xFFFFC000  }
0x303: {  	[tilespmem:s11], [sflag:$0x1] =	stream.indirect.gather [hbm4b:s2+s10], $0x80, s31, s10, $0xb8;
	[tilespmem:$0x1F000] =	vst v63  }
0x304: {  	_ =	swait.ge [sflag:s17], $0x4000  }
0x305: {  	[sflag:s17] =	ssyncset.done $0x0  }
0x306: {  	s31 =	simm.s32 $0x1980;
	[sflag:s17] =	ssyncadd.s32 $0xFFFFC000  }
0x307: {  	[spmem:s3] =	stream.indirect.scatter.add.f32 [tilespmem:s13], [sflag:$0x5], $0x80, s31, s10, $0xb8;
	[tilespmem:$0x1F000] =	vst v63  }
0x308: {  	_ =	swait.ge [sflag:s15], $0x4000  }
0x309: {  	[sflag:s15] =	ssyncset.done $0x0  }
0x30a: {  	s31 =	simm.s32 $0x280;
	[sflag:s15] =	ssyncadd.s32 $0xFFFFC000  }
0x30b: {  	[tilespmem:s13], [sflag:$0x2] =	stream.indirect.gather [hbm4b:s2+s10], $0x80, s31, s10, $0xb8;
	[tilespmem:$0x1F000] =	vst v63  }
0x30c: {  	_ =	swait.ge [sflag:s14], $0x4000  }
0x30d: {  	[sflag:s14] =	ssyncset.done $0x0  }
0x30e: {  	s31 =	simm.s32 $0x1A00;
	[sflag:s14] =	ssyncadd.s32 $0xFFFFC000  }
0x30f: {  	[spmem:s3] =	stream.indirect.scatter.add.f32 [tilespmem:s11], [sflag:$0x5], $0x80, s31, s10, $0xb8;
	[tilespmem:$0x1F000] =	vst v63  }
0x310: {  	_ =	swait.ge [sflag:s15], $0x4000  }
0x311: {  	[sflag:s15] =	ssyncset.done $0x0  }
0x312: {  	s31 =	simm.s32 $0x300;
	[sflag:s15] =	ssyncadd.s32 $0xFFFFC000  }
0x313: {  	[tilespmem:s11], [sflag:$0x1] =	stream.indirect.gather [hbm4b:s2+s10], $0x80, s31, s10, $0xb8;
	[tilespmem:$0x1F000] =	vst v63  }
0x314: {  	_ =	swait.ge [sflag:s17], $0x4000  }
0x315: {  	[sflag:s17] =	ssyncset.done $0x0  }
0x316: {  	s31 =	simm.s32 $0x1A80;
	[sflag:s17] =	ssyncadd.s32 $0xFFFFC000  }
0x317: {  	[spmem:s3] =	stream.indirect.scatter.add.f32 [tilespmem:s13], [sflag:$0x5], $0x80, s31, s10, $0xb8;
	[tilespmem:$0x1F000] =	vst v63  }
0x318: {  	_ =	swait.ge [sflag:s15], $0x4000  }
0x319: {  	[sflag:s15] =	ssyncset.done $0x0  }
0x31a: {  	s31 =	simm.s32 $0x380;
	[sflag:s15] =	ssyncadd.s32 $0xFFFFC000  }
0x31b: {  	[tilespmem:s13], [sflag:$0x2] =	stream.indirect.gather [hbm4b:s2+s10], $0x80, s31, s10, $0xb8;
	[tilespmem:$0x1F000] =	vst v63  }
0x31c: {  	_ =	swait.ge [sflag:s14], $0x4000  }
0x31d: {  	[sflag:s14] =	ssyncset.done $0x0  }
0x31e: {  	s31 =	simm.s32 $0x1B00;
	[sflag:s14] =	ssyncadd.s32 $0xFFFFC000  }
0x31f: {  	[spmem:s3] =	stream.indirect.scatter.add.f32 [tilespmem:s11], [sflag:$0x5], $0x80, s31, s10, $0xb8;
	[tilespmem:$0x1F000] =	vst v63  }
0x320: {  	_ =	swait.ge [sflag:s15], $0x4000  }
0x321: {  	[sflag:s15] =	ssyncset.done $0x0  }
0x322: {  	s31 =	simm.s32 $0x400;
	[sflag:s15] =	ssyncadd.s32 $0xFFFFC000  }
0x323: {  	[tilespmem:s11], [sflag:$0x1] =	stream.indirect.gather [hbm4b:s2+s10], $0x80, s31, s10, $0xb8;
	[tilespmem:$0x1F000] =	vst v63  }
0x324: {  	_ =	swait.ge [sflag:s17], $0x4000  }
0x325: {  	[sflag:s17] =	ssyncset.done $0x0  }
0x326: {  	s31 =	simm.s32 $0x1B80;
	[sflag:s17] =	ssyncadd.s32 $0xFFFFC000  }
0x327: {  	[spmem:s3] =	stream.indirect.scatter.add.f32 [tilespmem:s13], [sflag:$0x5], $0x80, s31, s10, $0xb8;
	[tilespmem:$0x1F000] =	vst v63  }
0x328: {  	_ =	swait.ge [sflag:s15], $0x4000  }
0x329: {  	[sflag:s15] =	ssyncset.done $0x0  }
0x32a: {  	s31 =	simm.s32 $0x480;
	[sflag:s15] =	ssyncadd.s32 $0xFFFFC000  }
0x32b: {  	[tilespmem:s13], [sflag:$0x2] =	stream.indirect.gather [hbm4b:s2+s10], $0x80, s31, s10, $0xb8;
	[tilespmem:$0x1F000] =	vst v63  }
0x32c: {  	_ =	swait.ge [sflag:s14], $0x4000  }
0x32d: {  	[sflag:s14] =	ssyncset.done $0x0  }
0x32e: {  	s31 =	simm.s32 $0x1C00;
	[sflag:s14] =	ssyncadd.s32 $0xFFFFC000  }
0x32f: {  	[spmem:s3] =	stream.indirect.scatter.add.f32 [tilespmem:s11], [sflag:$0x5], $0x80, s31, s10, $0xb8;
	[tilespmem:$0x1F000] =	vst v63  }
0x330: {  	_ =	swait.ge [sflag:s15], $0x4000  }
0x331: {  	[sflag:s15] =	ssyncset.done $0x0  }
0x332: {  	s31 =	simm.s32 $0x500;
	[sflag:s15] =	ssyncadd.s32 $0xFFFFC000  }
0x333: {  	[tilespmem:s11], [sflag:$0x1] =	stream.indirect.gather [hbm4b:s2+s10], $0x80, s31, s10, $0xb8;
	[tilespmem:$0x1F000] =	vst v63  }
0x334: {  	_ =	swait.ge [sflag:s17], $0x4000  }
0x335: {  	[sflag:s17] =	ssyncset.done $0x0  }
0x336: {  	s31 =	simm.s32 $0x1C80;
	[sflag:s17] =	ssyncadd.s32 $0xFFFFC000  }
0x337: {  	[spmem:s3] =	stream.indirect.scatter.add.f32 [tilespmem:s13], [sflag:$0x5], $0x80, s31, s10, $0xb8;
	[tilespmem:$0x1F000] =	vst v63  }
0x338: {  	_ =	swait.ge [sflag:s15], $0x4000  }
0x339: {  	[sflag:s15] =	ssyncset.done $0x0  }
0x33a: {  	s31 =	simm.s32 $0x580;
	[sflag:s15] =	ssyncadd.s32 $0xFFFFC000  }
0x33b: {  	[tilespmem:s13], [sflag:$0x2] =	stream.indirect.gather [hbm4b:s2+s10], $0x80, s31, s10, $0xb8;
	[tilespmem:$0x1F000] =	vst v63  }
0x33c: {  	_ =	swait.ge [sflag:s14], $0x4000  }
0x33d: {  	[sflag:s14] =	ssyncset.done $0x0  }
0x33e: {  	s31 =	simm.s32 $0x1D00;
	[sflag:s14] =	ssyncadd.s32 $0xFFFFC000  }
0x33f: {  	[spmem:s3] =	stream.indirect.scatter.add.f32 [tilespmem:s11], [sflag:$0x5], $0x80, s31, s10, $0xb8;
	[tilespmem:$0x1F000] =	vst v63  }
0x340: {  	_ =	swait.ge [sflag:s15], $0x4000  }
0x341: {  	[sflag:s15] =	ssyncset.done $0x0  }
0x342: {  	s31 =	simm.s32 $0x600;
	[sflag:s15] =	ssyncadd.s32 $0xFFFFC000  }
0x343: {  	[tilespmem:s11], [sflag:$0x1] =	stream.indirect.gather [hbm4b:s2+s10], $0x80, s31, s10, $0xb8;
	[tilespmem:$0x1F000] =	vst v63  }
0x344: {  	_ =	swait.ge [sflag:s17], $0x4000  }
0x345: {  	[sflag:s17] =	ssyncset.done $0x0  }
0x346: {  	s31 =	simm.s32 $0x1D80;
	[sflag:s17] =	ssyncadd.s32 $0xFFFFC000  }
0x347: {  	[spmem:s3] =	stream.indirect.scatter.add.f32 [tilespmem:s13], [sflag:$0x5], $0x80, s31, s10, $0xb8;
	[tilespmem:$0x1F000] =	vst v63  }
0x348: {  	_ =	swait.ge [sflag:s15], $0x4000  }
0x349: {  	[sflag:s15] =	ssyncset.done $0x0  }
0x34a: {  	s31 =	simm.s32 $0x680;
	[sflag:s15] =	ssyncadd.s32 $0xFFFFC000  }
0x34b: {  	[tilespmem:s13], [sflag:$0x2] =	stream.indirect.gather [hbm4b:s2+s10], $0x80, s31, s10, $0xb8;
	[tilespmem:$0x1F000] =	vst v63  }
0x34c: {  	_ =	swait.ge [sflag:s14], $0x4000  }
0x34d: {  	[sflag:s14] =	ssyncset.done $0x0  }
0x34e: {  	s31 =	simm.s32 $0x1E00;
	[sflag:s14] =	ssyncadd.s32 $0xFFFFC000  }
0x34f: {  	[spmem:s3] =	stream.indirect.scatter.add.f32 [tilespmem:s11], [sflag:$0x5], $0x80, s31, s10, $0xb8;
	[tilespmem:$0x1F000] =	vst v63  }
0x350: {  	_ =	swait.ge [sflag:s15], $0x4000  }
0x351: {  	[sflag:s15] =	ssyncset.done $0x0  }
0x352: {  	s31 =	simm.s32 $0x700;
	[sflag:s15] =	ssyncadd.s32 $0xFFFFC000  }
0x353: {  	[tilespmem:s11], [sflag:$0x1] =	stream.indirect.gather [hbm4b:s2+s10], $0x80, s31, s10, $0xb8;
	[tilespmem:$0x1F000] =	vst v63  }
0x354: {  	_ =	swait.ge [sflag:s17], $0x4000  }
0x355: {  	[sflag:s17] =	ssyncset.done $0x0  }
0x356: {  	s31 =	simm.s32 $0x1E80;
	[sflag:s17] =	ssyncadd.s32 $0xFFFFC000  }
0x357: {  	[spmem:s3] =	stream.indirect.scatter.add.f32 [tilespmem:s13], [sflag:$0x5], $0x80, s31, s10, $0xb8;
	[tilespmem:$0x1F000] =	vst v63  }
0x358: {  	_ =	swait.ge [sflag:s15], $0x4000  }
0x359: {  	[sflag:s15] =	ssyncset.done $0x0  }
0x35a: {  	s31 =	simm.s32 $0x780;
	[sflag:s15] =	ssyncadd.s32 $0xFFFFC000  }
0x35b: {  	[tilespmem:s13], [sflag:$0x2] =	stream.indirect.gather [hbm4b:s2+s10], $0x80, s31, s10, $0xb8;
	[tilespmem:$0x1F000] =	vst v63  }
0x35c: {  	_ =	swait.ge [sflag:s14], $0x4000  }
0x35d: {  	[sflag:s14] =	ssyncset.done $0x0  }
0x35e: {  	s31 =	simm.s32 $0x1F00;
	[sflag:s14] =	ssyncadd.s32 $0xFFFFC000  }
0x35f: {  	[spmem:s3] =	stream.indirect.scatter.add.f32 [tilespmem:s11], [sflag:$0x5], $0x80, s31, s10, $0xb8;
	[tilespmem:$0x1F000] =	vst v63  }
0x360: {  	_ =	swait.ge [sflag:s15], $0x4000  }
0x361: {  	[sflag:s15] =	ssyncset.done $0x0  }
0x362: {  	s31 =	simm.s32 $0x800;
	[sflag:s15] =	ssyncadd.s32 $0xFFFFC000  }
0x363: {  	[tilespmem:s11], [sflag:$0x1] =	stream.indirect.gather [hbm4b:s2+s10], $0x80, s31, s10, $0xb8;
	[tilespmem:$0x1F000] =	vst v63  }
0x364: {  	_ =	swait.ge [sflag:s17], $0x4000  }
0x365: {  	[sflag:s17] =	ssyncset.done $0x0  }
0x366: {  	s31 =	simm.s32 $0x1F80;
	[sflag:s17] =	ssyncadd.s32 $0xFFFFC000  }
0x367: {  	[spmem:s3] =	stream.indirect.scatter.add.f32 [tilespmem:s13], [sflag:$0x5], $0x80, s31, s10, $0xb8;
	[tilespmem:$0x1F000] =	vst v63  }
0x368: {  	_ =	swait.ge [sflag:s15], $0x4000  }
0x369: {  	[sflag:s15] =	ssyncset.done $0x0  }
0x36a: {  	s31 =	simm.s32 $0x880;
	[sflag:s15] =	ssyncadd.s32 $0xFFFFC000  }
0x36b: {  	[tilespmem:s13], [sflag:$0x2] =	stream.indirect.gather [hbm4b:s2+s10], $0x80, s31, s10, $0xb8;
	[tilespmem:$0x1F000] =	vst v63  }
0x36c: {  	_ =	swait.ge [sflag:s14], $0x4000  }
0x36d: {  	[sflag:s14] =	ssyncset.done $0x0  }
0x36e: {  	s31 =	simm.s32 $0x2000;
	[sflag:s14] =	ssyncadd.s32 $0xFFFFC000  }
0x36f: {  	[spmem:s3] =	stream.indirect.scatter.add.f32 [tilespmem:s11], [sflag:$0x5], $0x80, s31, s10, $0xb8;
	[tilespmem:$0x1F000] =	vst v63  }
0x370: {  	_ =	swait.ge [sflag:s15], $0x4000  }
0x371: {  	[sflag:s15] =	ssyncset.done $0x0  }
0x372: {  	s31 =	simm.s32 $0x900;
	[sflag:s15] =	ssyncadd.s32 $0xFFFFC000  }
0x373: {  	[tilespmem:s11], [sflag:$0x1] =	stream.indirect.gather [hbm4b:s2+s10], $0x80, s31, s10, $0xb8;
	[tilespmem:$0x1F000] =	vst v63  }
0x374: {  	_ =	swait.ge [sflag:s17], $0x4000  }
0x375: {  	[sflag:s17] =	ssyncset.done $0x0  }
0x376: {  	s31 =	simm.s32 $0x2080;
	[sflag:s17] =	ssyncadd.s32 $0xFFFFC000  }
0x377: {  	[spmem:s3] =	stream.indirect.scatter.add.f32 [tilespmem:s13], [sflag:$0x5], $0x80, s31, s10, $0xb8;
	[tilespmem:$0x1F000] =	vst v63  }
0x378: {  	_ =	swait.ge [sflag:s15], $0x4000  }
0x379: {  	[sflag:s15] =	ssyncset.done $0x0  }
0x37a: {  	s31 =	simm.s32 $0x980;
	[sflag:s15] =	ssyncadd.s32 $0xFFFFC000  }
0x37b: {  	[tilespmem:s13], [sflag:$0x2] =	stream.indirect.gather [hbm4b:s2+s10], $0x80, s31, s10, $0xb8;
	[tilespmem:$0x1F000] =	vst v63  }
0x37c: {  	_ =	swait.ge [sflag:s14], $0x4000  }
0x37d: {  	[sflag:s14] =	ssyncset.done $0x0  }
0x37e: {  	s31 =	simm.s32 $0x2100;
	[sflag:s14] =	ssyncadd.s32 $0xFFFFC000  }
0x37f: {  	[spmem:s3] =	stream.indirect.scatter.add.f32 [tilespmem:s11], [sflag:$0x5], $0x80, s31, s10, $0xb8;
	[tilespmem:$0x1F000] =	vst v63  }
0x380: {  	_ =	swait.ge [sflag:s15], $0x4000  }
0x381: {  	[sflag:s15] =	ssyncset.done $0x0  }
0x382: {  	[sflag:s15] =	ssyncadd.s32 $0xFFFFC000  }
0x383: {  	_ =	swait.ge [sflag:s7], $0xA00  }
0x384: {  	[sflag:s7] =	ssyncset.done $0x0  }
0x385: {  	[sflag:s7] =	ssyncadd.s32 $0xFFFFF600  }
0x386: {  	_ =	swait.ge [sflag:s7], $0xA00  }
0x387: {  	[sflag:s7] =	ssyncset.done $0x0  }
0x388: {  	[sflag:s7] =	ssyncadd.s32 $0xFFFFF600  }
0x389: {  	[tilespmem:s11], [sflag:$0x1] =	stream.indirect.gather [hbm4b:s2+s10], $0x80, s9, s10, $0xb8;
	[tilespmem:$0x1F000] =	vst v63  }
0x38a: {  	_ =	swait.ge [sflag:s17], $0x4000  }
0x38b: {  	[sflag:s17] =	ssyncset.done $0x0  }
0x38c: {  	s31 =	simm.s32 $0x2180;
	[sflag:s17] =	ssyncadd.s32 $0xFFFFC000  }
0x38d: {  	[spmem:s3] =	stream.indirect.scatter.add.f32 [tilespmem:s13], [sflag:$0x5], $0x80, s31, s10, $0xb8;
	[tilespmem:$0x1F000] =	vst v63  }
0x38e: {  	_ =	swait.ge [sflag:s15], $0x4000  }
0x38f: {  	[sflag:s15] =	ssyncset.done $0x0  }
0x390: {  	s0 =	rddreg [dreg:$0xa];
	[sflag:s15] =	ssyncadd.s32 $0xFFFFC000  }
0x391: {  	[tilespmem:s4], [sflag:$0x3] =	stream.linear.gather [hbm4b:s0+s4], $0xA00, $0x38;
	[tilespmem:$0x1F000] =	vst v63  }
0x392: {  	s31 =	rddreg [dreg:$0xb]  }
0x393: {  	[tilespmem:s8], [sflag:$0x3] =	stream.linear.gather [hbm4b:s31+s4], $0xA00, $0x38;
	[tilespmem:$0x1F000] =	vst v63  }
0x394: {  	s31 =	simm.s32 $0xC80  }
0x395: {  	[tilespmem:s13], [sflag:$0x2] =	stream.indirect.gather [hbm4b:s2+s10], $0x80, s31, s10, $0xb8;
	[tilespmem:$0x1F000] =	vst v63  }
0x396: {  	_ =	swait.ge [sflag:s14], $0x4000  }
0x397: {  	[sflag:s14] =	ssyncset.done $0x0  }
0x398: {  	[sflag:s14] =	ssyncadd.s32 $0xFFFFC000  }
0x399: {  	[spmem:s3] =	stream.indirect.scatter.add.f32 [tilespmem:s11], [sflag:$0x5], $0x80, s1, s10, $0xb8;
	[tilespmem:$0x1F000] =	vst v63  }
0x39a: {  	_ =	swait.ge [sflag:s15], $0x4000  }
0x39b: {  	[sflag:s15] =	ssyncset.done $0x0  }
0x39c: {  	[sflag:s15] =	ssyncadd.s32 $0xFFFFC000  }
0x39d: {  	[tilespmem:s11], [sflag:$0x1] =	stream.indirect.gather [hbm4b:s2+s10], $0x80, s12, s10, $0xb8;
	[tilespmem:$0x1F000] =	vst v63  }
0x39e: {  	_ =	swait.ge [sflag:s17], $0x4000  }
0x39f: {  	[sflag:s17] =	ssyncset.done $0x0  }
0x3a0: {  	[sflag:s17] =	ssyncadd.s32 $0xFFFFC000  }
0x3a1: {  	[spmem:s3] =	stream.indirect.scatter.add.f32 [tilespmem:s13], [sflag:$0x5], $0x80, s16, s10, $0xb8;
	[tilespmem:$0x1F000] =	vst v63  }
0x3a2: {  	_ =	swait.ge [sflag:s15], $0x4000  }
0x3a3: {  	[sflag:s15] =	ssyncset.done $0x0  }
0x3a4: {  	[sflag:s15] =	ssyncadd.s32 $0xFFFFC000  }
0x3a5: {  	[tilespmem:s13], [sflag:$0x2] =	stream.indirect.gather [hbm4b:s2+s10], $0x80, s18, s10, $0xb8;
	[tilespmem:$0x1F000] =	vst v63  }
0x3a6: {  	_ =	swait.ge [sflag:s14], $0x4000  }
0x3a7: {  	[sflag:s14] =	ssyncset.done $0x0  }
0x3a8: {  	[sflag:s14] =	ssyncadd.s32 $0xFFFFC000  }
0x3a9: {  	[spmem:s3] =	stream.indirect.scatter.add.f32 [tilespmem:s11], [sflag:$0x5], $0x80, s19, s10, $0xb8;
	[tilespmem:$0x1F000] =	vst v63  }
0x3aa: {  	_ =	swait.ge [sflag:s15], $0x4000  }
0x3ab: {  	[sflag:s15] =	ssyncset.done $0x0  }
0x3ac: {  	[sflag:s15] =	ssyncadd.s32 $0xFFFFC000  }
0x3ad: {  	[tilespmem:s11], [sflag:$0x1] =	stream.indirect.gather [hbm4b:s2+s10], $0x80, s20, s10, $0xb8;
	[tilespmem:$0x1F000] =	vst v63  }
0x3ae: {  	_ =	swait.ge [sflag:s17], $0x4000  }
0x3af: {  	[sflag:s17] =	ssyncset.done $0x0  }
0x3b0: {  	[sflag:s17] =	ssyncadd.s32 $0xFFFFC000  }
0x3b1: {  	[spmem:s3] =	stream.indirect.scatter.add.f32 [tilespmem:s13], [sflag:$0x5], $0x80, s21, s10, $0xb8;
	[tilespmem:$0x1F000] =	vst v63  }
0x3b2: {  	_ =	swait.ge [sflag:s15], $0x4000  }
0x3b3: {  	[sflag:s15] =	ssyncset.done $0x0  }
0x3b4: {  	[sflag:s15] =	ssyncadd.s32 $0xFFFFC000  }
0x3b5: {  	[tilespmem:s13], [sflag:$0x2] =	stream.indirect.gather [hbm4b:s2+s10], $0x80, s22, s10, $0xb8;
	[tilespmem:$0x1F000] =	vst v63  }
0x3b6: {  	_ =	swait.ge [sflag:s14], $0x4000  }
0x3b7: {  	[sflag:s14] =	ssyncset.done $0x0  }
0x3b8: {  	[sflag:s14] =	ssyncadd.s32 $0xFFFFC000  }
0x3b9: {  	[spmem:s3] =	stream.indirect.scatter.add.f32 [tilespmem:s11], [sflag:$0x5], $0x80, s23, s10, $0xb8;
	[tilespmem:$0x1F000] =	vst v63  }
0x3ba: {  	_ =	swait.ge [sflag:s15], $0x4000  }
0x3bb: {  	[sflag:s15] =	ssyncset.done $0x0  }
0x3bc: {  	[sflag:s15] =	ssyncadd.s32 $0xFFFFC000  }
0x3bd: {  	[tilespmem:s11], [sflag:$0x1] =	stream.indirect.gather [hbm4b:s2+s10], $0x80, s24, s10, $0xb8;
	[tilespmem:$0x1F000] =	vst v63  }
0x3be: {  	_ =	swait.ge [sflag:s17], $0x4000  }
0x3bf: {  	[sflag:s17] =	ssyncset.done $0x0  }
0x3c0: {  	[sflag:s17] =	ssyncadd.s32 $0xFFFFC000  }
0x3c1: {  	[spmem:s3] =	stream.indirect.scatter.add.f32 [tilespmem:s13], [sflag:$0x5], $0x80, s25, s10, $0xb8;
	[tilespmem:$0x1F000] =	vst v63  }
0x3c2: {  	_ =	swait.ge [sflag:s15], $0x4000  }
0x3c3: {  	[sflag:s15] =	ssyncset.done $0x0  }
0x3c4: {  	[sflag:s15] =	ssyncadd.s32 $0xFFFFC000  }
0x3c5: {  	[tilespmem:s13], [sflag:$0x2] =	stream.indirect.gather [hbm4b:s2+s10], $0x80, s26, s10, $0xb8;
	[tilespmem:$0x1F000] =	vst v63  }
0x3c6: {  	_ =	swait.ge [sflag:s14], $0x4000  }
0x3c7: {  	[sflag:s14] =	ssyncset.done $0x0  }
0x3c8: {  	[sflag:s14] =	ssyncadd.s32 $0xFFFFC000  }
0x3c9: {  	[spmem:s3] =	stream.indirect.scatter.add.f32 [tilespmem:s11], [sflag:$0x5], $0x80, s28, s10, $0xb8;
	[tilespmem:$0x1F000] =	vst v63  }
0x3ca: {  	_ =	swait.ge [sflag:s15], $0x4000  }
0x3cb: {  	[sflag:s15] =	ssyncset.done $0x0  }
0x3cc: {  	[sflag:s15] =	ssyncadd.s32 $0xFFFFC000  }
0x3cd: {  	[tilespmem:s11], [sflag:$0x1] =	stream.indirect.gather [hbm4b:s2+s10], $0x80, s29, s10, $0xb8;
	[tilespmem:$0x1F000] =	vst v63  }
0x3ce: {  	_ =	swait.ge [sflag:s17], $0x4000  }
0x3cf: {  	[sflag:s17] =	ssyncset.done $0x0  }
0x3d0: {  	s31 =	simm.s32 $0x2780;
	[sflag:s17] =	ssyncadd.s32 $0xFFFFC000  }
0x3d1: {  	[spmem:s3] =	stream.indirect.scatter.add.f32 [tilespmem:s13], [sflag:$0x5], $0x80, s31, s10, $0xb8;
	[tilespmem:$0x1F000] =	vst v63  }
0x3d2: {  	_ =	swait.ge [sflag:s15], $0x4000  }
0x3d3: {  	[sflag:s15] =	ssyncset.done $0x0  }
0x3d4: {  	s31 =	simm.s32 $0x1080;
	[sflag:s15] =	ssyncadd.s32 $0xFFFFC000  }
0x3d5: {  	[tilespmem:s13], [sflag:$0x2] =	stream.indirect.gather [hbm4b:s2+s10], $0x80, s31, s10, $0xb8;
	[tilespmem:$0x1F000] =	vst v63  }
0x3d6: {  	_ =	swait.ge [sflag:s14], $0x4000  }
0x3d7: {  	[sflag:s14] =	ssyncset.done $0x0  }
0x3d8: {  	s31 =	simm.s32 $0x2800;
	[sflag:s14] =	ssyncadd.s32 $0xFFFFC000  }
0x3d9: {  	[spmem:s3] =	stream.indirect.scatter.add.f32 [tilespmem:s11], [sflag:$0x5], $0x80, s31, s10, $0xb8;
	[tilespmem:$0x1F000] =	vst v63  }
0x3da: {  	_ =	swait.ge [sflag:s15], $0x4000  }
0x3db: {  	[sflag:s15] =	ssyncset.done $0x0  }
0x3dc: {  	s31 =	simm.s32 $0x1100;
	[sflag:s15] =	ssyncadd.s32 $0xFFFFC000  }
0x3dd: {  	[tilespmem:s11], [sflag:$0x1] =	stream.indirect.gather [hbm4b:s2+s10], $0x80, s31, s10, $0xb8;
	[tilespmem:$0x1F000] =	vst v63  }
0x3de: {  	_ =	swait.ge [sflag:s17], $0x4000  }
0x3df: {  	[sflag:s17] =	ssyncset.done $0x0  }
0x3e0: {  	s31 =	simm.s32 $0x2880;
	[sflag:s17] =	ssyncadd.s32 $0xFFFFC000  }
0x3e1: {  	[spmem:s3] =	stream.indirect.scatter.add.f32 [tilespmem:s13], [sflag:$0x5], $0x80, s31, s10, $0xb8;
	[tilespmem:$0x1F000] =	vst v63  }
0x3e2: {  	_ =	swait.ge [sflag:s15], $0x4000  }
0x3e3: {  	[sflag:s15] =	ssyncset.done $0x0  }
0x3e4: {  	s31 =	simm.s32 $0x1180;
	[sflag:s15] =	ssyncadd.s32 $0xFFFFC000  }
0x3e5: {  	[tilespmem:s13], [sflag:$0x2] =	stream.indirect.gather [hbm4b:s2+s10], $0x80, s31, s10, $0xb8;
	[tilespmem:$0x1F000] =	vst v63  }
0x3e6: {  	_ =	swait.ge [sflag:s14], $0x4000  }
0x3e7: {  	[sflag:s14] =	ssyncset.done $0x0  }
0x3e8: {  	s31 =	simm.s32 $0x2900;
	[sflag:s14] =	ssyncadd.s32 $0xFFFFC000  }
0x3e9: {  	[spmem:s3] =	stream.indirect.scatter.add.f32 [tilespmem:s11], [sflag:$0x5], $0x80, s31, s10, $0xb8;
	[tilespmem:$0x1F000] =	vst v63  }
0x3ea: {  	_ =	swait.ge [sflag:s15], $0x4000  }
0x3eb: {  	[sflag:s15] =	ssyncset.done $0x0  }
0x3ec: {  	s31 =	simm.s32 $0x1200;
	[sflag:s15] =	ssyncadd.s32 $0xFFFFC000  }
0x3ed: {  	[tilespmem:s11], [sflag:$0x1] =	stream.indirect.gather [hbm4b:s2+s10], $0x80, s31, s10, $0xb8;
	[tilespmem:$0x1F000] =	vst v63  }
0x3ee: {  	_ =	swait.ge [sflag:s17], $0x4000  }
0x3ef: {  	[sflag:s17] =	ssyncset.done $0x0  }
0x3f0: {  	s31 =	simm.s32 $0x2980;
	[sflag:s17] =	ssyncadd.s32 $0xFFFFC000  }
0x3f1: {  	[spmem:s3] =	stream.indirect.scatter.add.f32 [tilespmem:s13], [sflag:$0x5], $0x80, s31, s10, $0xb8;
	[tilespmem:$0x1F000] =	vst v63  }
0x3f2: {  	_ =	swait.ge [sflag:s15], $0x4000  }
0x3f3: {  	[sflag:s15] =	ssyncset.done $0x0  }
0x3f4: {  	s31 =	simm.s32 $0x1280;
	[sflag:s15] =	ssyncadd.s32 $0xFFFFC000  }
0x3f5: {  	[tilespmem:s13], [sflag:$0x2] =	stream.indirect.gather [hbm4b:s2+s10], $0x80, s31, s10, $0xb8;
	[tilespmem:$0x1F000] =	vst v63  }
0x3f6: {  	_ =	swait.ge [sflag:s14], $0x4000  }
0x3f7: {  	[sflag:s14] =	ssyncset.done $0x0  }
0x3f8: {  	s31 =	simm.s32 $0x2A00;
	[sflag:s14] =	ssyncadd.s32 $0xFFFFC000  }
0x3f9: {  	[spmem:s3] =	stream.indirect.scatter.add.f32 [tilespmem:s11], [sflag:$0x5], $0x80, s31, s10, $0xb8;
	[tilespmem:$0x1F000] =	vst v63  }
0x3fa: {  	_ =	swait.ge [sflag:s15], $0x4000  }
0x3fb: {  	[sflag:s15] =	ssyncset.done $0x0  }
0x3fc: {  	s31 =	simm.s32 $0x1300;
	[sflag:s15] =	ssyncadd.s32 $0xFFFFC000  }
0x3fd: {  	[tilespmem:s11], [sflag:$0x1] =	stream.indirect.gather [hbm4b:s2+s10], $0x80, s31, s10, $0xb8;
	[tilespmem:$0x1F000] =	vst v63  }
0x3fe: {  	_ =	swait.ge [sflag:s17], $0x4000  }
0x3ff: {  	[sflag:s17] =	ssyncset.done $0x0  }
0x400: {  	s31 =	simm.s32 $0x2A80;
	[sflag:s17] =	ssyncadd.s32 $0xFFFFC000  }
0x401: {  	[spmem:s3] =	stream.indirect.scatter.add.f32 [tilespmem:s13], [sflag:$0x5], $0x80, s31, s10, $0xb8;
	[tilespmem:$0x1F000] =	vst v63  }
0x402: {  	_ =	swait.ge [sflag:s15], $0x4000  }
0x403: {  	[sflag:s15] =	ssyncset.done $0x0  }
0x404: {  	s31 =	simm.s32 $0x1380;
	[sflag:s15] =	ssyncadd.s32 $0xFFFFC000  }
0x405: {  	[tilespmem:s13], [sflag:$0x2] =	stream.indirect.gather [hbm4b:s2+s10], $0x80, s31, s10, $0xb8;
	[tilespmem:$0x1F000] =	vst v63  }
0x406: {  	_ =	swait.ge [sflag:s14], $0x4000  }
0x407: {  	[sflag:s14] =	ssyncset.done $0x0  }
0x408: {  	s31 =	simm.s32 $0x2B00;
	[sflag:s14] =	ssyncadd.s32 $0xFFFFC000  }
0x409: {  	[spmem:s3] =	stream.indirect.scatter.add.f32 [tilespmem:s11], [sflag:$0x5], $0x80, s31, s10, $0xb8;
	[tilespmem:$0x1F000] =	vst v63  }
0x40a: {  	_ =	swait.ge [sflag:s15], $0x4000  }
0x40b: {  	[sflag:s15] =	ssyncset.done $0x0  }
0x40c: {  	s31 =	simm.s32 $0x1400;
	[sflag:s15] =	ssyncadd.s32 $0xFFFFC000  }
0x40d: {  	[tilespmem:s11], [sflag:$0x1] =	stream.indirect.gather [hbm4b:s2+s10], $0x80, s31, s10, $0xb8;
	[tilespmem:$0x1F000] =	vst v63  }
0x40e: {  	_ =	swait.ge [sflag:s17], $0x4000  }
0x40f: {  	[sflag:s17] =	ssyncset.done $0x0  }
0x410: {  	s31 =	simm.s32 $0x2B80;
	[sflag:s17] =	ssyncadd.s32 $0xFFFFC000  }
0x411: {  	[spmem:s3] =	stream.indirect.scatter.add.f32 [tilespmem:s13], [sflag:$0x5], $0x80, s31, s10, $0xb8;
	[tilespmem:$0x1F000] =	vst v63  }
0x412: {  	_ =	swait.ge [sflag:s15], $0x4000  }
0x413: {  	[sflag:s15] =	ssyncset.done $0x0  }
0x414: {  	s31 =	simm.s32 $0x1480;
	[sflag:s15] =	ssyncadd.s32 $0xFFFFC000  }
0x415: {  	[tilespmem:s13], [sflag:$0x2] =	stream.indirect.gather [hbm4b:s2+s10], $0x80, s31, s10, $0xb8;
	[tilespmem:$0x1F000] =	vst v63  }
0x416: {  	_ =	swait.ge [sflag:s14], $0x4000  }
0x417: {  	[sflag:s14] =	ssyncset.done $0x0  }
0x418: {  	s31 =	simm.s32 $0x2C00;
	[sflag:s14] =	ssyncadd.s32 $0xFFFFC000  }
0x419: {  	[spmem:s3] =	stream.indirect.scatter.add.f32 [tilespmem:s11], [sflag:$0x5], $0x80, s31, s10, $0xb8;
	[tilespmem:$0x1F000] =	vst v63  }
0x41a: {  	_ =	swait.ge [sflag:s15], $0x4000  }
0x41b: {  	[sflag:s15] =	ssyncset.done $0x0  }
0x41c: {  	s31 =	simm.s32 $0x1500;
	[sflag:s15] =	ssyncadd.s32 $0xFFFFC000  }
0x41d: {  	[tilespmem:s11], [sflag:$0x1] =	stream.indirect.gather [hbm4b:s2+s10], $0x80, s31, s10, $0xb8;
	[tilespmem:$0x1F000] =	vst v63  }
0x41e: {  	_ =	swait.ge [sflag:s17], $0x4000  }
0x41f: {  	[sflag:s17] =	ssyncset.done $0x0  }
0x420: {  	s31 =	simm.s32 $0x2C80;
	[sflag:s17] =	ssyncadd.s32 $0xFFFFC000  }
0x421: {  	[spmem:s3] =	stream.indirect.scatter.add.f32 [tilespmem:s13], [sflag:$0x5], $0x80, s31, s10, $0xb8;
	[tilespmem:$0x1F000] =	vst v63  }
0x422: {  	_ =	swait.ge [sflag:s15], $0x4000  }
0x423: {  	[sflag:s15] =	ssyncset.done $0x0  }
0x424: {  	s31 =	simm.s32 $0x1580;
	[sflag:s15] =	ssyncadd.s32 $0xFFFFC000  }
0x425: {  	[tilespmem:s13], [sflag:$0x2] =	stream.indirect.gather [hbm4b:s2+s10], $0x80, s31, s10, $0xb8;
	[tilespmem:$0x1F000] =	vst v63  }
0x426: {  	_ =	swait.ge [sflag:s14], $0x4000  }
0x427: {  	[sflag:s14] =	ssyncset.done $0x0  }
0x428: {  	s31 =	simm.s32 $0x2D00;
	[sflag:s14] =	ssyncadd.s32 $0xFFFFC000  }
0x429: {  	[spmem:s3] =	stream.indirect.scatter.add.f32 [tilespmem:s11], [sflag:$0x5], $0x80, s31, s10, $0xb8;
	[tilespmem:$0x1F000] =	vst v63  }
0x42a: {  	_ =	swait.ge [sflag:s15], $0x4000  }
0x42b: {  	[sflag:s15] =	ssyncset.done $0x0  }
0x42c: {  	[sflag:s15] =	ssyncadd.s32 $0xFFFFC000  }
0x42d: {  	_ =	swait.ge [sflag:s7], $0xA00  }
0x42e: {  	[sflag:s7] =	ssyncset.done $0x0  }
0x42f: {  	[sflag:s7] =	ssyncadd.s32 $0xFFFFF600  }
0x430: {  	_ =	swait.ge [sflag:s7], $0xA00  }
0x431: {  	[sflag:s7] =	ssyncset.done $0x0  }
0x432: {  	[sflag:s7] =	ssyncadd.s32 $0xFFFFF600  }
0x433: {  	[tilespmem:s11], [sflag:$0x1] =	stream.indirect.gather [hbm4b:s2+s10], $0x80, s4, s10, $0xb8;
	[tilespmem:$0x1F000] =	vst v63  }
0x434: {  	_ =	swait.ge [sflag:s17], $0x4000  }
0x435: {  	[sflag:s17] =	ssyncset.done $0x0  }
0x436: {  	[sflag:s17] =	ssyncadd.s32 $0xFFFFC000  }
0x437: {  	[spmem:s3] =	stream.indirect.scatter.add.f32 [tilespmem:s13], [sflag:$0x5], $0x80, s5, s10, $0xb8;
	[tilespmem:$0x1F000] =	vst v63  }
0x438: {  	_ =	swait.ge [sflag:s15], $0x4000  }
0x439: {  	[sflag:s15] =	ssyncset.done $0x0  }
0x43a: {  	s0 =	rddreg [dreg:$0xc];
	[sflag:s15] =	ssyncadd.s32 $0xFFFFC000  }
0x43b: {  	[tilespmem:s9], [sflag:$0x3] =	stream.linear.gather [hbm4b:s0+s4], $0xA00, $0x38;
	[tilespmem:$0x1F000] =	vst v63  }
0x43c: {  	s31 =	rddreg [dreg:$0xd]  }
0x43d: {  	[tilespmem:s1], [sflag:$0x3] =	stream.linear.gather [hbm4b:s31+s4], $0xA00, $0x38;
	[tilespmem:$0x1F000] =	vst v63  }
0x43e: {  	_ = 	snop  }
0x43f: {  	[tilespmem:s13], [sflag:$0x2] =	stream.indirect.gather [hbm4b:s2+s10], $0x80, s10, s10, $0xb8;
	[tilespmem:$0x1F000] =	vst v63  }
0x440: {  	_ =	swait.ge [sflag:s14], $0x4000  }
0x441: {  	[sflag:s14] =	ssyncset.done $0x0  }
0x442: {  	[sflag:s14] =	ssyncadd.s32 $0xFFFFC000  }
0x443: {  	[spmem:s3] =	stream.indirect.scatter.add.f32 [tilespmem:s11], [sflag:$0x5], $0x80, s8, s10, $0xb8;
	[tilespmem:$0x1F000] =	vst v63  }
0x444: {  	_ =	swait.ge [sflag:s15], $0x4000  }
0x445: {  	[sflag:s15] =	ssyncset.done $0x0  }
0x446: {  	s31 =	simm.s32 $0x100;
	[sflag:s15] =	ssyncadd.s32 $0xFFFFC000  }
0x447: {  	[tilespmem:s11], [sflag:$0x1] =	stream.indirect.gather [hbm4b:s2+s10], $0x80, s31, s10, $0xb8;
	[tilespmem:$0x1F000] =	vst v63  }
0x448: {  	_ =	swait.ge [sflag:s17], $0x4000  }
0x449: {  	[sflag:s17] =	ssyncset.done $0x0  }
0x44a: {  	s31 =	simm.s32 $0x1880;
	[sflag:s17] =	ssyncadd.s32 $0xFFFFC000  }
0x44b: {  	[spmem:s3] =	stream.indirect.scatter.add.f32 [tilespmem:s13], [sflag:$0x5], $0x80, s31, s10, $0xb8;
	[tilespmem:$0x1F000] =	vst v63  }
0x44c: {  	_ =	swait.ge [sflag:s15], $0x4000  }
0x44d: {  	[sflag:s15] =	ssyncset.done $0x0  }
0x44e: {  	s31 =	simm.s32 $0x180;
	[sflag:s15] =	ssyncadd.s32 $0xFFFFC000  }
0x44f: {  	[tilespmem:s13], [sflag:$0x2] =	stream.indirect.gather [hbm4b:s2+s10], $0x80, s31, s10, $0xb8;
	[tilespmem:$0x1F000] =	vst v63  }
0x450: {  	_ =	swait.ge [sflag:s14], $0x4000  }
0x451: {  	[sflag:s14] =	ssyncset.done $0x0  }
0x452: {  	s31 =	simm.s32 $0x1900;
	[sflag:s14] =	ssyncadd.s32 $0xFFFFC000  }
0x453: {  	[spmem:s3] =	stream.indirect.scatter.add.f32 [tilespmem:s11], [sflag:$0x5], $0x80, s31, s10, $0xb8;
	[tilespmem:$0x1F000] =	vst v63  }
0x454: {  	_ =	swait.ge [sflag:s15], $0x4000  }
0x455: {  	[sflag:s15] =	ssyncset.done $0x0  }
0x456: {  	s31 =	simm.s32 $0x200;
	[sflag:s15] =	ssyncadd.s32 $0xFFFFC000  }
0x457: {  	[tilespmem:s11], [sflag:$0x1] =	stream.indirect.gather [hbm4b:s2+s10], $0x80, s31, s10, $0xb8;
	[tilespmem:$0x1F000] =	vst v63  }
0x458: {  	_ =	swait.ge [sflag:s17], $0x4000  }
0x459: {  	[sflag:s17] =	ssyncset.done $0x0  }
0x45a: {  	s31 =	simm.s32 $0x1980;
	[sflag:s17] =	ssyncadd.s32 $0xFFFFC000  }
0x45b: {  	[spmem:s3] =	stream.indirect.scatter.add.f32 [tilespmem:s13], [sflag:$0x5], $0x80, s31, s10, $0xb8;
	[tilespmem:$0x1F000] =	vst v63  }
0x45c: {  	_ =	swait.ge [sflag:s15], $0x4000  }
0x45d: {  	[sflag:s15] =	ssyncset.done $0x0  }
0x45e: {  	s31 =	simm.s32 $0x280;
	[sflag:s15] =	ssyncadd.s32 $0xFFFFC000  }
0x45f: {  	[tilespmem:s13], [sflag:$0x2] =	stream.indirect.gather [hbm4b:s2+s10], $0x80, s31, s10, $0xb8;
	[tilespmem:$0x1F000] =	vst v63  }
0x460: {  	_ =	swait.ge [sflag:s14], $0x4000  }
0x461: {  	[sflag:s14] =	ssyncset.done $0x0  }
0x462: {  	s31 =	simm.s32 $0x1A00;
	[sflag:s14] =	ssyncadd.s32 $0xFFFFC000  }
0x463: {  	[spmem:s3] =	stream.indirect.scatter.add.f32 [tilespmem:s11], [sflag:$0x5], $0x80, s31, s10, $0xb8;
	[tilespmem:$0x1F000] =	vst v63  }
0x464: {  	_ =	swait.ge [sflag:s15], $0x4000  }
0x465: {  	[sflag:s15] =	ssyncset.done $0x0  }
0x466: {  	s31 =	simm.s32 $0x300;
	[sflag:s15] =	ssyncadd.s32 $0xFFFFC000  }
0x467: {  	[tilespmem:s11], [sflag:$0x1] =	stream.indirect.gather [hbm4b:s2+s10], $0x80, s31, s10, $0xb8;
	[tilespmem:$0x1F000] =	vst v63  }
0x468: {  	_ =	swait.ge [sflag:s17], $0x4000  }
0x469: {  	[sflag:s17] =	ssyncset.done $0x0  }
0x46a: {  	s31 =	simm.s32 $0x1A80;
	[sflag:s17] =	ssyncadd.s32 $0xFFFFC000  }
0x46b: {  	[spmem:s3] =	stream.indirect.scatter.add.f32 [tilespmem:s13], [sflag:$0x5], $0x80, s31, s10, $0xb8;
	[tilespmem:$0x1F000] =	vst v63  }
0x46c: {  	_ =	swait.ge [sflag:s15], $0x4000  }
0x46d: {  	[sflag:s15] =	ssyncset.done $0x0  }
0x46e: {  	s31 =	simm.s32 $0x380;
	[sflag:s15] =	ssyncadd.s32 $0xFFFFC000  }
0x46f: {  	[tilespmem:s13], [sflag:$0x2] =	stream.indirect.gather [hbm4b:s2+s10], $0x80, s31, s10, $0xb8;
	[tilespmem:$0x1F000] =	vst v63  }
0x470: {  	_ =	swait.ge [sflag:s14], $0x4000  }
0x471: {  	[sflag:s14] =	ssyncset.done $0x0  }
0x472: {  	s31 =	simm.s32 $0x1B00;
	[sflag:s14] =	ssyncadd.s32 $0xFFFFC000  }
0x473: {  	[spmem:s3] =	stream.indirect.scatter.add.f32 [tilespmem:s11], [sflag:$0x5], $0x80, s31, s10, $0xb8;
	[tilespmem:$0x1F000] =	vst v63  }
0x474: {  	_ =	swait.ge [sflag:s15], $0x4000  }
0x475: {  	[sflag:s15] =	ssyncset.done $0x0  }
0x476: {  	s31 =	simm.s32 $0x400;
	[sflag:s15] =	ssyncadd.s32 $0xFFFFC000  }
0x477: {  	[tilespmem:s11], [sflag:$0x1] =	stream.indirect.gather [hbm4b:s2+s10], $0x80, s31, s10, $0xb8;
	[tilespmem:$0x1F000] =	vst v63  }
0x478: {  	_ =	swait.ge [sflag:s17], $0x4000  }
0x479: {  	[sflag:s17] =	ssyncset.done $0x0  }
0x47a: {  	s31 =	simm.s32 $0x1B80;
	[sflag:s17] =	ssyncadd.s32 $0xFFFFC000  }
0x47b: {  	[spmem:s3] =	stream.indirect.scatter.add.f32 [tilespmem:s13], [sflag:$0x5], $0x80, s31, s10, $0xb8;
	[tilespmem:$0x1F000] =	vst v63  }
0x47c: {  	_ =	swait.ge [sflag:s15], $0x4000  }
0x47d: {  	[sflag:s15] =	ssyncset.done $0x0  }
0x47e: {  	s31 =	simm.s32 $0x480;
	[sflag:s15] =	ssyncadd.s32 $0xFFFFC000  }
0x47f: {  	[tilespmem:s13], [sflag:$0x2] =	stream.indirect.gather [hbm4b:s2+s10], $0x80, s31, s10, $0xb8;
	[tilespmem:$0x1F000] =	vst v63  }
0x480: {  	_ =	swait.ge [sflag:s14], $0x4000  }
0x481: {  	[sflag:s14] =	ssyncset.done $0x0  }
0x482: {  	s31 =	simm.s32 $0x1C00;
	[sflag:s14] =	ssyncadd.s32 $0xFFFFC000  }
0x483: {  	[spmem:s3] =	stream.indirect.scatter.add.f32 [tilespmem:s11], [sflag:$0x5], $0x80, s31, s10, $0xb8;
	[tilespmem:$0x1F000] =	vst v63  }
0x484: {  	_ =	swait.ge [sflag:s15], $0x4000  }
0x485: {  	[sflag:s15] =	ssyncset.done $0x0  }
0x486: {  	s31 =	simm.s32 $0x500;
	[sflag:s15] =	ssyncadd.s32 $0xFFFFC000  }
0x487: {  	[tilespmem:s11], [sflag:$0x1] =	stream.indirect.gather [hbm4b:s2+s10], $0x80, s31, s10, $0xb8;
	[tilespmem:$0x1F000] =	vst v63  }
0x488: {  	_ =	swait.ge [sflag:s17], $0x4000  }
0x489: {  	[sflag:s17] =	ssyncset.done $0x0  }
0x48a: {  	s31 =	simm.s32 $0x1C80;
	[sflag:s17] =	ssyncadd.s32 $0xFFFFC000  }
0x48b: {  	[spmem:s3] =	stream.indirect.scatter.add.f32 [tilespmem:s13], [sflag:$0x5], $0x80, s31, s10, $0xb8;
	[tilespmem:$0x1F000] =	vst v63  }
0x48c: {  	_ =	swait.ge [sflag:s15], $0x4000  }
0x48d: {  	[sflag:s15] =	ssyncset.done $0x0  }
0x48e: {  	s31 =	simm.s32 $0x580;
	[sflag:s15] =	ssyncadd.s32 $0xFFFFC000  }
0x48f: {  	[tilespmem:s13], [sflag:$0x2] =	stream.indirect.gather [hbm4b:s2+s10], $0x80, s31, s10, $0xb8;
	[tilespmem:$0x1F000] =	vst v63  }
0x490: {  	_ =	swait.ge [sflag:s14], $0x4000  }
0x491: {  	[sflag:s14] =	ssyncset.done $0x0  }
0x492: {  	s31 =	simm.s32 $0x1D00;
	[sflag:s14] =	ssyncadd.s32 $0xFFFFC000  }
0x493: {  	[spmem:s3] =	stream.indirect.scatter.add.f32 [tilespmem:s11], [sflag:$0x5], $0x80, s31, s10, $0xb8;
	[tilespmem:$0x1F000] =	vst v63  }
0x494: {  	_ =	swait.ge [sflag:s15], $0x4000  }
0x495: {  	[sflag:s15] =	ssyncset.done $0x0  }
0x496: {  	s31 =	simm.s32 $0x600;
	[sflag:s15] =	ssyncadd.s32 $0xFFFFC000  }
0x497: {  	[tilespmem:s11], [sflag:$0x1] =	stream.indirect.gather [hbm4b:s2+s10], $0x80, s31, s10, $0xb8;
	[tilespmem:$0x1F000] =	vst v63  }
0x498: {  	_ =	swait.ge [sflag:s17], $0x4000  }
0x499: {  	[sflag:s17] =	ssyncset.done $0x0  }
0x49a: {  	s31 =	simm.s32 $0x1D80;
	[sflag:s17] =	ssyncadd.s32 $0xFFFFC000  }
0x49b: {  	[spmem:s3] =	stream.indirect.scatter.add.f32 [tilespmem:s13], [sflag:$0x5], $0x80, s31, s10, $0xb8;
	[tilespmem:$0x1F000] =	vst v63  }
0x49c: {  	_ =	swait.ge [sflag:s15], $0x4000  }
0x49d: {  	[sflag:s15] =	ssyncset.done $0x0  }
0x49e: {  	s31 =	simm.s32 $0x680;
	[sflag:s15] =	ssyncadd.s32 $0xFFFFC000  }
0x49f: {  	[tilespmem:s13], [sflag:$0x2] =	stream.indirect.gather [hbm4b:s2+s10], $0x80, s31, s10, $0xb8;
	[tilespmem:$0x1F000] =	vst v63  }
0x4a0: {  	_ =	swait.ge [sflag:s14], $0x4000  }
0x4a1: {  	[sflag:s14] =	ssyncset.done $0x0  }
0x4a2: {  	s31 =	simm.s32 $0x1E00;
	[sflag:s14] =	ssyncadd.s32 $0xFFFFC000  }
0x4a3: {  	[spmem:s3] =	stream.indirect.scatter.add.f32 [tilespmem:s11], [sflag:$0x5], $0x80, s31, s10, $0xb8;
	[tilespmem:$0x1F000] =	vst v63  }
0x4a4: {  	_ =	swait.ge [sflag:s15], $0x4000  }
0x4a5: {  	[sflag:s15] =	ssyncset.done $0x0  }
0x4a6: {  	s31 =	simm.s32 $0x700;
	[sflag:s15] =	ssyncadd.s32 $0xFFFFC000  }
0x4a7: {  	[tilespmem:s11], [sflag:$0x1] =	stream.indirect.gather [hbm4b:s2+s10], $0x80, s31, s10, $0xb8;
	[tilespmem:$0x1F000] =	vst v63  }
0x4a8: {  	_ =	swait.ge [sflag:s17], $0x4000  }
0x4a9: {  	[sflag:s17] =	ssyncset.done $0x0  }
0x4aa: {  	s31 =	simm.s32 $0x1E80;
	[sflag:s17] =	ssyncadd.s32 $0xFFFFC000  }
0x4ab: {  	[spmem:s3] =	stream.indirect.scatter.add.f32 [tilespmem:s13], [sflag:$0x5], $0x80, s31, s10, $0xb8;
	[tilespmem:$0x1F000] =	vst v63  }
0x4ac: {  	_ =	swait.ge [sflag:s15], $0x4000  }
0x4ad: {  	[sflag:s15] =	ssyncset.done $0x0  }
0x4ae: {  	s31 =	simm.s32 $0x780;
	[sflag:s15] =	ssyncadd.s32 $0xFFFFC000  }
0x4af: {  	[tilespmem:s13], [sflag:$0x2] =	stream.indirect.gather [hbm4b:s2+s10], $0x80, s31, s10, $0xb8;
	[tilespmem:$0x1F000] =	vst v63  }
0x4b0: {  	_ =	swait.ge [sflag:s14], $0x4000  }
0x4b1: {  	[sflag:s14] =	ssyncset.done $0x0  }
0x4b2: {  	s31 =	simm.s32 $0x1F00;
	[sflag:s14] =	ssyncadd.s32 $0xFFFFC000  }
0x4b3: {  	[spmem:s3] =	stream.indirect.scatter.add.f32 [tilespmem:s11], [sflag:$0x5], $0x80, s31, s10, $0xb8;
	[tilespmem:$0x1F000] =	vst v63  }
0x4b4: {  	_ =	swait.ge [sflag:s15], $0x4000  }
0x4b5: {  	[sflag:s15] =	ssyncset.done $0x0  }
0x4b6: {  	s31 =	simm.s32 $0x800;
	[sflag:s15] =	ssyncadd.s32 $0xFFFFC000  }
0x4b7: {  	[tilespmem:s11], [sflag:$0x1] =	stream.indirect.gather [hbm4b:s2+s10], $0x80, s31, s10, $0xb8;
	[tilespmem:$0x1F000] =	vst v63  }
0x4b8: {  	_ =	swait.ge [sflag:s17], $0x4000  }
0x4b9: {  	[sflag:s17] =	ssyncset.done $0x0  }
0x4ba: {  	s31 =	simm.s32 $0x1F80;
	[sflag:s17] =	ssyncadd.s32 $0xFFFFC000  }
0x4bb: {  	[spmem:s3] =	stream.indirect.scatter.add.f32 [tilespmem:s13], [sflag:$0x5], $0x80, s31, s10, $0xb8;
	[tilespmem:$0x1F000] =	vst v63  }
0x4bc: {  	_ =	swait.ge [sflag:s15], $0x4000  }
0x4bd: {  	[sflag:s15] =	ssyncset.done $0x0  }
0x4be: {  	s31 =	simm.s32 $0x880;
	[sflag:s15] =	ssyncadd.s32 $0xFFFFC000  }
0x4bf: {  	[tilespmem:s13], [sflag:$0x2] =	stream.indirect.gather [hbm4b:s2+s10], $0x80, s31, s10, $0xb8;
	[tilespmem:$0x1F000] =	vst v63  }
0x4c0: {  	_ =	swait.ge [sflag:s14], $0x4000  }
0x4c1: {  	[sflag:s14] =	ssyncset.done $0x0  }
0x4c2: {  	s31 =	simm.s32 $0x2000;
	[sflag:s14] =	ssyncadd.s32 $0xFFFFC000  }
0x4c3: {  	[spmem:s3] =	stream.indirect.scatter.add.f32 [tilespmem:s11], [sflag:$0x5], $0x80, s31, s10, $0xb8;
	[tilespmem:$0x1F000] =	vst v63  }
0x4c4: {  	_ =	swait.ge [sflag:s15], $0x4000  }
0x4c5: {  	[sflag:s15] =	ssyncset.done $0x0  }
0x4c6: {  	s31 =	simm.s32 $0x900;
	[sflag:s15] =	ssyncadd.s32 $0xFFFFC000  }
0x4c7: {  	[tilespmem:s11], [sflag:$0x1] =	stream.indirect.gather [hbm4b:s2+s10], $0x80, s31, s10, $0xb8;
	[tilespmem:$0x1F000] =	vst v63  }
0x4c8: {  	_ =	swait.ge [sflag:s17], $0x4000  }
0x4c9: {  	[sflag:s17] =	ssyncset.done $0x0  }
0x4ca: {  	s31 =	simm.s32 $0x2080;
	[sflag:s17] =	ssyncadd.s32 $0xFFFFC000  }
0x4cb: {  	[spmem:s3] =	stream.indirect.scatter.add.f32 [tilespmem:s13], [sflag:$0x5], $0x80, s31, s10, $0xb8;
	[tilespmem:$0x1F000] =	vst v63  }
0x4cc: {  	_ =	swait.ge [sflag:s15], $0x4000  }
0x4cd: {  	[sflag:s15] =	ssyncset.done $0x0  }
0x4ce: {  	s31 =	simm.s32 $0x980;
	[sflag:s15] =	ssyncadd.s32 $0xFFFFC000  }
0x4cf: {  	[tilespmem:s13], [sflag:$0x2] =	stream.indirect.gather [hbm4b:s2+s10], $0x80, s31, s10, $0xb8;
	[tilespmem:$0x1F000] =	vst v63  }
0x4d0: {  	_ =	swait.ge [sflag:s14], $0x4000  }
0x4d1: {  	[sflag:s14] =	ssyncset.done $0x0  }
0x4d2: {  	s31 =	simm.s32 $0x2100;
	[sflag:s14] =	ssyncadd.s32 $0xFFFFC000  }
0x4d3: {  	[spmem:s3] =	stream.indirect.scatter.add.f32 [tilespmem:s11], [sflag:$0x5], $0x80, s31, s10, $0xb8;
	[tilespmem:$0x1F000] =	vst v63  }
0x4d4: {  	_ =	swait.ge [sflag:s15], $0x4000  }
0x4d5: {  	[sflag:s15] =	ssyncset.done $0x0  }
0x4d6: {  	[sflag:s15] =	ssyncadd.s32 $0xFFFFC000  }
0x4d7: {  	_ =	swait.ge [sflag:s7], $0xA00  }
0x4d8: {  	[sflag:s7] =	ssyncset.done $0x0  }
0x4d9: {  	[sflag:s7] =	ssyncadd.s32 $0xFFFFF600  }
0x4da: {  	_ =	swait.ge [sflag:s7], $0xA00  }
0x4db: {  	[sflag:s7] =	ssyncset.done $0x0  }
0x4dc: {  	[sflag:s7] =	ssyncadd.s32 $0xFFFFF600  }
0x4dd: {  	[tilespmem:s11], [sflag:$0x1] =	stream.indirect.gather [hbm4b:s2+s10], $0x80, s9, s10, $0xb8;
	[tilespmem:$0x1F000] =	vst v63  }
0x4de: {  	_ =	swait.ge [sflag:s17], $0x4000  }
0x4df: {  	[sflag:s17] =	ssyncset.done $0x0  }
0x4e0: {  	s31 =	simm.s32 $0x2180;
	[sflag:s17] =	ssyncadd.s32 $0xFFFFC000  }
0x4e1: {  	[spmem:s3] =	stream.indirect.scatter.add.f32 [tilespmem:s13], [sflag:$0x5], $0x80, s31, s10, $0xb8;
	[tilespmem:$0x1F000] =	vst v63  }
0x4e2: {  	_ =	swait.ge [sflag:s15], $0x4000  }
0x4e3: {  	[sflag:s15] =	ssyncset.done $0x0  }
0x4e4: {  	s31 =	simm.s32 $0xC80;
	[sflag:s15] =	ssyncadd.s32 $0xFFFFC000  }
0x4e5: {  	[tilespmem:s13], [sflag:$0x2] =	stream.indirect.gather [hbm4b:s2+s10], $0x80, s31, s10, $0xb8;
	[tilespmem:$0x1F000] =	vst v63  }
0x4e6: {  	_ =	swait.ge [sflag:s14], $0x4000  }
0x4e7: {  	[sflag:s14] =	ssyncset.done $0x0  }
0x4e8: {  	[sflag:s14] =	ssyncadd.s32 $0xFFFFC000  }
0x4e9: {  	[spmem:s3] =	stream.indirect.scatter.add.f32 [tilespmem:s11], [sflag:$0x5], $0x80, s1, s10, $0xb8;
	[tilespmem:$0x1F000] =	vst v63  }
0x4ea: {  	_ =	swait.ge [sflag:s15], $0x4000  }
0x4eb: {  	[sflag:s15] =	ssyncset.done $0x0  }
0x4ec: {  	[sflag:s15] =	ssyncadd.s32 $0xFFFFC000  }
0x4ed: {  	[tilespmem:s11], [sflag:$0x1] =	stream.indirect.gather [hbm4b:s2+s10], $0x80, s12, s10, $0xb8;
	[tilespmem:$0x1F000] =	vst v63  }
0x4ee: {  	_ =	swait.ge [sflag:s17], $0x4000  }
0x4ef: {  	[sflag:s17] =	ssyncset.done $0x0  }
0x4f0: {  	[sflag:s17] =	ssyncadd.s32 $0xFFFFC000  }
0x4f1: {  	[spmem:s3] =	stream.indirect.scatter.add.f32 [tilespmem:s13], [sflag:$0x5], $0x80, s16, s10, $0xb8;
	[tilespmem:$0x1F000] =	vst v63  }
0x4f2: {  	_ =	swait.ge [sflag:s15], $0x4000  }
0x4f3: {  	[sflag:s15] =	ssyncset.done $0x0  }
0x4f4: {  	[sflag:s15] =	ssyncadd.s32 $0xFFFFC000  }
0x4f5: {  	[tilespmem:s13], [sflag:$0x2] =	stream.indirect.gather [hbm4b:s2+s10], $0x80, s18, s10, $0xb8;
	[tilespmem:$0x1F000] =	vst v63  }
0x4f6: {  	_ =	swait.ge [sflag:s14], $0x4000  }
0x4f7: {  	[sflag:s14] =	ssyncset.done $0x0  }
0x4f8: {  	[sflag:s14] =	ssyncadd.s32 $0xFFFFC000  }
0x4f9: {  	[spmem:s3] =	stream.indirect.scatter.add.f32 [tilespmem:s11], [sflag:$0x5], $0x80, s19, s10, $0xb8;
	[tilespmem:$0x1F000] =	vst v63  }
0x4fa: {  	_ =	swait.ge [sflag:s15], $0x4000  }
0x4fb: {  	[sflag:s15] =	ssyncset.done $0x0  }
0x4fc: {  	[sflag:s15] =	ssyncadd.s32 $0xFFFFC000  }
0x4fd: {  	[tilespmem:s11], [sflag:$0x1] =	stream.indirect.gather [hbm4b:s2+s10], $0x80, s20, s10, $0xb8;
	[tilespmem:$0x1F000] =	vst v63  }
0x4fe: {  	_ =	swait.ge [sflag:s17], $0x4000  }
0x4ff: {  	[sflag:s17] =	ssyncset.done $0x0  }
0x500: {  	[sflag:s17] =	ssyncadd.s32 $0xFFFFC000  }
0x501: {  	[spmem:s3] =	stream.indirect.scatter.add.f32 [tilespmem:s13], [sflag:$0x5], $0x80, s21, s10, $0xb8;
	[tilespmem:$0x1F000] =	vst v63  }
0x502: {  	_ =	swait.ge [sflag:s15], $0x4000  }
0x503: {  	[sflag:s15] =	ssyncset.done $0x0  }
0x504: {  	[sflag:s15] =	ssyncadd.s32 $0xFFFFC000  }
0x505: {  	[tilespmem:s13], [sflag:$0x2] =	stream.indirect.gather [hbm4b:s2+s10], $0x80, s22, s10, $0xb8;
	[tilespmem:$0x1F000] =	vst v63  }
0x506: {  	_ =	swait.ge [sflag:s14], $0x4000  }
0x507: {  	[sflag:s14] =	ssyncset.done $0x0  }
0x508: {  	[sflag:s14] =	ssyncadd.s32 $0xFFFFC000  }
0x509: {  	[spmem:s3] =	stream.indirect.scatter.add.f32 [tilespmem:s11], [sflag:$0x5], $0x80, s23, s10, $0xb8;
	[tilespmem:$0x1F000] =	vst v63  }
0x50a: {  	_ =	swait.ge [sflag:s15], $0x4000  }
0x50b: {  	[sflag:s15] =	ssyncset.done $0x0  }
0x50c: {  	[sflag:s15] =	ssyncadd.s32 $0xFFFFC000  }
0x50d: {  	[tilespmem:s11], [sflag:$0x1] =	stream.indirect.gather [hbm4b:s2+s10], $0x80, s24, s10, $0xb8;
	[tilespmem:$0x1F000] =	vst v63  }
0x50e: {  	_ =	swait.ge [sflag:s17], $0x4000  }
0x50f: {  	[sflag:s17] =	ssyncset.done $0x0  }
0x510: {  	[sflag:s17] =	ssyncadd.s32 $0xFFFFC000  }
0x511: {  	[spmem:s3] =	stream.indirect.scatter.add.f32 [tilespmem:s13], [sflag:$0x5], $0x80, s25, s10, $0xb8;
	[tilespmem:$0x1F000] =	vst v63  }
0x512: {  	_ =	swait.ge [sflag:s15], $0x4000  }
0x513: {  	[sflag:s15] =	ssyncset.done $0x0  }
0x514: {  	[sflag:s15] =	ssyncadd.s32 $0xFFFFC000  }
0x515: {  	[tilespmem:s13], [sflag:$0x2] =	stream.indirect.gather [hbm4b:s2+s10], $0x80, s26, s10, $0xb8;
	[tilespmem:$0x1F000] =	vst v63  }
0x516: {  	_ =	swait.ge [sflag:s14], $0x4000  }
0x517: {  	[sflag:s14] =	ssyncset.done $0x0  }
0x518: {  	[sflag:s14] =	ssyncadd.s32 $0xFFFFC000  }
0x519: {  	[spmem:s3] =	stream.indirect.scatter.add.f32 [tilespmem:s11], [sflag:$0x5], $0x80, s28, s10, $0xb8;
	[tilespmem:$0x1F000] =	vst v63  }
0x51a: {  	_ =	swait.ge [sflag:s15], $0x4000  }
0x51b: {  	[sflag:s15] =	ssyncset.done $0x0  }
0x51c: {  	[sflag:s15] =	ssyncadd.s32 $0xFFFFC000  }
0x51d: {  	[tilespmem:s11], [sflag:$0x1] =	stream.indirect.gather [hbm4b:s2+s10], $0x80, s29, s10, $0xb8;
	[tilespmem:$0x1F000] =	vst v63  }
0x51e: {  	_ =	swait.ge [sflag:s17], $0x4000  }
0x51f: {  	[sflag:s17] =	ssyncset.done $0x0  }
0x520: {  	s31 =	simm.s32 $0x2780;
	[sflag:s17] =	ssyncadd.s32 $0xFFFFC000  }
0x521: {  	[spmem:s3] =	stream.indirect.scatter.add.f32 [tilespmem:s13], [sflag:$0x5], $0x80, s31, s10, $0xb8;
	[tilespmem:$0x1F000] =	vst v63  }
0x522: {  	_ =	swait.ge [sflag:s15], $0x4000  }
0x523: {  	[sflag:s15] =	ssyncset.done $0x0  }
0x524: {  	s1 =	simm.s32 $0x1080;
	[sflag:s15] =	ssyncadd.s32 $0xFFFFC000  }
0x525: {  	[tilespmem:s13], [sflag:$0x2] =	stream.indirect.gather [hbm4b:s2+s10], $0x80, s1, s10, $0xb8;
	[tilespmem:$0x1F000] =	vst v63  }
0x526: {  	_ =	swait.ge [sflag:s14], $0x4000  }
0x527: {  	[sflag:s14] =	ssyncset.done $0x0  }
0x528: {  	s31 =	simm.s32 $0x2800;
	[sflag:s14] =	ssyncadd.s32 $0xFFFFC000  }
0x529: {  	[spmem:s3] =	stream.indirect.scatter.add.f32 [tilespmem:s11], [sflag:$0x5], $0x80, s31, s10, $0xb8;
	[tilespmem:$0x1F000] =	vst v63  }
0x52a: {  	_ =	swait.ge [sflag:s15], $0x4000  }
0x52b: {  	[sflag:s15] =	ssyncset.done $0x0  }
0x52c: {  	s1 =	simm.s32 $0x1100;
	[sflag:s15] =	ssyncadd.s32 $0xFFFFC000  }
0x52d: {  	[tilespmem:s11], [sflag:$0x1] =	stream.indirect.gather [hbm4b:s2+s10], $0x80, s1, s10, $0xb8;
	[tilespmem:$0x1F000] =	vst v63  }
0x52e: {  	_ =	swait.ge [sflag:s17], $0x4000  }
0x52f: {  	[sflag:s17] =	ssyncset.done $0x0  }
0x530: {  	s31 =	simm.s32 $0x2880;
	[sflag:s17] =	ssyncadd.s32 $0xFFFFC000  }
0x531: {  	[spmem:s3] =	stream.indirect.scatter.add.f32 [tilespmem:s13], [sflag:$0x5], $0x80, s31, s10, $0xb8;
	[tilespmem:$0x1F000] =	vst v63  }
0x532: {  	_ =	swait.ge [sflag:s15], $0x4000  }
0x533: {  	[sflag:s15] =	ssyncset.done $0x0  }
0x534: {  	s1 =	simm.s32 $0x1180;
	[sflag:s15] =	ssyncadd.s32 $0xFFFFC000  }
0x535: {  	[tilespmem:s13], [sflag:$0x2] =	stream.indirect.gather [hbm4b:s2+s10], $0x80, s1, s10, $0xb8;
	[tilespmem:$0x1F000] =	vst v63  }
0x536: {  	_ =	swait.ge [sflag:s14], $0x4000  }
0x537: {  	[sflag:s14] =	ssyncset.done $0x0  }
0x538: {  	s31 =	simm.s32 $0x2900;
	[sflag:s14] =	ssyncadd.s32 $0xFFFFC000  }
0x539: {  	[spmem:s3] =	stream.indirect.scatter.add.f32 [tilespmem:s11], [sflag:$0x5], $0x80, s31, s10, $0xb8;
	[tilespmem:$0x1F000] =	vst v63  }
0x53a: {  	_ =	swait.ge [sflag:s15], $0x4000  }
0x53b: {  	[sflag:s15] =	ssyncset.done $0x0  }
0x53c: {  	s1 =	simm.s32 $0x1200;
	[sflag:s15] =	ssyncadd.s32 $0xFFFFC000  }
0x53d: {  	[tilespmem:s11], [sflag:$0x1] =	stream.indirect.gather [hbm4b:s2+s10], $0x80, s1, s10, $0xb8;
	[tilespmem:$0x1F000] =	vst v63  }
0x53e: {  	_ =	swait.ge [sflag:s17], $0x4000  }
0x53f: {  	[sflag:s17] =	ssyncset.done $0x0  }
0x540: {  	s31 =	simm.s32 $0x2980;
	[sflag:s17] =	ssyncadd.s32 $0xFFFFC000  }
0x541: {  	[spmem:s3] =	stream.indirect.scatter.add.f32 [tilespmem:s13], [sflag:$0x5], $0x80, s31, s10, $0xb8;
	[tilespmem:$0x1F000] =	vst v63  }
0x542: {  	_ =	swait.ge [sflag:s15], $0x4000  }
0x543: {  	[sflag:s15] =	ssyncset.done $0x0  }
0x544: {  	s1 =	simm.s32 $0x1280;
	[sflag:s15] =	ssyncadd.s32 $0xFFFFC000  }
0x545: {  	[tilespmem:s13], [sflag:$0x2] =	stream.indirect.gather [hbm4b:s2+s10], $0x80, s1, s10, $0xb8;
	[tilespmem:$0x1F000] =	vst v63  }
0x546: {  	_ =	swait.ge [sflag:s14], $0x4000  }
0x547: {  	[sflag:s14] =	ssyncset.done $0x0  }
0x548: {  	s31 =	simm.s32 $0x2A00;
	[sflag:s14] =	ssyncadd.s32 $0xFFFFC000  }
0x549: {  	[spmem:s3] =	stream.indirect.scatter.add.f32 [tilespmem:s11], [sflag:$0x5], $0x80, s31, s10, $0xb8;
	[tilespmem:$0x1F000] =	vst v63  }
0x54a: {  	_ =	swait.ge [sflag:s15], $0x4000  }
0x54b: {  	[sflag:s15] =	ssyncset.done $0x0  }
0x54c: {  	s1 =	simm.s32 $0x1300;
	[sflag:s15] =	ssyncadd.s32 $0xFFFFC000  }
0x54d: {  	[tilespmem:s11], [sflag:$0x1] =	stream.indirect.gather [hbm4b:s2+s10], $0x80, s1, s10, $0xb8;
	[tilespmem:$0x1F000] =	vst v63  }
0x54e: {  	_ =	swait.ge [sflag:s17], $0x4000  }
0x54f: {  	[sflag:s17] =	ssyncset.done $0x0  }
0x550: {  	s31 =	simm.s32 $0x2A80;
	[sflag:s17] =	ssyncadd.s32 $0xFFFFC000  }
0x551: {  	[spmem:s3] =	stream.indirect.scatter.add.f32 [tilespmem:s13], [sflag:$0x5], $0x80, s31, s10, $0xb8;
	[tilespmem:$0x1F000] =	vst v63  }
0x552: {  	_ =	swait.ge [sflag:s15], $0x4000  }
0x553: {  	[sflag:s15] =	ssyncset.done $0x0  }
0x554: {  	s1 =	simm.s32 $0x1380;
	[sflag:s15] =	ssyncadd.s32 $0xFFFFC000  }
0x555: {  	[tilespmem:s13], [sflag:$0x2] =	stream.indirect.gather [hbm4b:s2+s10], $0x80, s1, s10, $0xb8;
	[tilespmem:$0x1F000] =	vst v63  }
0x556: {  	_ =	swait.ge [sflag:s14], $0x4000  }
0x557: {  	[sflag:s14] =	ssyncset.done $0x0  }
0x558: {  	s31 =	simm.s32 $0x2B00;
	[sflag:s14] =	ssyncadd.s32 $0xFFFFC000  }
0x559: {  	[spmem:s3] =	stream.indirect.scatter.add.f32 [tilespmem:s11], [sflag:$0x5], $0x80, s31, s10, $0xb8;
	[tilespmem:$0x1F000] =	vst v63  }
0x55a: {  	_ =	swait.ge [sflag:s15], $0x4000  }
0x55b: {  	[sflag:s15] =	ssyncset.done $0x0  }
0x55c: {  	s1 =	simm.s32 $0x1400;
	[sflag:s15] =	ssyncadd.s32 $0xFFFFC000  }
0x55d: {  	[tilespmem:s11], [sflag:$0x1] =	stream.indirect.gather [hbm4b:s2+s10], $0x80, s1, s10, $0xb8;
	[tilespmem:$0x1F000] =	vst v63  }
0x55e: {  	_ =	swait.ge [sflag:s17], $0x4000  }
0x55f: {  	[sflag:s17] =	ssyncset.done $0x0  }
0x560: {  	s31 =	simm.s32 $0x2B80;
	[sflag:s17] =	ssyncadd.s32 $0xFFFFC000  }
0x561: {  	[spmem:s3] =	stream.indirect.scatter.add.f32 [tilespmem:s13], [sflag:$0x5], $0x80, s31, s10, $0xb8;
	[tilespmem:$0x1F000] =	vst v63  }
0x562: {  	_ =	swait.ge [sflag:s15], $0x4000  }
0x563: {  	[sflag:s15] =	ssyncset.done $0x0  }
0x564: {  	s1 =	simm.s32 $0x1480;
	[sflag:s15] =	ssyncadd.s32 $0xFFFFC000  }
0x565: {  	[tilespmem:s13], [sflag:$0x2] =	stream.indirect.gather [hbm4b:s2+s10], $0x80, s1, s10, $0xb8;
	[tilespmem:$0x1F000] =	vst v63  }
0x566: {  	_ =	swait.ge [sflag:s14], $0x4000  }
0x567: {  	[sflag:s14] =	ssyncset.done $0x0  }
0x568: {  	s31 =	simm.s32 $0x2C00;
	[sflag:s14] =	ssyncadd.s32 $0xFFFFC000  }
0x569: {  	[spmem:s3] =	stream.indirect.scatter.add.f32 [tilespmem:s11], [sflag:$0x5], $0x80, s31, s10, $0xb8;
	[tilespmem:$0x1F000] =	vst v63  }
0x56a: {  	_ =	swait.ge [sflag:s15], $0x4000  }
0x56b: {  	[sflag:s15] =	ssyncset.done $0x0  }
0x56c: {  	s1 =	simm.s32 $0x1500;
	[sflag:s15] =	ssyncadd.s32 $0xFFFFC000  }
0x56d: {  	[tilespmem:s11], [sflag:$0x1] =	stream.indirect.gather [hbm4b:s2+s10], $0x80, s1, s10, $0xb8;
	[tilespmem:$0x1F000] =	vst v63  }
0x56e: {  	_ =	swait.ge [sflag:s17], $0x4000  }
0x56f: {  	[sflag:s17] =	ssyncset.done $0x0  }
0x570: {  	s31 =	simm.s32 $0x2C80;
	[sflag:s17] =	ssyncadd.s32 $0xFFFFC000  }
0x571: {  	[spmem:s3] =	stream.indirect.scatter.add.f32 [tilespmem:s13], [sflag:$0x5], $0x80, s31, s10, $0xb8;
	[tilespmem:$0x1F000] =	vst v63  }
0x572: {  	_ =	swait.ge [sflag:s15], $0x4000  }
0x573: {  	[sflag:s15] =	ssyncset.done $0x0  }
0x574: {  	s1 =	simm.s32 $0x1580;
	[sflag:s15] =	ssyncadd.s32 $0xFFFFC000  }
0x575: {  	[tilespmem:s13], [sflag:$0x2] =	stream.indirect.gather [hbm4b:s2+s10], $0x80, s1, s10, $0xb8;
	[tilespmem:$0x1F000] =	vst v63  }
0x576: {  	_ =	swait.ge [sflag:s14], $0x4000  }
0x577: {  	[sflag:s14] =	ssyncset.done $0x0  }
0x578: {  	s31 =	simm.s32 $0x2D00;
	[sflag:s14] =	ssyncadd.s32 $0xFFFFC000  }
0x579: {  	[spmem:s3] =	stream.indirect.scatter.add.f32 [tilespmem:s11], [sflag:$0x5], $0x80, s31, s10, $0xb8;
	[tilespmem:$0x1F000] =	vst v63  }
0x57a: {  	_ =	swait.ge [sflag:s15], $0x4000  }
0x57b: {  	[sflag:s15] =	ssyncset.done $0x0  }
0x57c: {  	[sflag:s15] =	ssyncadd.s32 $0xFFFFC000  }
0x57d: {  	_ =	swait.ge [sflag:s17], $0x4000  }
0x57e: {  	[sflag:s17] =	ssyncset.done $0x0  }
0x57f: {  	[sflag:s17] =	ssyncadd.s32 $0xFFFFC000  }
0x580: {  	[spmem:s3] =	stream.indirect.scatter.add.f32 [tilespmem:s13], [sflag:$0x5], $0x80, s5, s10, $0xb8;
	[tilespmem:$0x1F000] =	vst v63  }
0x581: {  	_ =	swait.ge [sflag:s15], $0x4000  }
0x582: {  	[sflag:s15] =	ssyncset.done $0x0  }
0x583: {  	p0 =	sne.s32 s30, $0x1;
	[sflag:s15] =	ssyncadd.s32 $0xFFFFC000  }
.Ltmp1:
0x584: {  	[bflag:$0x0] =	sbarrier.arrive $0xFFFF;
	(pc) =	sbr.rel @p0 .LBB2_2-.Ltmp1, $4  }
0x585: {  	s1 =	rddreg [dreg:$0xe]  }
0x586: {  	s31 =	rddreg [dreg:$0x10]  }
0x587: {  	[hbm:s1], [sflag:s31] =	dma.local [spmem:s6], $0x2800  }
0x588: {  	s30 =	sadd.s32 $0xFFFFFFFF, s30;
	_ =	swait.ge [sflag:s15], $0x2800  }
.LBB2_3:
0x589: {  	[sflag:s15] =	ssyncset.done $0x0  }
0x58a: {  	[sflag:s15] =	ssyncadd.s32 $0xFFFFD800  }
0x58b: {  	_ =	sfence.sel $0x180000  }
0x58c: {  	[bflag:$0x0] =	sbarrier.arrive $0xFFFF  }
0x58d: {  	_ =	strace $0x9000004A  }
0x58e: {  	s0 =	stileid.u32;
	[bflag:$0x2] =	sbarrier.arrive $0xFFFF  }
0x58f: {  	p0 =	sne.s32 s0, $0x0;
	s0 =	rddreg [dreg:$0x3]  }
0x590: {  	s0 =	sadd.s32 @!p0 $0x100000, s0  }
0x591: {  	[sflag:s0] =	ssyncadd.tile.s32 @!p0 $0x1;
	_ =	shalt  }
.Lfunc_end2:
_tile_overlayer_lowered:
.L_overlay_start_2:
0x592: {  	(tag) =	ssettag $0x2  }
0x593: {  	s0 =	rddreg [dreg:$0x0];
	s2 =	stileid.u32  }
0x594: {  	s1 =	rddreg [dreg:$0x1];
	p0 =	sne.s32 s2, $0x0  }
0x595: {  	s3 =	rddreg [dreg:$0x2];
	[bflag:$0x3] =	sbarrier.arrive $0xFFFF;
	s2 =	simm.s32 @!p0 $0x1C05  }
0x596: {  	[timem:s3], [sflag:s2] =	dma.local @!p0 [hbm:s0], s1  }
0x597: {  	s0 =	simm.s32 @!p0 $0x5  }
0x598: {  	_ =	swait.ge @!p0 [sflag:s0], s1  }
0x599: {  	s1 =	ssub.s32 @!p0 $0x0, s1;
	[sflag:s0] =	ssyncset.done @!p0 $0x0  }
0x59a: {  	[sflag:s0] =	ssyncadd.s32 @!p0 s1  }
0x59b: {  	[bflag:$0x3] =	sbarrier.arrive $0xFFFF  }
0x59c: {  	_ =	shalt  }

</sc_bundles>
